<compile_context>
chip_gen: v7x
topology: tpu7x:2x2x1
jax: 0.10.2.dev20260603
libtpu: 0.0.44.dev20260713+nightly
codegen_flags: <defaults>
</compile_context>

<pallas_src>
import functools

import jax
import jax.numpy as jnp
from jax import lax
from jax.experimental import pallas as pl
from jax.experimental.pallas import tpu as pltpu
from jax.experimental.pallas import tpu_sc as plsc

N = 10000
E = 320000
D = 128
NUM_ATOM = 120
NUM_CHI = 3

NC = 2
NS = 16
NW = NC * NS
EPW = E // NW
EB = 80
C = EPW // EB
NBUF = 5
WB = 624
WBX = 8
ZB = 78

R = 1000
GRID = N // R


DW = 128


def _deg_scatter_body(dst_hbm, out_hbm, dsti_v, ones_v, acc_sh,
                      s0, s1, s2, s3, s4):
    c = lax.axis_index("c")
    s = lax.axis_index("s")
    wid = c * NS + s
    ssems = [s0, s1, s2, s3, s4]

    pltpu.async_copy(dst_hbm.at[wid], dsti_v, s0)

    @pl.loop(0, EB)
    def _zrow(i):
        for j in range(0, DW, 16):
            ones_v[i, pl.ds(j, 16)] = jnp.zeros((16,), jnp.float32)

    rbase = s * WB + jnp.minimum(s, 2) * WBX

    @pl.loop(0, WB, step=ZB)
    def _zero(r):
        pltpu.async_copy(ones_v.at[pl.ds(0, ZB)],
                         acc_sh.at[pl.ds(rbase + r, ZB)], s1)

    @pl.when(s < 2)
    def _zx():
        pltpu.sync_copy(ones_v.at[pl.ds(0, WBX)],
                        acc_sh.at[pl.ds(rbase + WB, WBX)])

    @pl.loop(0, WB, step=ZB)
    def _zdrain(r):
        pltpu.make_async_copy(ones_v.at[pl.ds(0, ZB)],
                              acc_sh.at[pl.ds(rbase + r, ZB)], s1).wait()

    @pl.loop(0, EB)
    def _frow(i):
        ones_v[i, pl.ds(0, 16)] = jnp.full((16,), 1.0, jnp.float32)

    pltpu.make_async_copy(dst_hbm.at[wid], dsti_v, s0).wait()
    plsc.subcore_barrier()

    @pl.loop(0, C, step=NBUF)
    def _edges(j):
        for b in range(NBUF):
            cur = j + b

            @pl.when(cur >= NBUF)
            def _drain():
                pltpu.make_async_copy(ones_v, acc_sh.at[dsti_v.at[cur]],
                                      ssems[b]).wait()

            pltpu.async_copy(ones_v, acc_sh.at[dsti_v.at[cur]], ssems[b],
                             add=True)

    for b in range(NBUF):
        pltpu.make_async_copy(ones_v, acc_sh.at[dsti_v.at[b]], ssems[b]).wait()

    plsc.subcore_barrier()

    pltpu.sync_copy(acc_sh.at[pl.ds(rbase, WB)],
                    out_hbm.at[c, pl.ds(rbase, WB)])

    @pl.when(s < 2)
    def _wx():
        pltpu.sync_copy(acc_sh.at[pl.ds(rbase + WB, WBX)],
                        out_hbm.at[c, pl.ds(rbase + WB, WBX)])


def _edge_scatter_body(g_hbm, src_hbm, dst_hbm, out_hbm,
                       sa0, sa1, sb0, sb1, sc0, sc1,
                       da0, da1, db0, db1, dc0, dc1,
                       r0, r1, r2, acc_sh,
                       g0, g1, g2, t0, t1, t2, i0, i1, i2):
    c = lax.axis_index("c")
    s = lax.axis_index("s")
    wid = c * NS + s
    srcs = [[sa0, sa1], [sb0, sb1], [sc0, sc1]]
    dsts = [[da0, da1], [db0, db1], [dc0, dc1]]
    rows = [r0, r1, r2]
    gsems = [g0, g1, g2]
    ssems = [t0, t1, t2]
    isems = [i0, i1, i2]
    NB = 3

    for b in range(NB):
        pltpu.async_copy(src_hbm.at[wid, pl.ds(b, 1)], srcs[b][0], isems[b])
        pltpu.async_copy(dst_hbm.at[wid, pl.ds(b, 1)], dsts[b][0], isems[b])

    @pl.loop(0, EB)
    def _zrow(i):
        for j in range(0, D, 16):
            r0[i, pl.ds(j, 16)] = jnp.zeros((16,), jnp.float32)

    rbase = s * WB + jnp.minimum(s, 2) * WBX

    @pl.loop(0, WB, step=ZB)
    def _zero(r):
        pltpu.async_copy(r0.at[pl.ds(0, ZB)], acc_sh.at[pl.ds(rbase + r, ZB)],
                         g0)

    @pl.when(s < 2)
    def _zx():
        pltpu.sync_copy(r0.at[pl.ds(0, WBX)],
                        acc_sh.at[pl.ds(rbase + WB, WBX)])

    @pl.loop(0, WB, step=ZB)
    def _zdrain(r):
        pltpu.make_async_copy(r0.at[pl.ds(0, ZB)],
                              acc_sh.at[pl.ds(rbase + r, ZB)], g0).wait()

    plsc.subcore_barrier()

    for b in range(NB):
        pltpu.make_async_copy(src_hbm.at[wid, pl.ds(b, 1)], srcs[b][0],
                              isems[b]).wait()
        pltpu.make_async_copy(dst_hbm.at[wid, pl.ds(b, 1)], dsts[b][0],
                              isems[b]).wait()
        pltpu.async_copy(g_hbm.at[srcs[b][0].at[0]], rows[b], gsems[b])

    def _maybe(cond, fn):
        if isinstance(cond, bool):
            if cond:
                fn()
        else:
            pl.when(cond)(fn)

    def _chunk(cur, b, p, guard):
        sv, dv = srcs[b][p], dsts[b][p]
        nsv, ndv = srcs[b][1 - p], dsts[b][1 - p]
        cond = (cur + NB < C) if guard else False
        nxt = jnp.int32(cur + NB) if isinstance(cur, int) else cur + NB

        def _pfi():
            pltpu.async_copy(src_hbm.at[wid, pl.ds(nxt, 1)], nsv, isems[b])
            pltpu.async_copy(dst_hbm.at[wid, pl.ds(nxt, 1)], ndv, isems[b])
        _maybe(cond, _pfi)

        pltpu.make_async_copy(g_hbm.at[sv.at[0]], rows[b], gsems[b]).wait()
        pltpu.async_copy(rows[b], acc_sh.at[dv.at[0]], ssems[b], add=True)
        pltpu.make_async_copy(rows[b], acc_sh.at[dv.at[0]], ssems[b]).wait()

        def _pfg():
            pltpu.make_async_copy(src_hbm.at[wid, pl.ds(nxt, 1)], nsv,
                                  isems[b]).wait()
            pltpu.make_async_copy(dst_hbm.at[wid, pl.ds(nxt, 1)], ndv,
                                  isems[b]).wait()
            pltpu.async_copy(g_hbm.at[nsv.at[0]], rows[b], gsems[b])
        _maybe(cond, _pfg)

    @pl.loop(0, C - 5, step=6)
    def _edges(j):
        for k in range(6):
            _chunk(j + k, k % 3, (k // 3) % 2, True)

    @pl.loop(C - 5, C - 2, step=3)
    def _edges2(j):
        for k in range(3):
            _chunk(j + k, (C - 5 + k) % 3, ((C - 5 + k) // 3) % 2, True)

    for cur in range(C - 2, C):
        _chunk(cur, cur % 3, (cur // 3) % 2, False)

    plsc.subcore_barrier()

    pltpu.sync_copy(acc_sh.at[pl.ds(rbase, WB)],
                    out_hbm.at[c, pl.ds(rbase, WB)])

    @pl.when(s < 2)
    def _wx():
        pltpu.sync_copy(acc_sh.at[pl.ds(rbase + WB, WBX)],
                        out_hbm.at[c, pl.ds(rbase + WB, WBX)])


@functools.lru_cache(maxsize=1)
def _sc_kernels():
    mesh = plsc.VectorSubcoreMesh(core_axis_name="c", subcore_axis_name="s")
    deg = pl.kernel(
        _deg_scatter_body,
        out_type=jax.ShapeDtypeStruct((NC, N, DW), jnp.float32),
        mesh=mesh,
        scratch_types=[
            pltpu.VMEM((C, EB), jnp.int32),
            pltpu.VMEM((EB, DW), jnp.float32),
            pltpu.VMEM_SHARED((N, DW), jnp.float32),
        ] + [pltpu.SemaphoreType.DMA] * NBUF,
    )
    edge = pl.kernel(
        _edge_scatter_body,
        out_type=jax.ShapeDtypeStruct((NC, N, D), jnp.float32),
        mesh=mesh,
        scratch_types=[pltpu.VMEM((1, EB), jnp.int32)] * 12
        + [pltpu.VMEM((EB, D), jnp.float32)] * 3
        + [pltpu.VMEM_SHARED((N, D), jnp.float32)]
        + [pltpu.SemaphoreType.DMA] * 9,
    )
    return deg, edge



def _dinv_block(dega_ref, degb_ref):
    deg = dega_ref[:, 0:1] + degb_ref[:, 0:1] + 1.0
    return lax.rsqrt(deg)


def _b1_body(x_ref, emb1_ref, emb2_ref, w1_ref, b1_ref, w2_ref, b2_ref,
             wc1_ref, hw1_ref, xs_ref):
    xa = x_ref[:, 0:1]
    xb = x_ref[:, 1:2]
    ia = lax.broadcasted_iota(jnp.int32, (R, NUM_ATOM), 1)
    ib = lax.broadcasted_iota(jnp.int32, (R, NUM_CHI), 1)
    oa = (ia == xa).astype(jnp.float32)
    ob = (ib == xb).astype(jnp.float32)
    h0 = (jnp.dot(oa, emb1_ref[...], preferred_element_type=jnp.float32)
          + jnp.dot(ob, emb2_ref[...], preferred_element_type=jnp.float32))
    h = jnp.maximum(
        jnp.dot(h0, w1_ref[...], preferred_element_type=jnp.float32)
        + b1_ref[...], 0.0)
    hw1_ref[...] = jnp.dot(h, wc1_ref[...], preferred_element_type=jnp.float32)
    xs_ref[...] = (jnp.dot(h, w2_ref[...], preferred_element_type=jnp.float32)
                   + b2_ref[...])


_b1 = pl.pallas_call(
    _b1_body,
    grid=(GRID,),
    in_specs=[
        pl.BlockSpec((R, 2), lambda i: (i, 0)),
        pl.BlockSpec((NUM_ATOM, D), lambda i: (0, 0)),
        pl.BlockSpec((NUM_CHI, D), lambda i: (0, 0)),
        pl.BlockSpec((D, D), lambda i: (0, 0)),
        pl.BlockSpec((1, D), lambda i: (0, 0)),
        pl.BlockSpec((D, D), lambda i: (0, 0)),
        pl.BlockSpec((1, D), lambda i: (0, 0)),
        pl.BlockSpec((D, D), lambda i: (0, 0)),
    ],
    out_specs=[
        pl.BlockSpec((R, D), lambda i: (i, 0)),
        pl.BlockSpec((R, D), lambda i: (i, 0)),
    ],
    out_shape=[
        jax.ShapeDtypeStruct((N, D), jnp.float32),
        jax.ShapeDtypeStruct((N, D), jnp.float32),
    ],
)


def _b2_body(dega_ref, degb_ref, hw1_ref, g1_ref):
    g1_ref[...] = hw1_ref[...] * _dinv_block(dega_ref, degb_ref)


_b2 = pl.pallas_call(
    _b2_body,
    grid=(GRID,),
    in_specs=[
        pl.BlockSpec((R, DW), lambda i: (i, 0)),
        pl.BlockSpec((R, DW), lambda i: (i, 0)),
        pl.BlockSpec((R, D), lambda i: (i, 0)),
    ],
    out_specs=pl.BlockSpec((R, D), lambda i: (i, 0)),
    out_shape=jax.ShapeDtypeStruct((N, D), jnp.float32),
)


def _mid_body(s1a_ref, s1b_ref, g1_ref, dega_ref, degb_ref, xs_ref,
              bc1_ref, wc2_ref, g2_ref):
    dinv = _dinv_block(dega_ref, degb_ref)
    conv = dinv * (s1a_ref[...] + s1b_ref[...] + g1_ref[...]) + bc1_ref[...]
    h1 = jnp.maximum(conv, 0.0) + xs_ref[...]
    g2_ref[...] = jnp.dot(h1, wc2_ref[...],
                          preferred_element_type=jnp.float32) * dinv


_mid = pl.pallas_call(
    _mid_body,
    grid=(GRID,),
    in_specs=[
        pl.BlockSpec((R, D), lambda i: (i, 0)),
        pl.BlockSpec((R, D), lambda i: (i, 0)),
        pl.BlockSpec((R, D), lambda i: (i, 0)),
        pl.BlockSpec((R, DW), lambda i: (i, 0)),
        pl.BlockSpec((R, DW), lambda i: (i, 0)),
        pl.BlockSpec((R, D), lambda i: (i, 0)),
        pl.BlockSpec((1, D), lambda i: (0, 0)),
        pl.BlockSpec((D, D), lambda i: (0, 0)),
    ],
    out_specs=pl.BlockSpec((R, D), lambda i: (i, 0)),
    out_shape=jax.ShapeDtypeStruct((N, D), jnp.float32),
)


def _fin_body(s2a_ref, s2b_ref, g2_ref, dega_ref, degb_ref, xs_ref,
              bc2_ref, out_ref):
    dinv = _dinv_block(dega_ref, degb_ref)
    conv = dinv * (s2a_ref[...] + s2b_ref[...] + g2_ref[...]) + bc2_ref[...]
    h2 = jnp.maximum(conv, 0.0) + xs_ref[...]
    part = jnp.sum(h2, axis=0, keepdims=True) * (1.0 / N)

    @pl.when(pl.program_id(0) == 0)
    def _init():
        out_ref[...] = part

    @pl.when(pl.program_id(0) != 0)
    def _acc():
        out_ref[...] = out_ref[...] + part


_fin = pl.pallas_call(
    _fin_body,
    grid=(GRID,),
    in_specs=[
        pl.BlockSpec((R, D), lambda i: (i, 0)),
        pl.BlockSpec((R, D), lambda i: (i, 0)),
        pl.BlockSpec((R, D), lambda i: (i, 0)),
        pl.BlockSpec((R, DW), lambda i: (i, 0)),
        pl.BlockSpec((R, DW), lambda i: (i, 0)),
        pl.BlockSpec((R, D), lambda i: (i, 0)),
        pl.BlockSpec((1, D), lambda i: (0, 0)),
    ],
    out_specs=pl.BlockSpec((1, D), lambda i: (0, 0)),
    out_shape=jax.ShapeDtypeStruct((1, D), jnp.float32),
)



def kernel(x, edge_index, emb1, emb2, W1, b1, W2, b2, Wc1, bc1, Wc2, bc2):
    src = edge_index[0]
    dst = edge_index[1]
    b1r = b1.reshape(1, D)
    b2r = b2.reshape(1, D)
    bc1r = bc1.reshape(1, D)
    bc2r = bc2.reshape(1, D)

    _deg_scatter, _edge_scatter = _sc_kernels()
    src3 = src.reshape(NW, C, EB)
    dst3 = dst.reshape(NW, C, EB)
    degp = _deg_scatter(dst3)
    dega, degb = degp[0], degp[1]

    hw1, xs = _b1(x, emb1, emb2, W1, b1r, W2, b2r, Wc1)
    g1 = _b2(dega, degb, hw1)

    s1 = _edge_scatter(g1, src3, dst3)
    g2 = _mid(s1[0], s1[1], g1, dega, degb, xs, bc1r, Wc2)

    s2 = _edge_scatter(g2, src3, dst3)
    out = _fin(s2[0], s2[1], g2, dega, degb, xs, bc2r)
    return out.reshape(D)

# --- scband reference (transcript-rebuilt; emitter-appended) ---
"""Pipeline reference for scband-gcn-65798898974952 (READ-ONLY COPY).

The authoritative reference and input builder live on the scoring server;
editing this copy changes nothing except your own understanding.
"""

import jax, jax.numpy as jnp
import numpy as np

N_NODES = 10000
N_EDGES = 320000
EMB = 128
HID = 128
NUM_ATOM_TYPE = 120
NUM_CHIRALITY = 3


def setup_inputs(seed: int = 0) -> dict:
    key = jax.random.key(seed)
    ks = jax.random.split(key, 12)
    x = jax.random.randint(ks[0], (N_NODES, 2), 0, 3, dtype=jnp.int32)
    edge_index = jax.random.randint(ks[1], (2, N_EDGES), 0, N_NODES, dtype=jnp.int32)
    emb1 = jax.random.normal(ks[2], (NUM_ATOM_TYPE, EMB), dtype=jnp.float32) * 0.1
    emb2 = jax.random.normal(ks[3], (NUM_CHIRALITY, EMB), dtype=jnp.float32) * 0.1
    W1 = jax.random.normal(ks[4], (EMB, EMB), dtype=jnp.float32) * 0.05
    b1 = jnp.zeros((EMB,), dtype=jnp.float32)
    W2 = jax.random.normal(ks[5], (EMB, HID), dtype=jnp.float32) * 0.05
    b2 = jnp.zeros((HID,), dtype=jnp.float32)
    Wc1 = jax.random.normal(ks[6], (EMB, HID), dtype=jnp.float32) * 0.05
    bc1 = jnp.zeros((HID,), dtype=jnp.float32)
    Wc2 = jax.random.normal(ks[7], (HID, HID), dtype=jnp.float32) * 0.05
    bc2 = jnp.zeros((HID,), dtype=jnp.float32)
    return {"x": x, "edge_index": edge_index, "emb1": emb1, "emb2": emb2,
            "W1": W1, "b1": b1, "W2": W2, "b2": b2,
            "Wc1": Wc1, "bc1": bc1, "Wc2": Wc2, "bc2": bc2}


def _gcn_conv(h, W, b, src2, dst2, norm, n):
    # PyG GCNConv: h' = D^{-1/2}(A+I)D^{-1/2} (h W) + b, self-loops already in src2/dst2
    hw = h @ W
    msg = jnp.take(hw, src2, axis=0) * norm[:, None]
    out = jnp.zeros((n, hw.shape[1]), dtype=hw.dtype).at[dst2].add(msg)
    return out + b


def reference(x, edge_index, emb1, emb2, W1, b1, W2, b2, Wc1, bc1, Wc2, bc2):
    n = N_NODES
    src = edge_index[0]
    dst = edge_index[1]
    loop = jnp.arange(n, dtype=src.dtype)
    src2 = jnp.concatenate([src, loop])
    dst2 = jnp.concatenate([dst, loop])
    deg = jnp.zeros((n,), dtype=jnp.float32).at[dst2].add(1.0)
    dinv = deg ** -0.5
    norm = jnp.take(dinv, src2) * jnp.take(dinv, dst2)
    # embedding lookups (SparseCore gather)
    h = jnp.take(emb1, x[:, 0], axis=0) + jnp.take(emb2, x[:, 1], axis=0)
    h = jax.nn.relu(h @ W1 + b1)  # dropout p=0.0 -> identity
    h1 = jax.nn.relu(_gcn_conv(h, Wc1, bc1, src2, dst2, norm, n))
    xs = h @ W2 + b2
    h1 = h1 + xs
    h2 = jax.nn.relu(_gcn_conv(h1, Wc2, bc2, src2, dst2, norm, n))
    h2 = h2 + xs
    out = jnp.sum(h2, axis=0) / n
    return out

if __name__ == "__main__":
    import jax
    _d = setup_inputs()
    print(jax.jit(kernel)(*tuple(_d.values())))

</pallas_src>

<mosaic_0001>
#map = affine_map<(d0, d1) -> (0, 0)>
#map1 = affine_map<(d0, d1) -> (0, 0, 0)>
module attributes {stable_mosaic.version = 14 : i64} {
  func.func @_edge_scatter_body(%arg0: i32, %arg1: i32, %arg2: memref<10000x128xf32, #tpu.memory_space<hbm>>, %arg3: memref<32x125x80xi32, #tpu.memory_space<hbm>>, %arg4: memref<32x125x80xi32, #tpu.memory_space<hbm>>, %arg5: memref<2x10000x128xf32, #tpu.memory_space<hbm>>, %arg6: memref<1x80xi32, #tpu.memory_space<vmem>>, %arg7: memref<1x80xi32, #tpu.memory_space<vmem>>, %arg8: memref<1x80xi32, #tpu.memory_space<vmem>>, %arg9: memref<1x80xi32, #tpu.memory_space<vmem>>, %arg10: memref<1x80xi32, #tpu.memory_space<vmem>>, %arg11: memref<1x80xi32, #tpu.memory_space<vmem>>, %arg12: memref<1x80xi32, #tpu.memory_space<vmem>>, %arg13: memref<1x80xi32, #tpu.memory_space<vmem>>, %arg14: memref<1x80xi32, #tpu.memory_space<vmem>>, %arg15: memref<1x80xi32, #tpu.memory_space<vmem>>, %arg16: memref<1x80xi32, #tpu.memory_space<vmem>>, %arg17: memref<1x80xi32, #tpu.memory_space<vmem>>, %arg18: memref<80x128xf32, #tpu.memory_space<vmem>>, %arg19: memref<80x128xf32, #tpu.memory_space<vmem>>, %arg20: memref<80x128xf32, #tpu.memory_space<vmem>>, %arg21: memref<10000x128xf32, #tpu.memory_space<vmem_shared>>, %arg22: memref<!tpu.dma_semaphore, #tpu.memory_space<semaphore_mem>>, %arg23: memref<!tpu.dma_semaphore, #tpu.memory_space<semaphore_mem>>, %arg24: memref<!tpu.dma_semaphore, #tpu.memory_space<semaphore_mem>>, %arg25: memref<!tpu.dma_semaphore, #tpu.memory_space<semaphore_mem>>, %arg26: memref<!tpu.dma_semaphore, #tpu.memory_space<semaphore_mem>>, %arg27: memref<!tpu.dma_semaphore, #tpu.memory_space<semaphore_mem>>, %arg28: memref<!tpu.dma_semaphore, #tpu.memory_space<semaphore_mem>>, %arg29: memref<!tpu.dma_semaphore, #tpu.memory_space<semaphore_mem>>, %arg30: memref<!tpu.dma_semaphore, #tpu.memory_space<semaphore_mem>>) attributes {dimension_semantics = [#tpu.dimension_semantics<core_parallel>, #tpu.dimension_semantics<subcore_parallel>], iteration_bounds = array<i64: 2, 16>, scalar_prefetch = 0 : i64, scratch_operands = 25 : i64, tpu.core_type = #tpu.core_type<sc_vector_subcore>, window_params = [{transform_indices = #map}, {transform_indices = #map1}, {transform_indices = #map1}, {transform_indices = #map1}]} {
    %mul3A = arith.constant 16 : i32
    %mul3A_0 = arith.muli %arg0, %mul3A : i32
    %add3A = arith.addi %mul3A_0, %arg1 : i32
    %dma_start3A = arith.constant 0 : i32
    %dma_start3A_1 = arith.constant 0 : i32
    %dma_start3A_2 = tpu.memref_slice %arg3[%add3A, %dma_start3A, %dma_start3A_1] : memref<32x125x80xi32, #tpu.memory_space<hbm>> -> memref<1x1x80xi32, #tpu.memory_space<hbm>>
    %dma_start3A_3 = tpu.memref_squeeze %dma_start3A_2 : memref<1x1x80xi32, #tpu.memory_space<hbm>> -> memref<1x80xi32, #tpu.memory_space<hbm>>
    %dma_start3A_4 = arith.constant 0 : i32
    %dma_start3A_5 = arith.constant 0 : i32
    %dma_start3A_6 = tpu.memref_slice %arg3[%add3A, %dma_start3A_4, %dma_start3A_5] : memref<32x125x80xi32, #tpu.memory_space<hbm>> -> memref<1x1x80xi32, #tpu.memory_space<hbm>>
    %dma_start3A_7 = tpu.memref_squeeze %dma_start3A_6 : memref<1x1x80xi32, #tpu.memory_space<hbm>> -> memref<1x80xi32, #tpu.memory_space<hbm>>
    tpu.enqueue_dma source(%dma_start3A_7 : memref<1x80xi32, #tpu.memory_space<hbm>>) target(%arg6 : memref<1x80xi32, #tpu.memory_space<vmem>>) target_semaphore(%arg28 : memref<!tpu.dma_semaphore, #tpu.memory_space<semaphore_mem>>)
    %dma_start3A_8 = arith.constant 0 : i32
    %dma_start3A_9 = arith.constant 0 : i32
    %dma_start3A_10 = tpu.memref_slice %arg4[%add3A, %dma_start3A_8, %dma_start3A_9] : memref<32x125x80xi32, #tpu.memory_space<hbm>> -> memref<1x1x80xi32, #tpu.memory_space<hbm>>
    %dma_start3A_11 = tpu.memref_squeeze %dma_start3A_10 : memref<1x1x80xi32, #tpu.memory_space<hbm>> -> memref<1x80xi32, #tpu.memory_space<hbm>>
    %dma_start3A_12 = arith.constant 0 : i32
    %dma_start3A_13 = arith.constant 0 : i32
    %dma_start3A_14 = tpu.memref_slice %arg4[%add3A, %dma_start3A_12, %dma_start3A_13] : memref<32x125x80xi32, #tpu.memory_space<hbm>> -> memref<1x1x80xi32, #tpu.memory_space<hbm>>
    %dma_start3A_15 = tpu.memref_squeeze %dma_start3A_14 : memref<1x1x80xi32, #tpu.memory_space<hbm>> -> memref<1x80xi32, #tpu.memory_space<hbm>>
    tpu.enqueue_dma source(%dma_start3A_15 : memref<1x80xi32, #tpu.memory_space<hbm>>) target(%arg12 : memref<1x80xi32, #tpu.memory_space<vmem>>) target_semaphore(%arg28 : memref<!tpu.dma_semaphore, #tpu.memory_space<semaphore_mem>>)
    %dma_start3A_16 = arith.constant 1 : i32
    %dma_start3A_17 = arith.constant 0 : i32
    %dma_start3A_18 = tpu.memref_slice %arg3[%add3A, %dma_start3A_16, %dma_start3A_17] : memref<32x125x80xi32, #tpu.memory_space<hbm>> -> memref<1x1x80xi32, #tpu.memory_space<hbm>>
    %dma_start3A_19 = tpu.memref_squeeze %dma_start3A_18 : memref<1x1x80xi32, #tpu.memory_space<hbm>> -> memref<1x80xi32, #tpu.memory_space<hbm>>
    %dma_start3A_20 = arith.constant 1 : i32
    %dma_start3A_21 = arith.constant 0 : i32
    %dma_start3A_22 = tpu.memref_slice %arg3[%add3A, %dma_start3A_20, %dma_start3A_21] : memref<32x125x80xi32, #tpu.memory_space<hbm>> -> memref<1x1x80xi32, #tpu.memory_space<hbm>>
    %dma_start3A_23 = tpu.memref_squeeze %dma_start3A_22 : memref<1x1x80xi32, #tpu.memory_space<hbm>> -> memref<1x80xi32, #tpu.memory_space<hbm>>
    tpu.enqueue_dma source(%dma_start3A_23 : memref<1x80xi32, #tpu.memory_space<hbm>>) target(%arg8 : memref<1x80xi32, #tpu.memory_space<vmem>>) target_semaphore(%arg29 : memref<!tpu.dma_semaphore, #tpu.memory_space<semaphore_mem>>)
    %dma_start3A_24 = arith.constant 1 : i32
    %dma_start3A_25 = arith.constant 0 : i32
    %dma_start3A_26 = tpu.memref_slice %arg4[%add3A, %dma_start3A_24, %dma_start3A_25] : memref<32x125x80xi32, #tpu.memory_space<hbm>> -> memref<1x1x80xi32, #tpu.memory_space<hbm>>
    %dma_start3A_27 = tpu.memref_squeeze %dma_start3A_26 : memref<1x1x80xi32, #tpu.memory_space<hbm>> -> memref<1x80xi32, #tpu.memory_space<hbm>>
    %dma_start3A_28 = arith.constant 1 : i32
    %dma_start3A_29 = arith.constant 0 : i32
    %dma_start3A_30 = tpu.memref_slice %arg4[%add3A, %dma_start3A_28, %dma_start3A_29] : memref<32x125x80xi32, #tpu.memory_space<hbm>> -> memref<1x1x80xi32, #tpu.memory_space<hbm>>
    %dma_start3A_31 = tpu.memref_squeeze %dma_start3A_30 : memref<1x1x80xi32, #tpu.memory_space<hbm>> -> memref<1x80xi32, #tpu.memory_space<hbm>>
    tpu.enqueue_dma source(%dma_start3A_31 : memref<1x80xi32, #tpu.memory_space<hbm>>) target(%arg14 : memref<1x80xi32, #tpu.memory_space<vmem>>) target_semaphore(%arg29 : memref<!tpu.dma_semaphore, #tpu.memory_space<semaphore_mem>>)
    %dma_start3A_32 = arith.constant 2 : i32
    %dma_start3A_33 = arith.constant 0 : i32
    %dma_start3A_34 = tpu.memref_slice %arg3[%add3A, %dma_start3A_32, %dma_start3A_33] : memref<32x125x80xi32, #tpu.memory_space<hbm>> -> memref<1x1x80xi32, #tpu.memory_space<hbm>>
    %dma_start3A_35 = tpu.memref_squeeze %dma_start3A_34 : memref<1x1x80xi32, #tpu.memory_space<hbm>> -> memref<1x80xi32, #tpu.memory_space<hbm>>
    %dma_start3A_36 = arith.constant 2 : i32
    %dma_start3A_37 = arith.constant 0 : i32
    %dma_start3A_38 = tpu.memref_slice %arg3[%add3A, %dma_start3A_36, %dma_start3A_37] : memref<32x125x80xi32, #tpu.memory_space<hbm>> -> memref<1x1x80xi32, #tpu.memory_space<hbm>>
    %dma_start3A_39 = tpu.memref_squeeze %dma_start3A_38 : memref<1x1x80xi32, #tpu.memory_space<hbm>> -> memref<1x80xi32, #tpu.memory_space<hbm>>
    tpu.enqueue_dma source(%dma_start3A_39 : memref<1x80xi32, #tpu.memory_space<hbm>>) target(%arg10 : memref<1x80xi32, #tpu.memory_space<vmem>>) target_semaphore(%arg30 : memref<!tpu.dma_semaphore, #tpu.memory_space<semaphore_mem>>)
    %dma_start3A_40 = arith.constant 2 : i32
    %dma_start3A_41 = arith.constant 0 : i32
    %dma_start3A_42 = tpu.memref_slice %arg4[%add3A, %dma_start3A_40, %dma_start3A_41] : memref<32x125x80xi32, #tpu.memory_space<hbm>> -> memref<1x1x80xi32, #tpu.memory_space<hbm>>
    %dma_start3A_43 = tpu.memref_squeeze %dma_start3A_42 : memref<1x1x80xi32, #tpu.memory_space<hbm>> -> memref<1x80xi32, #tpu.memory_space<hbm>>
    %dma_start3A_44 = arith.constant 2 : i32
    %dma_start3A_45 = arith.constant 0 : i32
    %dma_start3A_46 = tpu.memref_slice %arg4[%add3A, %dma_start3A_44, %dma_start3A_45] : memref<32x125x80xi32, #tpu.memory_space<hbm>> -> memref<1x1x80xi32, #tpu.memory_space<hbm>>
    %dma_start3A_47 = tpu.memref_squeeze %dma_start3A_46 : memref<1x1x80xi32, #tpu.memory_space<hbm>> -> memref<1x80xi32, #tpu.memory_space<hbm>>
    tpu.enqueue_dma source(%dma_start3A_47 : memref<1x80xi32, #tpu.memory_space<hbm>>) target(%arg16 : memref<1x80xi32, #tpu.memory_space<vmem>>) target_semaphore(%arg30 : memref<!tpu.dma_semaphore, #tpu.memory_space<semaphore_mem>>)
    %scan3A = arith.constant 0 : i32
    %scan3A_48 = arith.constant 80 : i32
    %scan3A_49 = arith.addi %scan3A, %scan3A_48 : i32
    %scan3A_50 = arith.constant 1 : i32
    scf.for %scan3A_302 = %scan3A to %scan3A_49 step %scan3A_50  : i32 {
      %mul3A_303 = arith.constant 1 : i32
      %mul3A_304 = arith.muli %scan3A_302, %mul3A_303 : i32
      %add3A_305 = arith.constant 0 : i32
      %add3A_306 = arith.addi %add3A_305, %mul3A_304 : i32
      %broadcast_in_dim3A = arith.constant 0.000000e+00 : f32
      %broadcast_in_dim3A_307 = vector.broadcast %broadcast_in_dim3A : f32 to vector<16xf32>
      %swap3A = arith.index_cast %add3A_306 : i32 to index
      %swap3A_308 = arith.constant 0 : index
      %swap3A_309 = tpu.vector_load %arg18[%swap3A, %swap3A_308] {strides = array<i32>} : memref<80x128xf32, #tpu.memory_space<vmem>>, vector<1x16xf32>,
      %swap3A_310 = vector.shape_cast %swap3A_309 : vector<1x16xf32> to vector<16xf32>
      %swap3A_311 = vector.shape_cast %broadcast_in_dim3A_307 : vector<16xf32> to vector<1x16xf32>
      tpu.vector_store %arg18[%swap3A, %swap3A_308], %swap3A_311 {strides = array<i32>} : memref<80x128xf32, #tpu.memory_space<vmem>>, vector<1x16xf32>,
      %broadcast_in_dim3A_312 = arith.constant 0.000000e+00 : f32
      %broadcast_in_dim3A_313 = vector.broadcast %broadcast_in_dim3A_312 : f32 to vector<16xf32>
      %swap3A_314 = arith.index_cast %add3A_306 : i32 to index
      %swap3A_315 = arith.constant 16 : index
      %swap3A_316 = tpu.vector_load %arg18[%swap3A_314, %swap3A_315] {strides = array<i32>} : memref<80x128xf32, #tpu.memory_space<vmem>>, vector<1x16xf32>,
      %swap3A_317 = vector.shape_cast %swap3A_316 : vector<1x16xf32> to vector<16xf32>
      %swap3A_318 = vector.shape_cast %broadcast_in_dim3A_313 : vector<16xf32> to vector<1x16xf32>
      tpu.vector_store %arg18[%swap3A_314, %swap3A_315], %swap3A_318 {strides = array<i32>} : memref<80x128xf32, #tpu.memory_space<vmem>>, vector<1x16xf32>,
      %broadcast_in_dim3A_319 = arith.constant 0.000000e+00 : f32
      %broadcast_in_dim3A_320 = vector.broadcast %broadcast_in_dim3A_319 : f32 to vector<16xf32>
      %swap3A_321 = arith.index_cast %add3A_306 : i32 to index
      %swap3A_322 = arith.constant 32 : index
      %swap3A_323 = tpu.vector_load %arg18[%swap3A_321, %swap3A_322] {strides = array<i32>} : memref<80x128xf32, #tpu.memory_space<vmem>>, vector<1x16xf32>,
      %swap3A_324 = vector.shape_cast %swap3A_323 : vector<1x16xf32> to vector<16xf32>
      %swap3A_325 = vector.shape_cast %broadcast_in_dim3A_320 : vector<16xf32> to vector<1x16xf32>
      tpu.vector_store %arg18[%swap3A_321, %swap3A_322], %swap3A_325 {strides = array<i32>} : memref<80x128xf32, #tpu.memory_space<vmem>>, vector<1x16xf32>,
      %broadcast_in_dim3A_326 = arith.constant 0.000000e+00 : f32
      %broadcast_in_dim3A_327 = vector.broadcast %broadcast_in_dim3A_326 : f32 to vector<16xf32>
      %swap3A_328 = arith.index_cast %add3A_306 : i32 to index
      %swap3A_329 = arith.constant 48 : index
      %swap3A_330 = tpu.vector_load %arg18[%swap3A_328, %swap3A_329] {strides = array<i32>} : memref<80x128xf32, #tpu.memory_space<vmem>>, vector<1x16xf32>,
      %swap3A_331 = vector.shape_cast %swap3A_330 : vector<1x16xf32> to vector<16xf32>
      %swap3A_332 = vector.shape_cast %broadcast_in_dim3A_327 : vector<16xf32> to vector<1x16xf32>
      tpu.vector_store %arg18[%swap3A_328, %swap3A_329], %swap3A_332 {strides = array<i32>} : memref<80x128xf32, #tpu.memory_space<vmem>>, vector<1x16xf32>,
      %broadcast_in_dim3A_333 = arith.constant 0.000000e+00 : f32
      %broadcast_in_dim3A_334 = vector.broadcast %broadcast_in_dim3A_333 : f32 to vector<16xf32>
      %swap3A_335 = arith.index_cast %add3A_306 : i32 to index
      %swap3A_336 = arith.constant 64 : index
      %swap3A_337 = tpu.vector_load %arg18[%swap3A_335, %swap3A_336] {strides = array<i32>} : memref<80x128xf32, #tpu.memory_space<vmem>>, vector<1x16xf32>,
      %swap3A_338 = vector.shape_cast %swap3A_337 : vector<1x16xf32> to vector<16xf32>
      %swap3A_339 = vector.shape_cast %broadcast_in_dim3A_334 : vector<16xf32> to vector<1x16xf32>
      tpu.vector_store %arg18[%swap3A_335, %swap3A_336], %swap3A_339 {strides = array<i32>} : memref<80x128xf32, #tpu.memory_space<vmem>>, vector<1x16xf32>,
      %broadcast_in_dim3A_340 = arith.constant 0.000000e+00 : f32
      %broadcast_in_dim3A_341 = vector.broadcast %broadcast_in_dim3A_340 : f32 to vector<16xf32>
      %swap3A_342 = arith.index_cast %add3A_306 : i32 to index
      %swap3A_343 = arith.constant 80 : index
      %swap3A_344 = tpu.vector_load %arg18[%swap3A_342, %swap3A_343] {strides = array<i32>} : memref<80x128xf32, #tpu.memory_space<vmem>>, vector<1x16xf32>,
      %swap3A_345 = vector.shape_cast %swap3A_344 : vector<1x16xf32> to vector<16xf32>
      %swap3A_346 = vector.shape_cast %broadcast_in_dim3A_341 : vector<16xf32> to vector<1x16xf32>
      tpu.vector_store %arg18[%swap3A_342, %swap3A_343], %swap3A_346 {strides = array<i32>} : memref<80x128xf32, #tpu.memory_space<vmem>>, vector<1x16xf32>,
      %broadcast_in_dim3A_347 = arith.constant 0.000000e+00 : f32
      %broadcast_in_dim3A_348 = vector.broadcast %broadcast_in_dim3A_347 : f32 to vector<16xf32>
      %swap3A_349 = arith.index_cast %add3A_306 : i32 to index
      %swap3A_350 = arith.constant 96 : index
      %swap3A_351 = tpu.vector_load %arg18[%swap3A_349, %swap3A_350] {strides = array<i32>} : memref<80x128xf32, #tpu.memory_space<vmem>>, vector<1x16xf32>,
      %swap3A_352 = vector.shape_cast %swap3A_351 : vector<1x16xf32> to vector<16xf32>
      %swap3A_353 = vector.shape_cast %broadcast_in_dim3A_348 : vector<16xf32> to vector<1x16xf32>
      tpu.vector_store %arg18[%swap3A_349, %swap3A_350], %swap3A_353 {strides = array<i32>} : memref<80x128xf32, #tpu.memory_space<vmem>>, vector<1x16xf32>,
      %broadcast_in_dim3A_354 = arith.constant 0.000000e+00 : f32
      %broadcast_in_dim3A_355 = vector.broadcast %broadcast_in_dim3A_354 : f32 to vector<16xf32>
      %swap3A_356 = arith.index_cast %add3A_306 : i32 to index
      %swap3A_357 = arith.constant 112 : index
      %swap3A_358 = tpu.vector_load %arg18[%swap3A_356, %swap3A_357] {strides = array<i32>} : memref<80x128xf32, #tpu.memory_space<vmem>>, vector<1x16xf32>,
      %swap3A_359 = vector.shape_cast %swap3A_358 : vector<1x16xf32> to vector<16xf32>
      %swap3A_360 = vector.shape_cast %broadcast_in_dim3A_355 : vector<16xf32> to vector<1x16xf32>
      tpu.vector_store %arg18[%swap3A_356, %swap3A_357], %swap3A_360 {strides = array<i32>} : memref<80x128xf32, #tpu.memory_space<vmem>>, vector<1x16xf32>,
    }
    %scan3A_51 = arith.constant 80 : i32
    %mul3A_52 = arith.constant 624 : i32
    %mul3A_53 = arith.muli %arg1, %mul3A_52 : i32
    %min3A = arith.constant 2 : i32
    %min3A_54 = arith.minsi %arg1, %min3A : i32
    %mul3A_55 = arith.constant 8 : i32
    %mul3A_56 = arith.muli %min3A_54, %mul3A_55 : i32
    %add3A_57 = arith.addi %mul3A_53, %mul3A_56 : i32
    %scan3A_58 = arith.constant 0 : i32
    %scan3A_59 = arith.constant 8 : i32
    %scan3A_60 = arith.addi %scan3A_58, %scan3A_59 : i32
    %scan3A_61 = arith.constant 1 : i32
    scf.for %scan3A_302 = %scan3A_58 to %scan3A_60 step %scan3A_61  : i32 {
      %mul3A_303 = arith.constant 78 : i32
      %mul3A_304 = arith.muli %scan3A_302, %mul3A_303 : i32
      %add3A_305 = arith.constant 0 : i32
      %add3A_306 = arith.addi %add3A_305, %mul3A_304 : i32
      %add3A_307 = arith.addi %add3A_57, %add3A_306 : i32
      %dma_start3A_308 = arith.constant 0 : i32
      %dma_start3A_309 = arith.constant 0 : i32
      %dma_start3A_310 = tpu.memref_slice %arg18[%dma_start3A_308, %dma_start3A_309] : memref<80x128xf32, #tpu.memory_space<vmem>> -> memref<78x128xf32, #tpu.memory_space<vmem>>
      %dma_start3A_311 = arith.constant 0 : i32
      %dma_start3A_312 = tpu.memref_slice %arg21[%add3A_307, %dma_start3A_311] : memref<10000x128xf32, #tpu.memory_space<vmem_shared>> -> memref<78x128xf32, #tpu.memory_space<vmem_shared>>
      %dma_start3A_313 = arith.constant 0 : i32
      %dma_start3A_314 = tpu.memref_slice %arg21[%add3A_307, %dma_start3A_313] : memref<10000x128xf32, #tpu.memory_space<vmem_shared>> -> memref<78x128xf32, #tpu.memory_space<vmem_shared>>
      %dma_start3A_315 = arith.constant 0 : i32
      %dma_start3A_316 = arith.constant 0 : i32
      %dma_start3A_317 = tpu.memref_slice %arg18[%dma_start3A_315, %dma_start3A_316] : memref<80x128xf32, #tpu.memory_space<vmem>> -> memref<78x128xf32, #tpu.memory_space<vmem>>
      tpu.enqueue_dma source(%dma_start3A_317 : memref<78x128xf32, #tpu.memory_space<vmem>>) target(%dma_start3A_314 : memref<78x128xf32, #tpu.memory_space<vmem_shared>>) target_semaphore(%arg22 : memref<!tpu.dma_semaphore, #tpu.memory_space<semaphore_mem>>)
    }
    %scan3A_62 = arith.constant 8 : i32
    %lt3A = arith.constant 2 : i32
    %lt3A_63 = arith.cmpi slt, %arg1, %lt3A : i32
    %convert_element_type3A = arith.extui %lt3A_63 : i1 to i32
    %cond3A = arith.constant 0 : i32
    %cond3A_64 = arith.cmpi ne, %convert_element_type3A, %cond3A : i32
    scf.if %cond3A_64 {
      %add3A_302 = arith.constant 624 : i32
      %add3A_303 = arith.addi %add3A_57, %add3A_302 : i32
      "tpu.region"() ({
        %run_scoped3A = tpu.sem_alloc : memref<!tpu.dma_semaphore, #tpu.memory_space<semaphore_mem>>
        %dma_start3A_304 = arith.constant 0 : i32
        %dma_start3A_305 = arith.constant 0 : i32
        %dma_start3A_306 = tpu.memref_slice %arg18[%dma_start3A_304, %dma_start3A_305] : memref<80x128xf32, #tpu.memory_space<vmem>> -> memref<8x128xf32, #tpu.memory_space<vmem>>
        %dma_start3A_307 = arith.constant 0 : i32
        %dma_start3A_308 = tpu.memref_slice %arg21[%add3A_303, %dma_start3A_307] : memref<10000x128xf32, #tpu.memory_space<vmem_shared>> -> memref<8x128xf32, #tpu.memory_space<vmem_shared>>
        %dma_start3A_309 = arith.constant 0 : i32
        %dma_start3A_310 = tpu.memref_slice %arg21[%add3A_303, %dma_start3A_309] : memref<10000x128xf32, #tpu.memory_space<vmem_shared>> -> memref<8x128xf32, #tpu.memory_space<vmem_shared>>
        %dma_start3A_311 = arith.constant 0 : i32
        %dma_start3A_312 = arith.constant 0 : i32
        %dma_start3A_313 = tpu.memref_slice %arg18[%dma_start3A_311, %dma_start3A_312] : memref<80x128xf32, #tpu.memory_space<vmem>> -> memref<8x128xf32, #tpu.memory_space<vmem>>
        tpu.enqueue_dma source(%dma_start3A_313 : memref<8x128xf32, #tpu.memory_space<vmem>>) target(%dma_start3A_310 : memref<8x128xf32, #tpu.memory_space<vmem_shared>>) target_semaphore(%run_scoped3A : memref<!tpu.dma_semaphore, #tpu.memory_space<semaphore_mem>>)
        %dma_wait3A_314 = arith.constant 0 : i32
        %dma_wait3A_315 = arith.constant 0 : i32
        %dma_wait3A_316 = tpu.memref_slice %arg18[%dma_wait3A_314, %dma_wait3A_315] : memref<80x128xf32, #tpu.memory_space<vmem>> -> memref<8x128xf32, #tpu.memory_space<vmem>>
        %dma_wait3A_317 = arith.constant 0 : i32
        %dma_wait3A_318 = tpu.memref_slice %arg21[%add3A_303, %dma_wait3A_317] : memref<10000x128xf32, #tpu.memory_space<vmem_shared>> -> memref<8x128xf32, #tpu.memory_space<vmem_shared>>
        %dma_wait3A_319 = arith.constant 0 : i32
        %dma_wait3A_320 = tpu.memref_slice %arg21[%add3A_303, %dma_wait3A_319] : memref<10000x128xf32, #tpu.memory_space<vmem_shared>> -> memref<8x128xf32, #tpu.memory_space<vmem_shared>>
        %dma_wait3A_321 = arith.constant 0 : i32
        %dma_wait3A_322 = arith.constant 0 : i32
        %dma_wait3A_323 = tpu.memref_slice %arg18[%dma_wait3A_321, %dma_wait3A_322] : memref<80x128xf32, #tpu.memory_space<vmem>> -> memref<8x128xf32, #tpu.memory_space<vmem>>
        tpu.wait_dma2 semaphore(%run_scoped3A : memref<!tpu.dma_semaphore, #tpu.memory_space<semaphore_mem>>) src(%dma_wait3A_323 : memref<8x128xf32, #tpu.memory_space<vmem>>) dst(%dma_wait3A_320 : memref<8x128xf32, #tpu.memory_space<vmem_shared>>)
        tpu.yield
      }) : () -> ()
    } else {
    }
    %scan3A_65 = arith.constant 0 : i32
    %scan3A_66 = arith.constant 8 : i32
    %scan3A_67 = arith.addi %scan3A_65, %scan3A_66 : i32
    %scan3A_68 = arith.constant 1 : i32
    scf.for %scan3A_302 = %scan3A_65 to %scan3A_67 step %scan3A_68  : i32 {
      %mul3A_303 = arith.constant 78 : i32
      %mul3A_304 = arith.muli %scan3A_302, %mul3A_303 : i32
      %add3A_305 = arith.constant 0 : i32
      %add3A_306 = arith.addi %add3A_305, %mul3A_304 : i32
      %add3A_307 = arith.addi %add3A_57, %add3A_306 : i32
      %dma_wait3A_308 = arith.constant 0 : i32
      %dma_wait3A_309 = arith.constant 0 : i32
      %dma_wait3A_310 = tpu.memref_slice %arg18[%dma_wait3A_308, %dma_wait3A_309] : memref<80x128xf32, #tpu.memory_space<vmem>> -> memref<78x128xf32, #tpu.memory_space<vmem>>
      %dma_wait3A_311 = arith.constant 0 : i32
      %dma_wait3A_312 = tpu.memref_slice %arg21[%add3A_307, %dma_wait3A_311] : memref<10000x128xf32, #tpu.memory_space<vmem_shared>> -> memref<78x128xf32, #tpu.memory_space<vmem_shared>>
      %dma_wait3A_313 = arith.constant 0 : i32
      %dma_wait3A_314 = tpu.memref_slice %arg21[%add3A_307, %dma_wait3A_313] : memref<10000x128xf32, #tpu.memory_space<vmem_shared>> -> memref<78x128xf32, #tpu.memory_space<vmem_shared>>
      %dma_wait3A_315 = arith.constant 0 : i32
      %dma_wait3A_316 = arith.constant 0 : i32
      %dma_wait3A_317 = tpu.memref_slice %arg18[%dma_wait3A_315, %dma_wait3A_316] : memref<80x128xf32, #tpu.memory_space<vmem>> -> memref<78x128xf32, #tpu.memory_space<vmem>>
      tpu.wait_dma2 semaphore(%arg22 : memref<!tpu.dma_semaphore, #tpu.memory_space<semaphore_mem>>) src(%dma_wait3A_317 : memref<78x128xf32, #tpu.memory_space<vmem>>) dst(%dma_wait3A_314 : memref<78x128xf32, #tpu.memory_space<vmem_shared>>)
    }
    %scan3A_69 = arith.constant 8 : i32
    %barrier3A = arith.constant 0 : index
    tpu.barrier barrier_id(%barrier3A)
    %dma_wait3A = arith.constant 0 : i32
    %dma_wait3A_70 = arith.constant 0 : i32
    %dma_wait3A_71 = tpu.memref_slice %arg3[%add3A, %dma_wait3A, %dma_wait3A_70] : memref<32x125x80xi32, #tpu.memory_space<hbm>> -> memref<1x1x80xi32, #tpu.memory_space<hbm>>
    %dma_wait3A_72 = tpu.memref_squeeze %dma_wait3A_71 : memref<1x1x80xi32, #tpu.memory_space<hbm>> -> memref<1x80xi32, #tpu.memory_space<hbm>>
    %dma_wait3A_73 = arith.constant 0 : i32
    %dma_wait3A_74 = arith.constant 0 : i32
    %dma_wait3A_75 = tpu.memref_slice %arg3[%add3A, %dma_wait3A_73, %dma_wait3A_74] : memref<32x125x80xi32, #tpu.memory_space<hbm>> -> memref<1x1x80xi32, #tpu.memory_space<hbm>>
    %dma_wait3A_76 = tpu.memref_squeeze %dma_wait3A_75 : memref<1x1x80xi32, #tpu.memory_space<hbm>> -> memref<1x80xi32, #tpu.memory_space<hbm>>
    tpu.wait_dma2 semaphore(%arg28 : memref<!tpu.dma_semaphore, #tpu.memory_space<semaphore_mem>>) src(%dma_wait3A_76 : memref<1x80xi32, #tpu.memory_space<hbm>>) dst(%arg6 : memref<1x80xi32, #tpu.memory_space<vmem>>)
    %dma_wait3A_77 = arith.constant 0 : i32
    %dma_wait3A_78 = arith.constant 0 : i32
    %dma_wait3A_79 = tpu.memref_slice %arg4[%add3A, %dma_wait3A_77, %dma_wait3A_78] : memref<32x125x80xi32, #tpu.memory_space<hbm>> -> memref<1x1x80xi32, #tpu.memory_space<hbm>>
    %dma_wait3A_80 = tpu.memref_squeeze %dma_wait3A_79 : memref<1x1x80xi32, #tpu.memory_space<hbm>> -> memref<1x80xi32, #tpu.memory_space<hbm>>
    %dma_wait3A_81 = arith.constant 0 : i32
    %dma_wait3A_82 = arith.constant 0 : i32
    %dma_wait3A_83 = tpu.memref_slice %arg4[%add3A, %dma_wait3A_81, %dma_wait3A_82] : memref<32x125x80xi32, #tpu.memory_space<hbm>> -> memref<1x1x80xi32, #tpu.memory_space<hbm>>
    %dma_wait3A_84 = tpu.memref_squeeze %dma_wait3A_83 : memref<1x1x80xi32, #tpu.memory_space<hbm>> -> memref<1x80xi32, #tpu.memory_space<hbm>>
    tpu.wait_dma2 semaphore(%arg28 : memref<!tpu.dma_semaphore, #tpu.memory_space<semaphore_mem>>) src(%dma_wait3A_84 : memref<1x80xi32, #tpu.memory_space<hbm>>) dst(%arg12 : memref<1x80xi32, #tpu.memory_space<vmem>>)
    %dma_start3A_85 = arith.constant 0 : i32
    %dma_start3A_86 = arith.constant 0 : i32
    %dma_start3A_87 = tpu.memref_slice %arg6[%dma_start3A_85, %dma_start3A_86] : memref<1x80xi32, #tpu.memory_space<vmem>> -> memref<1x80xi32, #tpu.memory_space<vmem>>
    %dma_start3A_88 = tpu.memref_squeeze %dma_start3A_87 : memref<1x80xi32, #tpu.memory_space<vmem>> -> memref<80xi32, #tpu.memory_space<vmem>>
    %dma_start3A_89 = arith.constant 0 : i32
    %dma_start3A_90 = arith.constant 0 : i32
    %dma_start3A_91 = tpu.memref_slice %arg2[%dma_start3A_89, %dma_start3A_90] : memref<10000x128xf32, #tpu.memory_space<hbm>> -> memref<10000x128xf32, #tpu.memory_space<hbm>>
    tpu.enqueue_indirect_dma source(%dma_start3A_91 : memref<10000x128xf32, #tpu.memory_space<hbm>>) target(%arg18 : memref<80x128xf32, #tpu.memory_space<vmem>>) offsets(%dma_start3A_88 : memref<80xi32, #tpu.memory_space<vmem>>) semaphore(%arg22 : memref<!tpu.dma_semaphore, #tpu.memory_space<semaphore_mem>>)
    %dma_wait3A_92 = arith.constant 1 : i32
    %dma_wait3A_93 = arith.constant 0 : i32
    %dma_wait3A_94 = tpu.memref_slice %arg3[%add3A, %dma_wait3A_92, %dma_wait3A_93] : memref<32x125x80xi32, #tpu.memory_space<hbm>> -> memref<1x1x80xi32, #tpu.memory_space<hbm>>
    %dma_wait3A_95 = tpu.memref_squeeze %dma_wait3A_94 : memref<1x1x80xi32, #tpu.memory_space<hbm>> -> memref<1x80xi32, #tpu.memory_space<hbm>>
    %dma_wait3A_96 = arith.constant 1 : i32
    %dma_wait3A_97 = arith.constant 0 : i32
    %dma_wait3A_98 = tpu.memref_slice %arg3[%add3A, %dma_wait3A_96, %dma_wait3A_97] : memref<32x125x80xi32, #tpu.memory_space<hbm>> -> memref<1x1x80xi32, #tpu.memory_space<hbm>>
    %dma_wait3A_99 = tpu.memref_squeeze %dma_wait3A_98 : memref<1x1x80xi32, #tpu.memory_space<hbm>> -> memref<1x80xi32, #tpu.memory_space<hbm>>
    tpu.wait_dma2 semaphore(%arg29 : memref<!tpu.dma_semaphore, #tpu.memory_space<semaphore_mem>>) src(%dma_wait3A_99 : memref<1x80xi32, #tpu.memory_space<hbm>>) dst(%arg8 : memref<1x80xi32, #tpu.memory_space<vmem>>)
    %dma_wait3A_100 = arith.constant 1 : i32
    %dma_wait3A_101 = arith.constant 0 : i32
    %dma_wait3A_102 = tpu.memref_slice %arg4[%add3A, %dma_wait3A_100, %dma_wait3A_101] : memref<32x125x80xi32, #tpu.memory_space<hbm>> -> memref<1x1x80xi32, #tpu.memory_space<hbm>>
    %dma_wait3A_103 = tpu.memref_squeeze %dma_wait3A_102 : memref<1x1x80xi32, #tpu.memory_space<hbm>> -> memref<1x80xi32, #tpu.memory_space<hbm>>
    %dma_wait3A_104 = arith.constant 1 : i32
    %dma_wait3A_105 = arith.constant 0 : i32
    %dma_wait3A_106 = tpu.memref_slice %arg4[%add3A, %dma_wait3A_104, %dma_wait3A_105] : memref<32x125x80xi32, #tpu.memory_space<hbm>> -> memref<1x1x80xi32, #tpu.memory_space<hbm>>
    %dma_wait3A_107 = tpu.memref_squeeze %dma_wait3A_106 : memref<1x1x80xi32, #tpu.memory_space<hbm>> -> memref<1x80xi32, #tpu.memory_space<hbm>>
    tpu.wait_dma2 semaphore(%arg29 : memref<!tpu.dma_semaphore, #tpu.memory_space<semaphore_mem>>) src(%dma_wait3A_107 : memref<1x80xi32, #tpu.memory_space<hbm>>) dst(%arg14 : memref<1x80xi32, #tpu.memory_space<vmem>>)
    %dma_start3A_108 = arith.constant 0 : i32
    %dma_start3A_109 = arith.constant 0 : i32
    %dma_start3A_110 = tpu.memref_slice %arg8[%dma_start3A_108, %dma_start3A_109] : memref<1x80xi32, #tpu.memory_space<vmem>> -> memref<1x80xi32, #tpu.memory_space<vmem>>
    %dma_start3A_111 = tpu.memref_squeeze %dma_start3A_110 : memref<1x80xi32, #tpu.memory_space<vmem>> -> memref<80xi32, #tpu.memory_space<vmem>>
    %dma_start3A_112 = arith.constant 0 : i32
    %dma_start3A_113 = arith.constant 0 : i32
    %dma_start3A_114 = tpu.memref_slice %arg2[%dma_start3A_112, %dma_start3A_113] : memref<10000x128xf32, #tpu.memory_space<hbm>> -> memref<10000x128xf32, #tpu.memory_space<hbm>>
    tpu.enqueue_indirect_dma source(%dma_start3A_114 : memref<10000x128xf32, #tpu.memory_space<hbm>>) target(%arg19 : memref<80x128xf32, #tpu.memory_space<vmem>>) offsets(%dma_start3A_111 : memref<80xi32, #tpu.memory_space<vmem>>) semaphore(%arg23 : memref<!tpu.dma_semaphore, #tpu.memory_space<semaphore_mem>>)
    %dma_wait3A_115 = arith.constant 2 : i32
    %dma_wait3A_116 = arith.constant 0 : i32
    %dma_wait3A_117 = tpu.memref_slice %arg3[%add3A, %dma_wait3A_115, %dma_wait3A_116] : memref<32x125x80xi32, #tpu.memory_space<hbm>> -> memref<1x1x80xi32, #tpu.memory_space<hbm>>
    %dma_wait3A_118 = tpu.memref_squeeze %dma_wait3A_117 : memref<1x1x80xi32, #tpu.memory_space<hbm>> -> memref<1x80xi32, #tpu.memory_space<hbm>>
    %dma_wait3A_119 = arith.constant 2 : i32
    %dma_wait3A_120 = arith.constant 0 : i32
    %dma_wait3A_121 = tpu.memref_slice %arg3[%add3A, %dma_wait3A_119, %dma_wait3A_120] : memref<32x125x80xi32, #tpu.memory_space<hbm>> -> memref<1x1x80xi32, #tpu.memory_space<hbm>>
    %dma_wait3A_122 = tpu.memref_squeeze %dma_wait3A_121 : memref<1x1x80xi32, #tpu.memory_space<hbm>> -> memref<1x80xi32, #tpu.memory_space<hbm>>
    tpu.wait_dma2 semaphore(%arg30 : memref<!tpu.dma_semaphore, #tpu.memory_space<semaphore_mem>>) src(%dma_wait3A_122 : memref<1x80xi32, #tpu.memory_space<hbm>>) dst(%arg10 : memref<1x80xi32, #tpu.memory_space<vmem>>)
    %dma_wait3A_123 = arith.constant 2 : i32
    %dma_wait3A_124 = arith.constant 0 : i32
    %dma_wait3A_125 = tpu.memref_slice %arg4[%add3A, %dma_wait3A_123, %dma_wait3A_124] : memref<32x125x80xi32, #tpu.memory_space<hbm>> -> memref<1x1x80xi32, #tpu.memory_space<hbm>>
    %dma_wait3A_126 = tpu.memref_squeeze %dma_wait3A_125 : memref<1x1x80xi32, #tpu.memory_space<hbm>> -> memref<1x80xi32, #tpu.memory_space<hbm>>
    %dma_wait3A_127 = arith.constant 2 : i32
    %dma_wait3A_128 = arith.constant 0 : i32
    %dma_wait3A_129 = tpu.memref_slice %arg4[%add3A, %dma_wait3A_127, %dma_wait3A_128] : memref<32x125x80xi32, #tpu.memory_space<hbm>> -> memref<1x1x80xi32, #tpu.memory_space<hbm>>
    %dma_wait3A_130 = tpu.memref_squeeze %dma_wait3A_129 : memref<1x1x80xi32, #tpu.memory_space<hbm>> -> memref<1x80xi32, #tpu.memory_space<hbm>>
    tpu.wait_dma2 semaphore(%arg30 : memref<!tpu.dma_semaphore, #tpu.memory_space<semaphore_mem>>) src(%dma_wait3A_130 : memref<1x80xi32, #tpu.memory_space<hbm>>) dst(%arg16 : memref<1x80xi32, #tpu.memory_space<vmem>>)
    %dma_start3A_131 = arith.constant 0 : i32
    %dma_start3A_132 = arith.constant 0 : i32
    %dma_start3A_133 = tpu.memref_slice %arg10[%dma_start3A_131, %dma_start3A_132] : memref<1x80xi32, #tpu.memory_space<vmem>> -> memref<1x80xi32, #tpu.memory_space<vmem>>
    %dma_start3A_134 = tpu.memref_squeeze %dma_start3A_133 : memref<1x80xi32, #tpu.memory_space<vmem>> -> memref<80xi32, #tpu.memory_space<vmem>>
    %dma_start3A_135 = arith.constant 0 : i32
    %dma_start3A_136 = arith.constant 0 : i32
    %dma_start3A_137 = tpu.memref_slice %arg2[%dma_start3A_135, %dma_start3A_136] : memref<10000x128xf32, #tpu.memory_space<hbm>> -> memref<10000x128xf32, #tpu.memory_space<hbm>>
    tpu.enqueue_indirect_dma source(%dma_start3A_137 : memref<10000x128xf32, #tpu.memory_space<hbm>>) target(%arg20 : memref<80x128xf32, #tpu.memory_space<vmem>>) offsets(%dma_start3A_134 : memref<80xi32, #tpu.memory_space<vmem>>) semaphore(%arg24 : memref<!tpu.dma_semaphore, #tpu.memory_space<semaphore_mem>>)
    %scan3A_138 = arith.constant 0 : i32
    %scan3A_139 = arith.constant 20 : i32
    %scan3A_140 = arith.addi %scan3A_138, %scan3A_139 : i32
    %scan3A_141 = arith.constant 1 : i32
    scf.for %scan3A_302 = %scan3A_138 to %scan3A_140 step %scan3A_141  : i32 {
      %mul3A_303 = arith.constant 6 : i32
      %mul3A_304 = arith.muli %scan3A_302, %mul3A_303 : i32
      %add3A_305 = arith.constant 0 : i32
      %add3A_306 = arith.addi %add3A_305, %mul3A_304 : i32
      %add3A_307 = arith.constant 0 : i32
      %add3A_308 = arith.addi %add3A_306, %add3A_307 : i32
      %add3A_309 = arith.constant 3 : i32
      %add3A_310 = arith.addi %add3A_308, %add3A_309 : i32
      %lt3A_311 = arith.constant 125 : i32
      %lt3A_312 = arith.cmpi slt, %add3A_310, %lt3A_311 : i32
      %add3A_313 = arith.constant 3 : i32
      %add3A_314 = arith.addi %add3A_308, %add3A_313 : i32
      %convert_element_type3A_315 = arith.extui %lt3A_312 : i1 to i32
      %cond3A_316 = arith.constant 0 : i32
      %cond3A_317 = arith.cmpi ne, %convert_element_type3A_315, %cond3A_316 : i32
      scf.if %cond3A_317 {
        %dma_start3A_517 = arith.constant 0 : i32
        %dma_start3A_518 = tpu.memref_slice %arg3[%add3A, %add3A_314, %dma_start3A_517] : memref<32x125x80xi32, #tpu.memory_space<hbm>> -> memref<1x1x80xi32, #tpu.memory_space<hbm>>
        %dma_start3A_519 = tpu.memref_squeeze %dma_start3A_518 : memref<1x1x80xi32, #tpu.memory_space<hbm>> -> memref<1x80xi32, #tpu.memory_space<hbm>>
        %dma_start3A_520 = arith.constant 0 : i32
        %dma_start3A_521 = tpu.memref_slice %arg3[%add3A, %add3A_314, %dma_start3A_520] : memref<32x125x80xi32, #tpu.memory_space<hbm>> -> memref<1x1x80xi32, #tpu.memory_space<hbm>>
        %dma_start3A_522 = tpu.memref_squeeze %dma_start3A_521 : memref<1x1x80xi32, #tpu.memory_space<hbm>> -> memref<1x80xi32, #tpu.memory_space<hbm>>
        tpu.enqueue_dma source(%dma_start3A_522 : memref<1x80xi32, #tpu.memory_space<hbm>>) target(%arg7 : memref<1x80xi32, #tpu.memory_space<vmem>>) target_semaphore(%arg28 : memref<!tpu.dma_semaphore, #tpu.memory_space<semaphore_mem>>)
        %dma_start3A_523 = arith.constant 0 : i32
        %dma_start3A_524 = tpu.memref_slice %arg4[%add3A, %add3A_314, %dma_start3A_523] : memref<32x125x80xi32, #tpu.memory_space<hbm>> -> memref<1x1x80xi32, #tpu.memory_space<hbm>>
        %dma_start3A_525 = tpu.memref_squeeze %dma_start3A_524 : memref<1x1x80xi32, #tpu.memory_space<hbm>> -> memref<1x80xi32, #tpu.memory_space<hbm>>
        %dma_start3A_526 = arith.constant 0 : i32
        %dma_start3A_527 = tpu.memref_slice %arg4[%add3A, %add3A_314, %dma_start3A_526] : memref<32x125x80xi32, #tpu.memory_space<hbm>> -> memref<1x1x80xi32, #tpu.memory_space<hbm>>
        %dma_start3A_528 = tpu.memref_squeeze %dma_start3A_527 : memref<1x1x80xi32, #tpu.memory_space<hbm>> -> memref<1x80xi32, #tpu.memory_space<hbm>>
        tpu.enqueue_dma source(%dma_start3A_528 : memref<1x80xi32, #tpu.memory_space<hbm>>) target(%arg13 : memref<1x80xi32, #tpu.memory_space<vmem>>) target_semaphore(%arg28 : memref<!tpu.dma_semaphore, #tpu.memory_space<semaphore_mem>>)
      } else {
      }
      %dma_wait3A_318 = arith.constant 0 : i32
      %dma_wait3A_319 = arith.constant 0 : i32
      %dma_wait3A_320 = tpu.memref_slice %arg6[%dma_wait3A_318, %dma_wait3A_319] : memref<1x80xi32, #tpu.memory_space<vmem>> -> memref<1x80xi32, #tpu.memory_space<vmem>>
      %dma_wait3A_321 = tpu.memref_squeeze %dma_wait3A_320 : memref<1x80xi32, #tpu.memory_space<vmem>> -> memref<80xi32, #tpu.memory_space<vmem>>
      %dma_wait3A_322 = arith.constant 0 : i32
      %dma_wait3A_323 = arith.constant 0 : i32
      %dma_wait3A_324 = tpu.memref_slice %arg2[%dma_wait3A_322, %dma_wait3A_323] : memref<10000x128xf32, #tpu.memory_space<hbm>> -> memref<10000x128xf32, #tpu.memory_space<hbm>>
      tpu.wait_indirect_dma semaphore(%arg22 : memref<!tpu.dma_semaphore, #tpu.memory_space<semaphore_mem>>) src(%dma_wait3A_324 : memref<10000x128xf32, #tpu.memory_space<hbm>>) dst(%arg18 : memref<80x128xf32, #tpu.memory_space<vmem>>)
      %dma_start3A_325 = arith.constant 0 : i32
      %dma_start3A_326 = arith.constant 0 : i32
      %dma_start3A_327 = tpu.memref_slice %arg12[%dma_start3A_325, %dma_start3A_326] : memref<1x80xi32, #tpu.memory_space<vmem>> -> memref<1x80xi32, #tpu.memory_space<vmem>>
      %dma_start3A_328 = tpu.memref_squeeze %dma_start3A_327 : memref<1x80xi32, #tpu.memory_space<vmem>> -> memref<80xi32, #tpu.memory_space<vmem>>
      %dma_start3A_329 = arith.constant 0 : i32
      %dma_start3A_330 = arith.constant 0 : i32
      %dma_start3A_331 = tpu.memref_slice %arg21[%dma_start3A_329, %dma_start3A_330] : memref<10000x128xf32, #tpu.memory_space<vmem_shared>> -> memref<10000x128xf32, #tpu.memory_space<vmem_shared>>
      tpu.enqueue_indirect_dma source(%arg18 : memref<80x128xf32, #tpu.memory_space<vmem>>) target(%dma_start3A_331 : memref<10000x128xf32, #tpu.memory_space<vmem_shared>>) offsets(%dma_start3A_328 : memref<80xi32, #tpu.memory_space<vmem>>) semaphore(%arg25 : memref<!tpu.dma_semaphore, #tpu.memory_space<semaphore_mem>>) {add = true}
      %dma_wait3A_332 = arith.constant 0 : i32
      %dma_wait3A_333 = arith.constant 0 : i32
      %dma_wait3A_334 = tpu.memref_slice %arg12[%dma_wait3A_332, %dma_wait3A_333] : memref<1x80xi32, #tpu.memory_space<vmem>> -> memref<1x80xi32, #tpu.memory_space<vmem>>
      %dma_wait3A_335 = tpu.memref_squeeze %dma_wait3A_334 : memref<1x80xi32, #tpu.memory_space<vmem>> -> memref<80xi32, #tpu.memory_space<vmem>>
      %dma_wait3A_336 = arith.constant 0 : i32
      %dma_wait3A_337 = arith.constant 0 : i32
      %dma_wait3A_338 = tpu.memref_slice %arg21[%dma_wait3A_336, %dma_wait3A_337] : memref<10000x128xf32, #tpu.memory_space<vmem_shared>> -> memref<10000x128xf32, #tpu.memory_space<vmem_shared>>
      tpu.wait_indirect_dma semaphore(%arg25 : memref<!tpu.dma_semaphore, #tpu.memory_space<semaphore_mem>>) src(%arg18 : memref<80x128xf32, #tpu.memory_space<vmem>>) dst(%dma_wait3A_338 : memref<10000x128xf32, #tpu.memory_space<vmem_shared>>)
      %convert_element_type3A_339 = arith.extui %lt3A_312 : i1 to i32
      %cond3A_340 = arith.constant 0 : i32
      %cond3A_341 = arith.cmpi ne, %convert_element_type3A_339, %cond3A_340 : i32
      scf.if %cond3A_341 {
        %dma_wait3A_517 = arith.constant 0 : i32
        %dma_wait3A_518 = tpu.memref_slice %arg3[%add3A, %add3A_314, %dma_wait3A_517] : memref<32x125x80xi32, #tpu.memory_space<hbm>> -> memref<1x1x80xi32, #tpu.memory_space<hbm>>
        %dma_wait3A_519 = tpu.memref_squeeze %dma_wait3A_518 : memref<1x1x80xi32, #tpu.memory_space<hbm>> -> memref<1x80xi32, #tpu.memory_space<hbm>>
        %dma_wait3A_520 = arith.constant 0 : i32
        %dma_wait3A_521 = tpu.memref_slice %arg3[%add3A, %add3A_314, %dma_wait3A_520] : memref<32x125x80xi32, #tpu.memory_space<hbm>> -> memref<1x1x80xi32, #tpu.memory_space<hbm>>
        %dma_wait3A_522 = tpu.memref_squeeze %dma_wait3A_521 : memref<1x1x80xi32, #tpu.memory_space<hbm>> -> memref<1x80xi32, #tpu.memory_space<hbm>>
        tpu.wait_dma2 semaphore(%arg28 : memref<!tpu.dma_semaphore, #tpu.memory_space<semaphore_mem>>) src(%dma_wait3A_522 : memref<1x80xi32, #tpu.memory_space<hbm>>) dst(%arg7 : memref<1x80xi32, #tpu.memory_space<vmem>>)
        %dma_wait3A_523 = arith.constant 0 : i32
        %dma_wait3A_524 = tpu.memref_slice %arg4[%add3A, %add3A_314, %dma_wait3A_523] : memref<32x125x80xi32, #tpu.memory_space<hbm>> -> memref<1x1x80xi32, #tpu.memory_space<hbm>>
        %dma_wait3A_525 = tpu.memref_squeeze %dma_wait3A_524 : memref<1x1x80xi32, #tpu.memory_space<hbm>> -> memref<1x80xi32, #tpu.memory_space<hbm>>
        %dma_wait3A_526 = arith.constant 0 : i32
        %dma_wait3A_527 = tpu.memref_slice %arg4[%add3A, %add3A_314, %dma_wait3A_526] : memref<32x125x80xi32, #tpu.memory_space<hbm>> -> memref<1x1x80xi32, #tpu.memory_space<hbm>>
        %dma_wait3A_528 = tpu.memref_squeeze %dma_wait3A_527 : memref<1x1x80xi32, #tpu.memory_space<hbm>> -> memref<1x80xi32, #tpu.memory_space<hbm>>
        tpu.wait_dma2 semaphore(%arg28 : memref<!tpu.dma_semaphore, #tpu.memory_space<semaphore_mem>>) src(%dma_wait3A_528 : memref<1x80xi32, #tpu.memory_space<hbm>>) dst(%arg13 : memref<1x80xi32, #tpu.memory_space<vmem>>)
        %dma_start3A_529 = arith.constant 0 : i32
        %dma_start3A_530 = arith.constant 0 : i32
        %dma_start3A_531 = tpu.memref_slice %arg7[%dma_start3A_529, %dma_start3A_530] : memref<1x80xi32, #tpu.memory_space<vmem>> -> memref<1x80xi32, #tpu.memory_space<vmem>>
        %dma_start3A_532 = tpu.memref_squeeze %dma_start3A_531 : memref<1x80xi32, #tpu.memory_space<vmem>> -> memref<80xi32, #tpu.memory_space<vmem>>
        %dma_start3A_533 = arith.constant 0 : i32
        %dma_start3A_534 = arith.constant 0 : i32
        %dma_start3A_535 = tpu.memref_slice %arg2[%dma_start3A_533, %dma_start3A_534] : memref<10000x128xf32, #tpu.memory_space<hbm>> -> memref<10000x128xf32, #tpu.memory_space<hbm>>
        tpu.enqueue_indirect_dma source(%dma_start3A_535 : memref<10000x128xf32, #tpu.memory_space<hbm>>) target(%arg18 : memref<80x128xf32, #tpu.memory_space<vmem>>) offsets(%dma_start3A_532 : memref<80xi32, #tpu.memory_space<vmem>>) semaphore(%arg22 : memref<!tpu.dma_semaphore, #tpu.memory_space<semaphore_mem>>)
      } else {
      }
      %add3A_342 = arith.constant 1 : i32
      %add3A_343 = arith.addi %add3A_306, %add3A_342 : i32
      %add3A_344 = arith.constant 3 : i32
      %add3A_345 = arith.addi %add3A_343, %add3A_344 : i32
      %lt3A_346 = arith.constant 125 : i32
      %lt3A_347 = arith.cmpi slt, %add3A_345, %lt3A_346 : i32
      %add3A_348 = arith.constant 3 : i32
      %add3A_349 = arith.addi %add3A_343, %add3A_348 : i32
      %convert_element_type3A_350 = arith.extui %lt3A_347 : i1 to i32
      %cond3A_351 = arith.constant 0 : i32
      %cond3A_352 = arith.cmpi ne, %convert_element_type3A_350, %cond3A_351 : i32
      scf.if %cond3A_352 {
        %dma_start3A_517 = arith.constant 0 : i32
        %dma_start3A_518 = tpu.memref_slice %arg3[%add3A, %add3A_349, %dma_start3A_517] : memref<32x125x80xi32, #tpu.memory_space<hbm>> -> memref<1x1x80xi32, #tpu.memory_space<hbm>>
        %dma_start3A_519 = tpu.memref_squeeze %dma_start3A_518 : memref<1x1x80xi32, #tpu.memory_space<hbm>> -> memref<1x80xi32, #tpu.memory_space<hbm>>
        %dma_start3A_520 = arith.constant 0 : i32
        %dma_start3A_521 = tpu.memref_slice %arg3[%add3A, %add3A_349, %dma_start3A_520] : memref<32x125x80xi32, #tpu.memory_space<hbm>> -> memref<1x1x80xi32, #tpu.memory_space<hbm>>
        %dma_start3A_522 = tpu.memref_squeeze %dma_start3A_521 : memref<1x1x80xi32, #tpu.memory_space<hbm>> -> memref<1x80xi32, #tpu.memory_space<hbm>>
        tpu.enqueue_dma source(%dma_start3A_522 : memref<1x80xi32, #tpu.memory_space<hbm>>) target(%arg9 : memref<1x80xi32, #tpu.memory_space<vmem>>) target_semaphore(%arg29 : memref<!tpu.dma_semaphore, #tpu.memory_space<semaphore_mem>>)
        %dma_start3A_523 = arith.constant 0 : i32
        %dma_start3A_524 = tpu.memref_slice %arg4[%add3A, %add3A_349, %dma_start3A_523] : memref<32x125x80xi32, #tpu.memory_space<hbm>> -> memref<1x1x80xi32, #tpu.memory_space<hbm>>
        %dma_start3A_525 = tpu.memref_squeeze %dma_start3A_524 : memref<1x1x80xi32, #tpu.memory_space<hbm>> -> memref<1x80xi32, #tpu.memory_space<hbm>>
        %dma_start3A_526 = arith.constant 0 : i32
        %dma_start3A_527 = tpu.memref_slice %arg4[%add3A, %add3A_349, %dma_start3A_526] : memref<32x125x80xi32, #tpu.memory_space<hbm>> -> memref<1x1x80xi32, #tpu.memory_space<hbm>>
        %dma_start3A_528 = tpu.memref_squeeze %dma_start3A_527 : memref<1x1x80xi32, #tpu.memory_space<hbm>> -> memref<1x80xi32, #tpu.memory_space<hbm>>
        tpu.enqueue_dma source(%dma_start3A_528 : memref<1x80xi32, #tpu.memory_space<hbm>>) target(%arg15 : memref<1x80xi32, #tpu.memory_space<vmem>>) target_semaphore(%arg29 : memref<!tpu.dma_semaphore, #tpu.memory_space<semaphore_mem>>)
      } else {
      }
      %dma_wait3A_353 = arith.constant 0 : i32
      %dma_wait3A_354 = arith.constant 0 : i32
      %dma_wait3A_355 = tpu.memref_slice %arg8[%dma_wait3A_353, %dma_wait3A_354] : memref<1x80xi32, #tpu.memory_space<vmem>> -> memref<1x80xi32, #tpu.memory_space<vmem>>
      %dma_wait3A_356 = tpu.memref_squeeze %dma_wait3A_355 : memref<1x80xi32, #tpu.memory_space<vmem>> -> memref<80xi32, #tpu.memory_space<vmem>>
      %dma_wait3A_357 = arith.constant 0 : i32
      %dma_wait3A_358 = arith.constant 0 : i32
      %dma_wait3A_359 = tpu.memref_slice %arg2[%dma_wait3A_357, %dma_wait3A_358] : memref<10000x128xf32, #tpu.memory_space<hbm>> -> memref<10000x128xf32, #tpu.memory_space<hbm>>
      tpu.wait_indirect_dma semaphore(%arg23 : memref<!tpu.dma_semaphore, #tpu.memory_space<semaphore_mem>>) src(%dma_wait3A_359 : memref<10000x128xf32, #tpu.memory_space<hbm>>) dst(%arg19 : memref<80x128xf32, #tpu.memory_space<vmem>>)
      %dma_start3A_360 = arith.constant 0 : i32
      %dma_start3A_361 = arith.constant 0 : i32
      %dma_start3A_362 = tpu.memref_slice %arg14[%dma_start3A_360, %dma_start3A_361] : memref<1x80xi32, #tpu.memory_space<vmem>> -> memref<1x80xi32, #tpu.memory_space<vmem>>
      %dma_start3A_363 = tpu.memref_squeeze %dma_start3A_362 : memref<1x80xi32, #tpu.memory_space<vmem>> -> memref<80xi32, #tpu.memory_space<vmem>>
      %dma_start3A_364 = arith.constant 0 : i32
      %dma_start3A_365 = arith.constant 0 : i32
      %dma_start3A_366 = tpu.memref_slice %arg21[%dma_start3A_364, %dma_start3A_365] : memref<10000x128xf32, #tpu.memory_space<vmem_shared>> -> memref<10000x128xf32, #tpu.memory_space<vmem_shared>>
      tpu.enqueue_indirect_dma source(%arg19 : memref<80x128xf32, #tpu.memory_space<vmem>>) target(%dma_start3A_366 : memref<10000x128xf32, #tpu.memory_space<vmem_shared>>) offsets(%dma_start3A_363 : memref<80xi32, #tpu.memory_space<vmem>>) semaphore(%arg26 : memref<!tpu.dma_semaphore, #tpu.memory_space<semaphore_mem>>) {add = true}
      %dma_wait3A_367 = arith.constant 0 : i32
      %dma_wait3A_368 = arith.constant 0 : i32
      %dma_wait3A_369 = tpu.memref_slice %arg14[%dma_wait3A_367, %dma_wait3A_368] : memref<1x80xi32, #tpu.memory_space<vmem>> -> memref<1x80xi32, #tpu.memory_space<vmem>>
      %dma_wait3A_370 = tpu.memref_squeeze %dma_wait3A_369 : memref<1x80xi32, #tpu.memory_space<vmem>> -> memref<80xi32, #tpu.memory_space<vmem>>
      %dma_wait3A_371 = arith.constant 0 : i32
      %dma_wait3A_372 = arith.constant 0 : i32
      %dma_wait3A_373 = tpu.memref_slice %arg21[%dma_wait3A_371, %dma_wait3A_372] : memref<10000x128xf32, #tpu.memory_space<vmem_shared>> -> memref<10000x128xf32, #tpu.memory_space<vmem_shared>>
      tpu.wait_indirect_dma semaphore(%arg26 : memref<!tpu.dma_semaphore, #tpu.memory_space<semaphore_mem>>) src(%arg19 : memref<80x128xf32, #tpu.memory_space<vmem>>) dst(%dma_wait3A_373 : memref<10000x128xf32, #tpu.memory_space<vmem_shared>>)
      %convert_element_type3A_374 = arith.extui %lt3A_347 : i1 to i32
      %cond3A_375 = arith.constant 0 : i32
      %cond3A_376 = arith.cmpi ne, %convert_element_type3A_374, %cond3A_375 : i32
      scf.if %cond3A_376 {
        %dma_wait3A_517 = arith.constant 0 : i32
        %dma_wait3A_518 = tpu.memref_slice %arg3[%add3A, %add3A_349, %dma_wait3A_517] : memref<32x125x80xi32, #tpu.memory_space<hbm>> -> memref<1x1x80xi32, #tpu.memory_space<hbm>>
        %dma_wait3A_519 = tpu.memref_squeeze %dma_wait3A_518 : memref<1x1x80xi32, #tpu.memory_space<hbm>> -> memref<1x80xi32, #tpu.memory_space<hbm>>
        %dma_wait3A_520 = arith.constant 0 : i32
        %dma_wait3A_521 = tpu.memref_slice %arg3[%add3A, %add3A_349, %dma_wait3A_520] : memref<32x125x80xi32, #tpu.memory_space<hbm>> -> memref<1x1x80xi32, #tpu.memory_space<hbm>>
        %dma_wait3A_522 = tpu.memref_squeeze %dma_wait3A_521 : memref<1x1x80xi32, #tpu.memory_space<hbm>> -> memref<1x80xi32, #tpu.memory_space<hbm>>
        tpu.wait_dma2 semaphore(%arg29 : memref<!tpu.dma_semaphore, #tpu.memory_space<semaphore_mem>>) src(%dma_wait3A_522 : memref<1x80xi32, #tpu.memory_space<hbm>>) dst(%arg9 : memref<1x80xi32, #tpu.memory_space<vmem>>)
        %dma_wait3A_523 = arith.constant 0 : i32
        %dma_wait3A_524 = tpu.memref_slice %arg4[%add3A, %add3A_349, %dma_wait3A_523] : memref<32x125x80xi32, #tpu.memory_space<hbm>> -> memref<1x1x80xi32, #tpu.memory_space<hbm>>
        %dma_wait3A_525 = tpu.memref_squeeze %dma_wait3A_524 : memref<1x1x80xi32, #tpu.memory_space<hbm>> -> memref<1x80xi32, #tpu.memory_space<hbm>>
        %dma_wait3A_526 = arith.constant 0 : i32
        %dma_wait3A_527 = tpu.memref_slice %arg4[%add3A, %add3A_349, %dma_wait3A_526] : memref<32x125x80xi32, #tpu.memory_space<hbm>> -> memref<1x1x80xi32, #tpu.memory_space<hbm>>
        %dma_wait3A_528 = tpu.memref_squeeze %dma_wait3A_527 : memref<1x1x80xi32, #tpu.memory_space<hbm>> -> memref<1x80xi32, #tpu.memory_space<hbm>>
        tpu.wait_dma2 semaphore(%arg29 : memref<!tpu.dma_semaphore, #tpu.memory_space<semaphore_mem>>) src(%dma_wait3A_528 : memref<1x80xi32, #tpu.memory_space<hbm>>) dst(%arg15 : memref<1x80xi32, #tpu.memory_space<vmem>>)
        %dma_start3A_529 = arith.constant 0 : i32
        %dma_start3A_530 = arith.constant 0 : i32
        %dma_start3A_531 = tpu.memref_slice %arg9[%dma_start3A_529, %dma_start3A_530] : memref<1x80xi32, #tpu.memory_space<vmem>> -> memref<1x80xi32, #tpu.memory_space<vmem>>
        %dma_start3A_532 = tpu.memref_squeeze %dma_start3A_531 : memref<1x80xi32, #tpu.memory_space<vmem>> -> memref<80xi32, #tpu.memory_space<vmem>>
        %dma_start3A_533 = arith.constant 0 : i32
        %dma_start3A_534 = arith.constant 0 : i32
        %dma_start3A_535 = tpu.memref_slice %arg2[%dma_start3A_533, %dma_start3A_534] : memref<10000x128xf32, #tpu.memory_space<hbm>> -> memref<10000x128xf32, #tpu.memory_space<hbm>>
        tpu.enqueue_indirect_dma source(%dma_start3A_535 : memref<10000x128xf32, #tpu.memory_space<hbm>>) target(%arg19 : memref<80x128xf32, #tpu.memory_space<vmem>>) offsets(%dma_start3A_532 : memref<80xi32, #tpu.memory_space<vmem>>) semaphore(%arg23 : memref<!tpu.dma_semaphore, #tpu.memory_space<semaphore_mem>>)
      } else {
      }
      %add3A_377 = arith.constant 2 : i32
      %add3A_378 = arith.addi %add3A_306, %add3A_377 : i32
      %add3A_379 = arith.constant 3 : i32
      %add3A_380 = arith.addi %add3A_378, %add3A_379 : i32
      %lt3A_381 = arith.constant 125 : i32
      %lt3A_382 = arith.cmpi slt, %add3A_380, %lt3A_381 : i32
      %add3A_383 = arith.constant 3 : i32
      %add3A_384 = arith.addi %add3A_378, %add3A_383 : i32
      %convert_element_type3A_385 = arith.extui %lt3A_382 : i1 to i32
      %cond3A_386 = arith.constant 0 : i32
      %cond3A_387 = arith.cmpi ne, %convert_element_type3A_385, %cond3A_386 : i32
      scf.if %cond3A_387 {
        %dma_start3A_517 = arith.constant 0 : i32
        %dma_start3A_518 = tpu.memref_slice %arg3[%add3A, %add3A_384, %dma_start3A_517] : memref<32x125x80xi32, #tpu.memory_space<hbm>> -> memref<1x1x80xi32, #tpu.memory_space<hbm>>
        %dma_start3A_519 = tpu.memref_squeeze %dma_start3A_518 : memref<1x1x80xi32, #tpu.memory_space<hbm>> -> memref<1x80xi32, #tpu.memory_space<hbm>>
        %dma_start3A_520 = arith.constant 0 : i32
        %dma_start3A_521 = tpu.memref_slice %arg3[%add3A, %add3A_384, %dma_start3A_520] : memref<32x125x80xi32, #tpu.memory_space<hbm>> -> memref<1x1x80xi32, #tpu.memory_space<hbm>>
        %dma_start3A_522 = tpu.memref_squeeze %dma_start3A_521 : memref<1x1x80xi32, #tpu.memory_space<hbm>> -> memref<1x80xi32, #tpu.memory_space<hbm>>
        tpu.enqueue_dma source(%dma_start3A_522 : memref<1x80xi32, #tpu.memory_space<hbm>>) target(%arg11 : memref<1x80xi32, #tpu.memory_space<vmem>>) target_semaphore(%arg30 : memref<!tpu.dma_semaphore, #tpu.memory_space<semaphore_mem>>)
        %dma_start3A_523 = arith.constant 0 : i32
        %dma_start3A_524 = tpu.memref_slice %arg4[%add3A, %add3A_384, %dma_start3A_523] : memref<32x125x80xi32, #tpu.memory_space<hbm>> -> memref<1x1x80xi32, #tpu.memory_space<hbm>>
        %dma_start3A_525 = tpu.memref_squeeze %dma_start3A_524 : memref<1x1x80xi32, #tpu.memory_space<hbm>> -> memref<1x80xi32, #tpu.memory_space<hbm>>
        %dma_start3A_526 = arith.constant 0 : i32
        %dma_start3A_527 = tpu.memref_slice %arg4[%add3A, %add3A_384, %dma_start3A_526] : memref<32x125x80xi32, #tpu.memory_space<hbm>> -> memref<1x1x80xi32, #tpu.memory_space<hbm>>
        %dma_start3A_528 = tpu.memref_squeeze %dma_start3A_527 : memref<1x1x80xi32, #tpu.memory_space<hbm>> -> memref<1x80xi32, #tpu.memory_space<hbm>>
        tpu.enqueue_dma source(%dma_start3A_528 : memref<1x80xi32, #tpu.memory_space<hbm>>) target(%arg17 : memref<1x80xi32, #tpu.memory_space<vmem>>) target_semaphore(%arg30 : memref<!tpu.dma_semaphore, #tpu.memory_space<semaphore_mem>>)
      } else {
      }
      %dma_wait3A_388 = arith.constant 0 : i32
      %dma_wait3A_389 = arith.constant 0 : i32
      %dma_wait3A_390 = tpu.memref_slice %arg10[%dma_wait3A_388, %dma_wait3A_389] : memref<1x80xi32, #tpu.memory_space<vmem>> -> memref<1x80xi32, #tpu.memory_space<vmem>>
      %dma_wait3A_391 = tpu.memref_squeeze %dma_wait3A_390 : memref<1x80xi32, #tpu.memory_space<vmem>> -> memref<80xi32, #tpu.memory_space<vmem>>
      %dma_wait3A_392 = arith.constant 0 : i32
      %dma_wait3A_393 = arith.constant 0 : i32
      %dma_wait3A_394 = tpu.memref_slice %arg2[%dma_wait3A_392, %dma_wait3A_393] : memref<10000x128xf32, #tpu.memory_space<hbm>> -> memref<10000x128xf32, #tpu.memory_space<hbm>>
      tpu.wait_indirect_dma semaphore(%arg24 : memref<!tpu.dma_semaphore, #tpu.memory_space<semaphore_mem>>) src(%dma_wait3A_394 : memref<10000x128xf32, #tpu.memory_space<hbm>>) dst(%arg20 : memref<80x128xf32, #tpu.memory_space<vmem>>)
      %dma_start3A_395 = arith.constant 0 : i32
      %dma_start3A_396 = arith.constant 0 : i32
      %dma_start3A_397 = tpu.memref_slice %arg16[%dma_start3A_395, %dma_start3A_396] : memref<1x80xi32, #tpu.memory_space<vmem>> -> memref<1x80xi32, #tpu.memory_space<vmem>>
      %dma_start3A_398 = tpu.memref_squeeze %dma_start3A_397 : memref<1x80xi32, #tpu.memory_space<vmem>> -> memref<80xi32, #tpu.memory_space<vmem>>
      %dma_start3A_399 = arith.constant 0 : i32
      %dma_start3A_400 = arith.constant 0 : i32
      %dma_start3A_401 = tpu.memref_slice %arg21[%dma_start3A_399, %dma_start3A_400] : memref<10000x128xf32, #tpu.memory_space<vmem_shared>> -> memref<10000x128xf32, #tpu.memory_space<vmem_shared>>
      tpu.enqueue_indirect_dma source(%arg20 : memref<80x128xf32, #tpu.memory_space<vmem>>) target(%dma_start3A_401 : memref<10000x128xf32, #tpu.memory_space<vmem_shared>>) offsets(%dma_start3A_398 : memref<80xi32, #tpu.memory_space<vmem>>) semaphore(%arg27 : memref<!tpu.dma_semaphore, #tpu.memory_space<semaphore_mem>>) {add = true}
      %dma_wait3A_402 = arith.constant 0 : i32
      %dma_wait3A_403 = arith.constant 0 : i32
      %dma_wait3A_404 = tpu.memref_slice %arg16[%dma_wait3A_402, %dma_wait3A_403] : memref<1x80xi32, #tpu.memory_space<vmem>> -> memref<1x80xi32, #tpu.memory_space<vmem>>
      %dma_wait3A_405 = tpu.memref_squeeze %dma_wait3A_404 : memref<1x80xi32, #tpu.memory_space<vmem>> -> memref<80xi32, #tpu.memory_space<vmem>>
      %dma_wait3A_406 = arith.constant 0 : i32
      %dma_wait3A_407 = arith.constant 0 : i32
      %dma_wait3A_408 = tpu.memref_slice %arg21[%dma_wait3A_406, %dma_wait3A_407] : memref<10000x128xf32, #tpu.memory_space<vmem_shared>> -> memref<10000x128xf32, #tpu.memory_space<vmem_shared>>
      tpu.wait_indirect_dma semaphore(%arg27 : memref<!tpu.dma_semaphore, #tpu.memory_space<semaphore_mem>>) src(%arg20 : memref<80x128xf32, #tpu.memory_space<vmem>>) dst(%dma_wait3A_408 : memref<10000x128xf32, #tpu.memory_space<vmem_shared>>)
      %convert_element_type3A_409 = arith.extui %lt3A_382 : i1 to i32
      %cond3A_410 = arith.constant 0 : i32
      %cond3A_411 = arith.cmpi ne, %convert_element_type3A_409, %cond3A_410 : i32
      scf.if %cond3A_411 {
        %dma_wait3A_517 = arith.constant 0 : i32
        %dma_wait3A_518 = tpu.memref_slice %arg3[%add3A, %add3A_384, %dma_wait3A_517] : memref<32x125x80xi32, #tpu.memory_space<hbm>> -> memref<1x1x80xi32, #tpu.memory_space<hbm>>
        %dma_wait3A_519 = tpu.memref_squeeze %dma_wait3A_518 : memref<1x1x80xi32, #tpu.memory_space<hbm>> -> memref<1x80xi32, #tpu.memory_space<hbm>>
        %dma_wait3A_520 = arith.constant 0 : i32
        %dma_wait3A_521 = tpu.memref_slice %arg3[%add3A, %add3A_384, %dma_wait3A_520] : memref<32x125x80xi32, #tpu.memory_space<hbm>> -> memref<1x1x80xi32, #tpu.memory_space<hbm>>
        %dma_wait3A_522 = tpu.memref_squeeze %dma_wait3A_521 : memref<1x1x80xi32, #tpu.memory_space<hbm>> -> memref<1x80xi32, #tpu.memory_space<hbm>>
        tpu.wait_dma2 semaphore(%arg30 : memref<!tpu.dma_semaphore, #tpu.memory_space<semaphore_mem>>) src(%dma_wait3A_522 : memref<1x80xi32, #tpu.memory_space<hbm>>) dst(%arg11 : memref<1x80xi32, #tpu.memory_space<vmem>>)
        %dma_wait3A_523 = arith.constant 0 : i32
        %dma_wait3A_524 = tpu.memref_slice %arg4[%add3A, %add3A_384, %dma_wait3A_523] : memref<32x125x80xi32, #tpu.memory_space<hbm>> -> memref<1x1x80xi32, #tpu.memory_space<hbm>>
        %dma_wait3A_525 = tpu.memref_squeeze %dma_wait3A_524 : memref<1x1x80xi32, #tpu.memory_space<hbm>> -> memref<1x80xi32, #tpu.memory_space<hbm>>
        %dma_wait3A_526 = arith.constant 0 : i32
        %dma_wait3A_527 = tpu.memref_slice %arg4[%add3A, %add3A_384, %dma_wait3A_526] : memref<32x125x80xi32, #tpu.memory_space<hbm>> -> memref<1x1x80xi32, #tpu.memory_space<hbm>>
        %dma_wait3A_528 = tpu.memref_squeeze %dma_wait3A_527 : memref<1x1x80xi32, #tpu.memory_space<hbm>> -> memref<1x80xi32, #tpu.memory_space<hbm>>
        tpu.wait_dma2 semaphore(%arg30 : memref<!tpu.dma_semaphore, #tpu.memory_space<semaphore_mem>>) src(%dma_wait3A_528 : memref<1x80xi32, #tpu.memory_space<hbm>>) dst(%arg17 : memref<1x80xi32, #tpu.memory_space<vmem>>)
        %dma_start3A_529 = arith.constant 0 : i32
        %dma_start3A_530 = arith.constant 0 : i32
        %dma_start3A_531 = tpu.memref_slice %arg11[%dma_start3A_529, %dma_start3A_530] : memref<1x80xi32, #tpu.memory_space<vmem>> -> memref<1x80xi32, #tpu.memory_space<vmem>>
        %dma_start3A_532 = tpu.memref_squeeze %dma_start3A_531 : memref<1x80xi32, #tpu.memory_space<vmem>> -> memref<80xi32, #tpu.memory_space<vmem>>
        %dma_start3A_533 = arith.constant 0 : i32
        %dma_start3A_534 = arith.constant 0 : i32
        %dma_start3A_535 = tpu.memref_slice %arg2[%dma_start3A_533, %dma_start3A_534] : memref<10000x128xf32, #tpu.memory_space<hbm>> -> memref<10000x128xf32, #tpu.memory_space<hbm>>
        tpu.enqueue_indirect_dma source(%dma_start3A_535 : memref<10000x128xf32, #tpu.memory_space<hbm>>) target(%arg20 : memref<80x128xf32, #tpu.memory_space<vmem>>) offsets(%dma_start3A_532 : memref<80xi32, #tpu.memory_space<vmem>>) semaphore(%arg24 : memref<!tpu.dma_semaphore, #tpu.memory_space<semaphore_mem>>)
      } else {
      }
      %add3A_412 = arith.constant 3 : i32
      %add3A_413 = arith.addi %add3A_306, %add3A_412 : i32
      %add3A_414 = arith.constant 3 : i32
      %add3A_415 = arith.addi %add3A_413, %add3A_414 : i32
      %lt3A_416 = arith.constant 125 : i32
      %lt3A_417 = arith.cmpi slt, %add3A_415, %lt3A_416 : i32
      %add3A_418 = arith.constant 3 : i32
      %add3A_419 = arith.addi %add3A_413, %add3A_418 : i32
      %convert_element_type3A_420 = arith.extui %lt3A_417 : i1 to i32
      %cond3A_421 = arith.constant 0 : i32
      %cond3A_422 = arith.cmpi ne, %convert_element_type3A_420, %cond3A_421 : i32
      scf.if %cond3A_422 {
        %dma_start3A_517 = arith.constant 0 : i32
        %dma_start3A_518 = tpu.memref_slice %arg3[%add3A, %add3A_419, %dma_start3A_517] : memref<32x125x80xi32, #tpu.memory_space<hbm>> -> memref<1x1x80xi32, #tpu.memory_space<hbm>>
        %dma_start3A_519 = tpu.memref_squeeze %dma_start3A_518 : memref<1x1x80xi32, #tpu.memory_space<hbm>> -> memref<1x80xi32, #tpu.memory_space<hbm>>
        %dma_start3A_520 = arith.constant 0 : i32
        %dma_start3A_521 = tpu.memref_slice %arg3[%add3A, %add3A_419, %dma_start3A_520] : memref<32x125x80xi32, #tpu.memory_space<hbm>> -> memref<1x1x80xi32, #tpu.memory_space<hbm>>
        %dma_start3A_522 = tpu.memref_squeeze %dma_start3A_521 : memref<1x1x80xi32, #tpu.memory_space<hbm>> -> memref<1x80xi32, #tpu.memory_space<hbm>>
        tpu.enqueue_dma source(%dma_start3A_522 : memref<1x80xi32, #tpu.memory_space<hbm>>) target(%arg6 : memref<1x80xi32, #tpu.memory_space<vmem>>) target_semaphore(%arg28 : memref<!tpu.dma_semaphore, #tpu.memory_space<semaphore_mem>>)
        %dma_start3A_523 = arith.constant 0 : i32
        %dma_start3A_524 = tpu.memref_slice %arg4[%add3A, %add3A_419, %dma_start3A_523] : memref<32x125x80xi32, #tpu.memory_space<hbm>> -> memref<1x1x80xi32, #tpu.memory_space<hbm>>
        %dma_start3A_525 = tpu.memref_squeeze %dma_start3A_524 : memref<1x1x80xi32, #tpu.memory_space<hbm>> -> memref<1x80xi32, #tpu.memory_space<hbm>>
        %dma_start3A_526 = arith.constant 0 : i32
        %dma_start3A_527 = tpu.memref_slice %arg4[%add3A, %add3A_419, %dma_start3A_526] : memref<32x125x80xi32, #tpu.memory_space<hbm>> -> memref<1x1x80xi32, #tpu.memory_space<hbm>>
        %dma_start3A_528 = tpu.memref_squeeze %dma_start3A_527 : memref<1x1x80xi32, #tpu.memory_space<hbm>> -> memref<1x80xi32, #tpu.memory_space<hbm>>
        tpu.enqueue_dma source(%dma_start3A_528 : memref<1x80xi32, #tpu.memory_space<hbm>>) target(%arg12 : memref<1x80xi32, #tpu.memory_space<vmem>>) target_semaphore(%arg28 : memref<!tpu.dma_semaphore, #tpu.memory_space<semaphore_mem>>)
      } else {
      }
      %dma_wait3A_423 = arith.constant 0 : i32
      %dma_wait3A_424 = arith.constant 0 : i32
      %dma_wait3A_425 = tpu.memref_slice %arg7[%dma_wait3A_423, %dma_wait3A_424] : memref<1x80xi32, #tpu.memory_space<vmem>> -> memref<1x80xi32, #tpu.memory_space<vmem>>
      %dma_wait3A_426 = tpu.memref_squeeze %dma_wait3A_425 : memref<1x80xi32, #tpu.memory_space<vmem>> -> memref<80xi32, #tpu.memory_space<vmem>>
      %dma_wait3A_427 = arith.constant 0 : i32
      %dma_wait3A_428 = arith.constant 0 : i32
      %dma_wait3A_429 = tpu.memref_slice %arg2[%dma_wait3A_427, %dma_wait3A_428] : memref<10000x128xf32, #tpu.memory_space<hbm>> -> memref<10000x128xf32, #tpu.memory_space<hbm>>
      tpu.wait_indirect_dma semaphore(%arg22 : memref<!tpu.dma_semaphore, #tpu.memory_space<semaphore_mem>>) src(%dma_wait3A_429 : memref<10000x128xf32, #tpu.memory_space<hbm>>) dst(%arg18 : memref<80x128xf32, #tpu.memory_space<vmem>>)
      %dma_start3A_430 = arith.constant 0 : i32
      %dma_start3A_431 = arith.constant 0 : i32
      %dma_start3A_432 = tpu.memref_slice %arg13[%dma_start3A_430, %dma_start3A_431] : memref<1x80xi32, #tpu.memory_space<vmem>> -> memref<1x80xi32, #tpu.memory_space<vmem>>
      %dma_start3A_433 = tpu.memref_squeeze %dma_start3A_432 : memref<1x80xi32, #tpu.memory_space<vmem>> -> memref<80xi32, #tpu.memory_space<vmem>>
      %dma_start3A_434 = arith.constant 0 : i32
      %dma_start3A_435 = arith.constant 0 : i32
      %dma_start3A_436 = tpu.memref_slice %arg21[%dma_start3A_434, %dma_start3A_435] : memref<10000x128xf32, #tpu.memory_space<vmem_shared>> -> memref<10000x128xf32, #tpu.memory_space<vmem_shared>>
      tpu.enqueue_indirect_dma source(%arg18 : memref<80x128xf32, #tpu.memory_space<vmem>>) target(%dma_start3A_436 : memref<10000x128xf32, #tpu.memory_space<vmem_shared>>) offsets(%dma_start3A_433 : memref<80xi32, #tpu.memory_space<vmem>>) semaphore(%arg25 : memref<!tpu.dma_semaphore, #tpu.memory_space<semaphore_mem>>) {add = true}
      %dma_wait3A_437 = arith.constant 0 : i32
      %dma_wait3A_438 = arith.constant 0 : i32
      %dma_wait3A_439 = tpu.memref_slice %arg13[%dma_wait3A_437, %dma_wait3A_438] : memref<1x80xi32, #tpu.memory_space<vmem>> -> memref<1x80xi32, #tpu.memory_space<vmem>>
      %dma_wait3A_440 = tpu.memref_squeeze %dma_wait3A_439 : memref<1x80xi32, #tpu.memory_space<vmem>> -> memref<80xi32, #tpu.memory_space<vmem>>
      %dma_wait3A_441 = arith.constant 0 : i32
      %dma_wait3A_442 = arith.constant 0 : i32
      %dma_wait3A_443 = tpu.memref_slice %arg21[%dma_wait3A_441, %dma_wait3A_442] : memref<10000x128xf32, #tpu.memory_space<vmem_shared>> -> memref<10000x128xf32, #tpu.memory_space<vmem_shared>>
      tpu.wait_indirect_dma semaphore(%arg25 : memref<!tpu.dma_semaphore, #tpu.memory_space<semaphore_mem>>) src(%arg18 : memref<80x128xf32, #tpu.memory_space<vmem>>) dst(%dma_wait3A_443 : memref<10000x128xf32, #tpu.memory_space<vmem_shared>>)
      %convert_element_type3A_444 = arith.extui %lt3A_417 : i1 to i32
      %cond3A_445 = arith.constant 0 : i32
      %cond3A_446 = arith.cmpi ne, %convert_element_type3A_444, %cond3A_445 : i32
      scf.if %cond3A_446 {
        %dma_wait3A_517 = arith.constant 0 : i32
        %dma_wait3A_518 = tpu.memref_slice %arg3[%add3A, %add3A_419, %dma_wait3A_517] : memref<32x125x80xi32, #tpu.memory_space<hbm>> -> memref<1x1x80xi32, #tpu.memory_space<hbm>>
        %dma_wait3A_519 = tpu.memref_squeeze %dma_wait3A_518 : memref<1x1x80xi32, #tpu.memory_space<hbm>> -> memref<1x80xi32, #tpu.memory_space<hbm>>
        %dma_wait3A_520 = arith.constant 0 : i32
        %dma_wait3A_521 = tpu.memref_slice %arg3[%add3A, %add3A_419, %dma_wait3A_520] : memref<32x125x80xi32, #tpu.memory_space<hbm>> -> memref<1x1x80xi32, #tpu.memory_space<hbm>>
        %dma_wait3A_522 = tpu.memref_squeeze %dma_wait3A_521 : memref<1x1x80xi32, #tpu.memory_space<hbm>> -> memref<1x80xi32, #tpu.memory_space<hbm>>
        tpu.wait_dma2 semaphore(%arg28 : memref<!tpu.dma_semaphore, #tpu.memory_space<semaphore_mem>>) src(%dma_wait3A_522 : memref<1x80xi32, #tpu.memory_space<hbm>>) dst(%arg6 : memref<1x80xi32, #tpu.memory_space<vmem>>)
        %dma_wait3A_523 = arith.constant 0 : i32
        %dma_wait3A_524 = tpu.memref_slice %arg4[%add3A, %add3A_419, %dma_wait3A_523] : memref<32x125x80xi32, #tpu.memory_space<hbm>> -> memref<1x1x80xi32, #tpu.memory_space<hbm>>
        %dma_wait3A_525 = tpu.memref_squeeze %dma_wait3A_524 : memref<1x1x80xi32, #tpu.memory_space<hbm>> -> memref<1x80xi32, #tpu.memory_space<hbm>>
        %dma_wait3A_526 = arith.constant 0 : i32
        %dma_wait3A_527 = tpu.memref_slice %arg4[%add3A, %add3A_419, %dma_wait3A_526] : memref<32x125x80xi32, #tpu.memory_space<hbm>> -> memref<1x1x80xi32, #tpu.memory_space<hbm>>
        %dma_wait3A_528 = tpu.memref_squeeze %dma_wait3A_527 : memref<1x1x80xi32, #tpu.memory_space<hbm>> -> memref<1x80xi32, #tpu.memory_space<hbm>>
        tpu.wait_dma2 semaphore(%arg28 : memref<!tpu.dma_semaphore, #tpu.memory_space<semaphore_mem>>) src(%dma_wait3A_528 : memref<1x80xi32, #tpu.memory_space<hbm>>) dst(%arg12 : memref<1x80xi32, #tpu.memory_space<vmem>>)
        %dma_start3A_529 = arith.constant 0 : i32
        %dma_start3A_530 = arith.constant 0 : i32
        %dma_start3A_531 = tpu.memref_slice %arg6[%dma_start3A_529, %dma_start3A_530] : memref<1x80xi32, #tpu.memory_space<vmem>> -> memref<1x80xi32, #tpu.memory_space<vmem>>
        %dma_start3A_532 = tpu.memref_squeeze %dma_start3A_531 : memref<1x80xi32, #tpu.memory_space<vmem>> -> memref<80xi32, #tpu.memory_space<vmem>>
        %dma_start3A_533 = arith.constant 0 : i32
        %dma_start3A_534 = arith.constant 0 : i32
        %dma_start3A_535 = tpu.memref_slice %arg2[%dma_start3A_533, %dma_start3A_534] : memref<10000x128xf32, #tpu.memory_space<hbm>> -> memref<10000x128xf32, #tpu.memory_space<hbm>>
        tpu.enqueue_indirect_dma source(%dma_start3A_535 : memref<10000x128xf32, #tpu.memory_space<hbm>>) target(%arg18 : memref<80x128xf32, #tpu.memory_space<vmem>>) offsets(%dma_start3A_532 : memref<80xi32, #tpu.memory_space<vmem>>) semaphore(%arg22 : memref<!tpu.dma_semaphore, #tpu.memory_space<semaphore_mem>>)
      } else {
      }
      %add3A_447 = arith.constant 4 : i32
      %add3A_448 = arith.addi %add3A_306, %add3A_447 : i32
      %add3A_449 = arith.constant 3 : i32
      %add3A_450 = arith.addi %add3A_448, %add3A_449 : i32
      %lt3A_451 = arith.constant 125 : i32
      %lt3A_452 = arith.cmpi slt, %add3A_450, %lt3A_451 : i32
      %add3A_453 = arith.constant 3 : i32
      %add3A_454 = arith.addi %add3A_448, %add3A_453 : i32
      %convert_element_type3A_455 = arith.extui %lt3A_452 : i1 to i32
      %cond3A_456 = arith.constant 0 : i32
      %cond3A_457 = arith.cmpi ne, %convert_element_type3A_455, %cond3A_456 : i32
      scf.if %cond3A_457 {
        %dma_start3A_517 = arith.constant 0 : i32
        %dma_start3A_518 = tpu.memref_slice %arg3[%add3A, %add3A_454, %dma_start3A_517] : memref<32x125x80xi32, #tpu.memory_space<hbm>> -> memref<1x1x80xi32, #tpu.memory_space<hbm>>
        %dma_start3A_519 = tpu.memref_squeeze %dma_start3A_518 : memref<1x1x80xi32, #tpu.memory_space<hbm>> -> memref<1x80xi32, #tpu.memory_space<hbm>>
        %dma_start3A_520 = arith.constant 0 : i32
        %dma_start3A_521 = tpu.memref_slice %arg3[%add3A, %add3A_454, %dma_start3A_520] : memref<32x125x80xi32, #tpu.memory_space<hbm>> -> memref<1x1x80xi32, #tpu.memory_space<hbm>>
        %dma_start3A_522 = tpu.memref_squeeze %dma_start3A_521 : memref<1x1x80xi32, #tpu.memory_space<hbm>> -> memref<1x80xi32, #tpu.memory_space<hbm>>
        tpu.enqueue_dma source(%dma_start3A_522 : memref<1x80xi32, #tpu.memory_space<hbm>>) target(%arg8 : memref<1x80xi32, #tpu.memory_space<vmem>>) target_semaphore(%arg29 : memref<!tpu.dma_semaphore, #tpu.memory_space<semaphore_mem>>)
        %dma_start3A_523 = arith.constant 0 : i32
        %dma_start3A_524 = tpu.memref_slice %arg4[%add3A, %add3A_454, %dma_start3A_523] : memref<32x125x80xi32, #tpu.memory_space<hbm>> -> memref<1x1x80xi32, #tpu.memory_space<hbm>>
        %dma_start3A_525 = tpu.memref_squeeze %dma_start3A_524 : memref<1x1x80xi32, #tpu.memory_space<hbm>> -> memref<1x80xi32, #tpu.memory_space<hbm>>
        %dma_start3A_526 = arith.constant 0 : i32
        %dma_start3A_527 = tpu.memref_slice %arg4[%add3A, %add3A_454, %dma_start3A_526] : memref<32x125x80xi32, #tpu.memory_space<hbm>> -> memref<1x1x80xi32, #tpu.memory_space<hbm>>
        %dma_start3A_528 = tpu.memref_squeeze %dma_start3A_527 : memref<1x1x80xi32, #tpu.memory_space<hbm>> -> memref<1x80xi32, #tpu.memory_space<hbm>>
        tpu.enqueue_dma source(%dma_start3A_528 : memref<1x80xi32, #tpu.memory_space<hbm>>) target(%arg14 : memref<1x80xi32, #tpu.memory_space<vmem>>) target_semaphore(%arg29 : memref<!tpu.dma_semaphore, #tpu.memory_space<semaphore_mem>>)
      } else {
      }
      %dma_wait3A_458 = arith.constant 0 : i32
      %dma_wait3A_459 = arith.constant 0 : i32
      %dma_wait3A_460 = tpu.memref_slice %arg9[%dma_wait3A_458, %dma_wait3A_459] : memref<1x80xi32, #tpu.memory_space<vmem>> -> memref<1x80xi32, #tpu.memory_space<vmem>>
      %dma_wait3A_461 = tpu.memref_squeeze %dma_wait3A_460 : memref<1x80xi32, #tpu.memory_space<vmem>> -> memref<80xi32, #tpu.memory_space<vmem>>
      %dma_wait3A_462 = arith.constant 0 : i32
      %dma_wait3A_463 = arith.constant 0 : i32
      %dma_wait3A_464 = tpu.memref_slice %arg2[%dma_wait3A_462, %dma_wait3A_463] : memref<10000x128xf32, #tpu.memory_space<hbm>> -> memref<10000x128xf32, #tpu.memory_space<hbm>>
      tpu.wait_indirect_dma semaphore(%arg23 : memref<!tpu.dma_semaphore, #tpu.memory_space<semaphore_mem>>) src(%dma_wait3A_464 : memref<10000x128xf32, #tpu.memory_space<hbm>>) dst(%arg19 : memref<80x128xf32, #tpu.memory_space<vmem>>)
      %dma_start3A_465 = arith.constant 0 : i32
      %dma_start3A_466 = arith.constant 0 : i32
      %dma_start3A_467 = tpu.memref_slice %arg15[%dma_start3A_465, %dma_start3A_466] : memref<1x80xi32, #tpu.memory_space<vmem>> -> memref<1x80xi32, #tpu.memory_space<vmem>>
      %dma_start3A_468 = tpu.memref_squeeze %dma_start3A_467 : memref<1x80xi32, #tpu.memory_space<vmem>> -> memref<80xi32, #tpu.memory_space<vmem>>
      %dma_start3A_469 = arith.constant 0 : i32
      %dma_start3A_470 = arith.constant 0 : i32
      %dma_start3A_471 = tpu.memref_slice %arg21[%dma_start3A_469, %dma_start3A_470] : memref<10000x128xf32, #tpu.memory_space<vmem_shared>> -> memref<10000x128xf32, #tpu.memory_space<vmem_shared>>
      tpu.enqueue_indirect_dma source(%arg19 : memref<80x128xf32, #tpu.memory_space<vmem>>) target(%dma_start3A_471 : memref<10000x128xf32, #tpu.memory_space<vmem_shared>>) offsets(%dma_start3A_468 : memref<80xi32, #tpu.memory_space<vmem>>) semaphore(%arg26 : memref<!tpu.dma_semaphore, #tpu.memory_space<semaphore_mem>>) {add = true}
      %dma_wait3A_472 = arith.constant 0 : i32
      %dma_wait3A_473 = arith.constant 0 : i32
      %dma_wait3A_474 = tpu.memref_slice %arg15[%dma_wait3A_472, %dma_wait3A_473] : memref<1x80xi32, #tpu.memory_space<vmem>> -> memref<1x80xi32, #tpu.memory_space<vmem>>
      %dma_wait3A_475 = tpu.memref_squeeze %dma_wait3A_474 : memref<1x80xi32, #tpu.memory_space<vmem>> -> memref<80xi32, #tpu.memory_space<vmem>>
      %dma_wait3A_476 = arith.constant 0 : i32
      %dma_wait3A_477 = arith.constant 0 : i32
      %dma_wait3A_478 = tpu.memref_slice %arg21[%dma_wait3A_476, %dma_wait3A_477] : memref<10000x128xf32, #tpu.memory_space<vmem_shared>> -> memref<10000x128xf32, #tpu.memory_space<vmem_shared>>
      tpu.wait_indirect_dma semaphore(%arg26 : memref<!tpu.dma_semaphore, #tpu.memory_space<semaphore_mem>>) src(%arg19 : memref<80x128xf32, #tpu.memory_space<vmem>>) dst(%dma_wait3A_478 : memref<10000x128xf32, #tpu.memory_space<vmem_shared>>)
      %convert_element_type3A_479 = arith.extui %lt3A_452 : i1 to i32
      %cond3A_480 = arith.constant 0 : i32
      %cond3A_481 = arith.cmpi ne, %convert_element_type3A_479, %cond3A_480 : i32
      scf.if %cond3A_481 {
        %dma_wait3A_517 = arith.constant 0 : i32
        %dma_wait3A_518 = tpu.memref_slice %arg3[%add3A, %add3A_454, %dma_wait3A_517] : memref<32x125x80xi32, #tpu.memory_space<hbm>> -> memref<1x1x80xi32, #tpu.memory_space<hbm>>
        %dma_wait3A_519 = tpu.memref_squeeze %dma_wait3A_518 : memref<1x1x80xi32, #tpu.memory_space<hbm>> -> memref<1x80xi32, #tpu.memory_space<hbm>>
        %dma_wait3A_520 = arith.constant 0 : i32
        %dma_wait3A_521 = tpu.memref_slice %arg3[%add3A, %add3A_454, %dma_wait3A_520] : memref<32x125x80xi32, #tpu.memory_space<hbm>> -> memref<1x1x80xi32, #tpu.memory_space<hbm>>
        %dma_wait3A_522 = tpu.memref_squeeze %dma_wait3A_521 : memref<1x1x80xi32, #tpu.memory_space<hbm>> -> memref<1x80xi32, #tpu.memory_space<hbm>>
        tpu.wait_dma2 semaphore(%arg29 : memref<!tpu.dma_semaphore, #tpu.memory_space<semaphore_mem>>) src(%dma_wait3A_522 : memref<1x80xi32, #tpu.memory_space<hbm>>) dst(%arg8 : memref<1x80xi32, #tpu.memory_space<vmem>>)
        %dma_wait3A_523 = arith.constant 0 : i32
        %dma_wait3A_524 = tpu.memref_slice %arg4[%add3A, %add3A_454, %dma_wait3A_523] : memref<32x125x80xi32, #tpu.memory_space<hbm>> -> memref<1x1x80xi32, #tpu.memory_space<hbm>>
        %dma_wait3A_525 = tpu.memref_squeeze %dma_wait3A_524 : memref<1x1x80xi32, #tpu.memory_space<hbm>> -> memref<1x80xi32, #tpu.memory_space<hbm>>
        %dma_wait3A_526 = arith.constant 0 : i32
        %dma_wait3A_527 = tpu.memref_slice %arg4[%add3A, %add3A_454, %dma_wait3A_526] : memref<32x125x80xi32, #tpu.memory_space<hbm>> -> memref<1x1x80xi32, #tpu.memory_space<hbm>>
        %dma_wait3A_528 = tpu.memref_squeeze %dma_wait3A_527 : memref<1x1x80xi32, #tpu.memory_space<hbm>> -> memref<1x80xi32, #tpu.memory_space<hbm>>
        tpu.wait_dma2 semaphore(%arg29 : memref<!tpu.dma_semaphore, #tpu.memory_space<semaphore_mem>>) src(%dma_wait3A_528 : memref<1x80xi32, #tpu.memory_space<hbm>>) dst(%arg14 : memref<1x80xi32, #tpu.memory_space<vmem>>)
        %dma_start3A_529 = arith.constant 0 : i32
        %dma_start3A_530 = arith.constant 0 : i32
        %dma_start3A_531 = tpu.memref_slice %arg8[%dma_start3A_529, %dma_start3A_530] : memref<1x80xi32, #tpu.memory_space<vmem>> -> memref<1x80xi32, #tpu.memory_space<vmem>>
        %dma_start3A_532 = tpu.memref_squeeze %dma_start3A_531 : memref<1x80xi32, #tpu.memory_space<vmem>> -> memref<80xi32, #tpu.memory_space<vmem>>
        %dma_start3A_533 = arith.constant 0 : i32
        %dma_start3A_534 = arith.constant 0 : i32
        %dma_start3A_535 = tpu.memref_slice %arg2[%dma_start3A_533, %dma_start3A_534] : memref<10000x128xf32, #tpu.memory_space<hbm>> -> memref<10000x128xf32, #tpu.memory_space<hbm>>
        tpu.enqueue_indirect_dma source(%dma_start3A_535 : memref<10000x128xf32, #tpu.memory_space<hbm>>) target(%arg19 : memref<80x128xf32, #tpu.memory_space<vmem>>) offsets(%dma_start3A_532 : memref<80xi32, #tpu.memory_space<vmem>>) semaphore(%arg23 : memref<!tpu.dma_semaphore, #tpu.memory_space<semaphore_mem>>)
      } else {
      }
      %add3A_482 = arith.constant 5 : i32
      %add3A_483 = arith.addi %add3A_306, %add3A_482 : i32
      %add3A_484 = arith.constant 3 : i32
      %add3A_485 = arith.addi %add3A_483, %add3A_484 : i32
      %lt3A_486 = arith.constant 125 : i32
      %lt3A_487 = arith.cmpi slt, %add3A_485, %lt3A_486 : i32
      %add3A_488 = arith.constant 3 : i32
      %add3A_489 = arith.addi %add3A_483, %add3A_488 : i32
      %convert_element_type3A_490 = arith.extui %lt3A_487 : i1 to i32
      %cond3A_491 = arith.constant 0 : i32
      %cond3A_492 = arith.cmpi ne, %convert_element_type3A_490, %cond3A_491 : i32
      scf.if %cond3A_492 {
        %dma_start3A_517 = arith.constant 0 : i32
        %dma_start3A_518 = tpu.memref_slice %arg3[%add3A, %add3A_489, %dma_start3A_517] : memref<32x125x80xi32, #tpu.memory_space<hbm>> -> memref<1x1x80xi32, #tpu.memory_space<hbm>>
        %dma_start3A_519 = tpu.memref_squeeze %dma_start3A_518 : memref<1x1x80xi32, #tpu.memory_space<hbm>> -> memref<1x80xi32, #tpu.memory_space<hbm>>
        %dma_start3A_520 = arith.constant 0 : i32
        %dma_start3A_521 = tpu.memref_slice %arg3[%add3A, %add3A_489, %dma_start3A_520] : memref<32x125x80xi32, #tpu.memory_space<hbm>> -> memref<1x1x80xi32, #tpu.memory_space<hbm>>
        %dma_start3A_522 = tpu.memref_squeeze %dma_start3A_521 : memref<1x1x80xi32, #tpu.memory_space<hbm>> -> memref<1x80xi32, #tpu.memory_space<hbm>>
        tpu.enqueue_dma source(%dma_start3A_522 : memref<1x80xi32, #tpu.memory_space<hbm>>) target(%arg10 : memref<1x80xi32, #tpu.memory_space<vmem>>) target_semaphore(%arg30 : memref<!tpu.dma_semaphore, #tpu.memory_space<semaphore_mem>>)
        %dma_start3A_523 = arith.constant 0 : i32
        %dma_start3A_524 = tpu.memref_slice %arg4[%add3A, %add3A_489, %dma_start3A_523] : memref<32x125x80xi32, #tpu.memory_space<hbm>> -> memref<1x1x80xi32, #tpu.memory_space<hbm>>
        %dma_start3A_525 = tpu.memref_squeeze %dma_start3A_524 : memref<1x1x80xi32, #tpu.memory_space<hbm>> -> memref<1x80xi32, #tpu.memory_space<hbm>>
        %dma_start3A_526 = arith.constant 0 : i32
        %dma_start3A_527 = tpu.memref_slice %arg4[%add3A, %add3A_489, %dma_start3A_526] : memref<32x125x80xi32, #tpu.memory_space<hbm>> -> memref<1x1x80xi32, #tpu.memory_space<hbm>>
        %dma_start3A_528 = tpu.memref_squeeze %dma_start3A_527 : memref<1x1x80xi32, #tpu.memory_space<hbm>> -> memref<1x80xi32, #tpu.memory_space<hbm>>
        tpu.enqueue_dma source(%dma_start3A_528 : memref<1x80xi32, #tpu.memory_space<hbm>>) target(%arg16 : memref<1x80xi32, #tpu.memory_space<vmem>>) target_semaphore(%arg30 : memref<!tpu.dma_semaphore, #tpu.memory_space<semaphore_mem>>)
      } else {
      }
      %dma_wait3A_493 = arith.constant 0 : i32
      %dma_wait3A_494 = arith.constant 0 : i32
      %dma_wait3A_495 = tpu.memref_slice %arg11[%dma_wait3A_493, %dma_wait3A_494] : memref<1x80xi32, #tpu.memory_space<vmem>> -> memref<1x80xi32, #tpu.memory_space<vmem>>
      %dma_wait3A_496 = tpu.memref_squeeze %dma_wait3A_495 : memref<1x80xi32, #tpu.memory_space<vmem>> -> memref<80xi32, #tpu.memory_space<vmem>>
      %dma_wait3A_497 = arith.constant 0 : i32
      %dma_wait3A_498 = arith.constant 0 : i32
      %dma_wait3A_499 = tpu.memref_slice %arg2[%dma_wait3A_497, %dma_wait3A_498] : memref<10000x128xf32, #tpu.memory_space<hbm>> -> memref<10000x128xf32, #tpu.memory_space<hbm>>
      tpu.wait_indirect_dma semaphore(%arg24 : memref<!tpu.dma_semaphore, #tpu.memory_space<semaphore_mem>>) src(%dma_wait3A_499 : memref<10000x128xf32, #tpu.memory_space<hbm>>) dst(%arg20 : memref<80x128xf32, #tpu.memory_space<vmem>>)
      %dma_start3A_500 = arith.constant 0 : i32
      %dma_start3A_501 = arith.constant 0 : i32
      %dma_start3A_502 = tpu.memref_slice %arg17[%dma_start3A_500, %dma_start3A_501] : memref<1x80xi32, #tpu.memory_space<vmem>> -> memref<1x80xi32, #tpu.memory_space<vmem>>
      %dma_start3A_503 = tpu.memref_squeeze %dma_start3A_502 : memref<1x80xi32, #tpu.memory_space<vmem>> -> memref<80xi32, #tpu.memory_space<vmem>>
      %dma_start3A_504 = arith.constant 0 : i32
      %dma_start3A_505 = arith.constant 0 : i32
      %dma_start3A_506 = tpu.memref_slice %arg21[%dma_start3A_504, %dma_start3A_505] : memref<10000x128xf32, #tpu.memory_space<vmem_shared>> -> memref<10000x128xf32, #tpu.memory_space<vmem_shared>>
      tpu.enqueue_indirect_dma source(%arg20 : memref<80x128xf32, #tpu.memory_space<vmem>>) target(%dma_start3A_506 : memref<10000x128xf32, #tpu.memory_space<vmem_shared>>) offsets(%dma_start3A_503 : memref<80xi32, #tpu.memory_space<vmem>>) semaphore(%arg27 : memref<!tpu.dma_semaphore, #tpu.memory_space<semaphore_mem>>) {add = true}
      %dma_wait3A_507 = arith.constant 0 : i32
      %dma_wait3A_508 = arith.constant 0 : i32
      %dma_wait3A_509 = tpu.memref_slice %arg17[%dma_wait3A_507, %dma_wait3A_508] : memref<1x80xi32, #tpu.memory_space<vmem>> -> memref<1x80xi32, #tpu.memory_space<vmem>>
      %dma_wait3A_510 = tpu.memref_squeeze %dma_wait3A_509 : memref<1x80xi32, #tpu.memory_space<vmem>> -> memref<80xi32, #tpu.memory_space<vmem>>
      %dma_wait3A_511 = arith.constant 0 : i32
      %dma_wait3A_512 = arith.constant 0 : i32
      %dma_wait3A_513 = tpu.memref_slice %arg21[%dma_wait3A_511, %dma_wait3A_512] : memref<10000x128xf32, #tpu.memory_space<vmem_shared>> -> memref<10000x128xf32, #tpu.memory_space<vmem_shared>>
      tpu.wait_indirect_dma semaphore(%arg27 : memref<!tpu.dma_semaphore, #tpu.memory_space<semaphore_mem>>) src(%arg20 : memref<80x128xf32, #tpu.memory_space<vmem>>) dst(%dma_wait3A_513 : memref<10000x128xf32, #tpu.memory_space<vmem_shared>>)
      %convert_element_type3A_514 = arith.extui %lt3A_487 : i1 to i32
      %cond3A_515 = arith.constant 0 : i32
      %cond3A_516 = arith.cmpi ne, %convert_element_type3A_514, %cond3A_515 : i32
      scf.if %cond3A_516 {
        %dma_wait3A_517 = arith.constant 0 : i32
        %dma_wait3A_518 = tpu.memref_slice %arg3[%add3A, %add3A_489, %dma_wait3A_517] : memref<32x125x80xi32, #tpu.memory_space<hbm>> -> memref<1x1x80xi32, #tpu.memory_space<hbm>>
        %dma_wait3A_519 = tpu.memref_squeeze %dma_wait3A_518 : memref<1x1x80xi32, #tpu.memory_space<hbm>> -> memref<1x80xi32, #tpu.memory_space<hbm>>
        %dma_wait3A_520 = arith.constant 0 : i32
        %dma_wait3A_521 = tpu.memref_slice %arg3[%add3A, %add3A_489, %dma_wait3A_520] : memref<32x125x80xi32, #tpu.memory_space<hbm>> -> memref<1x1x80xi32, #tpu.memory_space<hbm>>
        %dma_wait3A_522 = tpu.memref_squeeze %dma_wait3A_521 : memref<1x1x80xi32, #tpu.memory_space<hbm>> -> memref<1x80xi32, #tpu.memory_space<hbm>>
        tpu.wait_dma2 semaphore(%arg30 : memref<!tpu.dma_semaphore, #tpu.memory_space<semaphore_mem>>) src(%dma_wait3A_522 : memref<1x80xi32, #tpu.memory_space<hbm>>) dst(%arg10 : memref<1x80xi32, #tpu.memory_space<vmem>>)
        %dma_wait3A_523 = arith.constant 0 : i32
        %dma_wait3A_524 = tpu.memref_slice %arg4[%add3A, %add3A_489, %dma_wait3A_523] : memref<32x125x80xi32, #tpu.memory_space<hbm>> -> memref<1x1x80xi32, #tpu.memory_space<hbm>>
        %dma_wait3A_525 = tpu.memref_squeeze %dma_wait3A_524 : memref<1x1x80xi32, #tpu.memory_space<hbm>> -> memref<1x80xi32, #tpu.memory_space<hbm>>
        %dma_wait3A_526 = arith.constant 0 : i32
        %dma_wait3A_527 = tpu.memref_slice %arg4[%add3A, %add3A_489, %dma_wait3A_526] : memref<32x125x80xi32, #tpu.memory_space<hbm>> -> memref<1x1x80xi32, #tpu.memory_space<hbm>>
        %dma_wait3A_528 = tpu.memref_squeeze %dma_wait3A_527 : memref<1x1x80xi32, #tpu.memory_space<hbm>> -> memref<1x80xi32, #tpu.memory_space<hbm>>
        tpu.wait_dma2 semaphore(%arg30 : memref<!tpu.dma_semaphore, #tpu.memory_space<semaphore_mem>>) src(%dma_wait3A_528 : memref<1x80xi32, #tpu.memory_space<hbm>>) dst(%arg16 : memref<1x80xi32, #tpu.memory_space<vmem>>)
        %dma_start3A_529 = arith.constant 0 : i32
        %dma_start3A_530 = arith.constant 0 : i32
        %dma_start3A_531 = tpu.memref_slice %arg10[%dma_start3A_529, %dma_start3A_530] : memref<1x80xi32, #tpu.memory_space<vmem>> -> memref<1x80xi32, #tpu.memory_space<vmem>>
        %dma_start3A_532 = tpu.memref_squeeze %dma_start3A_531 : memref<1x80xi32, #tpu.memory_space<vmem>> -> memref<80xi32, #tpu.memory_space<vmem>>
        %dma_start3A_533 = arith.constant 0 : i32
        %dma_start3A_534 = arith.constant 0 : i32
        %dma_start3A_535 = tpu.memref_slice %arg2[%dma_start3A_533, %dma_start3A_534] : memref<10000x128xf32, #tpu.memory_space<hbm>> -> memref<10000x128xf32, #tpu.memory_space<hbm>>
        tpu.enqueue_indirect_dma source(%dma_start3A_535 : memref<10000x128xf32, #tpu.memory_space<hbm>>) target(%arg20 : memref<80x128xf32, #tpu.memory_space<vmem>>) offsets(%dma_start3A_532 : memref<80xi32, #tpu.memory_space<vmem>>) semaphore(%arg24 : memref<!tpu.dma_semaphore, #tpu.memory_space<semaphore_mem>>)
      } else {
      }
    }
    %scan3A_142 = arith.constant 20 : i32
    %scan3A_143 = arith.constant 0 : i32
    %mul3A_144 = arith.constant 3 : i32
    %mul3A_145 = arith.muli %scan3A_143, %mul3A_144 : i32
    %add3A_146 = arith.constant 120 : i32
    %add3A_147 = arith.addi %add3A_146, %mul3A_145 : i32
    %add3A_148 = arith.constant 0 : i32
    %add3A_149 = arith.addi %add3A_147, %add3A_148 : i32
    %add3A_150 = arith.constant 3 : i32
    %add3A_151 = arith.addi %add3A_149, %add3A_150 : i32
    %lt3A_152 = arith.constant 125 : i32
    %lt3A_153 = arith.cmpi slt, %add3A_151, %lt3A_152 : i32
    %add3A_154 = arith.constant 3 : i32
    %add3A_155 = arith.addi %add3A_149, %add3A_154 : i32
    %convert_element_type3A_156 = arith.extui %lt3A_153 : i1 to i32
    %cond3A_157 = arith.constant 0 : i32
    %cond3A_158 = arith.cmpi ne, %convert_element_type3A_156, %cond3A_157 : i32
    scf.if %cond3A_158 {
      %dma_start3A_302 = arith.constant 0 : i32
      %dma_start3A_303 = tpu.memref_slice %arg3[%add3A, %add3A_155, %dma_start3A_302] : memref<32x125x80xi32, #tpu.memory_space<hbm>> -> memref<1x1x80xi32, #tpu.memory_space<hbm>>
      %dma_start3A_304 = tpu.memref_squeeze %dma_start3A_303 : memref<1x1x80xi32, #tpu.memory_space<hbm>> -> memref<1x80xi32, #tpu.memory_space<hbm>>
      %dma_start3A_305 = arith.constant 0 : i32
      %dma_start3A_306 = tpu.memref_slice %arg3[%add3A, %add3A_155, %dma_start3A_305] : memref<32x125x80xi32, #tpu.memory_space<hbm>> -> memref<1x1x80xi32, #tpu.memory_space<hbm>>
      %dma_start3A_307 = tpu.memref_squeeze %dma_start3A_306 : memref<1x1x80xi32, #tpu.memory_space<hbm>> -> memref<1x80xi32, #tpu.memory_space<hbm>>
      tpu.enqueue_dma source(%dma_start3A_307 : memref<1x80xi32, #tpu.memory_space<hbm>>) target(%arg7 : memref<1x80xi32, #tpu.memory_space<vmem>>) target_semaphore(%arg28 : memref<!tpu.dma_semaphore, #tpu.memory_space<semaphore_mem>>)
      %dma_start3A_308 = arith.constant 0 : i32
      %dma_start3A_309 = tpu.memref_slice %arg4[%add3A, %add3A_155, %dma_start3A_308] : memref<32x125x80xi32, #tpu.memory_space<hbm>> -> memref<1x1x80xi32, #tpu.memory_space<hbm>>
      %dma_start3A_310 = tpu.memref_squeeze %dma_start3A_309 : memref<1x1x80xi32, #tpu.memory_space<hbm>> -> memref<1x80xi32, #tpu.memory_space<hbm>>
      %dma_start3A_311 = arith.constant 0 : i32
      %dma_start3A_312 = tpu.memref_slice %arg4[%add3A, %add3A_155, %dma_start3A_311] : memref<32x125x80xi32, #tpu.memory_space<hbm>> -> memref<1x1x80xi32, #tpu.memory_space<hbm>>
      %dma_start3A_313 = tpu.memref_squeeze %dma_start3A_312 : memref<1x1x80xi32, #tpu.memory_space<hbm>> -> memref<1x80xi32, #tpu.memory_space<hbm>>
      tpu.enqueue_dma source(%dma_start3A_313 : memref<1x80xi32, #tpu.memory_space<hbm>>) target(%arg13 : memref<1x80xi32, #tpu.memory_space<vmem>>) target_semaphore(%arg28 : memref<!tpu.dma_semaphore, #tpu.memory_space<semaphore_mem>>)
    } else {
    }
    %dma_wait3A_159 = arith.constant 0 : i32
    %dma_wait3A_160 = arith.constant 0 : i32
    %dma_wait3A_161 = tpu.memref_slice %arg6[%dma_wait3A_159, %dma_wait3A_160] : memref<1x80xi32, #tpu.memory_space<vmem>> -> memref<1x80xi32, #tpu.memory_space<vmem>>
    %dma_wait3A_162 = tpu.memref_squeeze %dma_wait3A_161 : memref<1x80xi32, #tpu.memory_space<vmem>> -> memref<80xi32, #tpu.memory_space<vmem>>
    %dma_wait3A_163 = arith.constant 0 : i32
    %dma_wait3A_164 = arith.constant 0 : i32
    %dma_wait3A_165 = tpu.memref_slice %arg2[%dma_wait3A_163, %dma_wait3A_164] : memref<10000x128xf32, #tpu.memory_space<hbm>> -> memref<10000x128xf32, #tpu.memory_space<hbm>>
    tpu.wait_indirect_dma semaphore(%arg22 : memref<!tpu.dma_semaphore, #tpu.memory_space<semaphore_mem>>) src(%dma_wait3A_165 : memref<10000x128xf32, #tpu.memory_space<hbm>>) dst(%arg18 : memref<80x128xf32, #tpu.memory_space<vmem>>)
    %dma_start3A_166 = arith.constant 0 : i32
    %dma_start3A_167 = arith.constant 0 : i32
    %dma_start3A_168 = tpu.memref_slice %arg12[%dma_start3A_166, %dma_start3A_167] : memref<1x80xi32, #tpu.memory_space<vmem>> -> memref<1x80xi32, #tpu.memory_space<vmem>>
    %dma_start3A_169 = tpu.memref_squeeze %dma_start3A_168 : memref<1x80xi32, #tpu.memory_space<vmem>> -> memref<80xi32, #tpu.memory_space<vmem>>
    %dma_start3A_170 = arith.constant 0 : i32
    %dma_start3A_171 = arith.constant 0 : i32
    %dma_start3A_172 = tpu.memref_slice %arg21[%dma_start3A_170, %dma_start3A_171] : memref<10000x128xf32, #tpu.memory_space<vmem_shared>> -> memref<10000x128xf32, #tpu.memory_space<vmem_shared>>
    tpu.enqueue_indirect_dma source(%arg18 : memref<80x128xf32, #tpu.memory_space<vmem>>) target(%dma_start3A_172 : memref<10000x128xf32, #tpu.memory_space<vmem_shared>>) offsets(%dma_start3A_169 : memref<80xi32, #tpu.memory_space<vmem>>) semaphore(%arg25 : memref<!tpu.dma_semaphore, #tpu.memory_space<semaphore_mem>>) {add = true}
    %dma_wait3A_173 = arith.constant 0 : i32
    %dma_wait3A_174 = arith.constant 0 : i32
    %dma_wait3A_175 = tpu.memref_slice %arg12[%dma_wait3A_173, %dma_wait3A_174] : memref<1x80xi32, #tpu.memory_space<vmem>> -> memref<1x80xi32, #tpu.memory_space<vmem>>
    %dma_wait3A_176 = tpu.memref_squeeze %dma_wait3A_175 : memref<1x80xi32, #tpu.memory_space<vmem>> -> memref<80xi32, #tpu.memory_space<vmem>>
    %dma_wait3A_177 = arith.constant 0 : i32
    %dma_wait3A_178 = arith.constant 0 : i32
    %dma_wait3A_179 = tpu.memref_slice %arg21[%dma_wait3A_177, %dma_wait3A_178] : memref<10000x128xf32, #tpu.memory_space<vmem_shared>> -> memref<10000x128xf32, #tpu.memory_space<vmem_shared>>
    tpu.wait_indirect_dma semaphore(%arg25 : memref<!tpu.dma_semaphore, #tpu.memory_space<semaphore_mem>>) src(%arg18 : memref<80x128xf32, #tpu.memory_space<vmem>>) dst(%dma_wait3A_179 : memref<10000x128xf32, #tpu.memory_space<vmem_shared>>)
    %convert_element_type3A_180 = arith.extui %lt3A_153 : i1 to i32
    %cond3A_181 = arith.constant 0 : i32
    %cond3A_182 = arith.cmpi ne, %convert_element_type3A_180, %cond3A_181 : i32
    scf.if %cond3A_182 {
      %dma_wait3A_302 = arith.constant 0 : i32
      %dma_wait3A_303 = tpu.memref_slice %arg3[%add3A, %add3A_155, %dma_wait3A_302] : memref<32x125x80xi32, #tpu.memory_space<hbm>> -> memref<1x1x80xi32, #tpu.memory_space<hbm>>
      %dma_wait3A_304 = tpu.memref_squeeze %dma_wait3A_303 : memref<1x1x80xi32, #tpu.memory_space<hbm>> -> memref<1x80xi32, #tpu.memory_space<hbm>>
      %dma_wait3A_305 = arith.constant 0 : i32
      %dma_wait3A_306 = tpu.memref_slice %arg3[%add3A, %add3A_155, %dma_wait3A_305] : memref<32x125x80xi32, #tpu.memory_space<hbm>> -> memref<1x1x80xi32, #tpu.memory_space<hbm>>
      %dma_wait3A_307 = tpu.memref_squeeze %dma_wait3A_306 : memref<1x1x80xi32, #tpu.memory_space<hbm>> -> memref<1x80xi32, #tpu.memory_space<hbm>>
      tpu.wait_dma2 semaphore(%arg28 : memref<!tpu.dma_semaphore, #tpu.memory_space<semaphore_mem>>) src(%dma_wait3A_307 : memref<1x80xi32, #tpu.memory_space<hbm>>) dst(%arg7 : memref<1x80xi32, #tpu.memory_space<vmem>>)
      %dma_wait3A_308 = arith.constant 0 : i32
      %dma_wait3A_309 = tpu.memref_slice %arg4[%add3A, %add3A_155, %dma_wait3A_308] : memref<32x125x80xi32, #tpu.memory_space<hbm>> -> memref<1x1x80xi32, #tpu.memory_space<hbm>>
      %dma_wait3A_310 = tpu.memref_squeeze %dma_wait3A_309 : memref<1x1x80xi32, #tpu.memory_space<hbm>> -> memref<1x80xi32, #tpu.memory_space<hbm>>
      %dma_wait3A_311 = arith.constant 0 : i32
      %dma_wait3A_312 = tpu.memref_slice %arg4[%add3A, %add3A_155, %dma_wait3A_311] : memref<32x125x80xi32, #tpu.memory_space<hbm>> -> memref<1x1x80xi32, #tpu.memory_space<hbm>>
      %dma_wait3A_313 = tpu.memref_squeeze %dma_wait3A_312 : memref<1x1x80xi32, #tpu.memory_space<hbm>> -> memref<1x80xi32, #tpu.memory_space<hbm>>
      tpu.wait_dma2 semaphore(%arg28 : memref<!tpu.dma_semaphore, #tpu.memory_space<semaphore_mem>>) src(%dma_wait3A_313 : memref<1x80xi32, #tpu.memory_space<hbm>>) dst(%arg13 : memref<1x80xi32, #tpu.memory_space<vmem>>)
      %dma_start3A_314 = arith.constant 0 : i32
      %dma_start3A_315 = arith.constant 0 : i32
      %dma_start3A_316 = tpu.memref_slice %arg7[%dma_start3A_314, %dma_start3A_315] : memref<1x80xi32, #tpu.memory_space<vmem>> -> memref<1x80xi32, #tpu.memory_space<vmem>>
      %dma_start3A_317 = tpu.memref_squeeze %dma_start3A_316 : memref<1x80xi32, #tpu.memory_space<vmem>> -> memref<80xi32, #tpu.memory_space<vmem>>
      %dma_start3A_318 = arith.constant 0 : i32
      %dma_start3A_319 = arith.constant 0 : i32
      %dma_start3A_320 = tpu.memref_slice %arg2[%dma_start3A_318, %dma_start3A_319] : memref<10000x128xf32, #tpu.memory_space<hbm>> -> memref<10000x128xf32, #tpu.memory_space<hbm>>
      tpu.enqueue_indirect_dma source(%dma_start3A_320 : memref<10000x128xf32, #tpu.memory_space<hbm>>) target(%arg18 : memref<80x128xf32, #tpu.memory_space<vmem>>) offsets(%dma_start3A_317 : memref<80xi32, #tpu.memory_space<vmem>>) semaphore(%arg22 : memref<!tpu.dma_semaphore, #tpu.memory_space<semaphore_mem>>)
    } else {
    }
    %add3A_183 = arith.constant 1 : i32
    %add3A_184 = arith.addi %add3A_147, %add3A_183 : i32
    %add3A_185 = arith.constant 3 : i32
    %add3A_186 = arith.addi %add3A_184, %add3A_185 : i32
    %lt3A_187 = arith.constant 125 : i32
    %lt3A_188 = arith.cmpi slt, %add3A_186, %lt3A_187 : i32
    %add3A_189 = arith.constant 3 : i32
    %add3A_190 = arith.addi %add3A_184, %add3A_189 : i32
    %convert_element_type3A_191 = arith.extui %lt3A_188 : i1 to i32
    %cond3A_192 = arith.constant 0 : i32
    %cond3A_193 = arith.cmpi ne, %convert_element_type3A_191, %cond3A_192 : i32
    scf.if %cond3A_193 {
      %dma_start3A_302 = arith.constant 0 : i32
      %dma_start3A_303 = tpu.memref_slice %arg3[%add3A, %add3A_190, %dma_start3A_302] : memref<32x125x80xi32, #tpu.memory_space<hbm>> -> memref<1x1x80xi32, #tpu.memory_space<hbm>>
      %dma_start3A_304 = tpu.memref_squeeze %dma_start3A_303 : memref<1x1x80xi32, #tpu.memory_space<hbm>> -> memref<1x80xi32, #tpu.memory_space<hbm>>
      %dma_start3A_305 = arith.constant 0 : i32
      %dma_start3A_306 = tpu.memref_slice %arg3[%add3A, %add3A_190, %dma_start3A_305] : memref<32x125x80xi32, #tpu.memory_space<hbm>> -> memref<1x1x80xi32, #tpu.memory_space<hbm>>
      %dma_start3A_307 = tpu.memref_squeeze %dma_start3A_306 : memref<1x1x80xi32, #tpu.memory_space<hbm>> -> memref<1x80xi32, #tpu.memory_space<hbm>>
      tpu.enqueue_dma source(%dma_start3A_307 : memref<1x80xi32, #tpu.memory_space<hbm>>) target(%arg9 : memref<1x80xi32, #tpu.memory_space<vmem>>) target_semaphore(%arg29 : memref<!tpu.dma_semaphore, #tpu.memory_space<semaphore_mem>>)
      %dma_start3A_308 = arith.constant 0 : i32
      %dma_start3A_309 = tpu.memref_slice %arg4[%add3A, %add3A_190, %dma_start3A_308] : memref<32x125x80xi32, #tpu.memory_space<hbm>> -> memref<1x1x80xi32, #tpu.memory_space<hbm>>
      %dma_start3A_310 = tpu.memref_squeeze %dma_start3A_309 : memref<1x1x80xi32, #tpu.memory_space<hbm>> -> memref<1x80xi32, #tpu.memory_space<hbm>>
      %dma_start3A_311 = arith.constant 0 : i32
      %dma_start3A_312 = tpu.memref_slice %arg4[%add3A, %add3A_190, %dma_start3A_311] : memref<32x125x80xi32, #tpu.memory_space<hbm>> -> memref<1x1x80xi32, #tpu.memory_space<hbm>>
      %dma_start3A_313 = tpu.memref_squeeze %dma_start3A_312 : memref<1x1x80xi32, #tpu.memory_space<hbm>> -> memref<1x80xi32, #tpu.memory_space<hbm>>
      tpu.enqueue_dma source(%dma_start3A_313 : memref<1x80xi32, #tpu.memory_space<hbm>>) target(%arg15 : memref<1x80xi32, #tpu.memory_space<vmem>>) target_semaphore(%arg29 : memref<!tpu.dma_semaphore, #tpu.memory_space<semaphore_mem>>)
    } else {
    }
    %dma_wait3A_194 = arith.constant 0 : i32
    %dma_wait3A_195 = arith.constant 0 : i32
    %dma_wait3A_196 = tpu.memref_slice %arg8[%dma_wait3A_194, %dma_wait3A_195] : memref<1x80xi32, #tpu.memory_space<vmem>> -> memref<1x80xi32, #tpu.memory_space<vmem>>
    %dma_wait3A_197 = tpu.memref_squeeze %dma_wait3A_196 : memref<1x80xi32, #tpu.memory_space<vmem>> -> memref<80xi32, #tpu.memory_space<vmem>>
    %dma_wait3A_198 = arith.constant 0 : i32
    %dma_wait3A_199 = arith.constant 0 : i32
    %dma_wait3A_200 = tpu.memref_slice %arg2[%dma_wait3A_198, %dma_wait3A_199] : memref<10000x128xf32, #tpu.memory_space<hbm>> -> memref<10000x128xf32, #tpu.memory_space<hbm>>
    tpu.wait_indirect_dma semaphore(%arg23 : memref<!tpu.dma_semaphore, #tpu.memory_space<semaphore_mem>>) src(%dma_wait3A_200 : memref<10000x128xf32, #tpu.memory_space<hbm>>) dst(%arg19 : memref<80x128xf32, #tpu.memory_space<vmem>>)
    %dma_start3A_201 = arith.constant 0 : i32
    %dma_start3A_202 = arith.constant 0 : i32
    %dma_start3A_203 = tpu.memref_slice %arg14[%dma_start3A_201, %dma_start3A_202] : memref<1x80xi32, #tpu.memory_space<vmem>> -> memref<1x80xi32, #tpu.memory_space<vmem>>
    %dma_start3A_204 = tpu.memref_squeeze %dma_start3A_203 : memref<1x80xi32, #tpu.memory_space<vmem>> -> memref<80xi32, #tpu.memory_space<vmem>>
    %dma_start3A_205 = arith.constant 0 : i32
    %dma_start3A_206 = arith.constant 0 : i32
    %dma_start3A_207 = tpu.memref_slice %arg21[%dma_start3A_205, %dma_start3A_206] : memref<10000x128xf32, #tpu.memory_space<vmem_shared>> -> memref<10000x128xf32, #tpu.memory_space<vmem_shared>>
    tpu.enqueue_indirect_dma source(%arg19 : memref<80x128xf32, #tpu.memory_space<vmem>>) target(%dma_start3A_207 : memref<10000x128xf32, #tpu.memory_space<vmem_shared>>) offsets(%dma_start3A_204 : memref<80xi32, #tpu.memory_space<vmem>>) semaphore(%arg26 : memref<!tpu.dma_semaphore, #tpu.memory_space<semaphore_mem>>) {add = true}
    %dma_wait3A_208 = arith.constant 0 : i32
    %dma_wait3A_209 = arith.constant 0 : i32
    %dma_wait3A_210 = tpu.memref_slice %arg14[%dma_wait3A_208, %dma_wait3A_209] : memref<1x80xi32, #tpu.memory_space<vmem>> -> memref<1x80xi32, #tpu.memory_space<vmem>>
    %dma_wait3A_211 = tpu.memref_squeeze %dma_wait3A_210 : memref<1x80xi32, #tpu.memory_space<vmem>> -> memref<80xi32, #tpu.memory_space<vmem>>
    %dma_wait3A_212 = arith.constant 0 : i32
    %dma_wait3A_213 = arith.constant 0 : i32
    %dma_wait3A_214 = tpu.memref_slice %arg21[%dma_wait3A_212, %dma_wait3A_213] : memref<10000x128xf32, #tpu.memory_space<vmem_shared>> -> memref<10000x128xf32, #tpu.memory_space<vmem_shared>>
    tpu.wait_indirect_dma semaphore(%arg26 : memref<!tpu.dma_semaphore, #tpu.memory_space<semaphore_mem>>) src(%arg19 : memref<80x128xf32, #tpu.memory_space<vmem>>) dst(%dma_wait3A_214 : memref<10000x128xf32, #tpu.memory_space<vmem_shared>>)
    %convert_element_type3A_215 = arith.extui %lt3A_188 : i1 to i32
    %cond3A_216 = arith.constant 0 : i32
    %cond3A_217 = arith.cmpi ne, %convert_element_type3A_215, %cond3A_216 : i32
    scf.if %cond3A_217 {
      %dma_wait3A_302 = arith.constant 0 : i32
      %dma_wait3A_303 = tpu.memref_slice %arg3[%add3A, %add3A_190, %dma_wait3A_302] : memref<32x125x80xi32, #tpu.memory_space<hbm>> -> memref<1x1x80xi32, #tpu.memory_space<hbm>>
      %dma_wait3A_304 = tpu.memref_squeeze %dma_wait3A_303 : memref<1x1x80xi32, #tpu.memory_space<hbm>> -> memref<1x80xi32, #tpu.memory_space<hbm>>
      %dma_wait3A_305 = arith.constant 0 : i32
      %dma_wait3A_306 = tpu.memref_slice %arg3[%add3A, %add3A_190, %dma_wait3A_305] : memref<32x125x80xi32, #tpu.memory_space<hbm>> -> memref<1x1x80xi32, #tpu.memory_space<hbm>>
      %dma_wait3A_307 = tpu.memref_squeeze %dma_wait3A_306 : memref<1x1x80xi32, #tpu.memory_space<hbm>> -> memref<1x80xi32, #tpu.memory_space<hbm>>
      tpu.wait_dma2 semaphore(%arg29 : memref<!tpu.dma_semaphore, #tpu.memory_space<semaphore_mem>>) src(%dma_wait3A_307 : memref<1x80xi32, #tpu.memory_space<hbm>>) dst(%arg9 : memref<1x80xi32, #tpu.memory_space<vmem>>)
      %dma_wait3A_308 = arith.constant 0 : i32
      %dma_wait3A_309 = tpu.memref_slice %arg4[%add3A, %add3A_190, %dma_wait3A_308] : memref<32x125x80xi32, #tpu.memory_space<hbm>> -> memref<1x1x80xi32, #tpu.memory_space<hbm>>
      %dma_wait3A_310 = tpu.memref_squeeze %dma_wait3A_309 : memref<1x1x80xi32, #tpu.memory_space<hbm>> -> memref<1x80xi32, #tpu.memory_space<hbm>>
      %dma_wait3A_311 = arith.constant 0 : i32
      %dma_wait3A_312 = tpu.memref_slice %arg4[%add3A, %add3A_190, %dma_wait3A_311] : memref<32x125x80xi32, #tpu.memory_space<hbm>> -> memref<1x1x80xi32, #tpu.memory_space<hbm>>
      %dma_wait3A_313 = tpu.memref_squeeze %dma_wait3A_312 : memref<1x1x80xi32, #tpu.memory_space<hbm>> -> memref<1x80xi32, #tpu.memory_space<hbm>>
      tpu.wait_dma2 semaphore(%arg29 : memref<!tpu.dma_semaphore, #tpu.memory_space<semaphore_mem>>) src(%dma_wait3A_313 : memref<1x80xi32, #tpu.memory_space<hbm>>) dst(%arg15 : memref<1x80xi32, #tpu.memory_space<vmem>>)
      %dma_start3A_314 = arith.constant 0 : i32
      %dma_start3A_315 = arith.constant 0 : i32
      %dma_start3A_316 = tpu.memref_slice %arg9[%dma_start3A_314, %dma_start3A_315] : memref<1x80xi32, #tpu.memory_space<vmem>> -> memref<1x80xi32, #tpu.memory_space<vmem>>
      %dma_start3A_317 = tpu.memref_squeeze %dma_start3A_316 : memref<1x80xi32, #tpu.memory_space<vmem>> -> memref<80xi32, #tpu.memory_space<vmem>>
      %dma_start3A_318 = arith.constant 0 : i32
      %dma_start3A_319 = arith.constant 0 : i32
      %dma_start3A_320 = tpu.memref_slice %arg2[%dma_start3A_318, %dma_start3A_319] : memref<10000x128xf32, #tpu.memory_space<hbm>> -> memref<10000x128xf32, #tpu.memory_space<hbm>>
      tpu.enqueue_indirect_dma source(%dma_start3A_320 : memref<10000x128xf32, #tpu.memory_space<hbm>>) target(%arg19 : memref<80x128xf32, #tpu.memory_space<vmem>>) offsets(%dma_start3A_317 : memref<80xi32, #tpu.memory_space<vmem>>) semaphore(%arg23 : memref<!tpu.dma_semaphore, #tpu.memory_space<semaphore_mem>>)
    } else {
    }
    %add3A_218 = arith.constant 2 : i32
    %add3A_219 = arith.addi %add3A_147, %add3A_218 : i32
    %add3A_220 = arith.constant 3 : i32
    %add3A_221 = arith.addi %add3A_219, %add3A_220 : i32
    %lt3A_222 = arith.constant 125 : i32
    %lt3A_223 = arith.cmpi slt, %add3A_221, %lt3A_222 : i32
    %add3A_224 = arith.constant 3 : i32
    %add3A_225 = arith.addi %add3A_219, %add3A_224 : i32
    %convert_element_type3A_226 = arith.extui %lt3A_223 : i1 to i32
    %cond3A_227 = arith.constant 0 : i32
    %cond3A_228 = arith.cmpi ne, %convert_element_type3A_226, %cond3A_227 : i32
    scf.if %cond3A_228 {
      %dma_start3A_302 = arith.constant 0 : i32
      %dma_start3A_303 = tpu.memref_slice %arg3[%add3A, %add3A_225, %dma_start3A_302] : memref<32x125x80xi32, #tpu.memory_space<hbm>> -> memref<1x1x80xi32, #tpu.memory_space<hbm>>
      %dma_start3A_304 = tpu.memref_squeeze %dma_start3A_303 : memref<1x1x80xi32, #tpu.memory_space<hbm>> -> memref<1x80xi32, #tpu.memory_space<hbm>>
      %dma_start3A_305 = arith.constant 0 : i32
      %dma_start3A_306 = tpu.memref_slice %arg3[%add3A, %add3A_225, %dma_start3A_305] : memref<32x125x80xi32, #tpu.memory_space<hbm>> -> memref<1x1x80xi32, #tpu.memory_space<hbm>>
      %dma_start3A_307 = tpu.memref_squeeze %dma_start3A_306 : memref<1x1x80xi32, #tpu.memory_space<hbm>> -> memref<1x80xi32, #tpu.memory_space<hbm>>
      tpu.enqueue_dma source(%dma_start3A_307 : memref<1x80xi32, #tpu.memory_space<hbm>>) target(%arg11 : memref<1x80xi32, #tpu.memory_space<vmem>>) target_semaphore(%arg30 : memref<!tpu.dma_semaphore, #tpu.memory_space<semaphore_mem>>)
      %dma_start3A_308 = arith.constant 0 : i32
      %dma_start3A_309 = tpu.memref_slice %arg4[%add3A, %add3A_225, %dma_start3A_308] : memref<32x125x80xi32, #tpu.memory_space<hbm>> -> memref<1x1x80xi32, #tpu.memory_space<hbm>>
      %dma_start3A_310 = tpu.memref_squeeze %dma_start3A_309 : memref<1x1x80xi32, #tpu.memory_space<hbm>> -> memref<1x80xi32, #tpu.memory_space<hbm>>
      %dma_start3A_311 = arith.constant 0 : i32
      %dma_start3A_312 = tpu.memref_slice %arg4[%add3A, %add3A_225, %dma_start3A_311] : memref<32x125x80xi32, #tpu.memory_space<hbm>> -> memref<1x1x80xi32, #tpu.memory_space<hbm>>
      %dma_start3A_313 = tpu.memref_squeeze %dma_start3A_312 : memref<1x1x80xi32, #tpu.memory_space<hbm>> -> memref<1x80xi32, #tpu.memory_space<hbm>>
      tpu.enqueue_dma source(%dma_start3A_313 : memref<1x80xi32, #tpu.memory_space<hbm>>) target(%arg17 : memref<1x80xi32, #tpu.memory_space<vmem>>) target_semaphore(%arg30 : memref<!tpu.dma_semaphore, #tpu.memory_space<semaphore_mem>>)
    } else {
    }
    %dma_wait3A_229 = arith.constant 0 : i32
    %dma_wait3A_230 = arith.constant 0 : i32
    %dma_wait3A_231 = tpu.memref_slice %arg10[%dma_wait3A_229, %dma_wait3A_230] : memref<1x80xi32, #tpu.memory_space<vmem>> -> memref<1x80xi32, #tpu.memory_space<vmem>>
    %dma_wait3A_232 = tpu.memref_squeeze %dma_wait3A_231 : memref<1x80xi32, #tpu.memory_space<vmem>> -> memref<80xi32, #tpu.memory_space<vmem>>
    %dma_wait3A_233 = arith.constant 0 : i32
    %dma_wait3A_234 = arith.constant 0 : i32
    %dma_wait3A_235 = tpu.memref_slice %arg2[%dma_wait3A_233, %dma_wait3A_234] : memref<10000x128xf32, #tpu.memory_space<hbm>> -> memref<10000x128xf32, #tpu.memory_space<hbm>>
    tpu.wait_indirect_dma semaphore(%arg24 : memref<!tpu.dma_semaphore, #tpu.memory_space<semaphore_mem>>) src(%dma_wait3A_235 : memref<10000x128xf32, #tpu.memory_space<hbm>>) dst(%arg20 : memref<80x128xf32, #tpu.memory_space<vmem>>)
    %dma_start3A_236 = arith.constant 0 : i32
    %dma_start3A_237 = arith.constant 0 : i32
    %dma_start3A_238 = tpu.memref_slice %arg16[%dma_start3A_236, %dma_start3A_237] : memref<1x80xi32, #tpu.memory_space<vmem>> -> memref<1x80xi32, #tpu.memory_space<vmem>>
    %dma_start3A_239 = tpu.memref_squeeze %dma_start3A_238 : memref<1x80xi32, #tpu.memory_space<vmem>> -> memref<80xi32, #tpu.memory_space<vmem>>
    %dma_start3A_240 = arith.constant 0 : i32
    %dma_start3A_241 = arith.constant 0 : i32
    %dma_start3A_242 = tpu.memref_slice %arg21[%dma_start3A_240, %dma_start3A_241] : memref<10000x128xf32, #tpu.memory_space<vmem_shared>> -> memref<10000x128xf32, #tpu.memory_space<vmem_shared>>
    tpu.enqueue_indirect_dma source(%arg20 : memref<80x128xf32, #tpu.memory_space<vmem>>) target(%dma_start3A_242 : memref<10000x128xf32, #tpu.memory_space<vmem_shared>>) offsets(%dma_start3A_239 : memref<80xi32, #tpu.memory_space<vmem>>) semaphore(%arg27 : memref<!tpu.dma_semaphore, #tpu.memory_space<semaphore_mem>>) {add = true}
    %dma_wait3A_243 = arith.constant 0 : i32
    %dma_wait3A_244 = arith.constant 0 : i32
    %dma_wait3A_245 = tpu.memref_slice %arg16[%dma_wait3A_243, %dma_wait3A_244] : memref<1x80xi32, #tpu.memory_space<vmem>> -> memref<1x80xi32, #tpu.memory_space<vmem>>
    %dma_wait3A_246 = tpu.memref_squeeze %dma_wait3A_245 : memref<1x80xi32, #tpu.memory_space<vmem>> -> memref<80xi32, #tpu.memory_space<vmem>>
    %dma_wait3A_247 = arith.constant 0 : i32
    %dma_wait3A_248 = arith.constant 0 : i32
    %dma_wait3A_249 = tpu.memref_slice %arg21[%dma_wait3A_247, %dma_wait3A_248] : memref<10000x128xf32, #tpu.memory_space<vmem_shared>> -> memref<10000x128xf32, #tpu.memory_space<vmem_shared>>
    tpu.wait_indirect_dma semaphore(%arg27 : memref<!tpu.dma_semaphore, #tpu.memory_space<semaphore_mem>>) src(%arg20 : memref<80x128xf32, #tpu.memory_space<vmem>>) dst(%dma_wait3A_249 : memref<10000x128xf32, #tpu.memory_space<vmem_shared>>)
    %convert_element_type3A_250 = arith.extui %lt3A_223 : i1 to i32
    %cond3A_251 = arith.constant 0 : i32
    %cond3A_252 = arith.cmpi ne, %convert_element_type3A_250, %cond3A_251 : i32
    scf.if %cond3A_252 {
      %dma_wait3A_302 = arith.constant 0 : i32
      %dma_wait3A_303 = tpu.memref_slice %arg3[%add3A, %add3A_225, %dma_wait3A_302] : memref<32x125x80xi32, #tpu.memory_space<hbm>> -> memref<1x1x80xi32, #tpu.memory_space<hbm>>
      %dma_wait3A_304 = tpu.memref_squeeze %dma_wait3A_303 : memref<1x1x80xi32, #tpu.memory_space<hbm>> -> memref<1x80xi32, #tpu.memory_space<hbm>>
      %dma_wait3A_305 = arith.constant 0 : i32
      %dma_wait3A_306 = tpu.memref_slice %arg3[%add3A, %add3A_225, %dma_wait3A_305] : memref<32x125x80xi32, #tpu.memory_space<hbm>> -> memref<1x1x80xi32, #tpu.memory_space<hbm>>
      %dma_wait3A_307 = tpu.memref_squeeze %dma_wait3A_306 : memref<1x1x80xi32, #tpu.memory_space<hbm>> -> memref<1x80xi32, #tpu.memory_space<hbm>>
      tpu.wait_dma2 semaphore(%arg30 : memref<!tpu.dma_semaphore, #tpu.memory_space<semaphore_mem>>) src(%dma_wait3A_307 : memref<1x80xi32, #tpu.memory_space<hbm>>) dst(%arg11 : memref<1x80xi32, #tpu.memory_space<vmem>>)
      %dma_wait3A_308 = arith.constant 0 : i32
      %dma_wait3A_309 = tpu.memref_slice %arg4[%add3A, %add3A_225, %dma_wait3A_308] : memref<32x125x80xi32, #tpu.memory_space<hbm>> -> memref<1x1x80xi32, #tpu.memory_space<hbm>>
      %dma_wait3A_310 = tpu.memref_squeeze %dma_wait3A_309 : memref<1x1x80xi32, #tpu.memory_space<hbm>> -> memref<1x80xi32, #tpu.memory_space<hbm>>
      %dma_wait3A_311 = arith.constant 0 : i32
      %dma_wait3A_312 = tpu.memref_slice %arg4[%add3A, %add3A_225, %dma_wait3A_311] : memref<32x125x80xi32, #tpu.memory_space<hbm>> -> memref<1x1x80xi32, #tpu.memory_space<hbm>>
      %dma_wait3A_313 = tpu.memref_squeeze %dma_wait3A_312 : memref<1x1x80xi32, #tpu.memory_space<hbm>> -> memref<1x80xi32, #tpu.memory_space<hbm>>
      tpu.wait_dma2 semaphore(%arg30 : memref<!tpu.dma_semaphore, #tpu.memory_space<semaphore_mem>>) src(%dma_wait3A_313 : memref<1x80xi32, #tpu.memory_space<hbm>>) dst(%arg17 : memref<1x80xi32, #tpu.memory_space<vmem>>)
      %dma_start3A_314 = arith.constant 0 : i32
      %dma_start3A_315 = arith.constant 0 : i32
      %dma_start3A_316 = tpu.memref_slice %arg11[%dma_start3A_314, %dma_start3A_315] : memref<1x80xi32, #tpu.memory_space<vmem>> -> memref<1x80xi32, #tpu.memory_space<vmem>>
      %dma_start3A_317 = tpu.memref_squeeze %dma_start3A_316 : memref<1x80xi32, #tpu.memory_space<vmem>> -> memref<80xi32, #tpu.memory_space<vmem>>
      %dma_start3A_318 = arith.constant 0 : i32
      %dma_start3A_319 = arith.constant 0 : i32
      %dma_start3A_320 = tpu.memref_slice %arg2[%dma_start3A_318, %dma_start3A_319] : memref<10000x128xf32, #tpu.memory_space<hbm>> -> memref<10000x128xf32, #tpu.memory_space<hbm>>
      tpu.enqueue_indirect_dma source(%dma_start3A_320 : memref<10000x128xf32, #tpu.memory_space<hbm>>) target(%arg20 : memref<80x128xf32, #tpu.memory_space<vmem>>) offsets(%dma_start3A_317 : memref<80xi32, #tpu.memory_space<vmem>>) semaphore(%arg24 : memref<!tpu.dma_semaphore, #tpu.memory_space<semaphore_mem>>)
    } else {
    }
    %scan3A_253 = arith.constant 1 : i32
    %dma_wait3A_254 = arith.constant 0 : i32
    %dma_wait3A_255 = arith.constant 0 : i32
    %dma_wait3A_256 = tpu.memref_slice %arg7[%dma_wait3A_254, %dma_wait3A_255] : memref<1x80xi32, #tpu.memory_space<vmem>> -> memref<1x80xi32, #tpu.memory_space<vmem>>
    %dma_wait3A_257 = tpu.memref_squeeze %dma_wait3A_256 : memref<1x80xi32, #tpu.memory_space<vmem>> -> memref<80xi32, #tpu.memory_space<vmem>>
    %dma_wait3A_258 = arith.constant 0 : i32
    %dma_wait3A_259 = arith.constant 0 : i32
    %dma_wait3A_260 = tpu.memref_slice %arg2[%dma_wait3A_258, %dma_wait3A_259] : memref<10000x128xf32, #tpu.memory_space<hbm>> -> memref<10000x128xf32, #tpu.memory_space<hbm>>
    tpu.wait_indirect_dma semaphore(%arg22 : memref<!tpu.dma_semaphore, #tpu.memory_space<semaphore_mem>>) src(%dma_wait3A_260 : memref<10000x128xf32, #tpu.memory_space<hbm>>) dst(%arg18 : memref<80x128xf32, #tpu.memory_space<vmem>>)
    %dma_start3A_261 = arith.constant 0 : i32
    %dma_start3A_262 = arith.constant 0 : i32
    %dma_start3A_263 = tpu.memref_slice %arg13[%dma_start3A_261, %dma_start3A_262] : memref<1x80xi32, #tpu.memory_space<vmem>> -> memref<1x80xi32, #tpu.memory_space<vmem>>
    %dma_start3A_264 = tpu.memref_squeeze %dma_start3A_263 : memref<1x80xi32, #tpu.memory_space<vmem>> -> memref<80xi32, #tpu.memory_space<vmem>>
    %dma_start3A_265 = arith.constant 0 : i32
    %dma_start3A_266 = arith.constant 0 : i32
    %dma_start3A_267 = tpu.memref_slice %arg21[%dma_start3A_265, %dma_start3A_266] : memref<10000x128xf32, #tpu.memory_space<vmem_shared>> -> memref<10000x128xf32, #tpu.memory_space<vmem_shared>>
    tpu.enqueue_indirect_dma source(%arg18 : memref<80x128xf32, #tpu.memory_space<vmem>>) target(%dma_start3A_267 : memref<10000x128xf32, #tpu.memory_space<vmem_shared>>) offsets(%dma_start3A_264 : memref<80xi32, #tpu.memory_space<vmem>>) semaphore(%arg25 : memref<!tpu.dma_semaphore, #tpu.memory_space<semaphore_mem>>) {add = true}
    %dma_wait3A_268 = arith.constant 0 : i32
    %dma_wait3A_269 = arith.constant 0 : i32
    %dma_wait3A_270 = tpu.memref_slice %arg13[%dma_wait3A_268, %dma_wait3A_269] : memref<1x80xi32, #tpu.memory_space<vmem>> -> memref<1x80xi32, #tpu.memory_space<vmem>>
    %dma_wait3A_271 = tpu.memref_squeeze %dma_wait3A_270 : memref<1x80xi32, #tpu.memory_space<vmem>> -> memref<80xi32, #tpu.memory_space<vmem>>
    %dma_wait3A_272 = arith.constant 0 : i32
    %dma_wait3A_273 = arith.constant 0 : i32
    %dma_wait3A_274 = tpu.memref_slice %arg21[%dma_wait3A_272, %dma_wait3A_273] : memref<10000x128xf32, #tpu.memory_space<vmem_shared>> -> memref<10000x128xf32, #tpu.memory_space<vmem_shared>>
    tpu.wait_indirect_dma semaphore(%arg25 : memref<!tpu.dma_semaphore, #tpu.memory_space<semaphore_mem>>) src(%arg18 : memref<80x128xf32, #tpu.memory_space<vmem>>) dst(%dma_wait3A_274 : memref<10000x128xf32, #tpu.memory_space<vmem_shared>>)
    %dma_wait3A_275 = arith.constant 0 : i32
    %dma_wait3A_276 = arith.constant 0 : i32
    %dma_wait3A_277 = tpu.memref_slice %arg9[%dma_wait3A_275, %dma_wait3A_276] : memref<1x80xi32, #tpu.memory_space<vmem>> -> memref<1x80xi32, #tpu.memory_space<vmem>>
    %dma_wait3A_278 = tpu.memref_squeeze %dma_wait3A_277 : memref<1x80xi32, #tpu.memory_space<vmem>> -> memref<80xi32, #tpu.memory_space<vmem>>
    %dma_wait3A_279 = arith.constant 0 : i32
    %dma_wait3A_280 = arith.constant 0 : i32
    %dma_wait3A_281 = tpu.memref_slice %arg2[%dma_wait3A_279, %dma_wait3A_280] : memref<10000x128xf32, #tpu.memory_space<hbm>> -> memref<10000x128xf32, #tpu.memory_space<hbm>>
    tpu.wait_indirect_dma semaphore(%arg23 : memref<!tpu.dma_semaphore, #tpu.memory_space<semaphore_mem>>) src(%dma_wait3A_281 : memref<10000x128xf32, #tpu.memory_space<hbm>>) dst(%arg19 : memref<80x128xf32, #tpu.memory_space<vmem>>)
    %dma_start3A_282 = arith.constant 0 : i32
    %dma_start3A_283 = arith.constant 0 : i32
    %dma_start3A_284 = tpu.memref_slice %arg15[%dma_start3A_282, %dma_start3A_283] : memref<1x80xi32, #tpu.memory_space<vmem>> -> memref<1x80xi32, #tpu.memory_space<vmem>>
    %dma_start3A_285 = tpu.memref_squeeze %dma_start3A_284 : memref<1x80xi32, #tpu.memory_space<vmem>> -> memref<80xi32, #tpu.memory_space<vmem>>
    %dma_start3A_286 = arith.constant 0 : i32
    %dma_start3A_287 = arith.constant 0 : i32
    %dma_start3A_288 = tpu.memref_slice %arg21[%dma_start3A_286, %dma_start3A_287] : memref<10000x128xf32, #tpu.memory_space<vmem_shared>> -> memref<10000x128xf32, #tpu.memory_space<vmem_shared>>
    tpu.enqueue_indirect_dma source(%arg19 : memref<80x128xf32, #tpu.memory_space<vmem>>) target(%dma_start3A_288 : memref<10000x128xf32, #tpu.memory_space<vmem_shared>>) offsets(%dma_start3A_285 : memref<80xi32, #tpu.memory_space<vmem>>) semaphore(%arg26 : memref<!tpu.dma_semaphore, #tpu.memory_space<semaphore_mem>>) {add = true}
    %dma_wait3A_289 = arith.constant 0 : i32
    %dma_wait3A_290 = arith.constant 0 : i32
    %dma_wait3A_291 = tpu.memref_slice %arg15[%dma_wait3A_289, %dma_wait3A_290] : memref<1x80xi32, #tpu.memory_space<vmem>> -> memref<1x80xi32, #tpu.memory_space<vmem>>
    %dma_wait3A_292 = tpu.memref_squeeze %dma_wait3A_291 : memref<1x80xi32, #tpu.memory_space<vmem>> -> memref<80xi32, #tpu.memory_space<vmem>>
    %dma_wait3A_293 = arith.constant 0 : i32
    %dma_wait3A_294 = arith.constant 0 : i32
    %dma_wait3A_295 = tpu.memref_slice %arg21[%dma_wait3A_293, %dma_wait3A_294] : memref<10000x128xf32, #tpu.memory_space<vmem_shared>> -> memref<10000x128xf32, #tpu.memory_space<vmem_shared>>
    tpu.wait_indirect_dma semaphore(%arg26 : memref<!tpu.dma_semaphore, #tpu.memory_space<semaphore_mem>>) src(%arg19 : memref<80x128xf32, #tpu.memory_space<vmem>>) dst(%dma_wait3A_295 : memref<10000x128xf32, #tpu.memory_space<vmem_shared>>)
    %barrier3A_296 = arith.constant 0 : index
    tpu.barrier barrier_id(%barrier3A_296)
    "tpu.region"() ({
      %run_scoped3A = tpu.sem_alloc : memref<!tpu.dma_semaphore, #tpu.memory_space<semaphore_mem>>
      %dma_start3A_302 = arith.constant 0 : i32
      %dma_start3A_303 = tpu.memref_slice %arg5[%arg0, %add3A_57, %dma_start3A_302] : memref<2x10000x128xf32, #tpu.memory_space<hbm>> -> memref<1x624x128xf32, #tpu.memory_space<hbm>>
      %dma_start3A_304 = tpu.memref_squeeze %dma_start3A_303 : memref<1x624x128xf32, #tpu.memory_space<hbm>> -> memref<624x128xf32, #tpu.memory_space<hbm>>
      %dma_start3A_305 = arith.constant 0 : i32
      %dma_start3A_306 = tpu.memref_slice %arg21[%add3A_57, %dma_start3A_305] : memref<10000x128xf32, #tpu.memory_space<vmem_shared>> -> memref<624x128xf32, #tpu.memory_space<vmem_shared>>
      tpu.enqueue_dma source(%dma_start3A_306 : memref<624x128xf32, #tpu.memory_space<vmem_shared>>) target(%dma_start3A_304 : memref<624x128xf32, #tpu.memory_space<hbm>>) target_semaphore(%run_scoped3A : memref<!tpu.dma_semaphore, #tpu.memory_space<semaphore_mem>>)
      %dma_wait3A_307 = arith.constant 0 : i32
      %dma_wait3A_308 = tpu.memref_slice %arg5[%arg0, %add3A_57, %dma_wait3A_307] : memref<2x10000x128xf32, #tpu.memory_space<hbm>> -> memref<1x624x128xf32, #tpu.memory_space<hbm>>
      %dma_wait3A_309 = tpu.memref_squeeze %dma_wait3A_308 : memref<1x624x128xf32, #tpu.memory_space<hbm>> -> memref<624x128xf32, #tpu.memory_space<hbm>>
      %dma_wait3A_310 = arith.constant 0 : i32
      %dma_wait3A_311 = tpu.memref_slice %arg21[%add3A_57, %dma_wait3A_310] : memref<10000x128xf32, #tpu.memory_space<vmem_shared>> -> memref<624x128xf32, #tpu.memory_space<vmem_shared>>
      tpu.wait_dma2 semaphore(%run_scoped3A : memref<!tpu.dma_semaphore, #tpu.memory_space<semaphore_mem>>) src(%dma_wait3A_311 : memref<624x128xf32, #tpu.memory_space<vmem_shared>>) dst(%dma_wait3A_309 : memref<624x128xf32, #tpu.memory_space<hbm>>)
      tpu.yield
    }) : () -> ()
    %lt3A_297 = arith.constant 2 : i32
    %lt3A_298 = arith.cmpi slt, %arg1, %lt3A_297 : i32
    %convert_element_type3A_299 = arith.extui %lt3A_298 : i1 to i32
    %cond3A_300 = arith.constant 0 : i32
    %cond3A_301 = arith.cmpi ne, %convert_element_type3A_299, %cond3A_300 : i32
    scf.if %cond3A_301 {
      %add3A_302 = arith.constant 624 : i32
      %add3A_303 = arith.addi %add3A_57, %add3A_302 : i32
      %add3A_304 = arith.constant 624 : i32
      %add3A_305 = arith.addi %add3A_57, %add3A_304 : i32
      "tpu.region"() ({
        %run_scoped3A = tpu.sem_alloc : memref<!tpu.dma_semaphore, #tpu.memory_space<semaphore_mem>>
        %dma_start3A_306 = arith.constant 0 : i32
        %dma_start3A_307 = tpu.memref_slice %arg5[%arg0, %add3A_305, %dma_start3A_306] : memref<2x10000x128xf32, #tpu.memory_space<hbm>> -> memref<1x8x128xf32, #tpu.memory_space<hbm>>
        %dma_start3A_308 = tpu.memref_squeeze %dma_start3A_307 : memref<1x8x128xf32, #tpu.memory_space<hbm>> -> memref<8x128xf32, #tpu.memory_space<hbm>>
        %dma_start3A_309 = arith.constant 0 : i32
        %dma_start3A_310 = tpu.memref_slice %arg21[%add3A_303, %dma_start3A_309] : memref<10000x128xf32, #tpu.memory_space<vmem_shared>> -> memref<8x128xf32, #tpu.memory_space<vmem_shared>>
        tpu.enqueue_dma source(%dma_start3A_310 : memref<8x128xf32, #tpu.memory_space<vmem_shared>>) target(%dma_start3A_308 : memref<8x128xf32, #tpu.memory_space<hbm>>) target_semaphore(%run_scoped3A : memref<!tpu.dma_semaphore, #tpu.memory_space<semaphore_mem>>)
        %dma_wait3A_311 = arith.constant 0 : i32
        %dma_wait3A_312 = tpu.memref_slice %arg5[%arg0, %add3A_305, %dma_wait3A_311] : memref<2x10000x128xf32, #tpu.memory_space<hbm>> -> memref<1x8x128xf32, #tpu.memory_space<hbm>>
        %dma_wait3A_313 = tpu.memref_squeeze %dma_wait3A_312 : memref<1x8x128xf32, #tpu.memory_space<hbm>> -> memref<8x128xf32, #tpu.memory_space<hbm>>
        %dma_wait3A_314 = arith.constant 0 : i32
        %dma_wait3A_315 = tpu.memref_slice %arg21[%add3A_303, %dma_wait3A_314] : memref<10000x128xf32, #tpu.memory_space<vmem_shared>> -> memref<8x128xf32, #tpu.memory_space<vmem_shared>>
        tpu.wait_dma2 semaphore(%run_scoped3A : memref<!tpu.dma_semaphore, #tpu.memory_space<semaphore_mem>>) src(%dma_wait3A_315 : memref<8x128xf32, #tpu.memory_space<vmem_shared>>) dst(%dma_wait3A_313 : memref<8x128xf32, #tpu.memory_space<hbm>>)
        tpu.yield
      }) : () -> ()
    } else {
    }
    return
  }
}

#map = affine_map<(d0, d1) -> (0, 0, 0)>
module attributes {stable_mosaic.version = 14 : i64} {
  func.func @_deg_scatter_body(%arg0: i32, %arg1: i32, %arg2: memref<32x125x80xi32, #tpu.memory_space<hbm>>, %arg3: memref<2x10000x128xf32, #tpu.memory_space<hbm>>, %arg4: memref<125x80xi32, #tpu.memory_space<vmem>>, %arg5: memref<80x128xf32, #tpu.memory_space<vmem>>, %arg6: memref<10000x128xf32, #tpu.memory_space<vmem_shared>>, %arg7: memref<!tpu.dma_semaphore, #tpu.memory_space<semaphore_mem>>, %arg8: memref<!tpu.dma_semaphore, #tpu.memory_space<semaphore_mem>>, %arg9: memref<!tpu.dma_semaphore, #tpu.memory_space<semaphore_mem>>, %arg10: memref<!tpu.dma_semaphore, #tpu.memory_space<semaphore_mem>>, %arg11: memref<!tpu.dma_semaphore, #tpu.memory_space<semaphore_mem>>) attributes {dimension_semantics = [#tpu.dimension_semantics<core_parallel>, #tpu.dimension_semantics<subcore_parallel>], iteration_bounds = array<i64: 2, 16>, scalar_prefetch = 0 : i64, scratch_operands = 8 : i64, tpu.core_type = #tpu.core_type<sc_vector_subcore>, window_params = [{transform_indices = #map}, {transform_indices = #map}]} {
    %mul3A = arith.constant 16 : i32
    %mul3A_0 = arith.muli %arg0, %mul3A : i32
    %add3A = arith.addi %mul3A_0, %arg1 : i32
    %dma_start3A = arith.constant 0 : i32
    %dma_start3A_1 = arith.constant 0 : i32
    %dma_start3A_2 = tpu.memref_slice %arg2[%add3A, %dma_start3A, %dma_start3A_1] : memref<32x125x80xi32, #tpu.memory_space<hbm>> -> memref<1x125x80xi32, #tpu.memory_space<hbm>>
    %dma_start3A_3 = tpu.memref_squeeze %dma_start3A_2 : memref<1x125x80xi32, #tpu.memory_space<hbm>> -> memref<125x80xi32, #tpu.memory_space<hbm>>
    %dma_start3A_4 = arith.constant 0 : i32
    %dma_start3A_5 = arith.constant 0 : i32
    %dma_start3A_6 = tpu.memref_slice %arg2[%add3A, %dma_start3A_4, %dma_start3A_5] : memref<32x125x80xi32, #tpu.memory_space<hbm>> -> memref<1x125x80xi32, #tpu.memory_space<hbm>>
    %dma_start3A_7 = tpu.memref_squeeze %dma_start3A_6 : memref<1x125x80xi32, #tpu.memory_space<hbm>> -> memref<125x80xi32, #tpu.memory_space<hbm>>
    tpu.enqueue_dma source(%dma_start3A_7 : memref<125x80xi32, #tpu.memory_space<hbm>>) target(%arg4 : memref<125x80xi32, #tpu.memory_space<vmem>>) target_semaphore(%arg7 : memref<!tpu.dma_semaphore, #tpu.memory_space<semaphore_mem>>)
    %scan3A = arith.constant 0 : i32
    %scan3A_8 = arith.constant 80 : i32
    %scan3A_9 = arith.addi %scan3A, %scan3A_8 : i32
    %scan3A_10 = arith.constant 1 : i32
    scf.for %scan3A_88 = %scan3A to %scan3A_9 step %scan3A_10  : i32 {
      %mul3A_89 = arith.constant 1 : i32
      %mul3A_90 = arith.muli %scan3A_88, %mul3A_89 : i32
      %add3A_91 = arith.constant 0 : i32
      %add3A_92 = arith.addi %add3A_91, %mul3A_90 : i32
      %broadcast_in_dim3A = arith.constant 0.000000e+00 : f32
      %broadcast_in_dim3A_93 = vector.broadcast %broadcast_in_dim3A : f32 to vector<16xf32>
      %swap3A = arith.index_cast %add3A_92 : i32 to index
      %swap3A_94 = arith.constant 0 : index
      %swap3A_95 = tpu.vector_load %arg5[%swap3A, %swap3A_94] {strides = array<i32>} : memref<80x128xf32, #tpu.memory_space<vmem>>, vector<1x16xf32>,
      %swap3A_96 = vector.shape_cast %swap3A_95 : vector<1x16xf32> to vector<16xf32>
      %swap3A_97 = vector.shape_cast %broadcast_in_dim3A_93 : vector<16xf32> to vector<1x16xf32>
      tpu.vector_store %arg5[%swap3A, %swap3A_94], %swap3A_97 {strides = array<i32>} : memref<80x128xf32, #tpu.memory_space<vmem>>, vector<1x16xf32>,
      %broadcast_in_dim3A_98 = arith.constant 0.000000e+00 : f32
      %broadcast_in_dim3A_99 = vector.broadcast %broadcast_in_dim3A_98 : f32 to vector<16xf32>
      %swap3A_100 = arith.index_cast %add3A_92 : i32 to index
      %swap3A_101 = arith.constant 16 : index
      %swap3A_102 = tpu.vector_load %arg5[%swap3A_100, %swap3A_101] {strides = array<i32>} : memref<80x128xf32, #tpu.memory_space<vmem>>, vector<1x16xf32>,
      %swap3A_103 = vector.shape_cast %swap3A_102 : vector<1x16xf32> to vector<16xf32>
      %swap3A_104 = vector.shape_cast %broadcast_in_dim3A_99 : vector<16xf32> to vector<1x16xf32>
      tpu.vector_store %arg5[%swap3A_100, %swap3A_101], %swap3A_104 {strides = array<i32>} : memref<80x128xf32, #tpu.memory_space<vmem>>, vector<1x16xf32>,
      %broadcast_in_dim3A_105 = arith.constant 0.000000e+00 : f32
      %broadcast_in_dim3A_106 = vector.broadcast %broadcast_in_dim3A_105 : f32 to vector<16xf32>
      %swap3A_107 = arith.index_cast %add3A_92 : i32 to index
      %swap3A_108 = arith.constant 32 : index
      %swap3A_109 = tpu.vector_load %arg5[%swap3A_107, %swap3A_108] {strides = array<i32>} : memref<80x128xf32, #tpu.memory_space<vmem>>, vector<1x16xf32>,
      %swap3A_110 = vector.shape_cast %swap3A_109 : vector<1x16xf32> to vector<16xf32>
      %swap3A_111 = vector.shape_cast %broadcast_in_dim3A_106 : vector<16xf32> to vector<1x16xf32>
      tpu.vector_store %arg5[%swap3A_107, %swap3A_108], %swap3A_111 {strides = array<i32>} : memref<80x128xf32, #tpu.memory_space<vmem>>, vector<1x16xf32>,
      %broadcast_in_dim3A_112 = arith.constant 0.000000e+00 : f32
      %broadcast_in_dim3A_113 = vector.broadcast %broadcast_in_dim3A_112 : f32 to vector<16xf32>
      %swap3A_114 = arith.index_cast %add3A_92 : i32 to index
      %swap3A_115 = arith.constant 48 : index
      %swap3A_116 = tpu.vector_load %arg5[%swap3A_114, %swap3A_115] {strides = array<i32>} : memref<80x128xf32, #tpu.memory_space<vmem>>, vector<1x16xf32>,
      %swap3A_117 = vector.shape_cast %swap3A_116 : vector<1x16xf32> to vector<16xf32>
      %swap3A_118 = vector.shape_cast %broadcast_in_dim3A_113 : vector<16xf32> to vector<1x16xf32>
      tpu.vector_store %arg5[%swap3A_114, %swap3A_115], %swap3A_118 {strides = array<i32>} : memref<80x128xf32, #tpu.memory_space<vmem>>, vector<1x16xf32>,
      %broadcast_in_dim3A_119 = arith.constant 0.000000e+00 : f32
      %broadcast_in_dim3A_120 = vector.broadcast %broadcast_in_dim3A_119 : f32 to vector<16xf32>
      %swap3A_121 = arith.index_cast %add3A_92 : i32 to index
      %swap3A_122 = arith.constant 64 : index
      %swap3A_123 = tpu.vector_load %arg5[%swap3A_121, %swap3A_122] {strides = array<i32>} : memref<80x128xf32, #tpu.memory_space<vmem>>, vector<1x16xf32>,
      %swap3A_124 = vector.shape_cast %swap3A_123 : vector<1x16xf32> to vector<16xf32>
      %swap3A_125 = vector.shape_cast %broadcast_in_dim3A_120 : vector<16xf32> to vector<1x16xf32>
      tpu.vector_store %arg5[%swap3A_121, %swap3A_122], %swap3A_125 {strides = array<i32>} : memref<80x128xf32, #tpu.memory_space<vmem>>, vector<1x16xf32>,
      %broadcast_in_dim3A_126 = arith.constant 0.000000e+00 : f32
      %broadcast_in_dim3A_127 = vector.broadcast %broadcast_in_dim3A_126 : f32 to vector<16xf32>
      %swap3A_128 = arith.index_cast %add3A_92 : i32 to index
      %swap3A_129 = arith.constant 80 : index
      %swap3A_130 = tpu.vector_load %arg5[%swap3A_128, %swap3A_129] {strides = array<i32>} : memref<80x128xf32, #tpu.memory_space<vmem>>, vector<1x16xf32>,
      %swap3A_131 = vector.shape_cast %swap3A_130 : vector<1x16xf32> to vector<16xf32>
      %swap3A_132 = vector.shape_cast %broadcast_in_dim3A_127 : vector<16xf32> to vector<1x16xf32>
      tpu.vector_store %arg5[%swap3A_128, %swap3A_129], %swap3A_132 {strides = array<i32>} : memref<80x128xf32, #tpu.memory_space<vmem>>, vector<1x16xf32>,
      %broadcast_in_dim3A_133 = arith.constant 0.000000e+00 : f32
      %broadcast_in_dim3A_134 = vector.broadcast %broadcast_in_dim3A_133 : f32 to vector<16xf32>
      %swap3A_135 = arith.index_cast %add3A_92 : i32 to index
      %swap3A_136 = arith.constant 96 : index
      %swap3A_137 = tpu.vector_load %arg5[%swap3A_135, %swap3A_136] {strides = array<i32>} : memref<80x128xf32, #tpu.memory_space<vmem>>, vector<1x16xf32>,
      %swap3A_138 = vector.shape_cast %swap3A_137 : vector<1x16xf32> to vector<16xf32>
      %swap3A_139 = vector.shape_cast %broadcast_in_dim3A_134 : vector<16xf32> to vector<1x16xf32>
      tpu.vector_store %arg5[%swap3A_135, %swap3A_136], %swap3A_139 {strides = array<i32>} : memref<80x128xf32, #tpu.memory_space<vmem>>, vector<1x16xf32>,
      %broadcast_in_dim3A_140 = arith.constant 0.000000e+00 : f32
      %broadcast_in_dim3A_141 = vector.broadcast %broadcast_in_dim3A_140 : f32 to vector<16xf32>
      %swap3A_142 = arith.index_cast %add3A_92 : i32 to index
      %swap3A_143 = arith.constant 112 : index
      %swap3A_144 = tpu.vector_load %arg5[%swap3A_142, %swap3A_143] {strides = array<i32>} : memref<80x128xf32, #tpu.memory_space<vmem>>, vector<1x16xf32>,
      %swap3A_145 = vector.shape_cast %swap3A_144 : vector<1x16xf32> to vector<16xf32>
      %swap3A_146 = vector.shape_cast %broadcast_in_dim3A_141 : vector<16xf32> to vector<1x16xf32>
      tpu.vector_store %arg5[%swap3A_142, %swap3A_143], %swap3A_146 {strides = array<i32>} : memref<80x128xf32, #tpu.memory_space<vmem>>, vector<1x16xf32>,
    }
    %scan3A_11 = arith.constant 80 : i32
    %mul3A_12 = arith.constant 624 : i32
    %mul3A_13 = arith.muli %arg1, %mul3A_12 : i32
    %min3A = arith.constant 2 : i32
    %min3A_14 = arith.minsi %arg1, %min3A : i32
    %mul3A_15 = arith.constant 8 : i32
    %mul3A_16 = arith.muli %min3A_14, %mul3A_15 : i32
    %add3A_17 = arith.addi %mul3A_13, %mul3A_16 : i32
    %scan3A_18 = arith.constant 0 : i32
    %scan3A_19 = arith.constant 8 : i32
    %scan3A_20 = arith.addi %scan3A_18, %scan3A_19 : i32
    %scan3A_21 = arith.constant 1 : i32
    scf.for %scan3A_88 = %scan3A_18 to %scan3A_20 step %scan3A_21  : i32 {
      %mul3A_89 = arith.constant 78 : i32
      %mul3A_90 = arith.muli %scan3A_88, %mul3A_89 : i32
      %add3A_91 = arith.constant 0 : i32
      %add3A_92 = arith.addi %add3A_91, %mul3A_90 : i32
      %add3A_93 = arith.addi %add3A_17, %add3A_92 : i32
      %dma_start3A_94 = arith.constant 0 : i32
      %dma_start3A_95 = arith.constant 0 : i32
      %dma_start3A_96 = tpu.memref_slice %arg5[%dma_start3A_94, %dma_start3A_95] : memref<80x128xf32, #tpu.memory_space<vmem>> -> memref<78x128xf32, #tpu.memory_space<vmem>>
      %dma_start3A_97 = arith.constant 0 : i32
      %dma_start3A_98 = tpu.memref_slice %arg6[%add3A_93, %dma_start3A_97] : memref<10000x128xf32, #tpu.memory_space<vmem_shared>> -> memref<78x128xf32, #tpu.memory_space<vmem_shared>>
      %dma_start3A_99 = arith.constant 0 : i32
      %dma_start3A_100 = tpu.memref_slice %arg6[%add3A_93, %dma_start3A_99] : memref<10000x128xf32, #tpu.memory_space<vmem_shared>> -> memref<78x128xf32, #tpu.memory_space<vmem_shared>>
      %dma_start3A_101 = arith.constant 0 : i32
      %dma_start3A_102 = arith.constant 0 : i32
      %dma_start3A_103 = tpu.memref_slice %arg5[%dma_start3A_101, %dma_start3A_102] : memref<80x128xf32, #tpu.memory_space<vmem>> -> memref<78x128xf32, #tpu.memory_space<vmem>>
      tpu.enqueue_dma source(%dma_start3A_103 : memref<78x128xf32, #tpu.memory_space<vmem>>) target(%dma_start3A_100 : memref<78x128xf32, #tpu.memory_space<vmem_shared>>) target_semaphore(%arg8 : memref<!tpu.dma_semaphore, #tpu.memory_space<semaphore_mem>>)
    }
    %scan3A_22 = arith.constant 8 : i32
    %lt3A = arith.constant 2 : i32
    %lt3A_23 = arith.cmpi slt, %arg1, %lt3A : i32
    %convert_element_type3A = arith.extui %lt3A_23 : i1 to i32
    %cond3A = arith.constant 0 : i32
    %cond3A_24 = arith.cmpi ne, %convert_element_type3A, %cond3A : i32
    scf.if %cond3A_24 {
      %add3A_88 = arith.constant 624 : i32
      %add3A_89 = arith.addi %add3A_17, %add3A_88 : i32
      "tpu.region"() ({
        %run_scoped3A = tpu.sem_alloc : memref<!tpu.dma_semaphore, #tpu.memory_space<semaphore_mem>>
        %dma_start3A_90 = arith.constant 0 : i32
        %dma_start3A_91 = arith.constant 0 : i32
        %dma_start3A_92 = tpu.memref_slice %arg5[%dma_start3A_90, %dma_start3A_91] : memref<80x128xf32, #tpu.memory_space<vmem>> -> memref<8x128xf32, #tpu.memory_space<vmem>>
        %dma_start3A_93 = arith.constant 0 : i32
        %dma_start3A_94 = tpu.memref_slice %arg6[%add3A_89, %dma_start3A_93] : memref<10000x128xf32, #tpu.memory_space<vmem_shared>> -> memref<8x128xf32, #tpu.memory_space<vmem_shared>>
        %dma_start3A_95 = arith.constant 0 : i32
        %dma_start3A_96 = tpu.memref_slice %arg6[%add3A_89, %dma_start3A_95] : memref<10000x128xf32, #tpu.memory_space<vmem_shared>> -> memref<8x128xf32, #tpu.memory_space<vmem_shared>>
        %dma_start3A_97 = arith.constant 0 : i32
        %dma_start3A_98 = arith.constant 0 : i32
        %dma_start3A_99 = tpu.memref_slice %arg5[%dma_start3A_97, %dma_start3A_98] : memref<80x128xf32, #tpu.memory_space<vmem>> -> memref<8x128xf32, #tpu.memory_space<vmem>>
        tpu.enqueue_dma source(%dma_start3A_99 : memref<8x128xf32, #tpu.memory_space<vmem>>) target(%dma_start3A_96 : memref<8x128xf32, #tpu.memory_space<vmem_shared>>) target_semaphore(%run_scoped3A : memref<!tpu.dma_semaphore, #tpu.memory_space<semaphore_mem>>)
        %dma_wait3A_100 = arith.constant 0 : i32
        %dma_wait3A_101 = arith.constant 0 : i32
        %dma_wait3A_102 = tpu.memref_slice %arg5[%dma_wait3A_100, %dma_wait3A_101] : memref<80x128xf32, #tpu.memory_space<vmem>> -> memref<8x128xf32, #tpu.memory_space<vmem>>
        %dma_wait3A_103 = arith.constant 0 : i32
        %dma_wait3A_104 = tpu.memref_slice %arg6[%add3A_89, %dma_wait3A_103] : memref<10000x128xf32, #tpu.memory_space<vmem_shared>> -> memref<8x128xf32, #tpu.memory_space<vmem_shared>>
        %dma_wait3A_105 = arith.constant 0 : i32
        %dma_wait3A_106 = tpu.memref_slice %arg6[%add3A_89, %dma_wait3A_105] : memref<10000x128xf32, #tpu.memory_space<vmem_shared>> -> memref<8x128xf32, #tpu.memory_space<vmem_shared>>
        %dma_wait3A_107 = arith.constant 0 : i32
        %dma_wait3A_108 = arith.constant 0 : i32
        %dma_wait3A_109 = tpu.memref_slice %arg5[%dma_wait3A_107, %dma_wait3A_108] : memref<80x128xf32, #tpu.memory_space<vmem>> -> memref<8x128xf32, #tpu.memory_space<vmem>>
        tpu.wait_dma2 semaphore(%run_scoped3A : memref<!tpu.dma_semaphore, #tpu.memory_space<semaphore_mem>>) src(%dma_wait3A_109 : memref<8x128xf32, #tpu.memory_space<vmem>>) dst(%dma_wait3A_106 : memref<8x128xf32, #tpu.memory_space<vmem_shared>>)
        tpu.yield
      }) : () -> ()
    } else {
    }
    %scan3A_25 = arith.constant 0 : i32
    %scan3A_26 = arith.constant 8 : i32
    %scan3A_27 = arith.addi %scan3A_25, %scan3A_26 : i32
    %scan3A_28 = arith.constant 1 : i32
    scf.for %scan3A_88 = %scan3A_25 to %scan3A_27 step %scan3A_28  : i32 {
      %mul3A_89 = arith.constant 78 : i32
      %mul3A_90 = arith.muli %scan3A_88, %mul3A_89 : i32
      %add3A_91 = arith.constant 0 : i32
      %add3A_92 = arith.addi %add3A_91, %mul3A_90 : i32
      %add3A_93 = arith.addi %add3A_17, %add3A_92 : i32
      %dma_wait3A_94 = arith.constant 0 : i32
      %dma_wait3A_95 = arith.constant 0 : i32
      %dma_wait3A_96 = tpu.memref_slice %arg5[%dma_wait3A_94, %dma_wait3A_95] : memref<80x128xf32, #tpu.memory_space<vmem>> -> memref<78x128xf32, #tpu.memory_space<vmem>>
      %dma_wait3A_97 = arith.constant 0 : i32
      %dma_wait3A_98 = tpu.memref_slice %arg6[%add3A_93, %dma_wait3A_97] : memref<10000x128xf32, #tpu.memory_space<vmem_shared>> -> memref<78x128xf32, #tpu.memory_space<vmem_shared>>
      %dma_wait3A_99 = arith.constant 0 : i32
      %dma_wait3A_100 = tpu.memref_slice %arg6[%add3A_93, %dma_wait3A_99] : memref<10000x128xf32, #tpu.memory_space<vmem_shared>> -> memref<78x128xf32, #tpu.memory_space<vmem_shared>>
      %dma_wait3A_101 = arith.constant 0 : i32
      %dma_wait3A_102 = arith.constant 0 : i32
      %dma_wait3A_103 = tpu.memref_slice %arg5[%dma_wait3A_101, %dma_wait3A_102] : memref<80x128xf32, #tpu.memory_space<vmem>> -> memref<78x128xf32, #tpu.memory_space<vmem>>
      tpu.wait_dma2 semaphore(%arg8 : memref<!tpu.dma_semaphore, #tpu.memory_space<semaphore_mem>>) src(%dma_wait3A_103 : memref<78x128xf32, #tpu.memory_space<vmem>>) dst(%dma_wait3A_100 : memref<78x128xf32, #tpu.memory_space<vmem_shared>>)
    }
    %scan3A_29 = arith.constant 8 : i32
    %scan3A_30 = arith.constant 0 : i32
    %scan3A_31 = arith.constant 80 : i32
    %scan3A_32 = arith.addi %scan3A_30, %scan3A_31 : i32
    %scan3A_33 = arith.constant 1 : i32
    scf.for %scan3A_88 = %scan3A_30 to %scan3A_32 step %scan3A_33  : i32 {
      %mul3A_89 = arith.constant 1 : i32
      %mul3A_90 = arith.muli %scan3A_88, %mul3A_89 : i32
      %add3A_91 = arith.constant 0 : i32
      %add3A_92 = arith.addi %add3A_91, %mul3A_90 : i32
      %broadcast_in_dim3A = arith.constant 1.000000e+00 : f32
      %broadcast_in_dim3A_93 = vector.broadcast %broadcast_in_dim3A : f32 to vector<16xf32>
      %swap3A = arith.index_cast %add3A_92 : i32 to index
      %swap3A_94 = arith.constant 0 : index
      %swap3A_95 = tpu.vector_load %arg5[%swap3A, %swap3A_94] {strides = array<i32>} : memref<80x128xf32, #tpu.memory_space<vmem>>, vector<1x16xf32>,
      %swap3A_96 = vector.shape_cast %swap3A_95 : vector<1x16xf32> to vector<16xf32>
      %swap3A_97 = vector.shape_cast %broadcast_in_dim3A_93 : vector<16xf32> to vector<1x16xf32>
      tpu.vector_store %arg5[%swap3A, %swap3A_94], %swap3A_97 {strides = array<i32>} : memref<80x128xf32, #tpu.memory_space<vmem>>, vector<1x16xf32>,
    }
    %scan3A_34 = arith.constant 80 : i32
    %dma_wait3A = arith.constant 0 : i32
    %dma_wait3A_35 = arith.constant 0 : i32
    %dma_wait3A_36 = tpu.memref_slice %arg2[%add3A, %dma_wait3A, %dma_wait3A_35] : memref<32x125x80xi32, #tpu.memory_space<hbm>> -> memref<1x125x80xi32, #tpu.memory_space<hbm>>
    %dma_wait3A_37 = tpu.memref_squeeze %dma_wait3A_36 : memref<1x125x80xi32, #tpu.memory_space<hbm>> -> memref<125x80xi32, #tpu.memory_space<hbm>>
    %dma_wait3A_38 = arith.constant 0 : i32
    %dma_wait3A_39 = arith.constant 0 : i32
    %dma_wait3A_40 = tpu.memref_slice %arg2[%add3A, %dma_wait3A_38, %dma_wait3A_39] : memref<32x125x80xi32, #tpu.memory_space<hbm>> -> memref<1x125x80xi32, #tpu.memory_space<hbm>>
    %dma_wait3A_41 = tpu.memref_squeeze %dma_wait3A_40 : memref<1x125x80xi32, #tpu.memory_space<hbm>> -> memref<125x80xi32, #tpu.memory_space<hbm>>
    tpu.wait_dma2 semaphore(%arg7 : memref<!tpu.dma_semaphore, #tpu.memory_space<semaphore_mem>>) src(%dma_wait3A_41 : memref<125x80xi32, #tpu.memory_space<hbm>>) dst(%arg4 : memref<125x80xi32, #tpu.memory_space<vmem>>)
    %barrier3A = arith.constant 0 : index
    tpu.barrier barrier_id(%barrier3A)
    %scan3A_42 = arith.constant 0 : i32
    %scan3A_43 = arith.constant 25 : i32
    %scan3A_44 = arith.addi %scan3A_42, %scan3A_43 : i32
    %scan3A_45 = arith.constant 1 : i32
    scf.for %scan3A_88 = %scan3A_42 to %scan3A_44 step %scan3A_45  : i32 {
      %mul3A_89 = arith.constant 5 : i32
      %mul3A_90 = arith.muli %scan3A_88, %mul3A_89 : i32
      %add3A_91 = arith.constant 0 : i32
      %add3A_92 = arith.addi %add3A_91, %mul3A_90 : i32
      %add3A_93 = arith.constant 0 : i32
      %add3A_94 = arith.addi %add3A_92, %add3A_93 : i32
      %ge3A = arith.constant 5 : i32
      %ge3A_95 = arith.cmpi sge, %add3A_94, %ge3A : i32
      %convert_element_type3A_96 = arith.extui %ge3A_95 : i1 to i32
      %cond3A_97 = arith.constant 0 : i32
      %cond3A_98 = arith.cmpi ne, %convert_element_type3A_96, %cond3A_97 : i32
      scf.if %cond3A_98 {
        %dma_wait3A_157 = arith.constant 0 : i32
        %dma_wait3A_158 = tpu.memref_slice %arg4[%add3A_94, %dma_wait3A_157] : memref<125x80xi32, #tpu.memory_space<vmem>> -> memref<1x80xi32, #tpu.memory_space<vmem>>
        %dma_wait3A_159 = tpu.memref_squeeze %dma_wait3A_158 : memref<1x80xi32, #tpu.memory_space<vmem>> -> memref<80xi32, #tpu.memory_space<vmem>>
        %dma_wait3A_160 = arith.constant 0 : i32
        %dma_wait3A_161 = arith.constant 0 : i32
        %dma_wait3A_162 = tpu.memref_slice %arg6[%dma_wait3A_160, %dma_wait3A_161] : memref<10000x128xf32, #tpu.memory_space<vmem_shared>> -> memref<10000x128xf32, #tpu.memory_space<vmem_shared>>
        tpu.wait_indirect_dma semaphore(%arg7 : memref<!tpu.dma_semaphore, #tpu.memory_space<semaphore_mem>>) src(%arg5 : memref<80x128xf32, #tpu.memory_space<vmem>>) dst(%dma_wait3A_162 : memref<10000x128xf32, #tpu.memory_space<vmem_shared>>)
      } else {
      }
      %dma_start3A_99 = arith.constant 0 : i32
      %dma_start3A_100 = tpu.memref_slice %arg4[%add3A_94, %dma_start3A_99] : memref<125x80xi32, #tpu.memory_space<vmem>> -> memref<1x80xi32, #tpu.memory_space<vmem>>
      %dma_start3A_101 = tpu.memref_squeeze %dma_start3A_100 : memref<1x80xi32, #tpu.memory_space<vmem>> -> memref<80xi32, #tpu.memory_space<vmem>>
      %dma_start3A_102 = arith.constant 0 : i32
      %dma_start3A_103 = arith.constant 0 : i32
      %dma_start3A_104 = tpu.memref_slice %arg6[%dma_start3A_102, %dma_start3A_103] : memref<10000x128xf32, #tpu.memory_space<vmem_shared>> -> memref<10000x128xf32, #tpu.memory_space<vmem_shared>>
      tpu.enqueue_indirect_dma source(%arg5 : memref<80x128xf32, #tpu.memory_space<vmem>>) target(%dma_start3A_104 : memref<10000x128xf32, #tpu.memory_space<vmem_shared>>) offsets(%dma_start3A_101 : memref<80xi32, #tpu.memory_space<vmem>>) semaphore(%arg7 : memref<!tpu.dma_semaphore, #tpu.memory_space<semaphore_mem>>) {add = true}
      %add3A_105 = arith.constant 1 : i32
      %add3A_106 = arith.addi %add3A_92, %add3A_105 : i32
      %ge3A_107 = arith.constant 5 : i32
      %ge3A_108 = arith.cmpi sge, %add3A_106, %ge3A_107 : i32
      %convert_element_type3A_109 = arith.extui %ge3A_108 : i1 to i32
      %cond3A_110 = arith.constant 0 : i32
      %cond3A_111 = arith.cmpi ne, %convert_element_type3A_109, %cond3A_110 : i32
      scf.if %cond3A_111 {
        %dma_wait3A_157 = arith.constant 0 : i32
        %dma_wait3A_158 = tpu.memref_slice %arg4[%add3A_106, %dma_wait3A_157] : memref<125x80xi32, #tpu.memory_space<vmem>> -> memref<1x80xi32, #tpu.memory_space<vmem>>
        %dma_wait3A_159 = tpu.memref_squeeze %dma_wait3A_158 : memref<1x80xi32, #tpu.memory_space<vmem>> -> memref<80xi32, #tpu.memory_space<vmem>>
        %dma_wait3A_160 = arith.constant 0 : i32
        %dma_wait3A_161 = arith.constant 0 : i32
        %dma_wait3A_162 = tpu.memref_slice %arg6[%dma_wait3A_160, %dma_wait3A_161] : memref<10000x128xf32, #tpu.memory_space<vmem_shared>> -> memref<10000x128xf32, #tpu.memory_space<vmem_shared>>
        tpu.wait_indirect_dma semaphore(%arg8 : memref<!tpu.dma_semaphore, #tpu.memory_space<semaphore_mem>>) src(%arg5 : memref<80x128xf32, #tpu.memory_space<vmem>>) dst(%dma_wait3A_162 : memref<10000x128xf32, #tpu.memory_space<vmem_shared>>)
      } else {
      }
      %dma_start3A_112 = arith.constant 0 : i32
      %dma_start3A_113 = tpu.memref_slice %arg4[%add3A_106, %dma_start3A_112] : memref<125x80xi32, #tpu.memory_space<vmem>> -> memref<1x80xi32, #tpu.memory_space<vmem>>
      %dma_start3A_114 = tpu.memref_squeeze %dma_start3A_113 : memref<1x80xi32, #tpu.memory_space<vmem>> -> memref<80xi32, #tpu.memory_space<vmem>>
      %dma_start3A_115 = arith.constant 0 : i32
      %dma_start3A_116 = arith.constant 0 : i32
      %dma_start3A_117 = tpu.memref_slice %arg6[%dma_start3A_115, %dma_start3A_116] : memref<10000x128xf32, #tpu.memory_space<vmem_shared>> -> memref<10000x128xf32, #tpu.memory_space<vmem_shared>>
      tpu.enqueue_indirect_dma source(%arg5 : memref<80x128xf32, #tpu.memory_space<vmem>>) target(%dma_start3A_117 : memref<10000x128xf32, #tpu.memory_space<vmem_shared>>) offsets(%dma_start3A_114 : memref<80xi32, #tpu.memory_space<vmem>>) semaphore(%arg8 : memref<!tpu.dma_semaphore, #tpu.memory_space<semaphore_mem>>) {add = true}
      %add3A_118 = arith.constant 2 : i32
      %add3A_119 = arith.addi %add3A_92, %add3A_118 : i32
      %ge3A_120 = arith.constant 5 : i32
      %ge3A_121 = arith.cmpi sge, %add3A_119, %ge3A_120 : i32
      %convert_element_type3A_122 = arith.extui %ge3A_121 : i1 to i32
      %cond3A_123 = arith.constant 0 : i32
      %cond3A_124 = arith.cmpi ne, %convert_element_type3A_122, %cond3A_123 : i32
      scf.if %cond3A_124 {
        %dma_wait3A_157 = arith.constant 0 : i32
        %dma_wait3A_158 = tpu.memref_slice %arg4[%add3A_119, %dma_wait3A_157] : memref<125x80xi32, #tpu.memory_space<vmem>> -> memref<1x80xi32, #tpu.memory_space<vmem>>
        %dma_wait3A_159 = tpu.memref_squeeze %dma_wait3A_158 : memref<1x80xi32, #tpu.memory_space<vmem>> -> memref<80xi32, #tpu.memory_space<vmem>>
        %dma_wait3A_160 = arith.constant 0 : i32
        %dma_wait3A_161 = arith.constant 0 : i32
        %dma_wait3A_162 = tpu.memref_slice %arg6[%dma_wait3A_160, %dma_wait3A_161] : memref<10000x128xf32, #tpu.memory_space<vmem_shared>> -> memref<10000x128xf32, #tpu.memory_space<vmem_shared>>
        tpu.wait_indirect_dma semaphore(%arg9 : memref<!tpu.dma_semaphore, #tpu.memory_space<semaphore_mem>>) src(%arg5 : memref<80x128xf32, #tpu.memory_space<vmem>>) dst(%dma_wait3A_162 : memref<10000x128xf32, #tpu.memory_space<vmem_shared>>)
      } else {
      }
      %dma_start3A_125 = arith.constant 0 : i32
      %dma_start3A_126 = tpu.memref_slice %arg4[%add3A_119, %dma_start3A_125] : memref<125x80xi32, #tpu.memory_space<vmem>> -> memref<1x80xi32, #tpu.memory_space<vmem>>
      %dma_start3A_127 = tpu.memref_squeeze %dma_start3A_126 : memref<1x80xi32, #tpu.memory_space<vmem>> -> memref<80xi32, #tpu.memory_space<vmem>>
      %dma_start3A_128 = arith.constant 0 : i32
      %dma_start3A_129 = arith.constant 0 : i32
      %dma_start3A_130 = tpu.memref_slice %arg6[%dma_start3A_128, %dma_start3A_129] : memref<10000x128xf32, #tpu.memory_space<vmem_shared>> -> memref<10000x128xf32, #tpu.memory_space<vmem_shared>>
      tpu.enqueue_indirect_dma source(%arg5 : memref<80x128xf32, #tpu.memory_space<vmem>>) target(%dma_start3A_130 : memref<10000x128xf32, #tpu.memory_space<vmem_shared>>) offsets(%dma_start3A_127 : memref<80xi32, #tpu.memory_space<vmem>>) semaphore(%arg9 : memref<!tpu.dma_semaphore, #tpu.memory_space<semaphore_mem>>) {add = true}
      %add3A_131 = arith.constant 3 : i32
      %add3A_132 = arith.addi %add3A_92, %add3A_131 : i32
      %ge3A_133 = arith.constant 5 : i32
      %ge3A_134 = arith.cmpi sge, %add3A_132, %ge3A_133 : i32
      %convert_element_type3A_135 = arith.extui %ge3A_134 : i1 to i32
      %cond3A_136 = arith.constant 0 : i32
      %cond3A_137 = arith.cmpi ne, %convert_element_type3A_135, %cond3A_136 : i32
      scf.if %cond3A_137 {
        %dma_wait3A_157 = arith.constant 0 : i32
        %dma_wait3A_158 = tpu.memref_slice %arg4[%add3A_132, %dma_wait3A_157] : memref<125x80xi32, #tpu.memory_space<vmem>> -> memref<1x80xi32, #tpu.memory_space<vmem>>
        %dma_wait3A_159 = tpu.memref_squeeze %dma_wait3A_158 : memref<1x80xi32, #tpu.memory_space<vmem>> -> memref<80xi32, #tpu.memory_space<vmem>>
        %dma_wait3A_160 = arith.constant 0 : i32
        %dma_wait3A_161 = arith.constant 0 : i32
        %dma_wait3A_162 = tpu.memref_slice %arg6[%dma_wait3A_160, %dma_wait3A_161] : memref<10000x128xf32, #tpu.memory_space<vmem_shared>> -> memref<10000x128xf32, #tpu.memory_space<vmem_shared>>
        tpu.wait_indirect_dma semaphore(%arg10 : memref<!tpu.dma_semaphore, #tpu.memory_space<semaphore_mem>>) src(%arg5 : memref<80x128xf32, #tpu.memory_space<vmem>>) dst(%dma_wait3A_162 : memref<10000x128xf32, #tpu.memory_space<vmem_shared>>)
      } else {
      }
      %dma_start3A_138 = arith.constant 0 : i32
      %dma_start3A_139 = tpu.memref_slice %arg4[%add3A_132, %dma_start3A_138] : memref<125x80xi32, #tpu.memory_space<vmem>> -> memref<1x80xi32, #tpu.memory_space<vmem>>
      %dma_start3A_140 = tpu.memref_squeeze %dma_start3A_139 : memref<1x80xi32, #tpu.memory_space<vmem>> -> memref<80xi32, #tpu.memory_space<vmem>>
      %dma_start3A_141 = arith.constant 0 : i32
      %dma_start3A_142 = arith.constant 0 : i32
      %dma_start3A_143 = tpu.memref_slice %arg6[%dma_start3A_141, %dma_start3A_142] : memref<10000x128xf32, #tpu.memory_space<vmem_shared>> -> memref<10000x128xf32, #tpu.memory_space<vmem_shared>>
      tpu.enqueue_indirect_dma source(%arg5 : memref<80x128xf32, #tpu.memory_space<vmem>>) target(%dma_start3A_143 : memref<10000x128xf32, #tpu.memory_space<vmem_shared>>) offsets(%dma_start3A_140 : memref<80xi32, #tpu.memory_space<vmem>>) semaphore(%arg10 : memref<!tpu.dma_semaphore, #tpu.memory_space<semaphore_mem>>) {add = true}
      %add3A_144 = arith.constant 4 : i32
      %add3A_145 = arith.addi %add3A_92, %add3A_144 : i32
      %ge3A_146 = arith.constant 5 : i32
      %ge3A_147 = arith.cmpi sge, %add3A_145, %ge3A_146 : i32
      %convert_element_type3A_148 = arith.extui %ge3A_147 : i1 to i32
      %cond3A_149 = arith.constant 0 : i32
      %cond3A_150 = arith.cmpi ne, %convert_element_type3A_148, %cond3A_149 : i32
      scf.if %cond3A_150 {
        %dma_wait3A_157 = arith.constant 0 : i32
        %dma_wait3A_158 = tpu.memref_slice %arg4[%add3A_145, %dma_wait3A_157] : memref<125x80xi32, #tpu.memory_space<vmem>> -> memref<1x80xi32, #tpu.memory_space<vmem>>
        %dma_wait3A_159 = tpu.memref_squeeze %dma_wait3A_158 : memref<1x80xi32, #tpu.memory_space<vmem>> -> memref<80xi32, #tpu.memory_space<vmem>>
        %dma_wait3A_160 = arith.constant 0 : i32
        %dma_wait3A_161 = arith.constant 0 : i32
        %dma_wait3A_162 = tpu.memref_slice %arg6[%dma_wait3A_160, %dma_wait3A_161] : memref<10000x128xf32, #tpu.memory_space<vmem_shared>> -> memref<10000x128xf32, #tpu.memory_space<vmem_shared>>
        tpu.wait_indirect_dma semaphore(%arg11 : memref<!tpu.dma_semaphore, #tpu.memory_space<semaphore_mem>>) src(%arg5 : memref<80x128xf32, #tpu.memory_space<vmem>>) dst(%dma_wait3A_162 : memref<10000x128xf32, #tpu.memory_space<vmem_shared>>)
      } else {
      }
      %dma_start3A_151 = arith.constant 0 : i32
      %dma_start3A_152 = tpu.memref_slice %arg4[%add3A_145, %dma_start3A_151] : memref<125x80xi32, #tpu.memory_space<vmem>> -> memref<1x80xi32, #tpu.memory_space<vmem>>
      %dma_start3A_153 = tpu.memref_squeeze %dma_start3A_152 : memref<1x80xi32, #tpu.memory_space<vmem>> -> memref<80xi32, #tpu.memory_space<vmem>>
      %dma_start3A_154 = arith.constant 0 : i32
      %dma_start3A_155 = arith.constant 0 : i32
      %dma_start3A_156 = tpu.memref_slice %arg6[%dma_start3A_154, %dma_start3A_155] : memref<10000x128xf32, #tpu.memory_space<vmem_shared>> -> memref<10000x128xf32, #tpu.memory_space<vmem_shared>>
      tpu.enqueue_indirect_dma source(%arg5 : memref<80x128xf32, #tpu.memory_space<vmem>>) target(%dma_start3A_156 : memref<10000x128xf32, #tpu.memory_space<vmem_shared>>) offsets(%dma_start3A_153 : memref<80xi32, #tpu.memory_space<vmem>>) semaphore(%arg11 : memref<!tpu.dma_semaphore, #tpu.memory_space<semaphore_mem>>) {add = true}
    }
    %scan3A_46 = arith.constant 25 : i32
    %dma_wait3A_47 = arith.constant 0 : i32
    %dma_wait3A_48 = arith.constant 0 : i32
    %dma_wait3A_49 = tpu.memref_slice %arg4[%dma_wait3A_47, %dma_wait3A_48] : memref<125x80xi32, #tpu.memory_space<vmem>> -> memref<1x80xi32, #tpu.memory_space<vmem>>
    %dma_wait3A_50 = tpu.memref_squeeze %dma_wait3A_49 : memref<1x80xi32, #tpu.memory_space<vmem>> -> memref<80xi32, #tpu.memory_space<vmem>>
    %dma_wait3A_51 = arith.constant 0 : i32
    %dma_wait3A_52 = arith.constant 0 : i32
    %dma_wait3A_53 = tpu.memref_slice %arg6[%dma_wait3A_51, %dma_wait3A_52] : memref<10000x128xf32, #tpu.memory_space<vmem_shared>> -> memref<10000x128xf32, #tpu.memory_space<vmem_shared>>
    tpu.wait_indirect_dma semaphore(%arg7 : memref<!tpu.dma_semaphore, #tpu.memory_space<semaphore_mem>>) src(%arg5 : memref<80x128xf32, #tpu.memory_space<vmem>>) dst(%dma_wait3A_53 : memref<10000x128xf32, #tpu.memory_space<vmem_shared>>)
    %dma_wait3A_54 = arith.constant 1 : i32
    %dma_wait3A_55 = arith.constant 0 : i32
    %dma_wait3A_56 = tpu.memref_slice %arg4[%dma_wait3A_54, %dma_wait3A_55] : memref<125x80xi32, #tpu.memory_space<vmem>> -> memref<1x80xi32, #tpu.memory_space<vmem>>
    %dma_wait3A_57 = tpu.memref_squeeze %dma_wait3A_56 : memref<1x80xi32, #tpu.memory_space<vmem>> -> memref<80xi32, #tpu.memory_space<vmem>>
    %dma_wait3A_58 = arith.constant 0 : i32
    %dma_wait3A_59 = arith.constant 0 : i32
    %dma_wait3A_60 = tpu.memref_slice %arg6[%dma_wait3A_58, %dma_wait3A_59] : memref<10000x128xf32, #tpu.memory_space<vmem_shared>> -> memref<10000x128xf32, #tpu.memory_space<vmem_shared>>
    tpu.wait_indirect_dma semaphore(%arg8 : memref<!tpu.dma_semaphore, #tpu.memory_space<semaphore_mem>>) src(%arg5 : memref<80x128xf32, #tpu.memory_space<vmem>>) dst(%dma_wait3A_60 : memref<10000x128xf32, #tpu.memory_space<vmem_shared>>)
    %dma_wait3A_61 = arith.constant 2 : i32
    %dma_wait3A_62 = arith.constant 0 : i32
    %dma_wait3A_63 = tpu.memref_slice %arg4[%dma_wait3A_61, %dma_wait3A_62] : memref<125x80xi32, #tpu.memory_space<vmem>> -> memref<1x80xi32, #tpu.memory_space<vmem>>
    %dma_wait3A_64 = tpu.memref_squeeze %dma_wait3A_63 : memref<1x80xi32, #tpu.memory_space<vmem>> -> memref<80xi32, #tpu.memory_space<vmem>>
    %dma_wait3A_65 = arith.constant 0 : i32
    %dma_wait3A_66 = arith.constant 0 : i32
    %dma_wait3A_67 = tpu.memref_slice %arg6[%dma_wait3A_65, %dma_wait3A_66] : memref<10000x128xf32, #tpu.memory_space<vmem_shared>> -> memref<10000x128xf32, #tpu.memory_space<vmem_shared>>
    tpu.wait_indirect_dma semaphore(%arg9 : memref<!tpu.dma_semaphore, #tpu.memory_space<semaphore_mem>>) src(%arg5 : memref<80x128xf32, #tpu.memory_space<vmem>>) dst(%dma_wait3A_67 : memref<10000x128xf32, #tpu.memory_space<vmem_shared>>)
    %dma_wait3A_68 = arith.constant 3 : i32
    %dma_wait3A_69 = arith.constant 0 : i32
    %dma_wait3A_70 = tpu.memref_slice %arg4[%dma_wait3A_68, %dma_wait3A_69] : memref<125x80xi32, #tpu.memory_space<vmem>> -> memref<1x80xi32, #tpu.memory_space<vmem>>
    %dma_wait3A_71 = tpu.memref_squeeze %dma_wait3A_70 : memref<1x80xi32, #tpu.memory_space<vmem>> -> memref<80xi32, #tpu.memory_space<vmem>>
    %dma_wait3A_72 = arith.constant 0 : i32
    %dma_wait3A_73 = arith.constant 0 : i32
    %dma_wait3A_74 = tpu.memref_slice %arg6[%dma_wait3A_72, %dma_wait3A_73] : memref<10000x128xf32, #tpu.memory_space<vmem_shared>> -> memref<10000x128xf32, #tpu.memory_space<vmem_shared>>
    tpu.wait_indirect_dma semaphore(%arg10 : memref<!tpu.dma_semaphore, #tpu.memory_space<semaphore_mem>>) src(%arg5 : memref<80x128xf32, #tpu.memory_space<vmem>>) dst(%dma_wait3A_74 : memref<10000x128xf32, #tpu.memory_space<vmem_shared>>)
    %dma_wait3A_75 = arith.constant 4 : i32
    %dma_wait3A_76 = arith.constant 0 : i32
    %dma_wait3A_77 = tpu.memref_slice %arg4[%dma_wait3A_75, %dma_wait3A_76] : memref<125x80xi32, #tpu.memory_space<vmem>> -> memref<1x80xi32, #tpu.memory_space<vmem>>
    %dma_wait3A_78 = tpu.memref_squeeze %dma_wait3A_77 : memref<1x80xi32, #tpu.memory_space<vmem>> -> memref<80xi32, #tpu.memory_space<vmem>>
    %dma_wait3A_79 = arith.constant 0 : i32
    %dma_wait3A_80 = arith.constant 0 : i32
    %dma_wait3A_81 = tpu.memref_slice %arg6[%dma_wait3A_79, %dma_wait3A_80] : memref<10000x128xf32, #tpu.memory_space<vmem_shared>> -> memref<10000x128xf32, #tpu.memory_space<vmem_shared>>
    tpu.wait_indirect_dma semaphore(%arg11 : memref<!tpu.dma_semaphore, #tpu.memory_space<semaphore_mem>>) src(%arg5 : memref<80x128xf32, #tpu.memory_space<vmem>>) dst(%dma_wait3A_81 : memref<10000x128xf32, #tpu.memory_space<vmem_shared>>)
    %barrier3A_82 = arith.constant 0 : index
    tpu.barrier barrier_id(%barrier3A_82)
    "tpu.region"() ({
      %run_scoped3A = tpu.sem_alloc : memref<!tpu.dma_semaphore, #tpu.memory_space<semaphore_mem>>
      %dma_start3A_88 = arith.constant 0 : i32
      %dma_start3A_89 = tpu.memref_slice %arg3[%arg0, %add3A_17, %dma_start3A_88] : memref<2x10000x128xf32, #tpu.memory_space<hbm>> -> memref<1x624x128xf32, #tpu.memory_space<hbm>>
      %dma_start3A_90 = tpu.memref_squeeze %dma_start3A_89 : memref<1x624x128xf32, #tpu.memory_space<hbm>> -> memref<624x128xf32, #tpu.memory_space<hbm>>
      %dma_start3A_91 = arith.constant 0 : i32
      %dma_start3A_92 = tpu.memref_slice %arg6[%add3A_17, %dma_start3A_91] : memref<10000x128xf32, #tpu.memory_space<vmem_shared>> -> memref<624x128xf32, #tpu.memory_space<vmem_shared>>
      tpu.enqueue_dma source(%dma_start3A_92 : memref<624x128xf32, #tpu.memory_space<vmem_shared>>) target(%dma_start3A_90 : memref<624x128xf32, #tpu.memory_space<hbm>>) target_semaphore(%run_scoped3A : memref<!tpu.dma_semaphore, #tpu.memory_space<semaphore_mem>>)
      %dma_wait3A_93 = arith.constant 0 : i32
      %dma_wait3A_94 = tpu.memref_slice %arg3[%arg0, %add3A_17, %dma_wait3A_93] : memref<2x10000x128xf32, #tpu.memory_space<hbm>> -> memref<1x624x128xf32, #tpu.memory_space<hbm>>
      %dma_wait3A_95 = tpu.memref_squeeze %dma_wait3A_94 : memref<1x624x128xf32, #tpu.memory_space<hbm>> -> memref<624x128xf32, #tpu.memory_space<hbm>>
      %dma_wait3A_96 = arith.constant 0 : i32
      %dma_wait3A_97 = tpu.memref_slice %arg6[%add3A_17, %dma_wait3A_96] : memref<10000x128xf32, #tpu.memory_space<vmem_shared>> -> memref<624x128xf32, #tpu.memory_space<vmem_shared>>
      tpu.wait_dma2 semaphore(%run_scoped3A : memref<!tpu.dma_semaphore, #tpu.memory_space<semaphore_mem>>) src(%dma_wait3A_97 : memref<624x128xf32, #tpu.memory_space<vmem_shared>>) dst(%dma_wait3A_95 : memref<624x128xf32, #tpu.memory_space<hbm>>)
      tpu.yield
    }) : () -> ()
    %lt3A_83 = arith.constant 2 : i32
    %lt3A_84 = arith.cmpi slt, %arg1, %lt3A_83 : i32
    %convert_element_type3A_85 = arith.extui %lt3A_84 : i1 to i32
    %cond3A_86 = arith.constant 0 : i32
    %cond3A_87 = arith.cmpi ne, %convert_element_type3A_85, %cond3A_86 : i32
    scf.if %cond3A_87 {
      %add3A_88 = arith.constant 624 : i32
      %add3A_89 = arith.addi %add3A_17, %add3A_88 : i32
      %add3A_90 = arith.constant 624 : i32
      %add3A_91 = arith.addi %add3A_17, %add3A_90 : i32
      "tpu.region"() ({
        %run_scoped3A = tpu.sem_alloc : memref<!tpu.dma_semaphore, #tpu.memory_space<semaphore_mem>>
        %dma_start3A_92 = arith.constant 0 : i32
        %dma_start3A_93 = tpu.memref_slice %arg3[%arg0, %add3A_91, %dma_start3A_92] : memref<2x10000x128xf32, #tpu.memory_space<hbm>> -> memref<1x8x128xf32, #tpu.memory_space<hbm>>
        %dma_start3A_94 = tpu.memref_squeeze %dma_start3A_93 : memref<1x8x128xf32, #tpu.memory_space<hbm>> -> memref<8x128xf32, #tpu.memory_space<hbm>>
        %dma_start3A_95 = arith.constant 0 : i32
        %dma_start3A_96 = tpu.memref_slice %arg6[%add3A_89, %dma_start3A_95] : memref<10000x128xf32, #tpu.memory_space<vmem_shared>> -> memref<8x128xf32, #tpu.memory_space<vmem_shared>>
        tpu.enqueue_dma source(%dma_start3A_96 : memref<8x128xf32, #tpu.memory_space<vmem_shared>>) target(%dma_start3A_94 : memref<8x128xf32, #tpu.memory_space<hbm>>) target_semaphore(%run_scoped3A : memref<!tpu.dma_semaphore, #tpu.memory_space<semaphore_mem>>)
        %dma_wait3A_97 = arith.constant 0 : i32
        %dma_wait3A_98 = tpu.memref_slice %arg3[%arg0, %add3A_91, %dma_wait3A_97] : memref<2x10000x128xf32, #tpu.memory_space<hbm>> -> memref<1x8x128xf32, #tpu.memory_space<hbm>>
        %dma_wait3A_99 = tpu.memref_squeeze %dma_wait3A_98 : memref<1x8x128xf32, #tpu.memory_space<hbm>> -> memref<8x128xf32, #tpu.memory_space<hbm>>
        %dma_wait3A_100 = arith.constant 0 : i32
        %dma_wait3A_101 = tpu.memref_slice %arg6[%add3A_89, %dma_wait3A_100] : memref<10000x128xf32, #tpu.memory_space<vmem_shared>> -> memref<8x128xf32, #tpu.memory_space<vmem_shared>>
        tpu.wait_dma2 semaphore(%run_scoped3A : memref<!tpu.dma_semaphore, #tpu.memory_space<semaphore_mem>>) src(%dma_wait3A_101 : memref<8x128xf32, #tpu.memory_space<vmem_shared>>) dst(%dma_wait3A_99 : memref<8x128xf32, #tpu.memory_space<hbm>>)
        tpu.yield
      }) : () -> ()
    } else {
    }
    return
  }
}

#map = affine_map<(d0, d1) -> (0, 0)>
#map1 = affine_map<(d0, d1) -> (0, 0, 0)>
module attributes {stable_mosaic.version = 14 : i64} {
  func.func @_edge_scatter_body(%arg0: i32, %arg1: i32, %arg2: memref<10000x128xf32, #tpu.memory_space<hbm>>, %arg3: memref<32x125x80xi32, #tpu.memory_space<hbm>>, %arg4: memref<32x125x80xi32, #tpu.memory_space<hbm>>, %arg5: memref<2x10000x128xf32, #tpu.memory_space<hbm>>, %arg6: memref<1x80xi32, #tpu.memory_space<vmem>>, %arg7: memref<1x80xi32, #tpu.memory_space<vmem>>, %arg8: memref<1x80xi32, #tpu.memory_space<vmem>>, %arg9: memref<1x80xi32, #tpu.memory_space<vmem>>, %arg10: memref<1x80xi32, #tpu.memory_space<vmem>>, %arg11: memref<1x80xi32, #tpu.memory_space<vmem>>, %arg12: memref<1x80xi32, #tpu.memory_space<vmem>>, %arg13: memref<1x80xi32, #tpu.memory_space<vmem>>, %arg14: memref<1x80xi32, #tpu.memory_space<vmem>>, %arg15: memref<1x80xi32, #tpu.memory_space<vmem>>, %arg16: memref<1x80xi32, #tpu.memory_space<vmem>>, %arg17: memref<1x80xi32, #tpu.memory_space<vmem>>, %arg18: memref<80x128xf32, #tpu.memory_space<vmem>>, %arg19: memref<80x128xf32, #tpu.memory_space<vmem>>, %arg20: memref<80x128xf32, #tpu.memory_space<vmem>>, %arg21: memref<10000x128xf32, #tpu.memory_space<vmem_shared>>, %arg22: memref<!tpu.dma_semaphore, #tpu.memory_space<semaphore_mem>>, %arg23: memref<!tpu.dma_semaphore, #tpu.memory_space<semaphore_mem>>, %arg24: memref<!tpu.dma_semaphore, #tpu.memory_space<semaphore_mem>>, %arg25: memref<!tpu.dma_semaphore, #tpu.memory_space<semaphore_mem>>, %arg26: memref<!tpu.dma_semaphore, #tpu.memory_space<semaphore_mem>>, %arg27: memref<!tpu.dma_semaphore, #tpu.memory_space<semaphore_mem>>, %arg28: memref<!tpu.dma_semaphore, #tpu.memory_space<semaphore_mem>>, %arg29: memref<!tpu.dma_semaphore, #tpu.memory_space<semaphore_mem>>, %arg30: memref<!tpu.dma_semaphore, #tpu.memory_space<semaphore_mem>>) attributes {dimension_semantics = [#tpu.dimension_semantics<core_parallel>, #tpu.dimension_semantics<subcore_parallel>], iteration_bounds = array<i64: 2, 16>, scalar_prefetch = 0 : i64, scratch_operands = 25 : i64, tpu.core_type = #tpu.core_type<sc_vector_subcore>, window_params = [{transform_indices = #map}, {transform_indices = #map1}, {transform_indices = #map1}, {transform_indices = #map1}]} {
    %mul3A = arith.constant 16 : i32
    %mul3A_0 = arith.muli %arg0, %mul3A : i32
    %add3A = arith.addi %mul3A_0, %arg1 : i32
    %dma_start3A = arith.constant 0 : i32
    %dma_start3A_1 = arith.constant 0 : i32
    %dma_start3A_2 = tpu.memref_slice %arg3[%add3A, %dma_start3A, %dma_start3A_1] : memref<32x125x80xi32, #tpu.memory_space<hbm>> -> memref<1x1x80xi32, #tpu.memory_space<hbm>>
    %dma_start3A_3 = tpu.memref_squeeze %dma_start3A_2 : memref<1x1x80xi32, #tpu.memory_space<hbm>> -> memref<1x80xi32, #tpu.memory_space<hbm>>
    %dma_start3A_4 = arith.constant 0 : i32
    %dma_start3A_5 = arith.constant 0 : i32
    %dma_start3A_6 = tpu.memref_slice %arg3[%add3A, %dma_start3A_4, %dma_start3A_5] : memref<32x125x80xi32, #tpu.memory_space<hbm>> -> memref<1x1x80xi32, #tpu.memory_space<hbm>>
    %dma_start3A_7 = tpu.memref_squeeze %dma_start3A_6 : memref<1x1x80xi32, #tpu.memory_space<hbm>> -> memref<1x80xi32, #tpu.memory_space<hbm>>
    tpu.enqueue_dma source(%dma_start3A_7 : memref<1x80xi32, #tpu.memory_space<hbm>>) target(%arg6 : memref<1x80xi32, #tpu.memory_space<vmem>>) target_semaphore(%arg28 : memref<!tpu.dma_semaphore, #tpu.memory_space<semaphore_mem>>)
    %dma_start3A_8 = arith.constant 0 : i32
    %dma_start3A_9 = arith.constant 0 : i32
    %dma_start3A_10 = tpu.memref_slice %arg4[%add3A, %dma_start3A_8, %dma_start3A_9] : memref<32x125x80xi32, #tpu.memory_space<hbm>> -> memref<1x1x80xi32, #tpu.memory_space<hbm>>
    %dma_start3A_11 = tpu.memref_squeeze %dma_start3A_10 : memref<1x1x80xi32, #tpu.memory_space<hbm>> -> memref<1x80xi32, #tpu.memory_space<hbm>>
    %dma_start3A_12 = arith.constant 0 : i32
    %dma_start3A_13 = arith.constant 0 : i32
    %dma_start3A_14 = tpu.memref_slice %arg4[%add3A, %dma_start3A_12, %dma_start3A_13] : memref<32x125x80xi32, #tpu.memory_space<hbm>> -> memref<1x1x80xi32, #tpu.memory_space<hbm>>
    %dma_start3A_15 = tpu.memref_squeeze %dma_start3A_14 : memref<1x1x80xi32, #tpu.memory_space<hbm>> -> memref<1x80xi32, #tpu.memory_space<hbm>>
    tpu.enqueue_dma source(%dma_start3A_15 : memref<1x80xi32, #tpu.memory_space<hbm>>) target(%arg12 : memref<1x80xi32, #tpu.memory_space<vmem>>) target_semaphore(%arg28 : memref<!tpu.dma_semaphore, #tpu.memory_space<semaphore_mem>>)
    %dma_start3A_16 = arith.constant 1 : i32
    %dma_start3A_17 = arith.constant 0 : i32
    %dma_start3A_18 = tpu.memref_slice %arg3[%add3A, %dma_start3A_16, %dma_start3A_17] : memref<32x125x80xi32, #tpu.memory_space<hbm>> -> memref<1x1x80xi32, #tpu.memory_space<hbm>>
    %dma_start3A_19 = tpu.memref_squeeze %dma_start3A_18 : memref<1x1x80xi32, #tpu.memory_space<hbm>> -> memref<1x80xi32, #tpu.memory_space<hbm>>
    %dma_start3A_20 = arith.constant 1 : i32
    %dma_start3A_21 = arith.constant 0 : i32
    %dma_start3A_22 = tpu.memref_slice %arg3[%add3A, %dma_start3A_20, %dma_start3A_21] : memref<32x125x80xi32, #tpu.memory_space<hbm>> -> memref<1x1x80xi32, #tpu.memory_space<hbm>>
    %dma_start3A_23 = tpu.memref_squeeze %dma_start3A_22 : memref<1x1x80xi32, #tpu.memory_space<hbm>> -> memref<1x80xi32, #tpu.memory_space<hbm>>
    tpu.enqueue_dma source(%dma_start3A_23 : memref<1x80xi32, #tpu.memory_space<hbm>>) target(%arg8 : memref<1x80xi32, #tpu.memory_space<vmem>>) target_semaphore(%arg29 : memref<!tpu.dma_semaphore, #tpu.memory_space<semaphore_mem>>)
    %dma_start3A_24 = arith.constant 1 : i32
    %dma_start3A_25 = arith.constant 0 : i32
    %dma_start3A_26 = tpu.memref_slice %arg4[%add3A, %dma_start3A_24, %dma_start3A_25] : memref<32x125x80xi32, #tpu.memory_space<hbm>> -> memref<1x1x80xi32, #tpu.memory_space<hbm>>
    %dma_start3A_27 = tpu.memref_squeeze %dma_start3A_26 : memref<1x1x80xi32, #tpu.memory_space<hbm>> -> memref<1x80xi32, #tpu.memory_space<hbm>>
    %dma_start3A_28 = arith.constant 1 : i32
    %dma_start3A_29 = arith.constant 0 : i32
    %dma_start3A_30 = tpu.memref_slice %arg4[%add3A, %dma_start3A_28, %dma_start3A_29] : memref<32x125x80xi32, #tpu.memory_space<hbm>> -> memref<1x1x80xi32, #tpu.memory_space<hbm>>
    %dma_start3A_31 = tpu.memref_squeeze %dma_start3A_30 : memref<1x1x80xi32, #tpu.memory_space<hbm>> -> memref<1x80xi32, #tpu.memory_space<hbm>>
    tpu.enqueue_dma source(%dma_start3A_31 : memref<1x80xi32, #tpu.memory_space<hbm>>) target(%arg14 : memref<1x80xi32, #tpu.memory_space<vmem>>) target_semaphore(%arg29 : memref<!tpu.dma_semaphore, #tpu.memory_space<semaphore_mem>>)
    %dma_start3A_32 = arith.constant 2 : i32
    %dma_start3A_33 = arith.constant 0 : i32
    %dma_start3A_34 = tpu.memref_slice %arg3[%add3A, %dma_start3A_32, %dma_start3A_33] : memref<32x125x80xi32, #tpu.memory_space<hbm>> -> memref<1x1x80xi32, #tpu.memory_space<hbm>>
    %dma_start3A_35 = tpu.memref_squeeze %dma_start3A_34 : memref<1x1x80xi32, #tpu.memory_space<hbm>> -> memref<1x80xi32, #tpu.memory_space<hbm>>
    %dma_start3A_36 = arith.constant 2 : i32
    %dma_start3A_37 = arith.constant 0 : i32
    %dma_start3A_38 = tpu.memref_slice %arg3[%add3A, %dma_start3A_36, %dma_start3A_37] : memref<32x125x80xi32, #tpu.memory_space<hbm>> -> memref<1x1x80xi32, #tpu.memory_space<hbm>>
    %dma_start3A_39 = tpu.memref_squeeze %dma_start3A_38 : memref<1x1x80xi32, #tpu.memory_space<hbm>> -> memref<1x80xi32, #tpu.memory_space<hbm>>
    tpu.enqueue_dma source(%dma_start3A_39 : memref<1x80xi32, #tpu.memory_space<hbm>>) target(%arg10 : memref<1x80xi32, #tpu.memory_space<vmem>>) target_semaphore(%arg30 : memref<!tpu.dma_semaphore, #tpu.memory_space<semaphore_mem>>)
    %dma_start3A_40 = arith.constant 2 : i32
    %dma_start3A_41 = arith.constant 0 : i32
    %dma_start3A_42 = tpu.memref_slice %arg4[%add3A, %dma_start3A_40, %dma_start3A_41] : memref<32x125x80xi32, #tpu.memory_space<hbm>> -> memref<1x1x80xi32, #tpu.memory_space<hbm>>
    %dma_start3A_43 = tpu.memref_squeeze %dma_start3A_42 : memref<1x1x80xi32, #tpu.memory_space<hbm>> -> memref<1x80xi32, #tpu.memory_space<hbm>>
    %dma_start3A_44 = arith.constant 2 : i32
    %dma_start3A_45 = arith.constant 0 : i32
    %dma_start3A_46 = tpu.memref_slice %arg4[%add3A, %dma_start3A_44, %dma_start3A_45] : memref<32x125x80xi32, #tpu.memory_space<hbm>> -> memref<1x1x80xi32, #tpu.memory_space<hbm>>
    %dma_start3A_47 = tpu.memref_squeeze %dma_start3A_46 : memref<1x1x80xi32, #tpu.memory_space<hbm>> -> memref<1x80xi32, #tpu.memory_space<hbm>>
    tpu.enqueue_dma source(%dma_start3A_47 : memref<1x80xi32, #tpu.memory_space<hbm>>) target(%arg16 : memref<1x80xi32, #tpu.memory_space<vmem>>) target_semaphore(%arg30 : memref<!tpu.dma_semaphore, #tpu.memory_space<semaphore_mem>>)
    %scan3A = arith.constant 0 : i32
    %scan3A_48 = arith.constant 80 : i32
    %scan3A_49 = arith.addi %scan3A, %scan3A_48 : i32
    %scan3A_50 = arith.constant 1 : i32
    scf.for %scan3A_302 = %scan3A to %scan3A_49 step %scan3A_50  : i32 {
      %mul3A_303 = arith.constant 1 : i32
      %mul3A_304 = arith.muli %scan3A_302, %mul3A_303 : i32
      %add3A_305 = arith.constant 0 : i32
      %add3A_306 = arith.addi %add3A_305, %mul3A_304 : i32
      %broadcast_in_dim3A = arith.constant 0.000000e+00 : f32
      %broadcast_in_dim3A_307 = vector.broadcast %broadcast_in_dim3A : f32 to vector<16xf32>
      %swap3A = arith.index_cast %add3A_306 : i32 to index
      %swap3A_308 = arith.constant 0 : index
      %swap3A_309 = tpu.vector_load %arg18[%swap3A, %swap3A_308] {strides = array<i32>} : memref<80x128xf32, #tpu.memory_space<vmem>>, vector<1x16xf32>,
      %swap3A_310 = vector.shape_cast %swap3A_309 : vector<1x16xf32> to vector<16xf32>
      %swap3A_311 = vector.shape_cast %broadcast_in_dim3A_307 : vector<16xf32> to vector<1x16xf32>
      tpu.vector_store %arg18[%swap3A, %swap3A_308], %swap3A_311 {strides = array<i32>} : memref<80x128xf32, #tpu.memory_space<vmem>>, vector<1x16xf32>,
      %broadcast_in_dim3A_312 = arith.constant 0.000000e+00 : f32
      %broadcast_in_dim3A_313 = vector.broadcast %broadcast_in_dim3A_312 : f32 to vector<16xf32>
      %swap3A_314 = arith.index_cast %add3A_306 : i32 to index
      %swap3A_315 = arith.constant 16 : index
      %swap3A_316 = tpu.vector_load %arg18[%swap3A_314, %swap3A_315] {strides = array<i32>} : memref<80x128xf32, #tpu.memory_space<vmem>>, vector<1x16xf32>,
      %swap3A_317 = vector.shape_cast %swap3A_316 : vector<1x16xf32> to vector<16xf32>
      %swap3A_318 = vector.shape_cast %broadcast_in_dim3A_313 : vector<16xf32> to vector<1x16xf32>
      tpu.vector_store %arg18[%swap3A_314, %swap3A_315], %swap3A_318 {strides = array<i32>} : memref<80x128xf32, #tpu.memory_space<vmem>>, vector<1x16xf32>,
      %broadcast_in_dim3A_319 = arith.constant 0.000000e+00 : f32
      %broadcast_in_dim3A_320 = vector.broadcast %broadcast_in_dim3A_319 : f32 to vector<16xf32>
      %swap3A_321 = arith.index_cast %add3A_306 : i32 to index
      %swap3A_322 = arith.constant 32 : index
      %swap3A_323 = tpu.vector_load %arg18[%swap3A_321, %swap3A_322] {strides = array<i32>} : memref<80x128xf32, #tpu.memory_space<vmem>>, vector<1x16xf32>,
      %swap3A_324 = vector.shape_cast %swap3A_323 : vector<1x16xf32> to vector<16xf32>
      %swap3A_325 = vector.shape_cast %broadcast_in_dim3A_320 : vector<16xf32> to vector<1x16xf32>
      tpu.vector_store %arg18[%swap3A_321, %swap3A_322], %swap3A_325 {strides = array<i32>} : memref<80x128xf32, #tpu.memory_space<vmem>>, vector<1x16xf32>,
      %broadcast_in_dim3A_326 = arith.constant 0.000000e+00 : f32
      %broadcast_in_dim3A_327 = vector.broadcast %broadcast_in_dim3A_326 : f32 to vector<16xf32>
      %swap3A_328 = arith.index_cast %add3A_306 : i32 to index
      %swap3A_329 = arith.constant 48 : index
      %swap3A_330 = tpu.vector_load %arg18[%swap3A_328, %swap3A_329] {strides = array<i32>} : memref<80x128xf32, #tpu.memory_space<vmem>>, vector<1x16xf32>,
      %swap3A_331 = vector.shape_cast %swap3A_330 : vector<1x16xf32> to vector<16xf32>
      %swap3A_332 = vector.shape_cast %broadcast_in_dim3A_327 : vector<16xf32> to vector<1x16xf32>
      tpu.vector_store %arg18[%swap3A_328, %swap3A_329], %swap3A_332 {strides = array<i32>} : memref<80x128xf32, #tpu.memory_space<vmem>>, vector<1x16xf32>,
      %broadcast_in_dim3A_333 = arith.constant 0.000000e+00 : f32
      %broadcast_in_dim3A_334 = vector.broadcast %broadcast_in_dim3A_333 : f32 to vector<16xf32>
      %swap3A_335 = arith.index_cast %add3A_306 : i32 to index
      %swap3A_336 = arith.constant 64 : index
      %swap3A_337 = tpu.vector_load %arg18[%swap3A_335, %swap3A_336] {strides = array<i32>} : memref<80x128xf32, #tpu.memory_space<vmem>>, vector<1x16xf32>,
      %swap3A_338 = vector.shape_cast %swap3A_337 : vector<1x16xf32> to vector<16xf32>
      %swap3A_339 = vector.shape_cast %broadcast_in_dim3A_334 : vector<16xf32> to vector<1x16xf32>
      tpu.vector_store %arg18[%swap3A_335, %swap3A_336], %swap3A_339 {strides = array<i32>} : memref<80x128xf32, #tpu.memory_space<vmem>>, vector<1x16xf32>,
      %broadcast_in_dim3A_340 = arith.constant 0.000000e+00 : f32
      %broadcast_in_dim3A_341 = vector.broadcast %broadcast_in_dim3A_340 : f32 to vector<16xf32>
      %swap3A_342 = arith.index_cast %add3A_306 : i32 to index
      %swap3A_343 = arith.constant 80 : index
      %swap3A_344 = tpu.vector_load %arg18[%swap3A_342, %swap3A_343] {strides = array<i32>} : memref<80x128xf32, #tpu.memory_space<vmem>>, vector<1x16xf32>,
      %swap3A_345 = vector.shape_cast %swap3A_344 : vector<1x16xf32> to vector<16xf32>
      %swap3A_346 = vector.shape_cast %broadcast_in_dim3A_341 : vector<16xf32> to vector<1x16xf32>
      tpu.vector_store %arg18[%swap3A_342, %swap3A_343], %swap3A_346 {strides = array<i32>} : memref<80x128xf32, #tpu.memory_space<vmem>>, vector<1x16xf32>,
      %broadcast_in_dim3A_347 = arith.constant 0.000000e+00 : f32
      %broadcast_in_dim3A_348 = vector.broadcast %broadcast_in_dim3A_347 : f32 to vector<16xf32>
      %swap3A_349 = arith.index_cast %add3A_306 : i32 to index
      %swap3A_350 = arith.constant 96 : index
      %swap3A_351 = tpu.vector_load %arg18[%swap3A_349, %swap3A_350] {strides = array<i32>} : memref<80x128xf32, #tpu.memory_space<vmem>>, vector<1x16xf32>,
      %swap3A_352 = vector.shape_cast %swap3A_351 : vector<1x16xf32> to vector<16xf32>
      %swap3A_353 = vector.shape_cast %broadcast_in_dim3A_348 : vector<16xf32> to vector<1x16xf32>
      tpu.vector_store %arg18[%swap3A_349, %swap3A_350], %swap3A_353 {strides = array<i32>} : memref<80x128xf32, #tpu.memory_space<vmem>>, vector<1x16xf32>,
      %broadcast_in_dim3A_354 = arith.constant 0.000000e+00 : f32
      %broadcast_in_dim3A_355 = vector.broadcast %broadcast_in_dim3A_354 : f32 to vector<16xf32>
      %swap3A_356 = arith.index_cast %add3A_306 : i32 to index
      %swap3A_357 = arith.constant 112 : index
      %swap3A_358 = tpu.vector_load %arg18[%swap3A_356, %swap3A_357] {strides = array<i32>} : memref<80x128xf32, #tpu.memory_space<vmem>>, vector<1x16xf32>,
      %swap3A_359 = vector.shape_cast %swap3A_358 : vector<1x16xf32> to vector<16xf32>
      %swap3A_360 = vector.shape_cast %broadcast_in_dim3A_355 : vector<16xf32> to vector<1x16xf32>
      tpu.vector_store %arg18[%swap3A_356, %swap3A_357], %swap3A_360 {strides = array<i32>} : memref<80x128xf32, #tpu.memory_space<vmem>>, vector<1x16xf32>,
    }
    %scan3A_51 = arith.constant 80 : i32
    %mul3A_52 = arith.constant 624 : i32
    %mul3A_53 = arith.muli %arg1, %mul3A_52 : i32
    %min3A = arith.constant 2 : i32
    %min3A_54 = arith.minsi %arg1, %min3A : i32
    %mul3A_55 = arith.constant 8 : i32
    %mul3A_56 = arith.muli %min3A_54, %mul3A_55 : i32
    %add3A_57 = arith.addi %mul3A_53, %mul3A_56 : i32
    %scan3A_58 = arith.constant 0 : i32
    %scan3A_59 = arith.constant 8 : i32
    %scan3A_60 = arith.addi %scan3A_58, %scan3A_59 : i32
    %scan3A_61 = arith.constant 1 : i32
    scf.for %scan3A_302 = %scan3A_58 to %scan3A_60 step %scan3A_61  : i32 {
      %mul3A_303 = arith.constant 78 : i32
      %mul3A_304 = arith.muli %scan3A_302, %mul3A_303 : i32
      %add3A_305 = arith.constant 0 : i32
      %add3A_306 = arith.addi %add3A_305, %mul3A_304 : i32
      %add3A_307 = arith.addi %add3A_57, %add3A_306 : i32
      %dma_start3A_308 = arith.constant 0 : i32
      %dma_start3A_309 = arith.constant 0 : i32
      %dma_start3A_310 = tpu.memref_slice %arg18[%dma_start3A_308, %dma_start3A_309] : memref<80x128xf32, #tpu.memory_space<vmem>> -> memref<78x128xf32, #tpu.memory_space<vmem>>
      %dma_start3A_311 = arith.constant 0 : i32
      %dma_start3A_312 = tpu.memref_slice %arg21[%add3A_307, %dma_start3A_311] : memref<10000x128xf32, #tpu.memory_space<vmem_shared>> -> memref<78x128xf32, #tpu.memory_space<vmem_shared>>
      %dma_start3A_313 = arith.constant 0 : i32
      %dma_start3A_314 = tpu.memref_slice %arg21[%add3A_307, %dma_start3A_313] : memref<10000x128xf32, #tpu.memory_space<vmem_shared>> -> memref<78x128xf32, #tpu.memory_space<vmem_shared>>
      %dma_start3A_315 = arith.constant 0 : i32
      %dma_start3A_316 = arith.constant 0 : i32
      %dma_start3A_317 = tpu.memref_slice %arg18[%dma_start3A_315, %dma_start3A_316] : memref<80x128xf32, #tpu.memory_space<vmem>> -> memref<78x128xf32, #tpu.memory_space<vmem>>
      tpu.enqueue_dma source(%dma_start3A_317 : memref<78x128xf32, #tpu.memory_space<vmem>>) target(%dma_start3A_314 : memref<78x128xf32, #tpu.memory_space<vmem_shared>>) target_semaphore(%arg22 : memref<!tpu.dma_semaphore, #tpu.memory_space<semaphore_mem>>)
    }
    %scan3A_62 = arith.constant 8 : i32
    %lt3A = arith.constant 2 : i32
    %lt3A_63 = arith.cmpi slt, %arg1, %lt3A : i32
    %convert_element_type3A = arith.extui %lt3A_63 : i1 to i32
    %cond3A = arith.constant 0 : i32
    %cond3A_64 = arith.cmpi ne, %convert_element_type3A, %cond3A : i32
    scf.if %cond3A_64 {
      %add3A_302 = arith.constant 624 : i32
      %add3A_303 = arith.addi %add3A_57, %add3A_302 : i32
      "tpu.region"() ({
        %run_scoped3A = tpu.sem_alloc : memref<!tpu.dma_semaphore, #tpu.memory_space<semaphore_mem>>
        %dma_start3A_304 = arith.constant 0 : i32
        %dma_start3A_305 = arith.constant 0 : i32
        %dma_start3A_306 = tpu.memref_slice %arg18[%dma_start3A_304, %dma_start3A_305] : memref<80x128xf32, #tpu.memory_space<vmem>> -> memref<8x128xf32, #tpu.memory_space<vmem>>
        %dma_start3A_307 = arith.constant 0 : i32
        %dma_start3A_308 = tpu.memref_slice %arg21[%add3A_303, %dma_start3A_307] : memref<10000x128xf32, #tpu.memory_space<vmem_shared>> -> memref<8x128xf32, #tpu.memory_space<vmem_shared>>
        %dma_start3A_309 = arith.constant 0 : i32
        %dma_start3A_310 = tpu.memref_slice %arg21[%add3A_303, %dma_start3A_309] : memref<10000x128xf32, #tpu.memory_space<vmem_shared>> -> memref<8x128xf32, #tpu.memory_space<vmem_shared>>
        %dma_start3A_311 = arith.constant 0 : i32
        %dma_start3A_312 = arith.constant 0 : i32
        %dma_start3A_313 = tpu.memref_slice %arg18[%dma_start3A_311, %dma_start3A_312] : memref<80x128xf32, #tpu.memory_space<vmem>> -> memref<8x128xf32, #tpu.memory_space<vmem>>
        tpu.enqueue_dma source(%dma_start3A_313 : memref<8x128xf32, #tpu.memory_space<vmem>>) target(%dma_start3A_310 : memref<8x128xf32, #tpu.memory_space<vmem_shared>>) target_semaphore(%run_scoped3A : memref<!tpu.dma_semaphore, #tpu.memory_space<semaphore_mem>>)
        %dma_wait3A_314 = arith.constant 0 : i32
        %dma_wait3A_315 = arith.constant 0 : i32
        %dma_wait3A_316 = tpu.memref_slice %arg18[%dma_wait3A_314, %dma_wait3A_315] : memref<80x128xf32, #tpu.memory_space<vmem>> -> memref<8x128xf32, #tpu.memory_space<vmem>>
        %dma_wait3A_317 = arith.constant 0 : i32
        %dma_wait3A_318 = tpu.memref_slice %arg21[%add3A_303, %dma_wait3A_317] : memref<10000x128xf32, #tpu.memory_space<vmem_shared>> -> memref<8x128xf32, #tpu.memory_space<vmem_shared>>
        %dma_wait3A_319 = arith.constant 0 : i32
        %dma_wait3A_320 = tpu.memref_slice %arg21[%add3A_303, %dma_wait3A_319] : memref<10000x128xf32, #tpu.memory_space<vmem_shared>> -> memref<8x128xf32, #tpu.memory_space<vmem_shared>>
        %dma_wait3A_321 = arith.constant 0 : i32
        %dma_wait3A_322 = arith.constant 0 : i32
        %dma_wait3A_323 = tpu.memref_slice %arg18[%dma_wait3A_321, %dma_wait3A_322] : memref<80x128xf32, #tpu.memory_space<vmem>> -> memref<8x128xf32, #tpu.memory_space<vmem>>
        tpu.wait_dma2 semaphore(%run_scoped3A : memref<!tpu.dma_semaphore, #tpu.memory_space<semaphore_mem>>) src(%dma_wait3A_323 : memref<8x128xf32, #tpu.memory_space<vmem>>) dst(%dma_wait3A_320 : memref<8x128xf32, #tpu.memory_space<vmem_shared>>)
        tpu.yield
      }) : () -> ()
    } else {
    }
    %scan3A_65 = arith.constant 0 : i32
    %scan3A_66 = arith.constant 8 : i32
    %scan3A_67 = arith.addi %scan3A_65, %scan3A_66 : i32
    %scan3A_68 = arith.constant 1 : i32
    scf.for %scan3A_302 = %scan3A_65 to %scan3A_67 step %scan3A_68  : i32 {
      %mul3A_303 = arith.constant 78 : i32
      %mul3A_304 = arith.muli %scan3A_302, %mul3A_303 : i32
      %add3A_305 = arith.constant 0 : i32
      %add3A_306 = arith.addi %add3A_305, %mul3A_304 : i32
      %add3A_307 = arith.addi %add3A_57, %add3A_306 : i32
      %dma_wait3A_308 = arith.constant 0 : i32
      %dma_wait3A_309 = arith.constant 0 : i32
      %dma_wait3A_310 = tpu.memref_slice %arg18[%dma_wait3A_308, %dma_wait3A_309] : memref<80x128xf32, #tpu.memory_space<vmem>> -> memref<78x128xf32, #tpu.memory_space<vmem>>
      %dma_wait3A_311 = arith.constant 0 : i32
      %dma_wait3A_312 = tpu.memref_slice %arg21[%add3A_307, %dma_wait3A_311] : memref<10000x128xf32, #tpu.memory_space<vmem_shared>> -> memref<78x128xf32, #tpu.memory_space<vmem_shared>>
      %dma_wait3A_313 = arith.constant 0 : i32
      %dma_wait3A_314 = tpu.memref_slice %arg21[%add3A_307, %dma_wait3A_313] : memref<10000x128xf32, #tpu.memory_space<vmem_shared>> -> memref<78x128xf32, #tpu.memory_space<vmem_shared>>
      %dma_wait3A_315 = arith.constant 0 : i32
      %dma_wait3A_316 = arith.constant 0 : i32
      %dma_wait3A_317 = tpu.memref_slice %arg18[%dma_wait3A_315, %dma_wait3A_316] : memref<80x128xf32, #tpu.memory_space<vmem>> -> memref<78x128xf32, #tpu.memory_space<vmem>>
      tpu.wait_dma2 semaphore(%arg22 : memref<!tpu.dma_semaphore, #tpu.memory_space<semaphore_mem>>) src(%dma_wait3A_317 : memref<78x128xf32, #tpu.memory_space<vmem>>) dst(%dma_wait3A_314 : memref<78x128xf32, #tpu.memory_space<vmem_shared>>)
    }
    %scan3A_69 = arith.constant 8 : i32
    %barrier3A = arith.constant 0 : index
    tpu.barrier barrier_id(%barrier3A)
    %dma_wait3A = arith.constant 0 : i32
    %dma_wait3A_70 = arith.constant 0 : i32
    %dma_wait3A_71 = tpu.memref_slice %arg3[%add3A, %dma_wait3A, %dma_wait3A_70] : memref<32x125x80xi32, #tpu.memory_space<hbm>> -> memref<1x1x80xi32, #tpu.memory_space<hbm>>
    %dma_wait3A_72 = tpu.memref_squeeze %dma_wait3A_71 : memref<1x1x80xi32, #tpu.memory_space<hbm>> -> memref<1x80xi32, #tpu.memory_space<hbm>>
    %dma_wait3A_73 = arith.constant 0 : i32
    %dma_wait3A_74 = arith.constant 0 : i32
    %dma_wait3A_75 = tpu.memref_slice %arg3[%add3A, %dma_wait3A_73, %dma_wait3A_74] : memref<32x125x80xi32, #tpu.memory_space<hbm>> -> memref<1x1x80xi32, #tpu.memory_space<hbm>>
    %dma_wait3A_76 = tpu.memref_squeeze %dma_wait3A_75 : memref<1x1x80xi32, #tpu.memory_space<hbm>> -> memref<1x80xi32, #tpu.memory_space<hbm>>
    tpu.wait_dma2 semaphore(%arg28 : memref<!tpu.dma_semaphore, #tpu.memory_space<semaphore_mem>>) src(%dma_wait3A_76 : memref<1x80xi32, #tpu.memory_space<hbm>>) dst(%arg6 : memref<1x80xi32, #tpu.memory_space<vmem>>)
    %dma_wait3A_77 = arith.constant 0 : i32
    %dma_wait3A_78 = arith.constant 0 : i32
    %dma_wait3A_79 = tpu.memref_slice %arg4[%add3A, %dma_wait3A_77, %dma_wait3A_78] : memref<32x125x80xi32, #tpu.memory_space<hbm>> -> memref<1x1x80xi32, #tpu.memory_space<hbm>>
    %dma_wait3A_80 = tpu.memref_squeeze %dma_wait3A_79 : memref<1x1x80xi32, #tpu.memory_space<hbm>> -> memref<1x80xi32, #tpu.memory_space<hbm>>
    %dma_wait3A_81 = arith.constant 0 : i32
    %dma_wait3A_82 = arith.constant 0 : i32
    %dma_wait3A_83 = tpu.memref_slice %arg4[%add3A, %dma_wait3A_81, %dma_wait3A_82] : memref<32x125x80xi32, #tpu.memory_space<hbm>> -> memref<1x1x80xi32, #tpu.memory_space<hbm>>
    %dma_wait3A_84 = tpu.memref_squeeze %dma_wait3A_83 : memref<1x1x80xi32, #tpu.memory_space<hbm>> -> memref<1x80xi32, #tpu.memory_space<hbm>>
    tpu.wait_dma2 semaphore(%arg28 : memref<!tpu.dma_semaphore, #tpu.memory_space<semaphore_mem>>) src(%dma_wait3A_84 : memref<1x80xi32, #tpu.memory_space<hbm>>) dst(%arg12 : memref<1x80xi32, #tpu.memory_space<vmem>>)
    %dma_start3A_85 = arith.constant 0 : i32
    %dma_start3A_86 = arith.constant 0 : i32
    %dma_start3A_87 = tpu.memref_slice %arg6[%dma_start3A_85, %dma_start3A_86] : memref<1x80xi32, #tpu.memory_space<vmem>> -> memref<1x80xi32, #tpu.memory_space<vmem>>
    %dma_start3A_88 = tpu.memref_squeeze %dma_start3A_87 : memref<1x80xi32, #tpu.memory_space<vmem>> -> memref<80xi32, #tpu.memory_space<vmem>>
    %dma_start3A_89 = arith.constant 0 : i32
    %dma_start3A_90 = arith.constant 0 : i32
    %dma_start3A_91 = tpu.memref_slice %arg2[%dma_start3A_89, %dma_start3A_90] : memref<10000x128xf32, #tpu.memory_space<hbm>> -> memref<10000x128xf32, #tpu.memory_space<hbm>>
    tpu.enqueue_indirect_dma source(%dma_start3A_91 : memref<10000x128xf32, #tpu.memory_space<hbm>>) target(%arg18 : memref<80x128xf32, #tpu.memory_space<vmem>>) offsets(%dma_start3A_88 : memref<80xi32, #tpu.memory_space<vmem>>) semaphore(%arg22 : memref<!tpu.dma_semaphore, #tpu.memory_space<semaphore_mem>>)
    %dma_wait3A_92 = arith.constant 1 : i32
    %dma_wait3A_93 = arith.constant 0 : i32
    %dma_wait3A_94 = tpu.memref_slice %arg3[%add3A, %dma_wait3A_92, %dma_wait3A_93] : memref<32x125x80xi32, #tpu.memory_space<hbm>> -> memref<1x1x80xi32, #tpu.memory_space<hbm>>
    %dma_wait3A_95 = tpu.memref_squeeze %dma_wait3A_94 : memref<1x1x80xi32, #tpu.memory_space<hbm>> -> memref<1x80xi32, #tpu.memory_space<hbm>>
    %dma_wait3A_96 = arith.constant 1 : i32
    %dma_wait3A_97 = arith.constant 0 : i32
    %dma_wait3A_98 = tpu.memref_slice %arg3[%add3A, %dma_wait3A_96, %dma_wait3A_97] : memref<32x125x80xi32, #tpu.memory_space<hbm>> -> memref<1x1x80xi32, #tpu.memory_space<hbm>>
    %dma_wait3A_99 = tpu.memref_squeeze %dma_wait3A_98 : memref<1x1x80xi32, #tpu.memory_space<hbm>> -> memref<1x80xi32, #tpu.memory_space<hbm>>
    tpu.wait_dma2 semaphore(%arg29 : memref<!tpu.dma_semaphore, #tpu.memory_space<semaphore_mem>>) src(%dma_wait3A_99 : memref<1x80xi32, #tpu.memory_space<hbm>>) dst(%arg8 : memref<1x80xi32, #tpu.memory_space<vmem>>)
    %dma_wait3A_100 = arith.constant 1 : i32
    %dma_wait3A_101 = arith.constant 0 : i32
    %dma_wait3A_102 = tpu.memref_slice %arg4[%add3A, %dma_wait3A_100, %dma_wait3A_101] : memref<32x125x80xi32, #tpu.memory_space<hbm>> -> memref<1x1x80xi32, #tpu.memory_space<hbm>>
    %dma_wait3A_103 = tpu.memref_squeeze %dma_wait3A_102 : memref<1x1x80xi32, #tpu.memory_space<hbm>> -> memref<1x80xi32, #tpu.memory_space<hbm>>
    %dma_wait3A_104 = arith.constant 1 : i32
    %dma_wait3A_105 = arith.constant 0 : i32
    %dma_wait3A_106 = tpu.memref_slice %arg4[%add3A, %dma_wait3A_104, %dma_wait3A_105] : memref<32x125x80xi32, #tpu.memory_space<hbm>> -> memref<1x1x80xi32, #tpu.memory_space<hbm>>
    %dma_wait3A_107 = tpu.memref_squeeze %dma_wait3A_106 : memref<1x1x80xi32, #tpu.memory_space<hbm>> -> memref<1x80xi32, #tpu.memory_space<hbm>>
    tpu.wait_dma2 semaphore(%arg29 : memref<!tpu.dma_semaphore, #tpu.memory_space<semaphore_mem>>) src(%dma_wait3A_107 : memref<1x80xi32, #tpu.memory_space<hbm>>) dst(%arg14 : memref<1x80xi32, #tpu.memory_space<vmem>>)
    %dma_start3A_108 = arith.constant 0 : i32
    %dma_start3A_109 = arith.constant 0 : i32
    %dma_start3A_110 = tpu.memref_slice %arg8[%dma_start3A_108, %dma_start3A_109] : memref<1x80xi32, #tpu.memory_space<vmem>> -> memref<1x80xi32, #tpu.memory_space<vmem>>
    %dma_start3A_111 = tpu.memref_squeeze %dma_start3A_110 : memref<1x80xi32, #tpu.memory_space<vmem>> -> memref<80xi32, #tpu.memory_space<vmem>>
    %dma_start3A_112 = arith.constant 0 : i32
    %dma_start3A_113 = arith.constant 0 : i32
    %dma_start3A_114 = tpu.memref_slice %arg2[%dma_start3A_112, %dma_start3A_113] : memref<10000x128xf32, #tpu.memory_space<hbm>> -> memref<10000x128xf32, #tpu.memory_space<hbm>>
    tpu.enqueue_indirect_dma source(%dma_start3A_114 : memref<10000x128xf32, #tpu.memory_space<hbm>>) target(%arg19 : memref<80x128xf32, #tpu.memory_space<vmem>>) offsets(%dma_start3A_111 : memref<80xi32, #tpu.memory_space<vmem>>) semaphore(%arg23 : memref<!tpu.dma_semaphore, #tpu.memory_space<semaphore_mem>>)
    %dma_wait3A_115 = arith.constant 2 : i32
    %dma_wait3A_116 = arith.constant 0 : i32
    %dma_wait3A_117 = tpu.memref_slice %arg3[%add3A, %dma_wait3A_115, %dma_wait3A_116] : memref<32x125x80xi32, #tpu.memory_space<hbm>> -> memref<1x1x80xi32, #tpu.memory_space<hbm>>
    %dma_wait3A_118 = tpu.memref_squeeze %dma_wait3A_117 : memref<1x1x80xi32, #tpu.memory_space<hbm>> -> memref<1x80xi32, #tpu.memory_space<hbm>>
    %dma_wait3A_119 = arith.constant 2 : i32
    %dma_wait3A_120 = arith.constant 0 : i32
    %dma_wait3A_121 = tpu.memref_slice %arg3[%add3A, %dma_wait3A_119, %dma_wait3A_120] : memref<32x125x80xi32, #tpu.memory_space<hbm>> -> memref<1x1x80xi32, #tpu.memory_space<hbm>>
    %dma_wait3A_122 = tpu.memref_squeeze %dma_wait3A_121 : memref<1x1x80xi32, #tpu.memory_space<hbm>> -> memref<1x80xi32, #tpu.memory_space<hbm>>
    tpu.wait_dma2 semaphore(%arg30 : memref<!tpu.dma_semaphore, #tpu.memory_space<semaphore_mem>>) src(%dma_wait3A_122 : memref<1x80xi32, #tpu.memory_space<hbm>>) dst(%arg10 : memref<1x80xi32, #tpu.memory_space<vmem>>)
    %dma_wait3A_123 = arith.constant 2 : i32
    %dma_wait3A_124 = arith.constant 0 : i32
    %dma_wait3A_125 = tpu.memref_slice %arg4[%add3A, %dma_wait3A_123, %dma_wait3A_124] : memref<32x125x80xi32, #tpu.memory_space<hbm>> -> memref<1x1x80xi32, #tpu.memory_space<hbm>>
    %dma_wait3A_126 = tpu.memref_squeeze %dma_wait3A_125 : memref<1x1x80xi32, #tpu.memory_space<hbm>> -> memref<1x80xi32, #tpu.memory_space<hbm>>
    %dma_wait3A_127 = arith.constant 2 : i32
    %dma_wait3A_128 = arith.constant 0 : i32
    %dma_wait3A_129 = tpu.memref_slice %arg4[%add3A, %dma_wait3A_127, %dma_wait3A_128] : memref<32x125x80xi32, #tpu.memory_space<hbm>> -> memref<1x1x80xi32, #tpu.memory_space<hbm>>
    %dma_wait3A_130 = tpu.memref_squeeze %dma_wait3A_129 : memref<1x1x80xi32, #tpu.memory_space<hbm>> -> memref<1x80xi32, #tpu.memory_space<hbm>>
    tpu.wait_dma2 semaphore(%arg30 : memref<!tpu.dma_semaphore, #tpu.memory_space<semaphore_mem>>) src(%dma_wait3A_130 : memref<1x80xi32, #tpu.memory_space<hbm>>) dst(%arg16 : memref<1x80xi32, #tpu.memory_space<vmem>>)
    %dma_start3A_131 = arith.constant 0 : i32
    %dma_start3A_132 = arith.constant 0 : i32
    %dma_start3A_133 = tpu.memref_slice %arg10[%dma_start3A_131, %dma_start3A_132] : memref<1x80xi32, #tpu.memory_space<vmem>> -> memref<1x80xi32, #tpu.memory_space<vmem>>
    %dma_start3A_134 = tpu.memref_squeeze %dma_start3A_133 : memref<1x80xi32, #tpu.memory_space<vmem>> -> memref<80xi32, #tpu.memory_space<vmem>>
    %dma_start3A_135 = arith.constant 0 : i32
    %dma_start3A_136 = arith.constant 0 : i32
    %dma_start3A_137 = tpu.memref_slice %arg2[%dma_start3A_135, %dma_start3A_136] : memref<10000x128xf32, #tpu.memory_space<hbm>> -> memref<10000x128xf32, #tpu.memory_space<hbm>>
    tpu.enqueue_indirect_dma source(%dma_start3A_137 : memref<10000x128xf32, #tpu.memory_space<hbm>>) target(%arg20 : memref<80x128xf32, #tpu.memory_space<vmem>>) offsets(%dma_start3A_134 : memref<80xi32, #tpu.memory_space<vmem>>) semaphore(%arg24 : memref<!tpu.dma_semaphore, #tpu.memory_space<semaphore_mem>>)
    %scan3A_138 = arith.constant 0 : i32
    %scan3A_139 = arith.constant 20 : i32
    %scan3A_140 = arith.addi %scan3A_138, %scan3A_139 : i32
    %scan3A_141 = arith.constant 1 : i32
    scf.for %scan3A_302 = %scan3A_138 to %scan3A_140 step %scan3A_141  : i32 {
      %mul3A_303 = arith.constant 6 : i32
      %mul3A_304 = arith.muli %scan3A_302, %mul3A_303 : i32
      %add3A_305 = arith.constant 0 : i32
      %add3A_306 = arith.addi %add3A_305, %mul3A_304 : i32
      %add3A_307 = arith.constant 0 : i32
      %add3A_308 = arith.addi %add3A_306, %add3A_307 : i32
      %add3A_309 = arith.constant 3 : i32
      %add3A_310 = arith.addi %add3A_308, %add3A_309 : i32
      %lt3A_311 = arith.constant 125 : i32
      %lt3A_312 = arith.cmpi slt, %add3A_310, %lt3A_311 : i32
      %add3A_313 = arith.constant 3 : i32
      %add3A_314 = arith.addi %add3A_308, %add3A_313 : i32
      %convert_element_type3A_315 = arith.extui %lt3A_312 : i1 to i32
      %cond3A_316 = arith.constant 0 : i32
      %cond3A_317 = arith.cmpi ne, %convert_element_type3A_315, %cond3A_316 : i32
      scf.if %cond3A_317 {
        %dma_start3A_517 = arith.constant 0 : i32
        %dma_start3A_518 = tpu.memref_slice %arg3[%add3A, %add3A_314, %dma_start3A_517] : memref<32x125x80xi32, #tpu.memory_space<hbm>> -> memref<1x1x80xi32, #tpu.memory_space<hbm>>
        %dma_start3A_519 = tpu.memref_squeeze %dma_start3A_518 : memref<1x1x80xi32, #tpu.memory_space<hbm>> -> memref<1x80xi32, #tpu.memory_space<hbm>>
        %dma_start3A_520 = arith.constant 0 : i32
        %dma_start3A_521 = tpu.memref_slice %arg3[%add3A, %add3A_314, %dma_start3A_520] : memref<32x125x80xi32, #tpu.memory_space<hbm>> -> memref<1x1x80xi32, #tpu.memory_space<hbm>>
        %dma_start3A_522 = tpu.memref_squeeze %dma_start3A_521 : memref<1x1x80xi32, #tpu.memory_space<hbm>> -> memref<1x80xi32, #tpu.memory_space<hbm>>
        tpu.enqueue_dma source(%dma_start3A_522 : memref<1x80xi32, #tpu.memory_space<hbm>>) target(%arg7 : memref<1x80xi32, #tpu.memory_space<vmem>>) target_semaphore(%arg28 : memref<!tpu.dma_semaphore, #tpu.memory_space<semaphore_mem>>)
        %dma_start3A_523 = arith.constant 0 : i32
        %dma_start3A_524 = tpu.memref_slice %arg4[%add3A, %add3A_314, %dma_start3A_523] : memref<32x125x80xi32, #tpu.memory_space<hbm>> -> memref<1x1x80xi32, #tpu.memory_space<hbm>>
        %dma_start3A_525 = tpu.memref_squeeze %dma_start3A_524 : memref<1x1x80xi32, #tpu.memory_space<hbm>> -> memref<1x80xi32, #tpu.memory_space<hbm>>
        %dma_start3A_526 = arith.constant 0 : i32
        %dma_start3A_527 = tpu.memref_slice %arg4[%add3A, %add3A_314, %dma_start3A_526] : memref<32x125x80xi32, #tpu.memory_space<hbm>> -> memref<1x1x80xi32, #tpu.memory_space<hbm>>
        %dma_start3A_528 = tpu.memref_squeeze %dma_start3A_527 : memref<1x1x80xi32, #tpu.memory_space<hbm>> -> memref<1x80xi32, #tpu.memory_space<hbm>>
        tpu.enqueue_dma source(%dma_start3A_528 : memref<1x80xi32, #tpu.memory_space<hbm>>) target(%arg13 : memref<1x80xi32, #tpu.memory_space<vmem>>) target_semaphore(%arg28 : memref<!tpu.dma_semaphore, #tpu.memory_space<semaphore_mem>>)
      } else {
      }
      %dma_wait3A_318 = arith.constant 0 : i32
      %dma_wait3A_319 = arith.constant 0 : i32
      %dma_wait3A_320 = tpu.memref_slice %arg6[%dma_wait3A_318, %dma_wait3A_319] : memref<1x80xi32, #tpu.memory_space<vmem>> -> memref<1x80xi32, #tpu.memory_space<vmem>>
      %dma_wait3A_321 = tpu.memref_squeeze %dma_wait3A_320 : memref<1x80xi32, #tpu.memory_space<vmem>> -> memref<80xi32, #tpu.memory_space<vmem>>
      %dma_wait3A_322 = arith.constant 0 : i32
      %dma_wait3A_323 = arith.constant 0 : i32
      %dma_wait3A_324 = tpu.memref_slice %arg2[%dma_wait3A_322, %dma_wait3A_323] : memref<10000x128xf32, #tpu.memory_space<hbm>> -> memref<10000x128xf32, #tpu.memory_space<hbm>>
      tpu.wait_indirect_dma semaphore(%arg22 : memref<!tpu.dma_semaphore, #tpu.memory_space<semaphore_mem>>) src(%dma_wait3A_324 : memref<10000x128xf32, #tpu.memory_space<hbm>>) dst(%arg18 : memref<80x128xf32, #tpu.memory_space<vmem>>)
      %dma_start3A_325 = arith.constant 0 : i32
      %dma_start3A_326 = arith.constant 0 : i32
      %dma_start3A_327 = tpu.memref_slice %arg12[%dma_start3A_325, %dma_start3A_326] : memref<1x80xi32, #tpu.memory_space<vmem>> -> memref<1x80xi32, #tpu.memory_space<vmem>>
      %dma_start3A_328 = tpu.memref_squeeze %dma_start3A_327 : memref<1x80xi32, #tpu.memory_space<vmem>> -> memref<80xi32, #tpu.memory_space<vmem>>
      %dma_start3A_329 = arith.constant 0 : i32
      %dma_start3A_330 = arith.constant 0 : i32
      %dma_start3A_331 = tpu.memref_slice %arg21[%dma_start3A_329, %dma_start3A_330] : memref<10000x128xf32, #tpu.memory_space<vmem_shared>> -> memref<10000x128xf32, #tpu.memory_space<vmem_shared>>
      tpu.enqueue_indirect_dma source(%arg18 : memref<80x128xf32, #tpu.memory_space<vmem>>) target(%dma_start3A_331 : memref<10000x128xf32, #tpu.memory_space<vmem_shared>>) offsets(%dma_start3A_328 : memref<80xi32, #tpu.memory_space<vmem>>) semaphore(%arg25 : memref<!tpu.dma_semaphore, #tpu.memory_space<semaphore_mem>>) {add = true}
      %dma_wait3A_332 = arith.constant 0 : i32
      %dma_wait3A_333 = arith.constant 0 : i32
      %dma_wait3A_334 = tpu.memref_slice %arg12[%dma_wait3A_332, %dma_wait3A_333] : memref<1x80xi32, #tpu.memory_space<vmem>> -> memref<1x80xi32, #tpu.memory_space<vmem>>
      %dma_wait3A_335 = tpu.memref_squeeze %dma_wait3A_334 : memref<1x80xi32, #tpu.memory_space<vmem>> -> memref<80xi32, #tpu.memory_space<vmem>>
      %dma_wait3A_336 = arith.constant 0 : i32
      %dma_wait3A_337 = arith.constant 0 : i32
      %dma_wait3A_338 = tpu.memref_slice %arg21[%dma_wait3A_336, %dma_wait3A_337] : memref<10000x128xf32, #tpu.memory_space<vmem_shared>> -> memref<10000x128xf32, #tpu.memory_space<vmem_shared>>
      tpu.wait_indirect_dma semaphore(%arg25 : memref<!tpu.dma_semaphore, #tpu.memory_space<semaphore_mem>>) src(%arg18 : memref<80x128xf32, #tpu.memory_space<vmem>>) dst(%dma_wait3A_338 : memref<10000x128xf32, #tpu.memory_space<vmem_shared>>)
      %convert_element_type3A_339 = arith.extui %lt3A_312 : i1 to i32
      %cond3A_340 = arith.constant 0 : i32
      %cond3A_341 = arith.cmpi ne, %convert_element_type3A_339, %cond3A_340 : i32
      scf.if %cond3A_341 {
        %dma_wait3A_517 = arith.constant 0 : i32
        %dma_wait3A_518 = tpu.memref_slice %arg3[%add3A, %add3A_314, %dma_wait3A_517] : memref<32x125x80xi32, #tpu.memory_space<hbm>> -> memref<1x1x80xi32, #tpu.memory_space<hbm>>
        %dma_wait3A_519 = tpu.memref_squeeze %dma_wait3A_518 : memref<1x1x80xi32, #tpu.memory_space<hbm>> -> memref<1x80xi32, #tpu.memory_space<hbm>>
        %dma_wait3A_520 = arith.constant 0 : i32
        %dma_wait3A_521 = tpu.memref_slice %arg3[%add3A, %add3A_314, %dma_wait3A_520] : memref<32x125x80xi32, #tpu.memory_space<hbm>> -> memref<1x1x80xi32, #tpu.memory_space<hbm>>
        %dma_wait3A_522 = tpu.memref_squeeze %dma_wait3A_521 : memref<1x1x80xi32, #tpu.memory_space<hbm>> -> memref<1x80xi32, #tpu.memory_space<hbm>>
        tpu.wait_dma2 semaphore(%arg28 : memref<!tpu.dma_semaphore, #tpu.memory_space<semaphore_mem>>) src(%dma_wait3A_522 : memref<1x80xi32, #tpu.memory_space<hbm>>) dst(%arg7 : memref<1x80xi32, #tpu.memory_space<vmem>>)
        %dma_wait3A_523 = arith.constant 0 : i32
        %dma_wait3A_524 = tpu.memref_slice %arg4[%add3A, %add3A_314, %dma_wait3A_523] : memref<32x125x80xi32, #tpu.memory_space<hbm>> -> memref<1x1x80xi32, #tpu.memory_space<hbm>>
        %dma_wait3A_525 = tpu.memref_squeeze %dma_wait3A_524 : memref<1x1x80xi32, #tpu.memory_space<hbm>> -> memref<1x80xi32, #tpu.memory_space<hbm>>
        %dma_wait3A_526 = arith.constant 0 : i32
        %dma_wait3A_527 = tpu.memref_slice %arg4[%add3A, %add3A_314, %dma_wait3A_526] : memref<32x125x80xi32, #tpu.memory_space<hbm>> -> memref<1x1x80xi32, #tpu.memory_space<hbm>>
        %dma_wait3A_528 = tpu.memref_squeeze %dma_wait3A_527 : memref<1x1x80xi32, #tpu.memory_space<hbm>> -> memref<1x80xi32, #tpu.memory_space<hbm>>
        tpu.wait_dma2 semaphore(%arg28 : memref<!tpu.dma_semaphore, #tpu.memory_space<semaphore_mem>>) src(%dma_wait3A_528 : memref<1x80xi32, #tpu.memory_space<hbm>>) dst(%arg13 : memref<1x80xi32, #tpu.memory_space<vmem>>)
        %dma_start3A_529 = arith.constant 0 : i32
        %dma_start3A_530 = arith.constant 0 : i32
        %dma_start3A_531 = tpu.memref_slice %arg7[%dma_start3A_529, %dma_start3A_530] : memref<1x80xi32, #tpu.memory_space<vmem>> -> memref<1x80xi32, #tpu.memory_space<vmem>>
        %dma_start3A_532 = tpu.memref_squeeze %dma_start3A_531 : memref<1x80xi32, #tpu.memory_space<vmem>> -> memref<80xi32, #tpu.memory_space<vmem>>
        %dma_start3A_533 = arith.constant 0 : i32
        %dma_start3A_534 = arith.constant 0 : i32
        %dma_start3A_535 = tpu.memref_slice %arg2[%dma_start3A_533, %dma_start3A_534] : memref<10000x128xf32, #tpu.memory_space<hbm>> -> memref<10000x128xf32, #tpu.memory_space<hbm>>
        tpu.enqueue_indirect_dma source(%dma_start3A_535 : memref<10000x128xf32, #tpu.memory_space<hbm>>) target(%arg18 : memref<80x128xf32, #tpu.memory_space<vmem>>) offsets(%dma_start3A_532 : memref<80xi32, #tpu.memory_space<vmem>>) semaphore(%arg22 : memref<!tpu.dma_semaphore, #tpu.memory_space<semaphore_mem>>)
      } else {
      }
      %add3A_342 = arith.constant 1 : i32
      %add3A_343 = arith.addi %add3A_306, %add3A_342 : i32
      %add3A_344 = arith.constant 3 : i32
      %add3A_345 = arith.addi %add3A_343, %add3A_344 : i32
      %lt3A_346 = arith.constant 125 : i32
      %lt3A_347 = arith.cmpi slt, %add3A_345, %lt3A_346 : i32
      %add3A_348 = arith.constant 3 : i32
      %add3A_349 = arith.addi %add3A_343, %add3A_348 : i32
      %convert_element_type3A_350 = arith.extui %lt3A_347 : i1 to i32
      %cond3A_351 = arith.constant 0 : i32
      %cond3A_352 = arith.cmpi ne, %convert_element_type3A_350, %cond3A_351 : i32
      scf.if %cond3A_352 {
        %dma_start3A_517 = arith.constant 0 : i32
        %dma_start3A_518 = tpu.memref_slice %arg3[%add3A, %add3A_349, %dma_start3A_517] : memref<32x125x80xi32, #tpu.memory_space<hbm>> -> memref<1x1x80xi32, #tpu.memory_space<hbm>>
        %dma_start3A_519 = tpu.memref_squeeze %dma_start3A_518 : memref<1x1x80xi32, #tpu.memory_space<hbm>> -> memref<1x80xi32, #tpu.memory_space<hbm>>
        %dma_start3A_520 = arith.constant 0 : i32
        %dma_start3A_521 = tpu.memref_slice %arg3[%add3A, %add3A_349, %dma_start3A_520] : memref<32x125x80xi32, #tpu.memory_space<hbm>> -> memref<1x1x80xi32, #tpu.memory_space<hbm>>
        %dma_start3A_522 = tpu.memref_squeeze %dma_start3A_521 : memref<1x1x80xi32, #tpu.memory_space<hbm>> -> memref<1x80xi32, #tpu.memory_space<hbm>>
        tpu.enqueue_dma source(%dma_start3A_522 : memref<1x80xi32, #tpu.memory_space<hbm>>) target(%arg9 : memref<1x80xi32, #tpu.memory_space<vmem>>) target_semaphore(%arg29 : memref<!tpu.dma_semaphore, #tpu.memory_space<semaphore_mem>>)
        %dma_start3A_523 = arith.constant 0 : i32
        %dma_start3A_524 = tpu.memref_slice %arg4[%add3A, %add3A_349, %dma_start3A_523] : memref<32x125x80xi32, #tpu.memory_space<hbm>> -> memref<1x1x80xi32, #tpu.memory_space<hbm>>
        %dma_start3A_525 = tpu.memref_squeeze %dma_start3A_524 : memref<1x1x80xi32, #tpu.memory_space<hbm>> -> memref<1x80xi32, #tpu.memory_space<hbm>>
        %dma_start3A_526 = arith.constant 0 : i32
        %dma_start3A_527 = tpu.memref_slice %arg4[%add3A, %add3A_349, %dma_start3A_526] : memref<32x125x80xi32, #tpu.memory_space<hbm>> -> memref<1x1x80xi32, #tpu.memory_space<hbm>>
        %dma_start3A_528 = tpu.memref_squeeze %dma_start3A_527 : memref<1x1x80xi32, #tpu.memory_space<hbm>> -> memref<1x80xi32, #tpu.memory_space<hbm>>
        tpu.enqueue_dma source(%dma_start3A_528 : memref<1x80xi32, #tpu.memory_space<hbm>>) target(%arg15 : memref<1x80xi32, #tpu.memory_space<vmem>>) target_semaphore(%arg29 : memref<!tpu.dma_semaphore, #tpu.memory_space<semaphore_mem>>)
      } else {
      }
      %dma_wait3A_353 = arith.constant 0 : i32
      %dma_wait3A_354 = arith.constant 0 : i32
      %dma_wait3A_355 = tpu.memref_slice %arg8[%dma_wait3A_353, %dma_wait3A_354] : memref<1x80xi32, #tpu.memory_space<vmem>> -> memref<1x80xi32, #tpu.memory_space<vmem>>
      %dma_wait3A_356 = tpu.memref_squeeze %dma_wait3A_355 : memref<1x80xi32, #tpu.memory_space<vmem>> -> memref<80xi32, #tpu.memory_space<vmem>>
      %dma_wait3A_357 = arith.constant 0 : i32
      %dma_wait3A_358 = arith.constant 0 : i32
      %dma_wait3A_359 = tpu.memref_slice %arg2[%dma_wait3A_357, %dma_wait3A_358] : memref<10000x128xf32, #tpu.memory_space<hbm>> -> memref<10000x128xf32, #tpu.memory_space<hbm>>
      tpu.wait_indirect_dma semaphore(%arg23 : memref<!tpu.dma_semaphore, #tpu.memory_space<semaphore_mem>>) src(%dma_wait3A_359 : memref<10000x128xf32, #tpu.memory_space<hbm>>) dst(%arg19 : memref<80x128xf32, #tpu.memory_space<vmem>>)
      %dma_start3A_360 = arith.constant 0 : i32
      %dma_start3A_361 = arith.constant 0 : i32
      %dma_start3A_362 = tpu.memref_slice %arg14[%dma_start3A_360, %dma_start3A_361] : memref<1x80xi32, #tpu.memory_space<vmem>> -> memref<1x80xi32, #tpu.memory_space<vmem>>
      %dma_start3A_363 = tpu.memref_squeeze %dma_start3A_362 : memref<1x80xi32, #tpu.memory_space<vmem>> -> memref<80xi32, #tpu.memory_space<vmem>>
      %dma_start3A_364 = arith.constant 0 : i32
      %dma_start3A_365 = arith.constant 0 : i32
      %dma_start3A_366 = tpu.memref_slice %arg21[%dma_start3A_364, %dma_start3A_365] : memref<10000x128xf32, #tpu.memory_space<vmem_shared>> -> memref<10000x128xf32, #tpu.memory_space<vmem_shared>>
      tpu.enqueue_indirect_dma source(%arg19 : memref<80x128xf32, #tpu.memory_space<vmem>>) target(%dma_start3A_366 : memref<10000x128xf32, #tpu.memory_space<vmem_shared>>) offsets(%dma_start3A_363 : memref<80xi32, #tpu.memory_space<vmem>>) semaphore(%arg26 : memref<!tpu.dma_semaphore, #tpu.memory_space<semaphore_mem>>) {add = true}
      %dma_wait3A_367 = arith.constant 0 : i32
      %dma_wait3A_368 = arith.constant 0 : i32
      %dma_wait3A_369 = tpu.memref_slice %arg14[%dma_wait3A_367, %dma_wait3A_368] : memref<1x80xi32, #tpu.memory_space<vmem>> -> memref<1x80xi32, #tpu.memory_space<vmem>>
      %dma_wait3A_370 = tpu.memref_squeeze %dma_wait3A_369 : memref<1x80xi32, #tpu.memory_space<vmem>> -> memref<80xi32, #tpu.memory_space<vmem>>
      %dma_wait3A_371 = arith.constant 0 : i32
      %dma_wait3A_372 = arith.constant 0 : i32
      %dma_wait3A_373 = tpu.memref_slice %arg21[%dma_wait3A_371, %dma_wait3A_372] : memref<10000x128xf32, #tpu.memory_space<vmem_shared>> -> memref<10000x128xf32, #tpu.memory_space<vmem_shared>>
      tpu.wait_indirect_dma semaphore(%arg26 : memref<!tpu.dma_semaphore, #tpu.memory_space<semaphore_mem>>) src(%arg19 : memref<80x128xf32, #tpu.memory_space<vmem>>) dst(%dma_wait3A_373 : memref<10000x128xf32, #tpu.memory_space<vmem_shared>>)
      %convert_element_type3A_374 = arith.extui %lt3A_347 : i1 to i32
      %cond3A_375 = arith.constant 0 : i32
      %cond3A_376 = arith.cmpi ne, %convert_element_type3A_374, %cond3A_375 : i32
      scf.if %cond3A_376 {
        %dma_wait3A_517 = arith.constant 0 : i32
        %dma_wait3A_518 = tpu.memref_slice %arg3[%add3A, %add3A_349, %dma_wait3A_517] : memref<32x125x80xi32, #tpu.memory_space<hbm>> -> memref<1x1x80xi32, #tpu.memory_space<hbm>>
        %dma_wait3A_519 = tpu.memref_squeeze %dma_wait3A_518 : memref<1x1x80xi32, #tpu.memory_space<hbm>> -> memref<1x80xi32, #tpu.memory_space<hbm>>
        %dma_wait3A_520 = arith.constant 0 : i32
        %dma_wait3A_521 = tpu.memref_slice %arg3[%add3A, %add3A_349, %dma_wait3A_520] : memref<32x125x80xi32, #tpu.memory_space<hbm>> -> memref<1x1x80xi32, #tpu.memory_space<hbm>>
        %dma_wait3A_522 = tpu.memref_squeeze %dma_wait3A_521 : memref<1x1x80xi32, #tpu.memory_space<hbm>> -> memref<1x80xi32, #tpu.memory_space<hbm>>
        tpu.wait_dma2 semaphore(%arg29 : memref<!tpu.dma_semaphore, #tpu.memory_space<semaphore_mem>>) src(%dma_wait3A_522 : memref<1x80xi32, #tpu.memory_space<hbm>>) dst(%arg9 : memref<1x80xi32, #tpu.memory_space<vmem>>)
        %dma_wait3A_523 = arith.constant 0 : i32
        %dma_wait3A_524 = tpu.memref_slice %arg4[%add3A, %add3A_349, %dma_wait3A_523] : memref<32x125x80xi32, #tpu.memory_space<hbm>> -> memref<1x1x80xi32, #tpu.memory_space<hbm>>
        %dma_wait3A_525 = tpu.memref_squeeze %dma_wait3A_524 : memref<1x1x80xi32, #tpu.memory_space<hbm>> -> memref<1x80xi32, #tpu.memory_space<hbm>>
        %dma_wait3A_526 = arith.constant 0 : i32
        %dma_wait3A_527 = tpu.memref_slice %arg4[%add3A, %add3A_349, %dma_wait3A_526] : memref<32x125x80xi32, #tpu.memory_space<hbm>> -> memref<1x1x80xi32, #tpu.memory_space<hbm>>
        %dma_wait3A_528 = tpu.memref_squeeze %dma_wait3A_527 : memref<1x1x80xi32, #tpu.memory_space<hbm>> -> memref<1x80xi32, #tpu.memory_space<hbm>>
        tpu.wait_dma2 semaphore(%arg29 : memref<!tpu.dma_semaphore, #tpu.memory_space<semaphore_mem>>) src(%dma_wait3A_528 : memref<1x80xi32, #tpu.memory_space<hbm>>) dst(%arg15 : memref<1x80xi32, #tpu.memory_space<vmem>>)
        %dma_start3A_529 = arith.constant 0 : i32
        %dma_start3A_530 = arith.constant 0 : i32
        %dma_start3A_531 = tpu.memref_slice %arg9[%dma_start3A_529, %dma_start3A_530] : memref<1x80xi32, #tpu.memory_space<vmem>> -> memref<1x80xi32, #tpu.memory_space<vmem>>
        %dma_start3A_532 = tpu.memref_squeeze %dma_start3A_531 : memref<1x80xi32, #tpu.memory_space<vmem>> -> memref<80xi32, #tpu.memory_space<vmem>>
        %dma_start3A_533 = arith.constant 0 : i32
        %dma_start3A_534 = arith.constant 0 : i32
        %dma_start3A_535 = tpu.memref_slice %arg2[%dma_start3A_533, %dma_start3A_534] : memref<10000x128xf32, #tpu.memory_space<hbm>> -> memref<10000x128xf32, #tpu.memory_space<hbm>>
        tpu.enqueue_indirect_dma source(%dma_start3A_535 : memref<10000x128xf32, #tpu.memory_space<hbm>>) target(%arg19 : memref<80x128xf32, #tpu.memory_space<vmem>>) offsets(%dma_start3A_532 : memref<80xi32, #tpu.memory_space<vmem>>) semaphore(%arg23 : memref<!tpu.dma_semaphore, #tpu.memory_space<semaphore_mem>>)
      } else {
      }
      %add3A_377 = arith.constant 2 : i32
      %add3A_378 = arith.addi %add3A_306, %add3A_377 : i32
      %add3A_379 = arith.constant 3 : i32
      %add3A_380 = arith.addi %add3A_378, %add3A_379 : i32
      %lt3A_381 = arith.constant 125 : i32
      %lt3A_382 = arith.cmpi slt, %add3A_380, %lt3A_381 : i32
      %add3A_383 = arith.constant 3 : i32
      %add3A_384 = arith.addi %add3A_378, %add3A_383 : i32
      %convert_element_type3A_385 = arith.extui %lt3A_382 : i1 to i32
      %cond3A_386 = arith.constant 0 : i32
      %cond3A_387 = arith.cmpi ne, %convert_element_type3A_385, %cond3A_386 : i32
      scf.if %cond3A_387 {
        %dma_start3A_517 = arith.constant 0 : i32
        %dma_start3A_518 = tpu.memref_slice %arg3[%add3A, %add3A_384, %dma_start3A_517] : memref<32x125x80xi32, #tpu.memory_space<hbm>> -> memref<1x1x80xi32, #tpu.memory_space<hbm>>
        %dma_start3A_519 = tpu.memref_squeeze %dma_start3A_518 : memref<1x1x80xi32, #tpu.memory_space<hbm>> -> memref<1x80xi32, #tpu.memory_space<hbm>>
        %dma_start3A_520 = arith.constant 0 : i32
        %dma_start3A_521 = tpu.memref_slice %arg3[%add3A, %add3A_384, %dma_start3A_520] : memref<32x125x80xi32, #tpu.memory_space<hbm>> -> memref<1x1x80xi32, #tpu.memory_space<hbm>>
        %dma_start3A_522 = tpu.memref_squeeze %dma_start3A_521 : memref<1x1x80xi32, #tpu.memory_space<hbm>> -> memref<1x80xi32, #tpu.memory_space<hbm>>
        tpu.enqueue_dma source(%dma_start3A_522 : memref<1x80xi32, #tpu.memory_space<hbm>>) target(%arg11 : memref<1x80xi32, #tpu.memory_space<vmem>>) target_semaphore(%arg30 : memref<!tpu.dma_semaphore, #tpu.memory_space<semaphore_mem>>)
        %dma_start3A_523 = arith.constant 0 : i32
        %dma_start3A_524 = tpu.memref_slice %arg4[%add3A, %add3A_384, %dma_start3A_523] : memref<32x125x80xi32, #tpu.memory_space<hbm>> -> memref<1x1x80xi32, #tpu.memory_space<hbm>>
        %dma_start3A_525 = tpu.memref_squeeze %dma_start3A_524 : memref<1x1x80xi32, #tpu.memory_space<hbm>> -> memref<1x80xi32, #tpu.memory_space<hbm>>
        %dma_start3A_526 = arith.constant 0 : i32
        %dma_start3A_527 = tpu.memref_slice %arg4[%add3A, %add3A_384, %dma_start3A_526] : memref<32x125x80xi32, #tpu.memory_space<hbm>> -> memref<1x1x80xi32, #tpu.memory_space<hbm>>
        %dma_start3A_528 = tpu.memref_squeeze %dma_start3A_527 : memref<1x1x80xi32, #tpu.memory_space<hbm>> -> memref<1x80xi32, #tpu.memory_space<hbm>>
        tpu.enqueue_dma source(%dma_start3A_528 : memref<1x80xi32, #tpu.memory_space<hbm>>) target(%arg17 : memref<1x80xi32, #tpu.memory_space<vmem>>) target_semaphore(%arg30 : memref<!tpu.dma_semaphore, #tpu.memory_space<semaphore_mem>>)
      } else {
      }
      %dma_wait3A_388 = arith.constant 0 : i32
      %dma_wait3A_389 = arith.constant 0 : i32
      %dma_wait3A_390 = tpu.memref_slice %arg10[%dma_wait3A_388, %dma_wait3A_389] : memref<1x80xi32, #tpu.memory_space<vmem>> -> memref<1x80xi32, #tpu.memory_space<vmem>>
      %dma_wait3A_391 = tpu.memref_squeeze %dma_wait3A_390 : memref<1x80xi32, #tpu.memory_space<vmem>> -> memref<80xi32, #tpu.memory_space<vmem>>
      %dma_wait3A_392 = arith.constant 0 : i32
      %dma_wait3A_393 = arith.constant 0 : i32
      %dma_wait3A_394 = tpu.memref_slice %arg2[%dma_wait3A_392, %dma_wait3A_393] : memref<10000x128xf32, #tpu.memory_space<hbm>> -> memref<10000x128xf32, #tpu.memory_space<hbm>>
      tpu.wait_indirect_dma semaphore(%arg24 : memref<!tpu.dma_semaphore, #tpu.memory_space<semaphore_mem>>) src(%dma_wait3A_394 : memref<10000x128xf32, #tpu.memory_space<hbm>>) dst(%arg20 : memref<80x128xf32, #tpu.memory_space<vmem>>)
      %dma_start3A_395 = arith.constant 0 : i32
      %dma_start3A_396 = arith.constant 0 : i32
      %dma_start3A_397 = tpu.memref_slice %arg16[%dma_start3A_395, %dma_start3A_396] : memref<1x80xi32, #tpu.memory_space<vmem>> -> memref<1x80xi32, #tpu.memory_space<vmem>>
      %dma_start3A_398 = tpu.memref_squeeze %dma_start3A_397 : memref<1x80xi32, #tpu.memory_space<vmem>> -> memref<80xi32, #tpu.memory_space<vmem>>
      %dma_start3A_399 = arith.constant 0 : i32
      %dma_start3A_400 = arith.constant 0 : i32
      %dma_start3A_401 = tpu.memref_slice %arg21[%dma_start3A_399, %dma_start3A_400] : memref<10000x128xf32, #tpu.memory_space<vmem_shared>> -> memref<10000x128xf32, #tpu.memory_space<vmem_shared>>
      tpu.enqueue_indirect_dma source(%arg20 : memref<80x128xf32, #tpu.memory_space<vmem>>) target(%dma_start3A_401 : memref<10000x128xf32, #tpu.memory_space<vmem_shared>>) offsets(%dma_start3A_398 : memref<80xi32, #tpu.memory_space<vmem>>) semaphore(%arg27 : memref<!tpu.dma_semaphore, #tpu.memory_space<semaphore_mem>>) {add = true}
      %dma_wait3A_402 = arith.constant 0 : i32
      %dma_wait3A_403 = arith.constant 0 : i32
      %dma_wait3A_404 = tpu.memref_slice %arg16[%dma_wait3A_402, %dma_wait3A_403] : memref<1x80xi32, #tpu.memory_space<vmem>> -> memref<1x80xi32, #tpu.memory_space<vmem>>
      %dma_wait3A_405 = tpu.memref_squeeze %dma_wait3A_404 : memref<1x80xi32, #tpu.memory_space<vmem>> -> memref<80xi32, #tpu.memory_space<vmem>>
      %dma_wait3A_406 = arith.constant 0 : i32
      %dma_wait3A_407 = arith.constant 0 : i32
      %dma_wait3A_408 = tpu.memref_slice %arg21[%dma_wait3A_406, %dma_wait3A_407] : memref<10000x128xf32, #tpu.memory_space<vmem_shared>> -> memref<10000x128xf32, #tpu.memory_space<vmem_shared>>
      tpu.wait_indirect_dma semaphore(%arg27 : memref<!tpu.dma_semaphore, #tpu.memory_space<semaphore_mem>>) src(%arg20 : memref<80x128xf32, #tpu.memory_space<vmem>>) dst(%dma_wait3A_408 : memref<10000x128xf32, #tpu.memory_space<vmem_shared>>)
      %convert_element_type3A_409 = arith.extui %lt3A_382 : i1 to i32
      %cond3A_410 = arith.constant 0 : i32
      %cond3A_411 = arith.cmpi ne, %convert_element_type3A_409, %cond3A_410 : i32
      scf.if %cond3A_411 {
        %dma_wait3A_517 = arith.constant 0 : i32
        %dma_wait3A_518 = tpu.memref_slice %arg3[%add3A, %add3A_384, %dma_wait3A_517] : memref<32x125x80xi32, #tpu.memory_space<hbm>> -> memref<1x1x80xi32, #tpu.memory_space<hbm>>
        %dma_wait3A_519 = tpu.memref_squeeze %dma_wait3A_518 : memref<1x1x80xi32, #tpu.memory_space<hbm>> -> memref<1x80xi32, #tpu.memory_space<hbm>>
        %dma_wait3A_520 = arith.constant 0 : i32
        %dma_wait3A_521 = tpu.memref_slice %arg3[%add3A, %add3A_384, %dma_wait3A_520] : memref<32x125x80xi32, #tpu.memory_space<hbm>> -> memref<1x1x80xi32, #tpu.memory_space<hbm>>
        %dma_wait3A_522 = tpu.memref_squeeze %dma_wait3A_521 : memref<1x1x80xi32, #tpu.memory_space<hbm>> -> memref<1x80xi32, #tpu.memory_space<hbm>>
        tpu.wait_dma2 semaphore(%arg30 : memref<!tpu.dma_semaphore, #tpu.memory_space<semaphore_mem>>) src(%dma_wait3A_522 : memref<1x80xi32, #tpu.memory_space<hbm>>) dst(%arg11 : memref<1x80xi32, #tpu.memory_space<vmem>>)
        %dma_wait3A_523 = arith.constant 0 : i32
        %dma_wait3A_524 = tpu.memref_slice %arg4[%add3A, %add3A_384, %dma_wait3A_523] : memref<32x125x80xi32, #tpu.memory_space<hbm>> -> memref<1x1x80xi32, #tpu.memory_space<hbm>>
        %dma_wait3A_525 = tpu.memref_squeeze %dma_wait3A_524 : memref<1x1x80xi32, #tpu.memory_space<hbm>> -> memref<1x80xi32, #tpu.memory_space<hbm>>
        %dma_wait3A_526 = arith.constant 0 : i32
        %dma_wait3A_527 = tpu.memref_slice %arg4[%add3A, %add3A_384, %dma_wait3A_526] : memref<32x125x80xi32, #tpu.memory_space<hbm>> -> memref<1x1x80xi32, #tpu.memory_space<hbm>>
        %dma_wait3A_528 = tpu.memref_squeeze %dma_wait3A_527 : memref<1x1x80xi32, #tpu.memory_space<hbm>> -> memref<1x80xi32, #tpu.memory_space<hbm>>
        tpu.wait_dma2 semaphore(%arg30 : memref<!tpu.dma_semaphore, #tpu.memory_space<semaphore_mem>>) src(%dma_wait3A_528 : memref<1x80xi32, #tpu.memory_space<hbm>>) dst(%arg17 : memref<1x80xi32, #tpu.memory_space<vmem>>)
        %dma_start3A_529 = arith.constant 0 : i32
        %dma_start3A_530 = arith.constant 0 : i32
        %dma_start3A_531 = tpu.memref_slice %arg11[%dma_start3A_529, %dma_start3A_530] : memref<1x80xi32, #tpu.memory_space<vmem>> -> memref<1x80xi32, #tpu.memory_space<vmem>>
        %dma_start3A_532 = tpu.memref_squeeze %dma_start3A_531 : memref<1x80xi32, #tpu.memory_space<vmem>> -> memref<80xi32, #tpu.memory_space<vmem>>
        %dma_start3A_533 = arith.constant 0 : i32
        %dma_start3A_534 = arith.constant 0 : i32
        %dma_start3A_535 = tpu.memref_slice %arg2[%dma_start3A_533, %dma_start3A_534] : memref<10000x128xf32, #tpu.memory_space<hbm>> -> memref<10000x128xf32, #tpu.memory_space<hbm>>
        tpu.enqueue_indirect_dma source(%dma_start3A_535 : memref<10000x128xf32, #tpu.memory_space<hbm>>) target(%arg20 : memref<80x128xf32, #tpu.memory_space<vmem>>) offsets(%dma_start3A_532 : memref<80xi32, #tpu.memory_space<vmem>>) semaphore(%arg24 : memref<!tpu.dma_semaphore, #tpu.memory_space<semaphore_mem>>)
      } else {
      }
      %add3A_412 = arith.constant 3 : i32
      %add3A_413 = arith.addi %add3A_306, %add3A_412 : i32
      %add3A_414 = arith.constant 3 : i32
      %add3A_415 = arith.addi %add3A_413, %add3A_414 : i32
      %lt3A_416 = arith.constant 125 : i32
      %lt3A_417 = arith.cmpi slt, %add3A_415, %lt3A_416 : i32
      %add3A_418 = arith.constant 3 : i32
      %add3A_419 = arith.addi %add3A_413, %add3A_418 : i32
      %convert_element_type3A_420 = arith.extui %lt3A_417 : i1 to i32
      %cond3A_421 = arith.constant 0 : i32
      %cond3A_422 = arith.cmpi ne, %convert_element_type3A_420, %cond3A_421 : i32
      scf.if %cond3A_422 {
        %dma_start3A_517 = arith.constant 0 : i32
        %dma_start3A_518 = tpu.memref_slice %arg3[%add3A, %add3A_419, %dma_start3A_517] : memref<32x125x80xi32, #tpu.memory_space<hbm>> -> memref<1x1x80xi32, #tpu.memory_space<hbm>>
        %dma_start3A_519 = tpu.memref_squeeze %dma_start3A_518 : memref<1x1x80xi32, #tpu.memory_space<hbm>> -> memref<1x80xi32, #tpu.memory_space<hbm>>
        %dma_start3A_520 = arith.constant 0 : i32
        %dma_start3A_521 = tpu.memref_slice %arg3[%add3A, %add3A_419, %dma_start3A_520] : memref<32x125x80xi32, #tpu.memory_space<hbm>> -> memref<1x1x80xi32, #tpu.memory_space<hbm>>
        %dma_start3A_522 = tpu.memref_squeeze %dma_start3A_521 : memref<1x1x80xi32, #tpu.memory_space<hbm>> -> memref<1x80xi32, #tpu.memory_space<hbm>>
        tpu.enqueue_dma source(%dma_start3A_522 : memref<1x80xi32, #tpu.memory_space<hbm>>) target(%arg6 : memref<1x80xi32, #tpu.memory_space<vmem>>) target_semaphore(%arg28 : memref<!tpu.dma_semaphore, #tpu.memory_space<semaphore_mem>>)
        %dma_start3A_523 = arith.constant 0 : i32
        %dma_start3A_524 = tpu.memref_slice %arg4[%add3A, %add3A_419, %dma_start3A_523] : memref<32x125x80xi32, #tpu.memory_space<hbm>> -> memref<1x1x80xi32, #tpu.memory_space<hbm>>
        %dma_start3A_525 = tpu.memref_squeeze %dma_start3A_524 : memref<1x1x80xi32, #tpu.memory_space<hbm>> -> memref<1x80xi32, #tpu.memory_space<hbm>>
        %dma_start3A_526 = arith.constant 0 : i32
        %dma_start3A_527 = tpu.memref_slice %arg4[%add3A, %add3A_419, %dma_start3A_526] : memref<32x125x80xi32, #tpu.memory_space<hbm>> -> memref<1x1x80xi32, #tpu.memory_space<hbm>>
        %dma_start3A_528 = tpu.memref_squeeze %dma_start3A_527 : memref<1x1x80xi32, #tpu.memory_space<hbm>> -> memref<1x80xi32, #tpu.memory_space<hbm>>
        tpu.enqueue_dma source(%dma_start3A_528 : memref<1x80xi32, #tpu.memory_space<hbm>>) target(%arg12 : memref<1x80xi32, #tpu.memory_space<vmem>>) target_semaphore(%arg28 : memref<!tpu.dma_semaphore, #tpu.memory_space<semaphore_mem>>)
      } else {
      }
      %dma_wait3A_423 = arith.constant 0 : i32
      %dma_wait3A_424 = arith.constant 0 : i32
      %dma_wait3A_425 = tpu.memref_slice %arg7[%dma_wait3A_423, %dma_wait3A_424] : memref<1x80xi32, #tpu.memory_space<vmem>> -> memref<1x80xi32, #tpu.memory_space<vmem>>
      %dma_wait3A_426 = tpu.memref_squeeze %dma_wait3A_425 : memref<1x80xi32, #tpu.memory_space<vmem>> -> memref<80xi32, #tpu.memory_space<vmem>>
      %dma_wait3A_427 = arith.constant 0 : i32
      %dma_wait3A_428 = arith.constant 0 : i32
      %dma_wait3A_429 = tpu.memref_slice %arg2[%dma_wait3A_427, %dma_wait3A_428] : memref<10000x128xf32, #tpu.memory_space<hbm>> -> memref<10000x128xf32, #tpu.memory_space<hbm>>
      tpu.wait_indirect_dma semaphore(%arg22 : memref<!tpu.dma_semaphore, #tpu.memory_space<semaphore_mem>>) src(%dma_wait3A_429 : memref<10000x128xf32, #tpu.memory_space<hbm>>) dst(%arg18 : memref<80x128xf32, #tpu.memory_space<vmem>>)
      %dma_start3A_430 = arith.constant 0 : i32
      %dma_start3A_431 = arith.constant 0 : i32
      %dma_start3A_432 = tpu.memref_slice %arg13[%dma_start3A_430, %dma_start3A_431] : memref<1x80xi32, #tpu.memory_space<vmem>> -> memref<1x80xi32, #tpu.memory_space<vmem>>
      %dma_start3A_433 = tpu.memref_squeeze %dma_start3A_432 : memref<1x80xi32, #tpu.memory_space<vmem>> -> memref<80xi32, #tpu.memory_space<vmem>>
      %dma_start3A_434 = arith.constant 0 : i32
      %dma_start3A_435 = arith.constant 0 : i32
      %dma_start3A_436 = tpu.memref_slice %arg21[%dma_start3A_434, %dma_start3A_435] : memref<10000x128xf32, #tpu.memory_space<vmem_shared>> -> memref<10000x128xf32, #tpu.memory_space<vmem_shared>>
      tpu.enqueue_indirect_dma source(%arg18 : memref<80x128xf32, #tpu.memory_space<vmem>>) target(%dma_start3A_436 : memref<10000x128xf32, #tpu.memory_space<vmem_shared>>) offsets(%dma_start3A_433 : memref<80xi32, #tpu.memory_space<vmem>>) semaphore(%arg25 : memref<!tpu.dma_semaphore, #tpu.memory_space<semaphore_mem>>) {add = true}
      %dma_wait3A_437 = arith.constant 0 : i32
      %dma_wait3A_438 = arith.constant 0 : i32
      %dma_wait3A_439 = tpu.memref_slice %arg13[%dma_wait3A_437, %dma_wait3A_438] : memref<1x80xi32, #tpu.memory_space<vmem>> -> memref<1x80xi32, #tpu.memory_space<vmem>>
      %dma_wait3A_440 = tpu.memref_squeeze %dma_wait3A_439 : memref<1x80xi32, #tpu.memory_space<vmem>> -> memref<80xi32, #tpu.memory_space<vmem>>
      %dma_wait3A_441 = arith.constant 0 : i32
      %dma_wait3A_442 = arith.constant 0 : i32
      %dma_wait3A_443 = tpu.memref_slice %arg21[%dma_wait3A_441, %dma_wait3A_442] : memref<10000x128xf32, #tpu.memory_space<vmem_shared>> -> memref<10000x128xf32, #tpu.memory_space<vmem_shared>>
      tpu.wait_indirect_dma semaphore(%arg25 : memref<!tpu.dma_semaphore, #tpu.memory_space<semaphore_mem>>) src(%arg18 : memref<80x128xf32, #tpu.memory_space<vmem>>) dst(%dma_wait3A_443 : memref<10000x128xf32, #tpu.memory_space<vmem_shared>>)
      %convert_element_type3A_444 = arith.extui %lt3A_417 : i1 to i32
      %cond3A_445 = arith.constant 0 : i32
      %cond3A_446 = arith.cmpi ne, %convert_element_type3A_444, %cond3A_445 : i32
      scf.if %cond3A_446 {
        %dma_wait3A_517 = arith.constant 0 : i32
        %dma_wait3A_518 = tpu.memref_slice %arg3[%add3A, %add3A_419, %dma_wait3A_517] : memref<32x125x80xi32, #tpu.memory_space<hbm>> -> memref<1x1x80xi32, #tpu.memory_space<hbm>>
        %dma_wait3A_519 = tpu.memref_squeeze %dma_wait3A_518 : memref<1x1x80xi32, #tpu.memory_space<hbm>> -> memref<1x80xi32, #tpu.memory_space<hbm>>
        %dma_wait3A_520 = arith.constant 0 : i32
        %dma_wait3A_521 = tpu.memref_slice %arg3[%add3A, %add3A_419, %dma_wait3A_520] : memref<32x125x80xi32, #tpu.memory_space<hbm>> -> memref<1x1x80xi32, #tpu.memory_space<hbm>>
        %dma_wait3A_522 = tpu.memref_squeeze %dma_wait3A_521 : memref<1x1x80xi32, #tpu.memory_space<hbm>> -> memref<1x80xi32, #tpu.memory_space<hbm>>
        tpu.wait_dma2 semaphore(%arg28 : memref<!tpu.dma_semaphore, #tpu.memory_space<semaphore_mem>>) src(%dma_wait3A_522 : memref<1x80xi32, #tpu.memory_space<hbm>>) dst(%arg6 : memref<1x80xi32, #tpu.memory_space<vmem>>)
        %dma_wait3A_523 = arith.constant 0 : i32
        %dma_wait3A_524 = tpu.memref_slice %arg4[%add3A, %add3A_419, %dma_wait3A_523] : memref<32x125x80xi32, #tpu.memory_space<hbm>> -> memref<1x1x80xi32, #tpu.memory_space<hbm>>
        %dma_wait3A_525 = tpu.memref_squeeze %dma_wait3A_524 : memref<1x1x80xi32, #tpu.memory_space<hbm>> -> memref<1x80xi32, #tpu.memory_space<hbm>>
        %dma_wait3A_526 = arith.constant 0 : i32
        %dma_wait3A_527 = tpu.memref_slice %arg4[%add3A, %add3A_419, %dma_wait3A_526] : memref<32x125x80xi32, #tpu.memory_space<hbm>> -> memref<1x1x80xi32, #tpu.memory_space<hbm>>
        %dma_wait3A_528 = tpu.memref_squeeze %dma_wait3A_527 : memref<1x1x80xi32, #tpu.memory_space<hbm>> -> memref<1x80xi32, #tpu.memory_space<hbm>>
        tpu.wait_dma2 semaphore(%arg28 : memref<!tpu.dma_semaphore, #tpu.memory_space<semaphore_mem>>) src(%dma_wait3A_528 : memref<1x80xi32, #tpu.memory_space<hbm>>) dst(%arg12 : memref<1x80xi32, #tpu.memory_space<vmem>>)
        %dma_start3A_529 = arith.constant 0 : i32
        %dma_start3A_530 = arith.constant 0 : i32
        %dma_start3A_531 = tpu.memref_slice %arg6[%dma_start3A_529, %dma_start3A_530] : memref<1x80xi32, #tpu.memory_space<vmem>> -> memref<1x80xi32, #tpu.memory_space<vmem>>
        %dma_start3A_532 = tpu.memref_squeeze %dma_start3A_531 : memref<1x80xi32, #tpu.memory_space<vmem>> -> memref<80xi32, #tpu.memory_space<vmem>>
        %dma_start3A_533 = arith.constant 0 : i32
        %dma_start3A_534 = arith.constant 0 : i32
        %dma_start3A_535 = tpu.memref_slice %arg2[%dma_start3A_533, %dma_start3A_534] : memref<10000x128xf32, #tpu.memory_space<hbm>> -> memref<10000x128xf32, #tpu.memory_space<hbm>>
        tpu.enqueue_indirect_dma source(%dma_start3A_535 : memref<10000x128xf32, #tpu.memory_space<hbm>>) target(%arg18 : memref<80x128xf32, #tpu.memory_space<vmem>>) offsets(%dma_start3A_532 : memref<80xi32, #tpu.memory_space<vmem>>) semaphore(%arg22 : memref<!tpu.dma_semaphore, #tpu.memory_space<semaphore_mem>>)
      } else {
      }
      %add3A_447 = arith.constant 4 : i32
      %add3A_448 = arith.addi %add3A_306, %add3A_447 : i32
      %add3A_449 = arith.constant 3 : i32
      %add3A_450 = arith.addi %add3A_448, %add3A_449 : i32
      %lt3A_451 = arith.constant 125 : i32
      %lt3A_452 = arith.cmpi slt, %add3A_450, %lt3A_451 : i32
      %add3A_453 = arith.constant 3 : i32
      %add3A_454 = arith.addi %add3A_448, %add3A_453 : i32
      %convert_element_type3A_455 = arith.extui %lt3A_452 : i1 to i32
      %cond3A_456 = arith.constant 0 : i32
      %cond3A_457 = arith.cmpi ne, %convert_element_type3A_455, %cond3A_456 : i32
      scf.if %cond3A_457 {
        %dma_start3A_517 = arith.constant 0 : i32
        %dma_start3A_518 = tpu.memref_slice %arg3[%add3A, %add3A_454, %dma_start3A_517] : memref<32x125x80xi32, #tpu.memory_space<hbm>> -> memref<1x1x80xi32, #tpu.memory_space<hbm>>
        %dma_start3A_519 = tpu.memref_squeeze %dma_start3A_518 : memref<1x1x80xi32, #tpu.memory_space<hbm>> -> memref<1x80xi32, #tpu.memory_space<hbm>>
        %dma_start3A_520 = arith.constant 0 : i32
        %dma_start3A_521 = tpu.memref_slice %arg3[%add3A, %add3A_454, %dma_start3A_520] : memref<32x125x80xi32, #tpu.memory_space<hbm>> -> memref<1x1x80xi32, #tpu.memory_space<hbm>>
        %dma_start3A_522 = tpu.memref_squeeze %dma_start3A_521 : memref<1x1x80xi32, #tpu.memory_space<hbm>> -> memref<1x80xi32, #tpu.memory_space<hbm>>
        tpu.enqueue_dma source(%dma_start3A_522 : memref<1x80xi32, #tpu.memory_space<hbm>>) target(%arg8 : memref<1x80xi32, #tpu.memory_space<vmem>>) target_semaphore(%arg29 : memref<!tpu.dma_semaphore, #tpu.memory_space<semaphore_mem>>)
        %dma_start3A_523 = arith.constant 0 : i32
        %dma_start3A_524 = tpu.memref_slice %arg4[%add3A, %add3A_454, %dma_start3A_523] : memref<32x125x80xi32, #tpu.memory_space<hbm>> -> memref<1x1x80xi32, #tpu.memory_space<hbm>>
        %dma_start3A_525 = tpu.memref_squeeze %dma_start3A_524 : memref<1x1x80xi32, #tpu.memory_space<hbm>> -> memref<1x80xi32, #tpu.memory_space<hbm>>
        %dma_start3A_526 = arith.constant 0 : i32
        %dma_start3A_527 = tpu.memref_slice %arg4[%add3A, %add3A_454, %dma_start3A_526] : memref<32x125x80xi32, #tpu.memory_space<hbm>> -> memref<1x1x80xi32, #tpu.memory_space<hbm>>
        %dma_start3A_528 = tpu.memref_squeeze %dma_start3A_527 : memref<1x1x80xi32, #tpu.memory_space<hbm>> -> memref<1x80xi32, #tpu.memory_space<hbm>>
        tpu.enqueue_dma source(%dma_start3A_528 : memref<1x80xi32, #tpu.memory_space<hbm>>) target(%arg14 : memref<1x80xi32, #tpu.memory_space<vmem>>) target_semaphore(%arg29 : memref<!tpu.dma_semaphore, #tpu.memory_space<semaphore_mem>>)
      } else {
      }
      %dma_wait3A_458 = arith.constant 0 : i32
      %dma_wait3A_459 = arith.constant 0 : i32
      %dma_wait3A_460 = tpu.memref_slice %arg9[%dma_wait3A_458, %dma_wait3A_459] : memref<1x80xi32, #tpu.memory_space<vmem>> -> memref<1x80xi32, #tpu.memory_space<vmem>>
      %dma_wait3A_461 = tpu.memref_squeeze %dma_wait3A_460 : memref<1x80xi32, #tpu.memory_space<vmem>> -> memref<80xi32, #tpu.memory_space<vmem>>
      %dma_wait3A_462 = arith.constant 0 : i32
      %dma_wait3A_463 = arith.constant 0 : i32
      %dma_wait3A_464 = tpu.memref_slice %arg2[%dma_wait3A_462, %dma_wait3A_463] : memref<10000x128xf32, #tpu.memory_space<hbm>> -> memref<10000x128xf32, #tpu.memory_space<hbm>>
      tpu.wait_indirect_dma semaphore(%arg23 : memref<!tpu.dma_semaphore, #tpu.memory_space<semaphore_mem>>) src(%dma_wait3A_464 : memref<10000x128xf32, #tpu.memory_space<hbm>>) dst(%arg19 : memref<80x128xf32, #tpu.memory_space<vmem>>)
      %dma_start3A_465 = arith.constant 0 : i32
      %dma_start3A_466 = arith.constant 0 : i32
      %dma_start3A_467 = tpu.memref_slice %arg15[%dma_start3A_465, %dma_start3A_466] : memref<1x80xi32, #tpu.memory_space<vmem>> -> memref<1x80xi32, #tpu.memory_space<vmem>>
      %dma_start3A_468 = tpu.memref_squeeze %dma_start3A_467 : memref<1x80xi32, #tpu.memory_space<vmem>> -> memref<80xi32, #tpu.memory_space<vmem>>
      %dma_start3A_469 = arith.constant 0 : i32
      %dma_start3A_470 = arith.constant 0 : i32
      %dma_start3A_471 = tpu.memref_slice %arg21[%dma_start3A_469, %dma_start3A_470] : memref<10000x128xf32, #tpu.memory_space<vmem_shared>> -> memref<10000x128xf32, #tpu.memory_space<vmem_shared>>
      tpu.enqueue_indirect_dma source(%arg19 : memref<80x128xf32, #tpu.memory_space<vmem>>) target(%dma_start3A_471 : memref<10000x128xf32, #tpu.memory_space<vmem_shared>>) offsets(%dma_start3A_468 : memref<80xi32, #tpu.memory_space<vmem>>) semaphore(%arg26 : memref<!tpu.dma_semaphore, #tpu.memory_space<semaphore_mem>>) {add = true}
      %dma_wait3A_472 = arith.constant 0 : i32
      %dma_wait3A_473 = arith.constant 0 : i32
      %dma_wait3A_474 = tpu.memref_slice %arg15[%dma_wait3A_472, %dma_wait3A_473] : memref<1x80xi32, #tpu.memory_space<vmem>> -> memref<1x80xi32, #tpu.memory_space<vmem>>
      %dma_wait3A_475 = tpu.memref_squeeze %dma_wait3A_474 : memref<1x80xi32, #tpu.memory_space<vmem>> -> memref<80xi32, #tpu.memory_space<vmem>>
      %dma_wait3A_476 = arith.constant 0 : i32
      %dma_wait3A_477 = arith.constant 0 : i32
      %dma_wait3A_478 = tpu.memref_slice %arg21[%dma_wait3A_476, %dma_wait3A_477] : memref<10000x128xf32, #tpu.memory_space<vmem_shared>> -> memref<10000x128xf32, #tpu.memory_space<vmem_shared>>
      tpu.wait_indirect_dma semaphore(%arg26 : memref<!tpu.dma_semaphore, #tpu.memory_space<semaphore_mem>>) src(%arg19 : memref<80x128xf32, #tpu.memory_space<vmem>>) dst(%dma_wait3A_478 : memref<10000x128xf32, #tpu.memory_space<vmem_shared>>)
      %convert_element_type3A_479 = arith.extui %lt3A_452 : i1 to i32
      %cond3A_480 = arith.constant 0 : i32
      %cond3A_481 = arith.cmpi ne, %convert_element_type3A_479, %cond3A_480 : i32
      scf.if %cond3A_481 {
        %dma_wait3A_517 = arith.constant 0 : i32
        %dma_wait3A_518 = tpu.memref_slice %arg3[%add3A, %add3A_454, %dma_wait3A_517] : memref<32x125x80xi32, #tpu.memory_space<hbm>> -> memref<1x1x80xi32, #tpu.memory_space<hbm>>
        %dma_wait3A_519 = tpu.memref_squeeze %dma_wait3A_518 : memref<1x1x80xi32, #tpu.memory_space<hbm>> -> memref<1x80xi32, #tpu.memory_space<hbm>>
        %dma_wait3A_520 = arith.constant 0 : i32
        %dma_wait3A_521 = tpu.memref_slice %arg3[%add3A, %add3A_454, %dma_wait3A_520] : memref<32x125x80xi32, #tpu.memory_space<hbm>> -> memref<1x1x80xi32, #tpu.memory_space<hbm>>
        %dma_wait3A_522 = tpu.memref_squeeze %dma_wait3A_521 : memref<1x1x80xi32, #tpu.memory_space<hbm>> -> memref<1x80xi32, #tpu.memory_space<hbm>>
        tpu.wait_dma2 semaphore(%arg29 : memref<!tpu.dma_semaphore, #tpu.memory_space<semaphore_mem>>) src(%dma_wait3A_522 : memref<1x80xi32, #tpu.memory_space<hbm>>) dst(%arg8 : memref<1x80xi32, #tpu.memory_space<vmem>>)
        %dma_wait3A_523 = arith.constant 0 : i32
        %dma_wait3A_524 = tpu.memref_slice %arg4[%add3A, %add3A_454, %dma_wait3A_523] : memref<32x125x80xi32, #tpu.memory_space<hbm>> -> memref<1x1x80xi32, #tpu.memory_space<hbm>>
        %dma_wait3A_525 = tpu.memref_squeeze %dma_wait3A_524 : memref<1x1x80xi32, #tpu.memory_space<hbm>> -> memref<1x80xi32, #tpu.memory_space<hbm>>
        %dma_wait3A_526 = arith.constant 0 : i32
        %dma_wait3A_527 = tpu.memref_slice %arg4[%add3A, %add3A_454, %dma_wait3A_526] : memref<32x125x80xi32, #tpu.memory_space<hbm>> -> memref<1x1x80xi32, #tpu.memory_space<hbm>>
        %dma_wait3A_528 = tpu.memref_squeeze %dma_wait3A_527 : memref<1x1x80xi32, #tpu.memory_space<hbm>> -> memref<1x80xi32, #tpu.memory_space<hbm>>
        tpu.wait_dma2 semaphore(%arg29 : memref<!tpu.dma_semaphore, #tpu.memory_space<semaphore_mem>>) src(%dma_wait3A_528 : memref<1x80xi32, #tpu.memory_space<hbm>>) dst(%arg14 : memref<1x80xi32, #tpu.memory_space<vmem>>)
        %dma_start3A_529 = arith.constant 0 : i32
        %dma_start3A_530 = arith.constant 0 : i32
        %dma_start3A_531 = tpu.memref_slice %arg8[%dma_start3A_529, %dma_start3A_530] : memref<1x80xi32, #tpu.memory_space<vmem>> -> memref<1x80xi32, #tpu.memory_space<vmem>>
        %dma_start3A_532 = tpu.memref_squeeze %dma_start3A_531 : memref<1x80xi32, #tpu.memory_space<vmem>> -> memref<80xi32, #tpu.memory_space<vmem>>
        %dma_start3A_533 = arith.constant 0 : i32
        %dma_start3A_534 = arith.constant 0 : i32
        %dma_start3A_535 = tpu.memref_slice %arg2[%dma_start3A_533, %dma_start3A_534] : memref<10000x128xf32, #tpu.memory_space<hbm>> -> memref<10000x128xf32, #tpu.memory_space<hbm>>
        tpu.enqueue_indirect_dma source(%dma_start3A_535 : memref<10000x128xf32, #tpu.memory_space<hbm>>) target(%arg19 : memref<80x128xf32, #tpu.memory_space<vmem>>) offsets(%dma_start3A_532 : memref<80xi32, #tpu.memory_space<vmem>>) semaphore(%arg23 : memref<!tpu.dma_semaphore, #tpu.memory_space<semaphore_mem>>)
      } else {
      }
      %add3A_482 = arith.constant 5 : i32
      %add3A_483 = arith.addi %add3A_306, %add3A_482 : i32
      %add3A_484 = arith.constant 3 : i32
      %add3A_485 = arith.addi %add3A_483, %add3A_484 : i32
      %lt3A_486 = arith.constant 125 : i32
      %lt3A_487 = arith.cmpi slt, %add3A_485, %lt3A_486 : i32
      %add3A_488 = arith.constant 3 : i32
      %add3A_489 = arith.addi %add3A_483, %add3A_488 : i32
      %convert_element_type3A_490 = arith.extui %lt3A_487 : i1 to i32
      %cond3A_491 = arith.constant 0 : i32
      %cond3A_492 = arith.cmpi ne, %convert_element_type3A_490, %cond3A_491 : i32
      scf.if %cond3A_492 {
        %dma_start3A_517 = arith.constant 0 : i32
        %dma_start3A_518 = tpu.memref_slice %arg3[%add3A, %add3A_489, %dma_start3A_517] : memref<32x125x80xi32, #tpu.memory_space<hbm>> -> memref<1x1x80xi32, #tpu.memory_space<hbm>>
        %dma_start3A_519 = tpu.memref_squeeze %dma_start3A_518 : memref<1x1x80xi32, #tpu.memory_space<hbm>> -> memref<1x80xi32, #tpu.memory_space<hbm>>
        %dma_start3A_520 = arith.constant 0 : i32
        %dma_start3A_521 = tpu.memref_slice %arg3[%add3A, %add3A_489, %dma_start3A_520] : memref<32x125x80xi32, #tpu.memory_space<hbm>> -> memref<1x1x80xi32, #tpu.memory_space<hbm>>
        %dma_start3A_522 = tpu.memref_squeeze %dma_start3A_521 : memref<1x1x80xi32, #tpu.memory_space<hbm>> -> memref<1x80xi32, #tpu.memory_space<hbm>>
        tpu.enqueue_dma source(%dma_start3A_522 : memref<1x80xi32, #tpu.memory_space<hbm>>) target(%arg10 : memref<1x80xi32, #tpu.memory_space<vmem>>) target_semaphore(%arg30 : memref<!tpu.dma_semaphore, #tpu.memory_space<semaphore_mem>>)
        %dma_start3A_523 = arith.constant 0 : i32
        %dma_start3A_524 = tpu.memref_slice %arg4[%add3A, %add3A_489, %dma_start3A_523] : memref<32x125x80xi32, #tpu.memory_space<hbm>> -> memref<1x1x80xi32, #tpu.memory_space<hbm>>
        %dma_start3A_525 = tpu.memref_squeeze %dma_start3A_524 : memref<1x1x80xi32, #tpu.memory_space<hbm>> -> memref<1x80xi32, #tpu.memory_space<hbm>>
        %dma_start3A_526 = arith.constant 0 : i32
        %dma_start3A_527 = tpu.memref_slice %arg4[%add3A, %add3A_489, %dma_start3A_526] : memref<32x125x80xi32, #tpu.memory_space<hbm>> -> memref<1x1x80xi32, #tpu.memory_space<hbm>>
        %dma_start3A_528 = tpu.memref_squeeze %dma_start3A_527 : memref<1x1x80xi32, #tpu.memory_space<hbm>> -> memref<1x80xi32, #tpu.memory_space<hbm>>
        tpu.enqueue_dma source(%dma_start3A_528 : memref<1x80xi32, #tpu.memory_space<hbm>>) target(%arg16 : memref<1x80xi32, #tpu.memory_space<vmem>>) target_semaphore(%arg30 : memref<!tpu.dma_semaphore, #tpu.memory_space<semaphore_mem>>)
      } else {
      }
      %dma_wait3A_493 = arith.constant 0 : i32
      %dma_wait3A_494 = arith.constant 0 : i32
      %dma_wait3A_495 = tpu.memref_slice %arg11[%dma_wait3A_493, %dma_wait3A_494] : memref<1x80xi32, #tpu.memory_space<vmem>> -> memref<1x80xi32, #tpu.memory_space<vmem>>
      %dma_wait3A_496 = tpu.memref_squeeze %dma_wait3A_495 : memref<1x80xi32, #tpu.memory_space<vmem>> -> memref<80xi32, #tpu.memory_space<vmem>>
      %dma_wait3A_497 = arith.constant 0 : i32
      %dma_wait3A_498 = arith.constant 0 : i32
      %dma_wait3A_499 = tpu.memref_slice %arg2[%dma_wait3A_497, %dma_wait3A_498] : memref<10000x128xf32, #tpu.memory_space<hbm>> -> memref<10000x128xf32, #tpu.memory_space<hbm>>
      tpu.wait_indirect_dma semaphore(%arg24 : memref<!tpu.dma_semaphore, #tpu.memory_space<semaphore_mem>>) src(%dma_wait3A_499 : memref<10000x128xf32, #tpu.memory_space<hbm>>) dst(%arg20 : memref<80x128xf32, #tpu.memory_space<vmem>>)
      %dma_start3A_500 = arith.constant 0 : i32
      %dma_start3A_501 = arith.constant 0 : i32
      %dma_start3A_502 = tpu.memref_slice %arg17[%dma_start3A_500, %dma_start3A_501] : memref<1x80xi32, #tpu.memory_space<vmem>> -> memref<1x80xi32, #tpu.memory_space<vmem>>
      %dma_start3A_503 = tpu.memref_squeeze %dma_start3A_502 : memref<1x80xi32, #tpu.memory_space<vmem>> -> memref<80xi32, #tpu.memory_space<vmem>>
      %dma_start3A_504 = arith.constant 0 : i32
      %dma_start3A_505 = arith.constant 0 : i32
      %dma_start3A_506 = tpu.memref_slice %arg21[%dma_start3A_504, %dma_start3A_505] : memref<10000x128xf32, #tpu.memory_space<vmem_shared>> -> memref<10000x128xf32, #tpu.memory_space<vmem_shared>>
      tpu.enqueue_indirect_dma source(%arg20 : memref<80x128xf32, #tpu.memory_space<vmem>>) target(%dma_start3A_506 : memref<10000x128xf32, #tpu.memory_space<vmem_shared>>) offsets(%dma_start3A_503 : memref<80xi32, #tpu.memory_space<vmem>>) semaphore(%arg27 : memref<!tpu.dma_semaphore, #tpu.memory_space<semaphore_mem>>) {add = true}
      %dma_wait3A_507 = arith.constant 0 : i32
      %dma_wait3A_508 = arith.constant 0 : i32
      %dma_wait3A_509 = tpu.memref_slice %arg17[%dma_wait3A_507, %dma_wait3A_508] : memref<1x80xi32, #tpu.memory_space<vmem>> -> memref<1x80xi32, #tpu.memory_space<vmem>>
      %dma_wait3A_510 = tpu.memref_squeeze %dma_wait3A_509 : memref<1x80xi32, #tpu.memory_space<vmem>> -> memref<80xi32, #tpu.memory_space<vmem>>
      %dma_wait3A_511 = arith.constant 0 : i32
      %dma_wait3A_512 = arith.constant 0 : i32
      %dma_wait3A_513 = tpu.memref_slice %arg21[%dma_wait3A_511, %dma_wait3A_512] : memref<10000x128xf32, #tpu.memory_space<vmem_shared>> -> memref<10000x128xf32, #tpu.memory_space<vmem_shared>>
      tpu.wait_indirect_dma semaphore(%arg27 : memref<!tpu.dma_semaphore, #tpu.memory_space<semaphore_mem>>) src(%arg20 : memref<80x128xf32, #tpu.memory_space<vmem>>) dst(%dma_wait3A_513 : memref<10000x128xf32, #tpu.memory_space<vmem_shared>>)
      %convert_element_type3A_514 = arith.extui %lt3A_487 : i1 to i32
      %cond3A_515 = arith.constant 0 : i32
      %cond3A_516 = arith.cmpi ne, %convert_element_type3A_514, %cond3A_515 : i32
      scf.if %cond3A_516 {
        %dma_wait3A_517 = arith.constant 0 : i32
        %dma_wait3A_518 = tpu.memref_slice %arg3[%add3A, %add3A_489, %dma_wait3A_517] : memref<32x125x80xi32, #tpu.memory_space<hbm>> -> memref<1x1x80xi32, #tpu.memory_space<hbm>>
        %dma_wait3A_519 = tpu.memref_squeeze %dma_wait3A_518 : memref<1x1x80xi32, #tpu.memory_space<hbm>> -> memref<1x80xi32, #tpu.memory_space<hbm>>
        %dma_wait3A_520 = arith.constant 0 : i32
        %dma_wait3A_521 = tpu.memref_slice %arg3[%add3A, %add3A_489, %dma_wait3A_520] : memref<32x125x80xi32, #tpu.memory_space<hbm>> -> memref<1x1x80xi32, #tpu.memory_space<hbm>>
        %dma_wait3A_522 = tpu.memref_squeeze %dma_wait3A_521 : memref<1x1x80xi32, #tpu.memory_space<hbm>> -> memref<1x80xi32, #tpu.memory_space<hbm>>
        tpu.wait_dma2 semaphore(%arg30 : memref<!tpu.dma_semaphore, #tpu.memory_space<semaphore_mem>>) src(%dma_wait3A_522 : memref<1x80xi32, #tpu.memory_space<hbm>>) dst(%arg10 : memref<1x80xi32, #tpu.memory_space<vmem>>)
        %dma_wait3A_523 = arith.constant 0 : i32
        %dma_wait3A_524 = tpu.memref_slice %arg4[%add3A, %add3A_489, %dma_wait3A_523] : memref<32x125x80xi32, #tpu.memory_space<hbm>> -> memref<1x1x80xi32, #tpu.memory_space<hbm>>
        %dma_wait3A_525 = tpu.memref_squeeze %dma_wait3A_524 : memref<1x1x80xi32, #tpu.memory_space<hbm>> -> memref<1x80xi32, #tpu.memory_space<hbm>>
        %dma_wait3A_526 = arith.constant 0 : i32
        %dma_wait3A_527 = tpu.memref_slice %arg4[%add3A, %add3A_489, %dma_wait3A_526] : memref<32x125x80xi32, #tpu.memory_space<hbm>> -> memref<1x1x80xi32, #tpu.memory_space<hbm>>
        %dma_wait3A_528 = tpu.memref_squeeze %dma_wait3A_527 : memref<1x1x80xi32, #tpu.memory_space<hbm>> -> memref<1x80xi32, #tpu.memory_space<hbm>>
        tpu.wait_dma2 semaphore(%arg30 : memref<!tpu.dma_semaphore, #tpu.memory_space<semaphore_mem>>) src(%dma_wait3A_528 : memref<1x80xi32, #tpu.memory_space<hbm>>) dst(%arg16 : memref<1x80xi32, #tpu.memory_space<vmem>>)
        %dma_start3A_529 = arith.constant 0 : i32
        %dma_start3A_530 = arith.constant 0 : i32
        %dma_start3A_531 = tpu.memref_slice %arg10[%dma_start3A_529, %dma_start3A_530] : memref<1x80xi32, #tpu.memory_space<vmem>> -> memref<1x80xi32, #tpu.memory_space<vmem>>
        %dma_start3A_532 = tpu.memref_squeeze %dma_start3A_531 : memref<1x80xi32, #tpu.memory_space<vmem>> -> memref<80xi32, #tpu.memory_space<vmem>>
        %dma_start3A_533 = arith.constant 0 : i32
        %dma_start3A_534 = arith.constant 0 : i32
        %dma_start3A_535 = tpu.memref_slice %arg2[%dma_start3A_533, %dma_start3A_534] : memref<10000x128xf32, #tpu.memory_space<hbm>> -> memref<10000x128xf32, #tpu.memory_space<hbm>>
        tpu.enqueue_indirect_dma source(%dma_start3A_535 : memref<10000x128xf32, #tpu.memory_space<hbm>>) target(%arg20 : memref<80x128xf32, #tpu.memory_space<vmem>>) offsets(%dma_start3A_532 : memref<80xi32, #tpu.memory_space<vmem>>) semaphore(%arg24 : memref<!tpu.dma_semaphore, #tpu.memory_space<semaphore_mem>>)
      } else {
      }
    }
    %scan3A_142 = arith.constant 20 : i32
    %scan3A_143 = arith.constant 0 : i32
    %mul3A_144 = arith.constant 3 : i32
    %mul3A_145 = arith.muli %scan3A_143, %mul3A_144 : i32
    %add3A_146 = arith.constant 120 : i32
    %add3A_147 = arith.addi %add3A_146, %mul3A_145 : i32
    %add3A_148 = arith.constant 0 : i32
    %add3A_149 = arith.addi %add3A_147, %add3A_148 : i32
    %add3A_150 = arith.constant 3 : i32
    %add3A_151 = arith.addi %add3A_149, %add3A_150 : i32
    %lt3A_152 = arith.constant 125 : i32
    %lt3A_153 = arith.cmpi slt, %add3A_151, %lt3A_152 : i32
    %add3A_154 = arith.constant 3 : i32
    %add3A_155 = arith.addi %add3A_149, %add3A_154 : i32
    %convert_element_type3A_156 = arith.extui %lt3A_153 : i1 to i32
    %cond3A_157 = arith.constant 0 : i32
    %cond3A_158 = arith.cmpi ne, %convert_element_type3A_156, %cond3A_157 : i32
    scf.if %cond3A_158 {
      %dma_start3A_302 = arith.constant 0 : i32
      %dma_start3A_303 = tpu.memref_slice %arg3[%add3A, %add3A_155, %dma_start3A_302] : memref<32x125x80xi32, #tpu.memory_space<hbm>> -> memref<1x1x80xi32, #tpu.memory_space<hbm>>
      %dma_start3A_304 = tpu.memref_squeeze %dma_start3A_303 : memref<1x1x80xi32, #tpu.memory_space<hbm>> -> memref<1x80xi32, #tpu.memory_space<hbm>>
      %dma_start3A_305 = arith.constant 0 : i32
      %dma_start3A_306 = tpu.memref_slice %arg3[%add3A, %add3A_155, %dma_start3A_305] : memref<32x125x80xi32, #tpu.memory_space<hbm>> -> memref<1x1x80xi32, #tpu.memory_space<hbm>>
      %dma_start3A_307 = tpu.memref_squeeze %dma_start3A_306 : memref<1x1x80xi32, #tpu.memory_space<hbm>> -> memref<1x80xi32, #tpu.memory_space<hbm>>
      tpu.enqueue_dma source(%dma_start3A_307 : memref<1x80xi32, #tpu.memory_space<hbm>>) target(%arg7 : memref<1x80xi32, #tpu.memory_space<vmem>>) target_semaphore(%arg28 : memref<!tpu.dma_semaphore, #tpu.memory_space<semaphore_mem>>)
      %dma_start3A_308 = arith.constant 0 : i32
      %dma_start3A_309 = tpu.memref_slice %arg4[%add3A, %add3A_155, %dma_start3A_308] : memref<32x125x80xi32, #tpu.memory_space<hbm>> -> memref<1x1x80xi32, #tpu.memory_space<hbm>>
      %dma_start3A_310 = tpu.memref_squeeze %dma_start3A_309 : memref<1x1x80xi32, #tpu.memory_space<hbm>> -> memref<1x80xi32, #tpu.memory_space<hbm>>
      %dma_start3A_311 = arith.constant 0 : i32
      %dma_start3A_312 = tpu.memref_slice %arg4[%add3A, %add3A_155, %dma_start3A_311] : memref<32x125x80xi32, #tpu.memory_space<hbm>> -> memref<1x1x80xi32, #tpu.memory_space<hbm>>
      %dma_start3A_313 = tpu.memref_squeeze %dma_start3A_312 : memref<1x1x80xi32, #tpu.memory_space<hbm>> -> memref<1x80xi32, #tpu.memory_space<hbm>>
      tpu.enqueue_dma source(%dma_start3A_313 : memref<1x80xi32, #tpu.memory_space<hbm>>) target(%arg13 : memref<1x80xi32, #tpu.memory_space<vmem>>) target_semaphore(%arg28 : memref<!tpu.dma_semaphore, #tpu.memory_space<semaphore_mem>>)
    } else {
    }
    %dma_wait3A_159 = arith.constant 0 : i32
    %dma_wait3A_160 = arith.constant 0 : i32
    %dma_wait3A_161 = tpu.memref_slice %arg6[%dma_wait3A_159, %dma_wait3A_160] : memref<1x80xi32, #tpu.memory_space<vmem>> -> memref<1x80xi32, #tpu.memory_space<vmem>>
    %dma_wait3A_162 = tpu.memref_squeeze %dma_wait3A_161 : memref<1x80xi32, #tpu.memory_space<vmem>> -> memref<80xi32, #tpu.memory_space<vmem>>
    %dma_wait3A_163 = arith.constant 0 : i32
    %dma_wait3A_164 = arith.constant 0 : i32
    %dma_wait3A_165 = tpu.memref_slice %arg2[%dma_wait3A_163, %dma_wait3A_164] : memref<10000x128xf32, #tpu.memory_space<hbm>> -> memref<10000x128xf32, #tpu.memory_space<hbm>>
    tpu.wait_indirect_dma semaphore(%arg22 : memref<!tpu.dma_semaphore, #tpu.memory_space<semaphore_mem>>) src(%dma_wait3A_165 : memref<10000x128xf32, #tpu.memory_space<hbm>>) dst(%arg18 : memref<80x128xf32, #tpu.memory_space<vmem>>)
    %dma_start3A_166 = arith.constant 0 : i32
    %dma_start3A_167 = arith.constant 0 : i32
    %dma_start3A_168 = tpu.memref_slice %arg12[%dma_start3A_166, %dma_start3A_167] : memref<1x80xi32, #tpu.memory_space<vmem>> -> memref<1x80xi32, #tpu.memory_space<vmem>>
    %dma_start3A_169 = tpu.memref_squeeze %dma_start3A_168 : memref<1x80xi32, #tpu.memory_space<vmem>> -> memref<80xi32, #tpu.memory_space<vmem>>
    %dma_start3A_170 = arith.constant 0 : i32
    %dma_start3A_171 = arith.constant 0 : i32
    %dma_start3A_172 = tpu.memref_slice %arg21[%dma_start3A_170, %dma_start3A_171] : memref<10000x128xf32, #tpu.memory_space<vmem_shared>> -> memref<10000x128xf32, #tpu.memory_space<vmem_shared>>
    tpu.enqueue_indirect_dma source(%arg18 : memref<80x128xf32, #tpu.memory_space<vmem>>) target(%dma_start3A_172 : memref<10000x128xf32, #tpu.memory_space<vmem_shared>>) offsets(%dma_start3A_169 : memref<80xi32, #tpu.memory_space<vmem>>) semaphore(%arg25 : memref<!tpu.dma_semaphore, #tpu.memory_space<semaphore_mem>>) {add = true}
    %dma_wait3A_173 = arith.constant 0 : i32
    %dma_wait3A_174 = arith.constant 0 : i32
    %dma_wait3A_175 = tpu.memref_slice %arg12[%dma_wait3A_173, %dma_wait3A_174] : memref<1x80xi32, #tpu.memory_space<vmem>> -> memref<1x80xi32, #tpu.memory_space<vmem>>
    %dma_wait3A_176 = tpu.memref_squeeze %dma_wait3A_175 : memref<1x80xi32, #tpu.memory_space<vmem>> -> memref<80xi32, #tpu.memory_space<vmem>>
    %dma_wait3A_177 = arith.constant 0 : i32
    %dma_wait3A_178 = arith.constant 0 : i32
    %dma_wait3A_179 = tpu.memref_slice %arg21[%dma_wait3A_177, %dma_wait3A_178] : memref<10000x128xf32, #tpu.memory_space<vmem_shared>> -> memref<10000x128xf32, #tpu.memory_space<vmem_shared>>
    tpu.wait_indirect_dma semaphore(%arg25 : memref<!tpu.dma_semaphore, #tpu.memory_space<semaphore_mem>>) src(%arg18 : memref<80x128xf32, #tpu.memory_space<vmem>>) dst(%dma_wait3A_179 : memref<10000x128xf32, #tpu.memory_space<vmem_shared>>)
    %convert_element_type3A_180 = arith.extui %lt3A_153 : i1 to i32
    %cond3A_181 = arith.constant 0 : i32
    %cond3A_182 = arith.cmpi ne, %convert_element_type3A_180, %cond3A_181 : i32
    scf.if %cond3A_182 {
      %dma_wait3A_302 = arith.constant 0 : i32
      %dma_wait3A_303 = tpu.memref_slice %arg3[%add3A, %add3A_155, %dma_wait3A_302] : memref<32x125x80xi32, #tpu.memory_space<hbm>> -> memref<1x1x80xi32, #tpu.memory_space<hbm>>
      %dma_wait3A_304 = tpu.memref_squeeze %dma_wait3A_303 : memref<1x1x80xi32, #tpu.memory_space<hbm>> -> memref<1x80xi32, #tpu.memory_space<hbm>>
      %dma_wait3A_305 = arith.constant 0 : i32
      %dma_wait3A_306 = tpu.memref_slice %arg3[%add3A, %add3A_155, %dma_wait3A_305] : memref<32x125x80xi32, #tpu.memory_space<hbm>> -> memref<1x1x80xi32, #tpu.memory_space<hbm>>
      %dma_wait3A_307 = tpu.memref_squeeze %dma_wait3A_306 : memref<1x1x80xi32, #tpu.memory_space<hbm>> -> memref<1x80xi32, #tpu.memory_space<hbm>>
      tpu.wait_dma2 semaphore(%arg28 : memref<!tpu.dma_semaphore, #tpu.memory_space<semaphore_mem>>) src(%dma_wait3A_307 : memref<1x80xi32, #tpu.memory_space<hbm>>) dst(%arg7 : memref<1x80xi32, #tpu.memory_space<vmem>>)
      %dma_wait3A_308 = arith.constant 0 : i32
      %dma_wait3A_309 = tpu.memref_slice %arg4[%add3A, %add3A_155, %dma_wait3A_308] : memref<32x125x80xi32, #tpu.memory_space<hbm>> -> memref<1x1x80xi32, #tpu.memory_space<hbm>>
      %dma_wait3A_310 = tpu.memref_squeeze %dma_wait3A_309 : memref<1x1x80xi32, #tpu.memory_space<hbm>> -> memref<1x80xi32, #tpu.memory_space<hbm>>
      %dma_wait3A_311 = arith.constant 0 : i32
      %dma_wait3A_312 = tpu.memref_slice %arg4[%add3A, %add3A_155, %dma_wait3A_311] : memref<32x125x80xi32, #tpu.memory_space<hbm>> -> memref<1x1x80xi32, #tpu.memory_space<hbm>>
      %dma_wait3A_313 = tpu.memref_squeeze %dma_wait3A_312 : memref<1x1x80xi32, #tpu.memory_space<hbm>> -> memref<1x80xi32, #tpu.memory_space<hbm>>
      tpu.wait_dma2 semaphore(%arg28 : memref<!tpu.dma_semaphore, #tpu.memory_space<semaphore_mem>>) src(%dma_wait3A_313 : memref<1x80xi32, #tpu.memory_space<hbm>>) dst(%arg13 : memref<1x80xi32, #tpu.memory_space<vmem>>)
      %dma_start3A_314 = arith.constant 0 : i32
      %dma_start3A_315 = arith.constant 0 : i32
      %dma_start3A_316 = tpu.memref_slice %arg7[%dma_start3A_314, %dma_start3A_315] : memref<1x80xi32, #tpu.memory_space<vmem>> -> memref<1x80xi32, #tpu.memory_space<vmem>>
      %dma_start3A_317 = tpu.memref_squeeze %dma_start3A_316 : memref<1x80xi32, #tpu.memory_space<vmem>> -> memref<80xi32, #tpu.memory_space<vmem>>
      %dma_start3A_318 = arith.constant 0 : i32
      %dma_start3A_319 = arith.constant 0 : i32
      %dma_start3A_320 = tpu.memref_slice %arg2[%dma_start3A_318, %dma_start3A_319] : memref<10000x128xf32, #tpu.memory_space<hbm>> -> memref<10000x128xf32, #tpu.memory_space<hbm>>
      tpu.enqueue_indirect_dma source(%dma_start3A_320 : memref<10000x128xf32, #tpu.memory_space<hbm>>) target(%arg18 : memref<80x128xf32, #tpu.memory_space<vmem>>) offsets(%dma_start3A_317 : memref<80xi32, #tpu.memory_space<vmem>>) semaphore(%arg22 : memref<!tpu.dma_semaphore, #tpu.memory_space<semaphore_mem>>)
    } else {
    }
    %add3A_183 = arith.constant 1 : i32
    %add3A_184 = arith.addi %add3A_147, %add3A_183 : i32
    %add3A_185 = arith.constant 3 : i32
    %add3A_186 = arith.addi %add3A_184, %add3A_185 : i32
    %lt3A_187 = arith.constant 125 : i32
    %lt3A_188 = arith.cmpi slt, %add3A_186, %lt3A_187 : i32
    %add3A_189 = arith.constant 3 : i32
    %add3A_190 = arith.addi %add3A_184, %add3A_189 : i32
    %convert_element_type3A_191 = arith.extui %lt3A_188 : i1 to i32
    %cond3A_192 = arith.constant 0 : i32
    %cond3A_193 = arith.cmpi ne, %convert_element_type3A_191, %cond3A_192 : i32
    scf.if %cond3A_193 {
      %dma_start3A_302 = arith.constant 0 : i32
      %dma_start3A_303 = tpu.memref_slice %arg3[%add3A, %add3A_190, %dma_start3A_302] : memref<32x125x80xi32, #tpu.memory_space<hbm>> -> memref<1x1x80xi32, #tpu.memory_space<hbm>>
      %dma_start3A_304 = tpu.memref_squeeze %dma_start3A_303 : memref<1x1x80xi32, #tpu.memory_space<hbm>> -> memref<1x80xi32, #tpu.memory_space<hbm>>
      %dma_start3A_305 = arith.constant 0 : i32
      %dma_start3A_306 = tpu.memref_slice %arg3[%add3A, %add3A_190, %dma_start3A_305] : memref<32x125x80xi32, #tpu.memory_space<hbm>> -> memref<1x1x80xi32, #tpu.memory_space<hbm>>
      %dma_start3A_307 = tpu.memref_squeeze %dma_start3A_306 : memref<1x1x80xi32, #tpu.memory_space<hbm>> -> memref<1x80xi32, #tpu.memory_space<hbm>>
      tpu.enqueue_dma source(%dma_start3A_307 : memref<1x80xi32, #tpu.memory_space<hbm>>) target(%arg9 : memref<1x80xi32, #tpu.memory_space<vmem>>) target_semaphore(%arg29 : memref<!tpu.dma_semaphore, #tpu.memory_space<semaphore_mem>>)
      %dma_start3A_308 = arith.constant 0 : i32
      %dma_start3A_309 = tpu.memref_slice %arg4[%add3A, %add3A_190, %dma_start3A_308] : memref<32x125x80xi32, #tpu.memory_space<hbm>> -> memref<1x1x80xi32, #tpu.memory_space<hbm>>
      %dma_start3A_310 = tpu.memref_squeeze %dma_start3A_309 : memref<1x1x80xi32, #tpu.memory_space<hbm>> -> memref<1x80xi32, #tpu.memory_space<hbm>>
      %dma_start3A_311 = arith.constant 0 : i32
      %dma_start3A_312 = tpu.memref_slice %arg4[%add3A, %add3A_190, %dma_start3A_311] : memref<32x125x80xi32, #tpu.memory_space<hbm>> -> memref<1x1x80xi32, #tpu.memory_space<hbm>>
      %dma_start3A_313 = tpu.memref_squeeze %dma_start3A_312 : memref<1x1x80xi32, #tpu.memory_space<hbm>> -> memref<1x80xi32, #tpu.memory_space<hbm>>
      tpu.enqueue_dma source(%dma_start3A_313 : memref<1x80xi32, #tpu.memory_space<hbm>>) target(%arg15 : memref<1x80xi32, #tpu.memory_space<vmem>>) target_semaphore(%arg29 : memref<!tpu.dma_semaphore, #tpu.memory_space<semaphore_mem>>)
    } else {
    }
    %dma_wait3A_194 = arith.constant 0 : i32
    %dma_wait3A_195 = arith.constant 0 : i32
    %dma_wait3A_196 = tpu.memref_slice %arg8[%dma_wait3A_194, %dma_wait3A_195] : memref<1x80xi32, #tpu.memory_space<vmem>> -> memref<1x80xi32, #tpu.memory_space<vmem>>
    %dma_wait3A_197 = tpu.memref_squeeze %dma_wait3A_196 : memref<1x80xi32, #tpu.memory_space<vmem>> -> memref<80xi32, #tpu.memory_space<vmem>>
    %dma_wait3A_198 = arith.constant 0 : i32
    %dma_wait3A_199 = arith.constant 0 : i32
    %dma_wait3A_200 = tpu.memref_slice %arg2[%dma_wait3A_198, %dma_wait3A_199] : memref<10000x128xf32, #tpu.memory_space<hbm>> -> memref<10000x128xf32, #tpu.memory_space<hbm>>
    tpu.wait_indirect_dma semaphore(%arg23 : memref<!tpu.dma_semaphore, #tpu.memory_space<semaphore_mem>>) src(%dma_wait3A_200 : memref<10000x128xf32, #tpu.memory_space<hbm>>) dst(%arg19 : memref<80x128xf32, #tpu.memory_space<vmem>>)
    %dma_start3A_201 = arith.constant 0 : i32
    %dma_start3A_202 = arith.constant 0 : i32
    %dma_start3A_203 = tpu.memref_slice %arg14[%dma_start3A_201, %dma_start3A_202] : memref<1x80xi32, #tpu.memory_space<vmem>> -> memref<1x80xi32, #tpu.memory_space<vmem>>
    %dma_start3A_204 = tpu.memref_squeeze %dma_start3A_203 : memref<1x80xi32, #tpu.memory_space<vmem>> -> memref<80xi32, #tpu.memory_space<vmem>>
    %dma_start3A_205 = arith.constant 0 : i32
    %dma_start3A_206 = arith.constant 0 : i32
    %dma_start3A_207 = tpu.memref_slice %arg21[%dma_start3A_205, %dma_start3A_206] : memref<10000x128xf32, #tpu.memory_space<vmem_shared>> -> memref<10000x128xf32, #tpu.memory_space<vmem_shared>>
    tpu.enqueue_indirect_dma source(%arg19 : memref<80x128xf32, #tpu.memory_space<vmem>>) target(%dma_start3A_207 : memref<10000x128xf32, #tpu.memory_space<vmem_shared>>) offsets(%dma_start3A_204 : memref<80xi32, #tpu.memory_space<vmem>>) semaphore(%arg26 : memref<!tpu.dma_semaphore, #tpu.memory_space<semaphore_mem>>) {add = true}
    %dma_wait3A_208 = arith.constant 0 : i32
    %dma_wait3A_209 = arith.constant 0 : i32
    %dma_wait3A_210 = tpu.memref_slice %arg14[%dma_wait3A_208, %dma_wait3A_209] : memref<1x80xi32, #tpu.memory_space<vmem>> -> memref<1x80xi32, #tpu.memory_space<vmem>>
    %dma_wait3A_211 = tpu.memref_squeeze %dma_wait3A_210 : memref<1x80xi32, #tpu.memory_space<vmem>> -> memref<80xi32, #tpu.memory_space<vmem>>
    %dma_wait3A_212 = arith.constant 0 : i32
    %dma_wait3A_213 = arith.constant 0 : i32
    %dma_wait3A_214 = tpu.memref_slice %arg21[%dma_wait3A_212, %dma_wait3A_213] : memref<10000x128xf32, #tpu.memory_space<vmem_shared>> -> memref<10000x128xf32, #tpu.memory_space<vmem_shared>>
    tpu.wait_indirect_dma semaphore(%arg26 : memref<!tpu.dma_semaphore, #tpu.memory_space<semaphore_mem>>) src(%arg19 : memref<80x128xf32, #tpu.memory_space<vmem>>) dst(%dma_wait3A_214 : memref<10000x128xf32, #tpu.memory_space<vmem_shared>>)
    %convert_element_type3A_215 = arith.extui %lt3A_188 : i1 to i32
    %cond3A_216 = arith.constant 0 : i32
    %cond3A_217 = arith.cmpi ne, %convert_element_type3A_215, %cond3A_216 : i32
    scf.if %cond3A_217 {
      %dma_wait3A_302 = arith.constant 0 : i32
      %dma_wait3A_303 = tpu.memref_slice %arg3[%add3A, %add3A_190, %dma_wait3A_302] : memref<32x125x80xi32, #tpu.memory_space<hbm>> -> memref<1x1x80xi32, #tpu.memory_space<hbm>>
      %dma_wait3A_304 = tpu.memref_squeeze %dma_wait3A_303 : memref<1x1x80xi32, #tpu.memory_space<hbm>> -> memref<1x80xi32, #tpu.memory_space<hbm>>
      %dma_wait3A_305 = arith.constant 0 : i32
      %dma_wait3A_306 = tpu.memref_slice %arg3[%add3A, %add3A_190, %dma_wait3A_305] : memref<32x125x80xi32, #tpu.memory_space<hbm>> -> memref<1x1x80xi32, #tpu.memory_space<hbm>>
      %dma_wait3A_307 = tpu.memref_squeeze %dma_wait3A_306 : memref<1x1x80xi32, #tpu.memory_space<hbm>> -> memref<1x80xi32, #tpu.memory_space<hbm>>
      tpu.wait_dma2 semaphore(%arg29 : memref<!tpu.dma_semaphore, #tpu.memory_space<semaphore_mem>>) src(%dma_wait3A_307 : memref<1x80xi32, #tpu.memory_space<hbm>>) dst(%arg9 : memref<1x80xi32, #tpu.memory_space<vmem>>)
      %dma_wait3A_308 = arith.constant 0 : i32
      %dma_wait3A_309 = tpu.memref_slice %arg4[%add3A, %add3A_190, %dma_wait3A_308] : memref<32x125x80xi32, #tpu.memory_space<hbm>> -> memref<1x1x80xi32, #tpu.memory_space<hbm>>
      %dma_wait3A_310 = tpu.memref_squeeze %dma_wait3A_309 : memref<1x1x80xi32, #tpu.memory_space<hbm>> -> memref<1x80xi32, #tpu.memory_space<hbm>>
      %dma_wait3A_311 = arith.constant 0 : i32
      %dma_wait3A_312 = tpu.memref_slice %arg4[%add3A, %add3A_190, %dma_wait3A_311] : memref<32x125x80xi32, #tpu.memory_space<hbm>> -> memref<1x1x80xi32, #tpu.memory_space<hbm>>
      %dma_wait3A_313 = tpu.memref_squeeze %dma_wait3A_312 : memref<1x1x80xi32, #tpu.memory_space<hbm>> -> memref<1x80xi32, #tpu.memory_space<hbm>>
      tpu.wait_dma2 semaphore(%arg29 : memref<!tpu.dma_semaphore, #tpu.memory_space<semaphore_mem>>) src(%dma_wait3A_313 : memref<1x80xi32, #tpu.memory_space<hbm>>) dst(%arg15 : memref<1x80xi32, #tpu.memory_space<vmem>>)
      %dma_start3A_314 = arith.constant 0 : i32
      %dma_start3A_315 = arith.constant 0 : i32
      %dma_start3A_316 = tpu.memref_slice %arg9[%dma_start3A_314, %dma_start3A_315] : memref<1x80xi32, #tpu.memory_space<vmem>> -> memref<1x80xi32, #tpu.memory_space<vmem>>
      %dma_start3A_317 = tpu.memref_squeeze %dma_start3A_316 : memref<1x80xi32, #tpu.memory_space<vmem>> -> memref<80xi32, #tpu.memory_space<vmem>>
      %dma_start3A_318 = arith.constant 0 : i32
      %dma_start3A_319 = arith.constant 0 : i32
      %dma_start3A_320 = tpu.memref_slice %arg2[%dma_start3A_318, %dma_start3A_319] : memref<10000x128xf32, #tpu.memory_space<hbm>> -> memref<10000x128xf32, #tpu.memory_space<hbm>>
      tpu.enqueue_indirect_dma source(%dma_start3A_320 : memref<10000x128xf32, #tpu.memory_space<hbm>>) target(%arg19 : memref<80x128xf32, #tpu.memory_space<vmem>>) offsets(%dma_start3A_317 : memref<80xi32, #tpu.memory_space<vmem>>) semaphore(%arg23 : memref<!tpu.dma_semaphore, #tpu.memory_space<semaphore_mem>>)
    } else {
    }
    %add3A_218 = arith.constant 2 : i32
    %add3A_219 = arith.addi %add3A_147, %add3A_218 : i32
    %add3A_220 = arith.constant 3 : i32
    %add3A_221 = arith.addi %add3A_219, %add3A_220 : i32
    %lt3A_222 = arith.constant 125 : i32
    %lt3A_223 = arith.cmpi slt, %add3A_221, %lt3A_222 : i32
    %add3A_224 = arith.constant 3 : i32
    %add3A_225 = arith.addi %add3A_219, %add3A_224 : i32
    %convert_element_type3A_226 = arith.extui %lt3A_223 : i1 to i32
    %cond3A_227 = arith.constant 0 : i32
    %cond3A_228 = arith.cmpi ne, %convert_element_type3A_226, %cond3A_227 : i32
    scf.if %cond3A_228 {
      %dma_start3A_302 = arith.constant 0 : i32
      %dma_start3A_303 = tpu.memref_slice %arg3[%add3A, %add3A_225, %dma_start3A_302] : memref<32x125x80xi32, #tpu.memory_space<hbm>> -> memref<1x1x80xi32, #tpu.memory_space<hbm>>
      %dma_start3A_304 = tpu.memref_squeeze %dma_start3A_303 : memref<1x1x80xi32, #tpu.memory_space<hbm>> -> memref<1x80xi32, #tpu.memory_space<hbm>>
      %dma_start3A_305 = arith.constant 0 : i32
      %dma_start3A_306 = tpu.memref_slice %arg3[%add3A, %add3A_225, %dma_start3A_305] : memref<32x125x80xi32, #tpu.memory_space<hbm>> -> memref<1x1x80xi32, #tpu.memory_space<hbm>>
      %dma_start3A_307 = tpu.memref_squeeze %dma_start3A_306 : memref<1x1x80xi32, #tpu.memory_space<hbm>> -> memref<1x80xi32, #tpu.memory_space<hbm>>
      tpu.enqueue_dma source(%dma_start3A_307 : memref<1x80xi32, #tpu.memory_space<hbm>>) target(%arg11 : memref<1x80xi32, #tpu.memory_space<vmem>>) target_semaphore(%arg30 : memref<!tpu.dma_semaphore, #tpu.memory_space<semaphore_mem>>)
      %dma_start3A_308 = arith.constant 0 : i32
      %dma_start3A_309 = tpu.memref_slice %arg4[%add3A, %add3A_225, %dma_start3A_308] : memref<32x125x80xi32, #tpu.memory_space<hbm>> -> memref<1x1x80xi32, #tpu.memory_space<hbm>>
      %dma_start3A_310 = tpu.memref_squeeze %dma_start3A_309 : memref<1x1x80xi32, #tpu.memory_space<hbm>> -> memref<1x80xi32, #tpu.memory_space<hbm>>
      %dma_start3A_311 = arith.constant 0 : i32
      %dma_start3A_312 = tpu.memref_slice %arg4[%add3A, %add3A_225, %dma_start3A_311] : memref<32x125x80xi32, #tpu.memory_space<hbm>> -> memref<1x1x80xi32, #tpu.memory_space<hbm>>
      %dma_start3A_313 = tpu.memref_squeeze %dma_start3A_312 : memref<1x1x80xi32, #tpu.memory_space<hbm>> -> memref<1x80xi32, #tpu.memory_space<hbm>>
      tpu.enqueue_dma source(%dma_start3A_313 : memref<1x80xi32, #tpu.memory_space<hbm>>) target(%arg17 : memref<1x80xi32, #tpu.memory_space<vmem>>) target_semaphore(%arg30 : memref<!tpu.dma_semaphore, #tpu.memory_space<semaphore_mem>>)
    } else {
    }
    %dma_wait3A_229 = arith.constant 0 : i32
    %dma_wait3A_230 = arith.constant 0 : i32
    %dma_wait3A_231 = tpu.memref_slice %arg10[%dma_wait3A_229, %dma_wait3A_230] : memref<1x80xi32, #tpu.memory_space<vmem>> -> memref<1x80xi32, #tpu.memory_space<vmem>>
    %dma_wait3A_232 = tpu.memref_squeeze %dma_wait3A_231 : memref<1x80xi32, #tpu.memory_space<vmem>> -> memref<80xi32, #tpu.memory_space<vmem>>
    %dma_wait3A_233 = arith.constant 0 : i32
    %dma_wait3A_234 = arith.constant 0 : i32
    %dma_wait3A_235 = tpu.memref_slice %arg2[%dma_wait3A_233, %dma_wait3A_234] : memref<10000x128xf32, #tpu.memory_space<hbm>> -> memref<10000x128xf32, #tpu.memory_space<hbm>>
    tpu.wait_indirect_dma semaphore(%arg24 : memref<!tpu.dma_semaphore, #tpu.memory_space<semaphore_mem>>) src(%dma_wait3A_235 : memref<10000x128xf32, #tpu.memory_space<hbm>>) dst(%arg20 : memref<80x128xf32, #tpu.memory_space<vmem>>)
    %dma_start3A_236 = arith.constant 0 : i32
    %dma_start3A_237 = arith.constant 0 : i32
    %dma_start3A_238 = tpu.memref_slice %arg16[%dma_start3A_236, %dma_start3A_237] : memref<1x80xi32, #tpu.memory_space<vmem>> -> memref<1x80xi32, #tpu.memory_space<vmem>>
    %dma_start3A_239 = tpu.memref_squeeze %dma_start3A_238 : memref<1x80xi32, #tpu.memory_space<vmem>> -> memref<80xi32, #tpu.memory_space<vmem>>
    %dma_start3A_240 = arith.constant 0 : i32
    %dma_start3A_241 = arith.constant 0 : i32
    %dma_start3A_242 = tpu.memref_slice %arg21[%dma_start3A_240, %dma_start3A_241] : memref<10000x128xf32, #tpu.memory_space<vmem_shared>> -> memref<10000x128xf32, #tpu.memory_space<vmem_shared>>
    tpu.enqueue_indirect_dma source(%arg20 : memref<80x128xf32, #tpu.memory_space<vmem>>) target(%dma_start3A_242 : memref<10000x128xf32, #tpu.memory_space<vmem_shared>>) offsets(%dma_start3A_239 : memref<80xi32, #tpu.memory_space<vmem>>) semaphore(%arg27 : memref<!tpu.dma_semaphore, #tpu.memory_space<semaphore_mem>>) {add = true}
    %dma_wait3A_243 = arith.constant 0 : i32
    %dma_wait3A_244 = arith.constant 0 : i32
    %dma_wait3A_245 = tpu.memref_slice %arg16[%dma_wait3A_243, %dma_wait3A_244] : memref<1x80xi32, #tpu.memory_space<vmem>> -> memref<1x80xi32, #tpu.memory_space<vmem>>
    %dma_wait3A_246 = tpu.memref_squeeze %dma_wait3A_245 : memref<1x80xi32, #tpu.memory_space<vmem>> -> memref<80xi32, #tpu.memory_space<vmem>>
    %dma_wait3A_247 = arith.constant 0 : i32
    %dma_wait3A_248 = arith.constant 0 : i32
    %dma_wait3A_249 = tpu.memref_slice %arg21[%dma_wait3A_247, %dma_wait3A_248] : memref<10000x128xf32, #tpu.memory_space<vmem_shared>> -> memref<10000x128xf32, #tpu.memory_space<vmem_shared>>
    tpu.wait_indirect_dma semaphore(%arg27 : memref<!tpu.dma_semaphore, #tpu.memory_space<semaphore_mem>>) src(%arg20 : memref<80x128xf32, #tpu.memory_space<vmem>>) dst(%dma_wait3A_249 : memref<10000x128xf32, #tpu.memory_space<vmem_shared>>)
    %convert_element_type3A_250 = arith.extui %lt3A_223 : i1 to i32
    %cond3A_251 = arith.constant 0 : i32
    %cond3A_252 = arith.cmpi ne, %convert_element_type3A_250, %cond3A_251 : i32
    scf.if %cond3A_252 {
      %dma_wait3A_302 = arith.constant 0 : i32
      %dma_wait3A_303 = tpu.memref_slice %arg3[%add3A, %add3A_225, %dma_wait3A_302] : memref<32x125x80xi32, #tpu.memory_space<hbm>> -> memref<1x1x80xi32, #tpu.memory_space<hbm>>
      %dma_wait3A_304 = tpu.memref_squeeze %dma_wait3A_303 : memref<1x1x80xi32, #tpu.memory_space<hbm>> -> memref<1x80xi32, #tpu.memory_space<hbm>>
      %dma_wait3A_305 = arith.constant 0 : i32
      %dma_wait3A_306 = tpu.memref_slice %arg3[%add3A, %add3A_225, %dma_wait3A_305] : memref<32x125x80xi32, #tpu.memory_space<hbm>> -> memref<1x1x80xi32, #tpu.memory_space<hbm>>
      %dma_wait3A_307 = tpu.memref_squeeze %dma_wait3A_306 : memref<1x1x80xi32, #tpu.memory_space<hbm>> -> memref<1x80xi32, #tpu.memory_space<hbm>>
      tpu.wait_dma2 semaphore(%arg30 : memref<!tpu.dma_semaphore, #tpu.memory_space<semaphore_mem>>) src(%dma_wait3A_307 : memref<1x80xi32, #tpu.memory_space<hbm>>) dst(%arg11 : memref<1x80xi32, #tpu.memory_space<vmem>>)
      %dma_wait3A_308 = arith.constant 0 : i32
      %dma_wait3A_309 = tpu.memref_slice %arg4[%add3A, %add3A_225, %dma_wait3A_308] : memref<32x125x80xi32, #tpu.memory_space<hbm>> -> memref<1x1x80xi32, #tpu.memory_space<hbm>>
      %dma_wait3A_310 = tpu.memref_squeeze %dma_wait3A_309 : memref<1x1x80xi32, #tpu.memory_space<hbm>> -> memref<1x80xi32, #tpu.memory_space<hbm>>
      %dma_wait3A_311 = arith.constant 0 : i32
      %dma_wait3A_312 = tpu.memref_slice %arg4[%add3A, %add3A_225, %dma_wait3A_311] : memref<32x125x80xi32, #tpu.memory_space<hbm>> -> memref<1x1x80xi32, #tpu.memory_space<hbm>>
      %dma_wait3A_313 = tpu.memref_squeeze %dma_wait3A_312 : memref<1x1x80xi32, #tpu.memory_space<hbm>> -> memref<1x80xi32, #tpu.memory_space<hbm>>
      tpu.wait_dma2 semaphore(%arg30 : memref<!tpu.dma_semaphore, #tpu.memory_space<semaphore_mem>>) src(%dma_wait3A_313 : memref<1x80xi32, #tpu.memory_space<hbm>>) dst(%arg17 : memref<1x80xi32, #tpu.memory_space<vmem>>)
      %dma_start3A_314 = arith.constant 0 : i32
      %dma_start3A_315 = arith.constant 0 : i32
      %dma_start3A_316 = tpu.memref_slice %arg11[%dma_start3A_314, %dma_start3A_315] : memref<1x80xi32, #tpu.memory_space<vmem>> -> memref<1x80xi32, #tpu.memory_space<vmem>>
      %dma_start3A_317 = tpu.memref_squeeze %dma_start3A_316 : memref<1x80xi32, #tpu.memory_space<vmem>> -> memref<80xi32, #tpu.memory_space<vmem>>
      %dma_start3A_318 = arith.constant 0 : i32
      %dma_start3A_319 = arith.constant 0 : i32
      %dma_start3A_320 = tpu.memref_slice %arg2[%dma_start3A_318, %dma_start3A_319] : memref<10000x128xf32, #tpu.memory_space<hbm>> -> memref<10000x128xf32, #tpu.memory_space<hbm>>
      tpu.enqueue_indirect_dma source(%dma_start3A_320 : memref<10000x128xf32, #tpu.memory_space<hbm>>) target(%arg20 : memref<80x128xf32, #tpu.memory_space<vmem>>) offsets(%dma_start3A_317 : memref<80xi32, #tpu.memory_space<vmem>>) semaphore(%arg24 : memref<!tpu.dma_semaphore, #tpu.memory_space<semaphore_mem>>)
    } else {
    }
    %scan3A_253 = arith.constant 1 : i32
    %dma_wait3A_254 = arith.constant 0 : i32
    %dma_wait3A_255 = arith.constant 0 : i32
    %dma_wait3A_256 = tpu.memref_slice %arg7[%dma_wait3A_254, %dma_wait3A_255] : memref<1x80xi32, #tpu.memory_space<vmem>> -> memref<1x80xi32, #tpu.memory_space<vmem>>
    %dma_wait3A_257 = tpu.memref_squeeze %dma_wait3A_256 : memref<1x80xi32, #tpu.memory_space<vmem>> -> memref<80xi32, #tpu.memory_space<vmem>>
    %dma_wait3A_258 = arith.constant 0 : i32
    %dma_wait3A_259 = arith.constant 0 : i32
    %dma_wait3A_260 = tpu.memref_slice %arg2[%dma_wait3A_258, %dma_wait3A_259] : memref<10000x128xf32, #tpu.memory_space<hbm>> -> memref<10000x128xf32, #tpu.memory_space<hbm>>
    tpu.wait_indirect_dma semaphore(%arg22 : memref<!tpu.dma_semaphore, #tpu.memory_space<semaphore_mem>>) src(%dma_wait3A_260 : memref<10000x128xf32, #tpu.memory_space<hbm>>) dst(%arg18 : memref<80x128xf32, #tpu.memory_space<vmem>>)
    %dma_start3A_261 = arith.constant 0 : i32
    %dma_start3A_262 = arith.constant 0 : i32
    %dma_start3A_263 = tpu.memref_slice %arg13[%dma_start3A_261, %dma_start3A_262] : memref<1x80xi32, #tpu.memory_space<vmem>> -> memref<1x80xi32, #tpu.memory_space<vmem>>
    %dma_start3A_264 = tpu.memref_squeeze %dma_start3A_263 : memref<1x80xi32, #tpu.memory_space<vmem>> -> memref<80xi32, #tpu.memory_space<vmem>>
    %dma_start3A_265 = arith.constant 0 : i32
    %dma_start3A_266 = arith.constant 0 : i32
    %dma_start3A_267 = tpu.memref_slice %arg21[%dma_start3A_265, %dma_start3A_266] : memref<10000x128xf32, #tpu.memory_space<vmem_shared>> -> memref<10000x128xf32, #tpu.memory_space<vmem_shared>>
    tpu.enqueue_indirect_dma source(%arg18 : memref<80x128xf32, #tpu.memory_space<vmem>>) target(%dma_start3A_267 : memref<10000x128xf32, #tpu.memory_space<vmem_shared>>) offsets(%dma_start3A_264 : memref<80xi32, #tpu.memory_space<vmem>>) semaphore(%arg25 : memref<!tpu.dma_semaphore, #tpu.memory_space<semaphore_mem>>) {add = true}
    %dma_wait3A_268 = arith.constant 0 : i32
    %dma_wait3A_269 = arith.constant 0 : i32
    %dma_wait3A_270 = tpu.memref_slice %arg13[%dma_wait3A_268, %dma_wait3A_269] : memref<1x80xi32, #tpu.memory_space<vmem>> -> memref<1x80xi32, #tpu.memory_space<vmem>>
    %dma_wait3A_271 = tpu.memref_squeeze %dma_wait3A_270 : memref<1x80xi32, #tpu.memory_space<vmem>> -> memref<80xi32, #tpu.memory_space<vmem>>
    %dma_wait3A_272 = arith.constant 0 : i32
    %dma_wait3A_273 = arith.constant 0 : i32
    %dma_wait3A_274 = tpu.memref_slice %arg21[%dma_wait3A_272, %dma_wait3A_273] : memref<10000x128xf32, #tpu.memory_space<vmem_shared>> -> memref<10000x128xf32, #tpu.memory_space<vmem_shared>>
    tpu.wait_indirect_dma semaphore(%arg25 : memref<!tpu.dma_semaphore, #tpu.memory_space<semaphore_mem>>) src(%arg18 : memref<80x128xf32, #tpu.memory_space<vmem>>) dst(%dma_wait3A_274 : memref<10000x128xf32, #tpu.memory_space<vmem_shared>>)
    %dma_wait3A_275 = arith.constant 0 : i32
    %dma_wait3A_276 = arith.constant 0 : i32
    %dma_wait3A_277 = tpu.memref_slice %arg9[%dma_wait3A_275, %dma_wait3A_276] : memref<1x80xi32, #tpu.memory_space<vmem>> -> memref<1x80xi32, #tpu.memory_space<vmem>>
    %dma_wait3A_278 = tpu.memref_squeeze %dma_wait3A_277 : memref<1x80xi32, #tpu.memory_space<vmem>> -> memref<80xi32, #tpu.memory_space<vmem>>
    %dma_wait3A_279 = arith.constant 0 : i32
    %dma_wait3A_280 = arith.constant 0 : i32
    %dma_wait3A_281 = tpu.memref_slice %arg2[%dma_wait3A_279, %dma_wait3A_280] : memref<10000x128xf32, #tpu.memory_space<hbm>> -> memref<10000x128xf32, #tpu.memory_space<hbm>>
    tpu.wait_indirect_dma semaphore(%arg23 : memref<!tpu.dma_semaphore, #tpu.memory_space<semaphore_mem>>) src(%dma_wait3A_281 : memref<10000x128xf32, #tpu.memory_space<hbm>>) dst(%arg19 : memref<80x128xf32, #tpu.memory_space<vmem>>)
    %dma_start3A_282 = arith.constant 0 : i32
    %dma_start3A_283 = arith.constant 0 : i32
    %dma_start3A_284 = tpu.memref_slice %arg15[%dma_start3A_282, %dma_start3A_283] : memref<1x80xi32, #tpu.memory_space<vmem>> -> memref<1x80xi32, #tpu.memory_space<vmem>>
    %dma_start3A_285 = tpu.memref_squeeze %dma_start3A_284 : memref<1x80xi32, #tpu.memory_space<vmem>> -> memref<80xi32, #tpu.memory_space<vmem>>
    %dma_start3A_286 = arith.constant 0 : i32
    %dma_start3A_287 = arith.constant 0 : i32
    %dma_start3A_288 = tpu.memref_slice %arg21[%dma_start3A_286, %dma_start3A_287] : memref<10000x128xf32, #tpu.memory_space<vmem_shared>> -> memref<10000x128xf32, #tpu.memory_space<vmem_shared>>
    tpu.enqueue_indirect_dma source(%arg19 : memref<80x128xf32, #tpu.memory_space<vmem>>) target(%dma_start3A_288 : memref<10000x128xf32, #tpu.memory_space<vmem_shared>>) offsets(%dma_start3A_285 : memref<80xi32, #tpu.memory_space<vmem>>) semaphore(%arg26 : memref<!tpu.dma_semaphore, #tpu.memory_space<semaphore_mem>>) {add = true}
    %dma_wait3A_289 = arith.constant 0 : i32
    %dma_wait3A_290 = arith.constant 0 : i32
    %dma_wait3A_291 = tpu.memref_slice %arg15[%dma_wait3A_289, %dma_wait3A_290] : memref<1x80xi32, #tpu.memory_space<vmem>> -> memref<1x80xi32, #tpu.memory_space<vmem>>
    %dma_wait3A_292 = tpu.memref_squeeze %dma_wait3A_291 : memref<1x80xi32, #tpu.memory_space<vmem>> -> memref<80xi32, #tpu.memory_space<vmem>>
    %dma_wait3A_293 = arith.constant 0 : i32
    %dma_wait3A_294 = arith.constant 0 : i32
    %dma_wait3A_295 = tpu.memref_slice %arg21[%dma_wait3A_293, %dma_wait3A_294] : memref<10000x128xf32, #tpu.memory_space<vmem_shared>> -> memref<10000x128xf32, #tpu.memory_space<vmem_shared>>
    tpu.wait_indirect_dma semaphore(%arg26 : memref<!tpu.dma_semaphore, #tpu.memory_space<semaphore_mem>>) src(%arg19 : memref<80x128xf32, #tpu.memory_space<vmem>>) dst(%dma_wait3A_295 : memref<10000x128xf32, #tpu.memory_space<vmem_shared>>)
    %barrier3A_296 = arith.constant 0 : index
    tpu.barrier barrier_id(%barrier3A_296)
    "tpu.region"() ({
      %run_scoped3A = tpu.sem_alloc : memref<!tpu.dma_semaphore, #tpu.memory_space<semaphore_mem>>
      %dma_start3A_302 = arith.constant 0 : i32
      %dma_start3A_303 = tpu.memref_slice %arg5[%arg0, %add3A_57, %dma_start3A_302] : memref<2x10000x128xf32, #tpu.memory_space<hbm>> -> memref<1x624x128xf32, #tpu.memory_space<hbm>>
      %dma_start3A_304 = tpu.memref_squeeze %dma_start3A_303 : memref<1x624x128xf32, #tpu.memory_space<hbm>> -> memref<624x128xf32, #tpu.memory_space<hbm>>
      %dma_start3A_305 = arith.constant 0 : i32
      %dma_start3A_306 = tpu.memref_slice %arg21[%add3A_57, %dma_start3A_305] : memref<10000x128xf32, #tpu.memory_space<vmem_shared>> -> memref<624x128xf32, #tpu.memory_space<vmem_shared>>
      tpu.enqueue_dma source(%dma_start3A_306 : memref<624x128xf32, #tpu.memory_space<vmem_shared>>) target(%dma_start3A_304 : memref<624x128xf32, #tpu.memory_space<hbm>>) target_semaphore(%run_scoped3A : memref<!tpu.dma_semaphore, #tpu.memory_space<semaphore_mem>>)
      %dma_wait3A_307 = arith.constant 0 : i32
      %dma_wait3A_308 = tpu.memref_slice %arg5[%arg0, %add3A_57, %dma_wait3A_307] : memref<2x10000x128xf32, #tpu.memory_space<hbm>> -> memref<1x624x128xf32, #tpu.memory_space<hbm>>
      %dma_wait3A_309 = tpu.memref_squeeze %dma_wait3A_308 : memref<1x624x128xf32, #tpu.memory_space<hbm>> -> memref<624x128xf32, #tpu.memory_space<hbm>>
      %dma_wait3A_310 = arith.constant 0 : i32
      %dma_wait3A_311 = tpu.memref_slice %arg21[%add3A_57, %dma_wait3A_310] : memref<10000x128xf32, #tpu.memory_space<vmem_shared>> -> memref<624x128xf32, #tpu.memory_space<vmem_shared>>
      tpu.wait_dma2 semaphore(%run_scoped3A : memref<!tpu.dma_semaphore, #tpu.memory_space<semaphore_mem>>) src(%dma_wait3A_311 : memref<624x128xf32, #tpu.memory_space<vmem_shared>>) dst(%dma_wait3A_309 : memref<624x128xf32, #tpu.memory_space<hbm>>)
      tpu.yield
    }) : () -> ()
    %lt3A_297 = arith.constant 2 : i32
    %lt3A_298 = arith.cmpi slt, %arg1, %lt3A_297 : i32
    %convert_element_type3A_299 = arith.extui %lt3A_298 : i1 to i32
    %cond3A_300 = arith.constant 0 : i32
    %cond3A_301 = arith.cmpi ne, %convert_element_type3A_299, %cond3A_300 : i32
    scf.if %cond3A_301 {
      %add3A_302 = arith.constant 624 : i32
      %add3A_303 = arith.addi %add3A_57, %add3A_302 : i32
      %add3A_304 = arith.constant 624 : i32
      %add3A_305 = arith.addi %add3A_57, %add3A_304 : i32
      "tpu.region"() ({
        %run_scoped3A = tpu.sem_alloc : memref<!tpu.dma_semaphore, #tpu.memory_space<semaphore_mem>>
        %dma_start3A_306 = arith.constant 0 : i32
        %dma_start3A_307 = tpu.memref_slice %arg5[%arg0, %add3A_305, %dma_start3A_306] : memref<2x10000x128xf32, #tpu.memory_space<hbm>> -> memref<1x8x128xf32, #tpu.memory_space<hbm>>
        %dma_start3A_308 = tpu.memref_squeeze %dma_start3A_307 : memref<1x8x128xf32, #tpu.memory_space<hbm>> -> memref<8x128xf32, #tpu.memory_space<hbm>>
        %dma_start3A_309 = arith.constant 0 : i32
        %dma_start3A_310 = tpu.memref_slice %arg21[%add3A_303, %dma_start3A_309] : memref<10000x128xf32, #tpu.memory_space<vmem_shared>> -> memref<8x128xf32, #tpu.memory_space<vmem_shared>>
        tpu.enqueue_dma source(%dma_start3A_310 : memref<8x128xf32, #tpu.memory_space<vmem_shared>>) target(%dma_start3A_308 : memref<8x128xf32, #tpu.memory_space<hbm>>) target_semaphore(%run_scoped3A : memref<!tpu.dma_semaphore, #tpu.memory_space<semaphore_mem>>)
        %dma_wait3A_311 = arith.constant 0 : i32
        %dma_wait3A_312 = tpu.memref_slice %arg5[%arg0, %add3A_305, %dma_wait3A_311] : memref<2x10000x128xf32, #tpu.memory_space<hbm>> -> memref<1x8x128xf32, #tpu.memory_space<hbm>>
        %dma_wait3A_313 = tpu.memref_squeeze %dma_wait3A_312 : memref<1x8x128xf32, #tpu.memory_space<hbm>> -> memref<8x128xf32, #tpu.memory_space<hbm>>
        %dma_wait3A_314 = arith.constant 0 : i32
        %dma_wait3A_315 = tpu.memref_slice %arg21[%add3A_303, %dma_wait3A_314] : memref<10000x128xf32, #tpu.memory_space<vmem_shared>> -> memref<8x128xf32, #tpu.memory_space<vmem_shared>>
        tpu.wait_dma2 semaphore(%run_scoped3A : memref<!tpu.dma_semaphore, #tpu.memory_space<semaphore_mem>>) src(%dma_wait3A_315 : memref<8x128xf32, #tpu.memory_space<vmem_shared>>) dst(%dma_wait3A_313 : memref<8x128xf32, #tpu.memory_space<hbm>>)
        tpu.yield
      }) : () -> ()
    } else {
    }
    return
  }
}

module attributes {stable_mosaic.version = 14 : i64} {
  func.func @_b1_body(%arg0: i32, %arg1: memref<1000x2xi32, #tpu.memory_space<vmem>>, %arg2: memref<120x128xf32, #tpu.memory_space<vmem>>, %arg3: memref<3x128xf32, #tpu.memory_space<vmem>>, %arg4: memref<128x128xf32, #tpu.memory_space<vmem>>, %arg5: memref<1x128xf32, #tpu.memory_space<vmem>>, %arg6: memref<128x128xf32, #tpu.memory_space<vmem>>, %arg7: memref<1x128xf32, #tpu.memory_space<vmem>>, %arg8: memref<128x128xf32, #tpu.memory_space<vmem>>, %arg9: memref<1000x128xf32, #tpu.memory_space<vmem>>, %arg10: memref<1000x128xf32, #tpu.memory_space<vmem>>) attributes {dimension_semantics = [#tpu.dimension_semantics<arbitrary>], iteration_bounds = array<i64: 10>, scalar_prefetch = 0 : i64, scratch_operands = 0 : i64, tpu.core_type = #tpu.core_type<tc>, window_params = [{transform_indices = @transform_0, window_bounds = array<i64: 1000, 2>}, {pipeline_mode = #tpu.pipeline_mode<synchronous>, transform_indices = @transform_1, window_bounds = array<i64: 120, 128>}, {pipeline_mode = #tpu.pipeline_mode<synchronous>, transform_indices = @transform_2, window_bounds = array<i64: 3, 128>}, {pipeline_mode = #tpu.pipeline_mode<synchronous>, transform_indices = @transform_3, window_bounds = array<i64: 128, 128>}, {pipeline_mode = #tpu.pipeline_mode<synchronous>, transform_indices = @transform_4, window_bounds = array<i64: 1, 128>}, {pipeline_mode = #tpu.pipeline_mode<synchronous>, transform_indices = @transform_5, window_bounds = array<i64: 128, 128>}, {pipeline_mode = #tpu.pipeline_mode<synchronous>, transform_indices = @transform_6, window_bounds = array<i64: 1, 128>}, {pipeline_mode = #tpu.pipeline_mode<synchronous>, transform_indices = @transform_7, window_bounds = array<i64: 128, 128>}, {transform_indices = @transform_8, window_bounds = array<i64: 1000, 128>}, {transform_indices = @transform_9, window_bounds = array<i64: 1000, 128>}]} {
    %get3A = arith.constant 0 : index
    %get3A_0 = arith.constant 0 : index
    %get3A_1 = vector.load %arg1[%get3A, %get3A_0] : memref<1000x2xi32, #tpu.memory_space<vmem>>, vector<1000x1xi32>
    %get3A_2 = arith.constant 0 : index
    %get3A_3 = arith.constant 1 : index
    %get3A_4 = vector.load %arg1[%get3A_2, %get3A_3] : memref<1000x2xi32, #tpu.memory_space<vmem>>, vector<1000x1xi32>
    %iota3A = tpu.iota {dimensions = array<i32: 1>} : vector<1000x120xi32>
    %iota3A_5 = tpu.iota {dimensions = array<i32: 1>} : vector<1000x3xi32>
    %eq3A = vector.broadcast %get3A_1 : vector<1000x1xi32> to vector<1000x120xi32>
    %eq3A_6 = arith.cmpi eq, %iota3A, %eq3A : vector<1000x120xi32>
    %convert_element_type3A = arith.extui %eq3A_6 : vector<1000x120xi1> to vector<1000x120xi32>
    %convert_element_type3A_7 = arith.sitofp %convert_element_type3A : vector<1000x120xi32> to vector<1000x120xf32>
    %eq3A_8 = vector.broadcast %get3A_4 : vector<1000x1xi32> to vector<1000x3xi32>
    %eq3A_9 = arith.cmpi eq, %iota3A_5, %eq3A_8 : vector<1000x3xi32>
    %convert_element_type3A_10 = arith.extui %eq3A_9 : vector<1000x3xi1> to vector<1000x3xi32>
    %convert_element_type3A_11 = arith.sitofp %convert_element_type3A_10 : vector<1000x3xi32> to vector<1000x3xf32>
    %get3A_12 = arith.constant 0 : index
    %get3A_13 = arith.constant 0 : index
    %get3A_14 = vector.load %arg2[%get3A_12, %get3A_13] : memref<120x128xf32, #tpu.memory_space<vmem>>, vector<120x128xf32>
    %dot_general3A = arith.constant dense<0.000000e+00> : vector<1000x128xf32>
    %dot_general3A_15 = tpu.matmul %convert_element_type3A_7, %get3A_14, %dot_general3A {dimension_numbers = #tpu.dot_dimension_numbers<[1], [0], [0], [1], [0, 0, 1, 1], [], []>, transpose_lhs_hint = false} : vector<1000x120xf32>, vector<120x128xf32>, vector<1000x128xf32> -> vector<1000x128xf32>
    %get3A_16 = arith.constant 0 : index
    %get3A_17 = arith.constant 0 : index
    %get3A_18 = vector.load %arg3[%get3A_16, %get3A_17] : memref<3x128xf32, #tpu.memory_space<vmem>>, vector<3x128xf32>
    %dot_general3A_19 = arith.constant dense<0.000000e+00> : vector<1000x128xf32>
    %dot_general3A_20 = tpu.matmul %convert_element_type3A_11, %get3A_18, %dot_general3A_19 {dimension_numbers = #tpu.dot_dimension_numbers<[1], [0], [0], [1], [0, 0, 1, 1], [], []>, transpose_lhs_hint = false} : vector<1000x3xf32>, vector<3x128xf32>, vector<1000x128xf32> -> vector<1000x128xf32>
    %add3A = arith.addf %dot_general3A_15, %dot_general3A_20 : vector<1000x128xf32>
    %get3A_21 = arith.constant 0 : index
    %get3A_22 = arith.constant 0 : index
    %get3A_23 = vector.load %arg4[%get3A_21, %get3A_22] : memref<128x128xf32, #tpu.memory_space<vmem>>, vector<128x128xf32>
    %dot_general3A_24 = arith.constant dense<0.000000e+00> : vector<1000x128xf32>
    %dot_general3A_25 = tpu.matmul %add3A, %get3A_23, %dot_general3A_24 {dimension_numbers = #tpu.dot_dimension_numbers<[1], [0], [0], [1], [0, 0, 1, 1], [], []>, transpose_lhs_hint = false} : vector<1000x128xf32>, vector<128x128xf32>, vector<1000x128xf32> -> vector<1000x128xf32>
    %get3A_26 = arith.constant 0 : index
    %get3A_27 = arith.constant 0 : index
    %get3A_28 = vector.load %arg5[%get3A_26, %get3A_27] : memref<1x128xf32, #tpu.memory_space<vmem>>, vector<1x128xf32>
    %add3A_29 = vector.broadcast %get3A_28 : vector<1x128xf32> to vector<1000x128xf32>
    %add3A_30 = arith.addf %dot_general3A_25, %add3A_29 : vector<1000x128xf32>
    %max3A = arith.constant 0.000000e+00 : f32
    %max3A_31 = vector.broadcast %max3A : f32 to vector<1000x128xf32>
    %max3A_32 = arith.maximumf %add3A_30, %max3A_31 : vector<1000x128xf32>
    %get3A_33 = arith.constant 0 : index
    %get3A_34 = arith.constant 0 : index
    %get3A_35 = vector.load %arg8[%get3A_33, %get3A_34] : memref<128x128xf32, #tpu.memory_space<vmem>>, vector<128x128xf32>
    %dot_general3A_36 = arith.constant dense<0.000000e+00> : vector<1000x128xf32>
    %dot_general3A_37 = tpu.matmul %max3A_32, %get3A_35, %dot_general3A_36 {dimension_numbers = #tpu.dot_dimension_numbers<[1], [0], [0], [1], [0, 0, 1, 1], [], []>, transpose_lhs_hint = false} : vector<1000x128xf32>, vector<128x128xf32>, vector<1000x128xf32> -> vector<1000x128xf32>
    %swap3A = arith.constant 0 : index
    %swap3A_38 = arith.constant 0 : index
    %swap3A_39 = vector.load %arg9[%swap3A, %swap3A_38] : memref<1000x128xf32, #tpu.memory_space<vmem>>, vector<1000x128xf32>
    tpu.vector_store %arg9[%swap3A, %swap3A_38], %dot_general3A_37 {strides = array<i32>} : memref<1000x128xf32, #tpu.memory_space<vmem>>, vector<1000x128xf32>,
    %get3A_40 = arith.constant 0 : index
    %get3A_41 = arith.constant 0 : index
    %get3A_42 = vector.load %arg6[%get3A_40, %get3A_41] : memref<128x128xf32, #tpu.memory_space<vmem>>, vector<128x128xf32>
    %dot_general3A_43 = arith.constant dense<0.000000e+00> : vector<1000x128xf32>
    %dot_general3A_44 = tpu.matmul %max3A_32, %get3A_42, %dot_general3A_43 {dimension_numbers = #tpu.dot_dimension_numbers<[1], [0], [0], [1], [0, 0, 1, 1], [], []>, transpose_lhs_hint = false} : vector<1000x128xf32>, vector<128x128xf32>, vector<1000x128xf32> -> vector<1000x128xf32>
    %get3A_45 = arith.constant 0 : index
    %get3A_46 = arith.constant 0 : index
    %get3A_47 = vector.load %arg7[%get3A_45, %get3A_46] : memref<1x128xf32, #tpu.memory_space<vmem>>, vector<1x128xf32>
    %add3A_48 = vector.broadcast %get3A_47 : vector<1x128xf32> to vector<1000x128xf32>
    %add3A_49 = arith.addf %dot_general3A_44, %add3A_48 : vector<1000x128xf32>
    %swap3A_50 = arith.constant 0 : index
    %swap3A_51 = arith.constant 0 : index
    %swap3A_52 = vector.load %arg10[%swap3A_50, %swap3A_51] : memref<1000x128xf32, #tpu.memory_space<vmem>>, vector<1000x128xf32>
    tpu.vector_store %arg10[%swap3A_50, %swap3A_51], %add3A_49 {strides = array<i32>} : memref<1000x128xf32, #tpu.memory_space<vmem>>, vector<1000x128xf32>,
    return
  }
  func.func @transform_0(%arg0: i32) -> (i32, i32) {
    %c0_i32 = arith.constant 0 : i32
    %c0_i32_0 = arith.constant 0 : i32
    return %arg0, %c0_i32 : i32, i32
  }
  func.func @transform_1(%arg0: i32) -> (i32, i32) {
    %c0_i32 = arith.constant 0 : i32
    %c0_i32_0 = arith.constant 0 : i32
    %c0_i32_1 = arith.constant 0 : i32
    return %c0_i32, %c0_i32_0 : i32, i32
  }
  func.func @transform_2(%arg0: i32) -> (i32, i32) {
    %c0_i32 = arith.constant 0 : i32
    %c0_i32_0 = arith.constant 0 : i32
    %c0_i32_1 = arith.constant 0 : i32
    return %c0_i32, %c0_i32_0 : i32, i32
  }
  func.func @transform_3(%arg0: i32) -> (i32, i32) {
    %c0_i32 = arith.constant 0 : i32
    %c0_i32_0 = arith.constant 0 : i32
    %c0_i32_1 = arith.constant 0 : i32
    return %c0_i32, %c0_i32_0 : i32, i32
  }
  func.func @transform_4(%arg0: i32) -> (i32, i32) {
    %c0_i32 = arith.constant 0 : i32
    %c0_i32_0 = arith.constant 0 : i32
    %c0_i32_1 = arith.constant 0 : i32
    return %c0_i32, %c0_i32_0 : i32, i32
  }
  func.func @transform_5(%arg0: i32) -> (i32, i32) {
    %c0_i32 = arith.constant 0 : i32
    %c0_i32_0 = arith.constant 0 : i32
    %c0_i32_1 = arith.constant 0 : i32
    return %c0_i32, %c0_i32_0 : i32, i32
  }
  func.func @transform_6(%arg0: i32) -> (i32, i32) {
    %c0_i32 = arith.constant 0 : i32
    %c0_i32_0 = arith.constant 0 : i32
    %c0_i32_1 = arith.constant 0 : i32
    return %c0_i32, %c0_i32_0 : i32, i32
  }
  func.func @transform_7(%arg0: i32) -> (i32, i32) {
    %c0_i32 = arith.constant 0 : i32
    %c0_i32_0 = arith.constant 0 : i32
    %c0_i32_1 = arith.constant 0 : i32
    return %c0_i32, %c0_i32_0 : i32, i32
  }
  func.func @transform_8(%arg0: i32) -> (i32, i32) {
    %c0_i32 = arith.constant 0 : i32
    %c0_i32_0 = arith.constant 0 : i32
    return %arg0, %c0_i32 : i32, i32
  }
  func.func @transform_9(%arg0: i32) -> (i32, i32) {
    %c0_i32 = arith.constant 0 : i32
    %c0_i32_0 = arith.constant 0 : i32
    return %arg0, %c0_i32 : i32, i32
  }
}

module attributes {stable_mosaic.version = 14 : i64} {
  func.func @_b2_body(%arg0: i32, %arg1: memref<1000x128xf32, #tpu.memory_space<vmem>>, %arg2: memref<1000x128xf32, #tpu.memory_space<vmem>>, %arg3: memref<1000x128xf32, #tpu.memory_space<vmem>>, %arg4: memref<1000x128xf32, #tpu.memory_space<vmem>>) attributes {dimension_semantics = [#tpu.dimension_semantics<arbitrary>], iteration_bounds = array<i64: 10>, scalar_prefetch = 0 : i64, scratch_operands = 0 : i64, tpu.core_type = #tpu.core_type<tc>, window_params = [{transform_indices = @transform_0, window_bounds = array<i64: 1000, 128>}, {transform_indices = @transform_1, window_bounds = array<i64: 1000, 128>}, {transform_indices = @transform_2, window_bounds = array<i64: 1000, 128>}, {transform_indices = @transform_3, window_bounds = array<i64: 1000, 128>}]} {
    %get3A = arith.constant 0 : index
    %get3A_0 = arith.constant 0 : index
    %get3A_1 = vector.load %arg3[%get3A, %get3A_0] : memref<1000x128xf32, #tpu.memory_space<vmem>>, vector<1000x128xf32>
    %get3A_2 = arith.constant 0 : index
    %get3A_3 = arith.constant 0 : index
    %get3A_4 = vector.load %arg1[%get3A_2, %get3A_3] : memref<1000x128xf32, #tpu.memory_space<vmem>>, vector<1000x1xf32>
    %get3A_5 = arith.constant 0 : index
    %get3A_6 = arith.constant 0 : index
    %get3A_7 = vector.load %arg2[%get3A_5, %get3A_6] : memref<1000x128xf32, #tpu.memory_space<vmem>>, vector<1000x1xf32>
    %add3A = arith.addf %get3A_4, %get3A_7 : vector<1000x1xf32>
    %add3A_8 = arith.constant 1.000000e+00 : f32
    %add3A_9 = vector.broadcast %add3A_8 : f32 to vector<1000x1xf32>
    %add3A_10 = arith.addf %add3A, %add3A_9 : vector<1000x1xf32>
    %rsqrt3A = math.rsqrt %add3A_10 : vector<1000x1xf32>
    %mul3A = vector.broadcast %rsqrt3A : vector<1000x1xf32> to vector<1000x128xf32>
    %mul3A_11 = arith.mulf %get3A_1, %mul3A : vector<1000x128xf32>
    %swap3A = arith.constant 0 : index
    %swap3A_12 = arith.constant 0 : index
    %swap3A_13 = vector.load %arg4[%swap3A, %swap3A_12] : memref<1000x128xf32, #tpu.memory_space<vmem>>, vector<1000x128xf32>
    tpu.vector_store %arg4[%swap3A, %swap3A_12], %mul3A_11 {strides = array<i32>} : memref<1000x128xf32, #tpu.memory_space<vmem>>, vector<1000x128xf32>,
    return
  }
  func.func @transform_0(%arg0: i32) -> (i32, i32) {
    %c0_i32 = arith.constant 0 : i32
    %c0_i32_0 = arith.constant 0 : i32
    return %arg0, %c0_i32 : i32, i32
  }
  func.func @transform_1(%arg0: i32) -> (i32, i32) {
    %c0_i32 = arith.constant 0 : i32
    %c0_i32_0 = arith.constant 0 : i32
    return %arg0, %c0_i32 : i32, i32
  }
  func.func @transform_2(%arg0: i32) -> (i32, i32) {
    %c0_i32 = arith.constant 0 : i32
    %c0_i32_0 = arith.constant 0 : i32
    return %arg0, %c0_i32 : i32, i32
  }
  func.func @transform_3(%arg0: i32) -> (i32, i32) {
    %c0_i32 = arith.constant 0 : i32
    %c0_i32_0 = arith.constant 0 : i32
    return %arg0, %c0_i32 : i32, i32
  }
}

module attributes {stable_mosaic.version = 14 : i64} {
  func.func @_mid_body(%arg0: i32, %arg1: memref<1000x128xf32, #tpu.memory_space<vmem>>, %arg2: memref<1000x128xf32, #tpu.memory_space<vmem>>, %arg3: memref<1000x128xf32, #tpu.memory_space<vmem>>, %arg4: memref<1000x128xf32, #tpu.memory_space<vmem>>, %arg5: memref<1000x128xf32, #tpu.memory_space<vmem>>, %arg6: memref<1000x128xf32, #tpu.memory_space<vmem>>, %arg7: memref<1x128xf32, #tpu.memory_space<vmem>>, %arg8: memref<128x128xf32, #tpu.memory_space<vmem>>, %arg9: memref<1000x128xf32, #tpu.memory_space<vmem>>) attributes {dimension_semantics = [#tpu.dimension_semantics<arbitrary>], iteration_bounds = array<i64: 10>, scalar_prefetch = 0 : i64, scratch_operands = 0 : i64, tpu.core_type = #tpu.core_type<tc>, window_params = [{transform_indices = @transform_0, window_bounds = array<i64: 1000, 128>}, {transform_indices = @transform_1, window_bounds = array<i64: 1000, 128>}, {transform_indices = @transform_2, window_bounds = array<i64: 1000, 128>}, {transform_indices = @transform_3, window_bounds = array<i64: 1000, 128>}, {transform_indices = @transform_4, window_bounds = array<i64: 1000, 128>}, {transform_indices = @transform_5, window_bounds = array<i64: 1000, 128>}, {pipeline_mode = #tpu.pipeline_mode<synchronous>, transform_indices = @transform_6, window_bounds = array<i64: 1, 128>}, {pipeline_mode = #tpu.pipeline_mode<synchronous>, transform_indices = @transform_7, window_bounds = array<i64: 128, 128>}, {transform_indices = @transform_8, window_bounds = array<i64: 1000, 128>}]} {
    %get3A = arith.constant 0 : index
    %get3A_0 = arith.constant 0 : index
    %get3A_1 = vector.load %arg4[%get3A, %get3A_0] : memref<1000x128xf32, #tpu.memory_space<vmem>>, vector<1000x1xf32>
    %get3A_2 = arith.constant 0 : index
    %get3A_3 = arith.constant 0 : index
    %get3A_4 = vector.load %arg5[%get3A_2, %get3A_3] : memref<1000x128xf32, #tpu.memory_space<vmem>>, vector<1000x1xf32>
    %add3A = arith.addf %get3A_1, %get3A_4 : vector<1000x1xf32>
    %add3A_5 = arith.constant 1.000000e+00 : f32
    %add3A_6 = vector.broadcast %add3A_5 : f32 to vector<1000x1xf32>
    %add3A_7 = arith.addf %add3A, %add3A_6 : vector<1000x1xf32>
    %rsqrt3A = math.rsqrt %add3A_7 : vector<1000x1xf32>
    %get3A_8 = arith.constant 0 : index
    %get3A_9 = arith.constant 0 : index
    %get3A_10 = vector.load %arg1[%get3A_8, %get3A_9] : memref<1000x128xf32, #tpu.memory_space<vmem>>, vector<1000x128xf32>
    %get3A_11 = arith.constant 0 : index
    %get3A_12 = arith.constant 0 : index
    %get3A_13 = vector.load %arg2[%get3A_11, %get3A_12] : memref<1000x128xf32, #tpu.memory_space<vmem>>, vector<1000x128xf32>
    %add3A_14 = arith.addf %get3A_10, %get3A_13 : vector<1000x128xf32>
    %get3A_15 = arith.constant 0 : index
    %get3A_16 = arith.constant 0 : index
    %get3A_17 = vector.load %arg3[%get3A_15, %get3A_16] : memref<1000x128xf32, #tpu.memory_space<vmem>>, vector<1000x128xf32>
    %add3A_18 = arith.addf %add3A_14, %get3A_17 : vector<1000x128xf32>
    %mul3A = vector.broadcast %rsqrt3A : vector<1000x1xf32> to vector<1000x128xf32>
    %mul3A_19 = arith.mulf %mul3A, %add3A_18 : vector<1000x128xf32>
    %get3A_20 = arith.constant 0 : index
    %get3A_21 = arith.constant 0 : index
    %get3A_22 = vector.load %arg7[%get3A_20, %get3A_21] : memref<1x128xf32, #tpu.memory_space<vmem>>, vector<1x128xf32>
    %add3A_23 = vector.broadcast %get3A_22 : vector<1x128xf32> to vector<1000x128xf32>
    %add3A_24 = arith.addf %mul3A_19, %add3A_23 : vector<1000x128xf32>
    %max3A = arith.constant 0.000000e+00 : f32
    %max3A_25 = vector.broadcast %max3A : f32 to vector<1000x128xf32>
    %max3A_26 = arith.maximumf %add3A_24, %max3A_25 : vector<1000x128xf32>
    %get3A_27 = arith.constant 0 : index
    %get3A_28 = arith.constant 0 : index
    %get3A_29 = vector.load %arg6[%get3A_27, %get3A_28] : memref<1000x128xf32, #tpu.memory_space<vmem>>, vector<1000x128xf32>
    %add3A_30 = arith.addf %max3A_26, %get3A_29 : vector<1000x128xf32>
    %get3A_31 = arith.constant 0 : index
    %get3A_32 = arith.constant 0 : index
    %get3A_33 = vector.load %arg8[%get3A_31, %get3A_32] : memref<128x128xf32, #tpu.memory_space<vmem>>, vector<128x128xf32>
    %dot_general3A = arith.constant dense<0.000000e+00> : vector<1000x128xf32>
    %dot_general3A_34 = tpu.matmul %add3A_30, %get3A_33, %dot_general3A {dimension_numbers = #tpu.dot_dimension_numbers<[1], [0], [0], [1], [0, 0, 1, 1], [], []>, transpose_lhs_hint = false} : vector<1000x128xf32>, vector<128x128xf32>, vector<1000x128xf32> -> vector<1000x128xf32>
    %mul3A_35 = vector.broadcast %rsqrt3A : vector<1000x1xf32> to vector<1000x128xf32>
    %mul3A_36 = arith.mulf %dot_general3A_34, %mul3A_35 : vector<1000x128xf32>
    %swap3A = arith.constant 0 : index
    %swap3A_37 = arith.constant 0 : index
    %swap3A_38 = vector.load %arg9[%swap3A, %swap3A_37] : memref<1000x128xf32, #tpu.memory_space<vmem>>, vector<1000x128xf32>
    tpu.vector_store %arg9[%swap3A, %swap3A_37], %mul3A_36 {strides = array<i32>} : memref<1000x128xf32, #tpu.memory_space<vmem>>, vector<1000x128xf32>,
    return
  }
  func.func @transform_0(%arg0: i32) -> (i32, i32) {
    %c0_i32 = arith.constant 0 : i32
    %c0_i32_0 = arith.constant 0 : i32
    return %arg0, %c0_i32 : i32, i32
  }
  func.func @transform_1(%arg0: i32) -> (i32, i32) {
    %c0_i32 = arith.constant 0 : i32
    %c0_i32_0 = arith.constant 0 : i32
    return %arg0, %c0_i32 : i32, i32
  }
  func.func @transform_2(%arg0: i32) -> (i32, i32) {
    %c0_i32 = arith.constant 0 : i32
    %c0_i32_0 = arith.constant 0 : i32
    return %arg0, %c0_i32 : i32, i32
  }
  func.func @transform_3(%arg0: i32) -> (i32, i32) {
    %c0_i32 = arith.constant 0 : i32
    %c0_i32_0 = arith.constant 0 : i32
    return %arg0, %c0_i32 : i32, i32
  }
  func.func @transform_4(%arg0: i32) -> (i32, i32) {
    %c0_i32 = arith.constant 0 : i32
    %c0_i32_0 = arith.constant 0 : i32
    return %arg0, %c0_i32 : i32, i32
  }
  func.func @transform_5(%arg0: i32) -> (i32, i32) {
    %c0_i32 = arith.constant 0 : i32
    %c0_i32_0 = arith.constant 0 : i32
    return %arg0, %c0_i32 : i32, i32
  }
  func.func @transform_6(%arg0: i32) -> (i32, i32) {
    %c0_i32 = arith.constant 0 : i32
    %c0_i32_0 = arith.constant 0 : i32
    %c0_i32_1 = arith.constant 0 : i32
    return %c0_i32, %c0_i32_0 : i32, i32
  }
  func.func @transform_7(%arg0: i32) -> (i32, i32) {
    %c0_i32 = arith.constant 0 : i32
    %c0_i32_0 = arith.constant 0 : i32
    %c0_i32_1 = arith.constant 0 : i32
    return %c0_i32, %c0_i32_0 : i32, i32
  }
  func.func @transform_8(%arg0: i32) -> (i32, i32) {
    %c0_i32 = arith.constant 0 : i32
    %c0_i32_0 = arith.constant 0 : i32
    return %arg0, %c0_i32 : i32, i32
  }
}

module attributes {stable_mosaic.version = 14 : i64} {
  func.func @_fin_body(%arg0: i32, %arg1: memref<1000x128xf32, #tpu.memory_space<vmem>>, %arg2: memref<1000x128xf32, #tpu.memory_space<vmem>>, %arg3: memref<1000x128xf32, #tpu.memory_space<vmem>>, %arg4: memref<1000x128xf32, #tpu.memory_space<vmem>>, %arg5: memref<1000x128xf32, #tpu.memory_space<vmem>>, %arg6: memref<1000x128xf32, #tpu.memory_space<vmem>>, %arg7: memref<1x128xf32, #tpu.memory_space<vmem>>, %arg8: memref<1x128xf32, #tpu.memory_space<vmem>>) attributes {dimension_semantics = [#tpu.dimension_semantics<arbitrary>], iteration_bounds = array<i64: 10>, scalar_prefetch = 0 : i64, scratch_operands = 0 : i64, tpu.core_type = #tpu.core_type<tc>, window_params = [{transform_indices = @transform_0, window_bounds = array<i64: 1000, 128>}, {transform_indices = @transform_1, window_bounds = array<i64: 1000, 128>}, {transform_indices = @transform_2, window_bounds = array<i64: 1000, 128>}, {transform_indices = @transform_3, window_bounds = array<i64: 1000, 128>}, {transform_indices = @transform_4, window_bounds = array<i64: 1000, 128>}, {transform_indices = @transform_5, window_bounds = array<i64: 1000, 128>}, {pipeline_mode = #tpu.pipeline_mode<synchronous>, transform_indices = @transform_6, window_bounds = array<i64: 1, 128>}, {pipeline_mode = #tpu.pipeline_mode<synchronous>, transform_indices = @transform_7, window_bounds = array<i64: 1, 128>}]} {
    %get3A = arith.constant 0 : index
    %get3A_0 = arith.constant 0 : index
    %get3A_1 = vector.load %arg4[%get3A, %get3A_0] : memref<1000x128xf32, #tpu.memory_space<vmem>>, vector<1000x1xf32>
    %get3A_2 = arith.constant 0 : index
    %get3A_3 = arith.constant 0 : index
    %get3A_4 = vector.load %arg5[%get3A_2, %get3A_3] : memref<1000x128xf32, #tpu.memory_space<vmem>>, vector<1000x1xf32>
    %add3A = arith.addf %get3A_1, %get3A_4 : vector<1000x1xf32>
    %add3A_5 = arith.constant 1.000000e+00 : f32
    %add3A_6 = vector.broadcast %add3A_5 : f32 to vector<1000x1xf32>
    %add3A_7 = arith.addf %add3A, %add3A_6 : vector<1000x1xf32>
    %rsqrt3A = math.rsqrt %add3A_7 : vector<1000x1xf32>
    %get3A_8 = arith.constant 0 : index
    %get3A_9 = arith.constant 0 : index
    %get3A_10 = vector.load %arg1[%get3A_8, %get3A_9] : memref<1000x128xf32, #tpu.memory_space<vmem>>, vector<1000x128xf32>
    %get3A_11 = arith.constant 0 : index
    %get3A_12 = arith.constant 0 : index
    %get3A_13 = vector.load %arg2[%get3A_11, %get3A_12] : memref<1000x128xf32, #tpu.memory_space<vmem>>, vector<1000x128xf32>
    %add3A_14 = arith.addf %get3A_10, %get3A_13 : vector<1000x128xf32>
    %get3A_15 = arith.constant 0 : index
    %get3A_16 = arith.constant 0 : index
    %get3A_17 = vector.load %arg3[%get3A_15, %get3A_16] : memref<1000x128xf32, #tpu.memory_space<vmem>>, vector<1000x128xf32>
    %add3A_18 = arith.addf %add3A_14, %get3A_17 : vector<1000x128xf32>
    %mul3A = vector.broadcast %rsqrt3A : vector<1000x1xf32> to vector<1000x128xf32>
    %mul3A_19 = arith.mulf %mul3A, %add3A_18 : vector<1000x128xf32>
    %get3A_20 = arith.constant 0 : index
    %get3A_21 = arith.constant 0 : index
    %get3A_22 = vector.load %arg7[%get3A_20, %get3A_21] : memref<1x128xf32, #tpu.memory_space<vmem>>, vector<1x128xf32>
    %add3A_23 = vector.broadcast %get3A_22 : vector<1x128xf32> to vector<1000x128xf32>
    %add3A_24 = arith.addf %mul3A_19, %add3A_23 : vector<1000x128xf32>
    %max3A = arith.constant 0.000000e+00 : f32
    %max3A_25 = vector.broadcast %max3A : f32 to vector<1000x128xf32>
    %max3A_26 = arith.maximumf %add3A_24, %max3A_25 : vector<1000x128xf32>
    %get3A_27 = arith.constant 0 : index
    %get3A_28 = arith.constant 0 : index
    %get3A_29 = vector.load %arg6[%get3A_27, %get3A_28] : memref<1000x128xf32, #tpu.memory_space<vmem>>, vector<1000x128xf32>
    %add3A_30 = arith.addf %max3A_26, %get3A_29 : vector<1000x128xf32>
    %reduce_sum3A = arith.constant dense<0.000000e+00> : vector<128xf32>
    %reduce_sum3A_31 = vector.multi_reduction <add>, %add3A_30, %reduce_sum3A [0] : vector<1000x128xf32> to vector<128xf32>
    %broadcast_in_dim3A = vector.shape_cast %reduce_sum3A_31 : vector<128xf32> to vector<1x128xf32>
    %mul3A_32 = arith.constant 9.99999974E-5 : f32
    %mul3A_33 = vector.broadcast %mul3A_32 : f32 to vector<1x128xf32>
    %mul3A_34 = arith.mulf %broadcast_in_dim3A, %mul3A_33 : vector<1x128xf32>
    %eq3A = arith.constant 0 : i32
    %eq3A_35 = arith.cmpi eq, %arg0, %eq3A : i32
    %convert_element_type3A = arith.extui %eq3A_35 : i1 to i32
    %cond3A = arith.constant 0 : i32
    %cond3A_36 = arith.cmpi ne, %convert_element_type3A, %cond3A : i32
    scf.if %cond3A_36 {
      %swap3A = arith.constant 0 : index
      %swap3A_41 = arith.constant 0 : index
      %swap3A_42 = vector.load %arg8[%swap3A, %swap3A_41] : memref<1x128xf32, #tpu.memory_space<vmem>>, vector<1x128xf32>
      tpu.vector_store %arg8[%swap3A, %swap3A_41], %mul3A_34 {strides = array<i32>} : memref<1x128xf32, #tpu.memory_space<vmem>>, vector<1x128xf32>,
    } else {
    }
    %ne3A = arith.constant 0 : i32
    %ne3A_37 = arith.cmpi ne, %arg0, %ne3A : i32
    %convert_element_type3A_38 = arith.extui %ne3A_37 : i1 to i32
    %cond3A_39 = arith.constant 0 : i32
    %cond3A_40 = arith.cmpi ne, %convert_element_type3A_38, %cond3A_39 : i32
    scf.if %cond3A_40 {
      %get3A_41 = arith.constant 0 : index
      %get3A_42 = arith.constant 0 : index
      %get3A_43 = vector.load %arg8[%get3A_41, %get3A_42] : memref<1x128xf32, #tpu.memory_space<vmem>>, vector<1x128xf32>
      %add3A_44 = arith.addf %get3A_43, %mul3A_34 : vector<1x128xf32>
      %swap3A = arith.constant 0 : index
      %swap3A_45 = arith.constant 0 : index
      %swap3A_46 = vector.load %arg8[%swap3A, %swap3A_45] : memref<1x128xf32, #tpu.memory_space<vmem>>, vector<1x128xf32>
      tpu.vector_store %arg8[%swap3A, %swap3A_45], %add3A_44 {strides = array<i32>} : memref<1x128xf32, #tpu.memory_space<vmem>>, vector<1x128xf32>,
    } else {
    }
    return
  }
  func.func @transform_0(%arg0: i32) -> (i32, i32) {
    %c0_i32 = arith.constant 0 : i32
    %c0_i32_0 = arith.constant 0 : i32
    return %arg0, %c0_i32 : i32, i32
  }
  func.func @transform_1(%arg0: i32) -> (i32, i32) {
    %c0_i32 = arith.constant 0 : i32
    %c0_i32_0 = arith.constant 0 : i32
    return %arg0, %c0_i32 : i32, i32
  }
  func.func @transform_2(%arg0: i32) -> (i32, i32) {
    %c0_i32 = arith.constant 0 : i32
    %c0_i32_0 = arith.constant 0 : i32
    return %arg0, %c0_i32 : i32, i32
  }
  func.func @transform_3(%arg0: i32) -> (i32, i32) {
    %c0_i32 = arith.constant 0 : i32
    %c0_i32_0 = arith.constant 0 : i32
    return %arg0, %c0_i32 : i32, i32
  }
  func.func @transform_4(%arg0: i32) -> (i32, i32) {
    %c0_i32 = arith.constant 0 : i32
    %c0_i32_0 = arith.constant 0 : i32
    return %arg0, %c0_i32 : i32, i32
  }
  func.func @transform_5(%arg0: i32) -> (i32, i32) {
    %c0_i32 = arith.constant 0 : i32
    %c0_i32_0 = arith.constant 0 : i32
    return %arg0, %c0_i32 : i32, i32
  }
  func.func @transform_6(%arg0: i32) -> (i32, i32) {
    %c0_i32 = arith.constant 0 : i32
    %c0_i32_0 = arith.constant 0 : i32
    %c0_i32_1 = arith.constant 0 : i32
    return %c0_i32, %c0_i32_0 : i32, i32
  }
  func.func @transform_7(%arg0: i32) -> (i32, i32) {
    %c0_i32 = arith.constant 0 : i32
    %c0_i32_0 = arith.constant 0 : i32
    %c0_i32_1 = arith.constant 0 : i32
    return %c0_i32, %c0_i32_0 : i32, i32
  }
}

</mosaic_0001>

<sc_bundles>
// kernel: kernel.12.cloned.1.call-start
scs
__scs_entry_jumppad:
0x0: {  	(pc) =	sbr.rel $0x88, $3  }
0x1: {  	(tag) =	ssettag $0x0;
	lr =	simm.s32 $0x1  }
0x2: {  	[smem:$0x3F95] =	sst lr;
	_ =	strace $0xD0000000  }
0x3: {  	_ = 	snop  }
0x4: {  	_ = 	snop  }
0x5: {  	_ = 	snop  }
0x6: {  	_ = 	snop  }
0x7: {  	_ = 	snop  }
__scs_overlays_trampoline_lowered:
0x8: {  	[smem:$0x3FA4] =	sst s0  }
0x9: {  	[smem:$0x3FA5] =	sst s1  }
0xa: {  	[smem:$0x3FA6] =	sst s2  }
0xb: {  	[smem:$0x3FA7] =	sst s3  }
0xc: {  	[smem:$0x3FA8] =	sst s4  }
0xd: {  	[smem:$0x3FA9] =	sst s5  }
0xe: {  	[smem:$0x3FAA] =	sst s6  }
0xf: {  	[smem:$0x3FAB] =	sst s7  }
0x10: {  	[smem:$0x3FAC] =	sst s8  }
0x11: {  	[smem:$0x3FAD] =	sst s9;
	s0 =	simm.s32 @!p0 $0x0  }
0x12: {  	s1 =	sld [smem:$0x3F93];
	s0 =	simm.s32 @p0 $0x1  }
0x13: {  	[smem:$0x3FAE] =	sst s0;
	s0 =	simm.s32 @!p1 $0x0  }
0x14: {  	s2 =	sld [smem:$0x3F92];
	s0 =	simm.s32 @p1 $0x1  }
0x15: {  	[smem:$0x3FAF] =	sst s0;
	s0 =	simm.s32 @!p2 $0x0  }
0x16: {  	s3 =	sld [smem:$0x3FDB];
	s0 =	simm.s32 @p2 $0x1  }
0x17: {  	s4 =	simm.s32 $0x1BF5;
	[smem:$0x3FB1] =	sst s0  }
0x18: {  	s0 =	sld [smem:$0x3F94];
	_ =	swait.ge [sflag:s4], $0x0  }
0x19: {  	s7 =	sld [smem:$0x3F95]  }
0x1a: {  	s8 =	sadd.s32 $0xFFFFE003, lr  }
0x1b: {  	s9 =	sadd.s32 $0xFFFFFEF7, lr;
	s5 =	simm.s32 $0xFFFFFFFF;
	p2 =	slt.u32 s8, $0xFFFFF086  }
0x1c: {  	p1 =	slt.u32 s9, $0xF7A;
	s5 =	simm.s32 @!p2 $0x0  }
0x1d: {  	s5 =	simm.s32 @p1 $0x1;
	p0 =	seq.s32 s7, s2  }
0x1e: {  	s7 =	smul.u32 @!p0 $0xF7A, s2;
	p2 =	seq.s32 @!p0 s5, $0x0  }
0x1f: {  	s9 =	smul.u32 $0xF7A, s1;
	s8 =	simm.s32 @!p0 $0x1BF5;
	p2 =	por !p2, p0  }
0x20: {  	[sflag:s8] =	ssyncset.s32 @!p0 $0xFFFFF086;
	s6 =	sadd.s32 @!p0 s3, s7;
	s7 =	simm.s32 @!p0 $0x108  }
0x21: {  	s3 =	sadd.s32 s3, s9;
	s6 =	sadd.s32 @!p0 $0x88, s6;
	s7 =	simm.s32 @p2 $0x1082  }
0x22: {  	[simem:s7], [sflag:s8] =	dma.local @!p0 [hbm:s6], $0xF7A  }
0x23: {  	s9 =	sor.u32 $0xD0000000, s2;
	s6 =	simm.s32 $0x108;
	_ =	swait.ge @!p0 [sflag:s8], $0x0  }
0x24: {  	s3 =	sadd.s32 $0x88, s3;
	s6 =	simm.s32 @!p1 $0x1082;
	[sflag:s4] =	ssyncset.s32 $0xFFFFF086  }
0x25: {  	[simem:s6], [sflag:s4] =	dma.local [hbm:s3], $0xF7A  }
0x26: {  	[smem:$0x3F95] =	sst s1;
	(tag) =	ssettag s2;
	_ =	strace s9  }
0x27: {  	s1 =	sld [smem:$0x3FA5]  }
0x28: {  	s2 =	sld [smem:$0x3FA6]  }
0x29: {  	s4 =	sld [smem:$0x3FA8]  }
0x2a: {  	p0 =	seq.s32 s5, $0x0;
	s5 =	sld [smem:$0x3FA9]  }
0x2b: {  	s6 =	sld [smem:$0x3FAA]  }
0x2c: {  	s7 =	sld [smem:$0x3FAB]  }
0x2d: {  	s3 =	simm.s32 $0x108;
	s8 =	sld [smem:$0x3FAC]  }
0x2e: {  	s3 =	simm.s32 @!p0 $0x1082;
	s9 =	sld [smem:$0x3FAD]  }
0x2f: {  	lr =	sadd.s32 s0, s3;
	s0 =	sld [smem:$0x3FA4]  }
0x30: {  	s3 =	sld [smem:$0x3FA7]  }
0x31: {  	[smem:$0x3FB0] =	sst s10  }
0x32: {  	s10 =	sld [smem:$0x3FAE];
	_ =	sdelay $0x3  }
0x33: {  	p0 =	seq.s32 s10, $0x1;
	s10 =	sld [smem:$0x3FB0];
	_ =	sdelay $0x3  }
0x34: {  	[smem:$0x3FB0] =	sst s10  }
0x35: {  	s10 =	sld [smem:$0x3FAF];
	_ =	sdelay $0x3  }
0x36: {  	p1 =	seq.s32 s10, $0x1;
	s10 =	sld [smem:$0x3FB0];
	_ =	sdelay $0x3  }
0x37: {  	[smem:$0x3FB0] =	sst s10  }
0x38: {  	s10 =	sld [smem:$0x3FB1]  }
0x39: {  	_ = 	snop;
	(pc) =	sbr.ind lr, $3  }
0x3a: {  	_ = 	snop  }
0x3b: {  	_ = 	snop  }
0x3c: {  	p2 =	seq.s32 s10, $0x1;
	s10 =	sld [smem:$0x3FB0]  }
0x3d: {  	_ =	shalt  }
0x3e: {  	_ =	shalt  }
0x3f: {  	_ =	shalt  }
0x40: {  	_ =	shalt  }
0x41: {  	_ =	shalt  }
0x42: {  	_ =	shalt  }
0x43: {  	_ =	shalt  }
0x44: {  	_ =	shalt  }
0x45: {  	_ =	shalt  }
0x46: {  	_ =	shalt  }
0x47: {  	_ =	shalt  }
0x48: {  	_ =	shalt  }
0x49: {  	_ =	shalt  }
0x4a: {  	_ =	shalt  }
0x4b: {  	_ =	shalt  }
0x4c: {  	_ =	shalt  }
0x4d: {  	_ =	shalt  }
0x4e: {  	_ =	shalt  }
0x4f: {  	_ =	shalt  }
0x50: {  	_ =	shalt  }
0x51: {  	_ =	shalt  }
0x52: {  	_ =	shalt  }
0x53: {  	_ =	shalt  }
0x54: {  	_ =	shalt  }
0x55: {  	_ =	shalt  }
0x56: {  	_ =	shalt  }
0x57: {  	_ =	shalt  }
0x58: {  	_ =	shalt  }
0x59: {  	_ =	shalt  }
0x5a: {  	_ =	shalt  }
0x5b: {  	_ =	shalt  }
0x5c: {  	_ =	shalt  }
0x5d: {  	_ =	shalt  }
0x5e: {  	_ =	shalt  }
0x5f: {  	_ =	shalt  }
0x60: {  	_ =	shalt  }
0x61: {  	_ =	shalt  }
0x62: {  	_ =	shalt  }
0x63: {  	_ =	shalt  }
0x64: {  	_ =	shalt  }
0x65: {  	_ =	shalt  }
0x66: {  	_ =	shalt  }
0x67: {  	_ =	shalt  }
0x68: {  	_ =	shalt  }
0x69: {  	_ =	shalt  }
0x6a: {  	_ =	shalt  }
0x6b: {  	_ =	shalt  }
0x6c: {  	_ =	shalt  }
0x6d: {  	_ =	shalt  }
0x6e: {  	_ =	shalt  }
0x6f: {  	_ =	shalt  }
0x70: {  	_ =	shalt  }
0x71: {  	_ =	shalt  }
0x72: {  	_ =	shalt  }
0x73: {  	_ =	shalt  }
0x74: {  	_ =	shalt  }
0x75: {  	_ =	shalt  }
0x76: {  	_ =	shalt  }
0x77: {  	_ =	shalt  }
0x78: {  	_ =	shalt  }
0x79: {  	_ =	shalt  }
0x7a: {  	_ =	shalt  }
0x7b: {  	_ =	shalt  }
0x7c: {  	_ =	shalt  }
0x7d: {  	_ =	shalt  }
0x7e: {  	_ =	shalt  }
0x7f: {  	_ =	shalt  }
0x80: {  	_ =	shalt  }
0x81: {  	_ =	shalt  }
0x82: {  	_ =	shalt  }
0x83: {  	_ =	shalt  }
0x84: {  	_ =	shalt  }
0x85: {  	_ =	shalt  }
0x86: {  	_ =	shalt  }
0x87: {  	_ =	shalt  }
.Lfunc_end0:
.L_simem_size_0:
called_computation.1_lowered:
.L_overlay_start_0:
0x88: {  	s2 =	sld [smem:$0x3FD9]  }
0x89: {  	s3 =	sld [smem:$0x3FFE];
	_ =	sdelay $0x1  }
0x8a: {  	s1 =	srdreg.scid  }
0x8b: {  	s0 =	sand.u32 $0x1, s1  }
0x8c: {  	s16 =	sshll.u32 s0, $0xA;
	s2 =	sadd.s32 s3, s2  }
0x8d: {  	s2 =	sadd.s32 s2, s16  }
0x8e: {  	[smem:$0x3FBC] =	sst s2  }
0x8f: {  	_ = 	snop  }
0x90: {  	(tm) =	ssettm $0x1  }
0x91: {  	s17 =	sld [smem:$0x3FFB];
	_ =	sdelay $0x3  }
0x92: {  	_ =	strace s17  }
0x93: {  	s2 =	sld [smem:$0x3FFC];
	_ =	sdelay $0x3  }
0x94: {  	_ =	strace s2  }
0x95: {  	s2 =	sld [smem:$0x3FFD];
	_ =	sdelay $0x3  }
0x96: {  	_ =	strace s2  }
0x97: {  	_ =	strace $0x8FFFFFFF  }
0x98: {  	s18 =	sld [smem:$0x3FDB];
	_ =	sdelay $0x1  }
0x99: {  	s19 =	simm.s32 $_scs_section_size  }
0x9a: {  	s4 =	simm.s32 $_size__tile_overlayer_lowered;
	s5 =	simm.s32 $_tile_overlayer_lowered  }
0x9b: {  	s22 =	simm.s32 $0x1BFF;
	s21 =	sshll.u32 s5, $0x1;
	s2 =	sadd.s32 s19, s18  }
0x9c: {  	s6 =	simm.s32 $0x0;
	s20 =	sshll.u32 s4, $0x1;
	s4 =	sadd.s32 s21, s2  }
0x9d: {  	[timem:s6], [sflag:s22] =	dma.local [hbm:s4], s20  }
0x9e: {  	_ =	swait.ge [sflag:s22], s20  }
0x9f: {  	s3 =	ssub.s32 $0x0, s20;
	[sflag:s22] =	ssyncset.done $0x0  }
0xa0: {  	[sflag:s22] =	ssyncadd.s32 s3;
	_ =	sdelay $0x1  }
0xa1: {  	s23 =	simm.s32 $0x1B8B  }
0xa2: {  	_ =	swait.ge [sflag:s23], $0x1  }
0xa3: {  	[sflag:s23] =	ssyncset.done $0x0  }
0xa4: {  	s25 =	simm.s32 $0x1B8E;
	s24 =	sld [smem:$0x3FFE];
	[sflag:s23] =	ssyncadd.s32 $0xFFFFFFFF  }
0xa5: {  	s26 =	simm.s32 $execute0_lowered;
	[smem:$0x3FD2] =	sst s25  }
0xa6: {  	s4 =	sshll.u32 s26, $0x1;
	_ =	strace $0x80000049;
	[dreg:$0x1] =	wrdreg $0xFFFFFFFF  }
0xa7: {  	s28 =	simm.s32 $_size_execute0_lowered;
	s2 =	sadd.s32 s2, s4;
	[dreg:$0x0] =	wrdreg $0x0  }
0xa8: {  	s4 =	sshll.u32 s28, $0x1;
	[dreg:$0x2] =	wrdreg s2  }
0xa9: {  	[dreg:$0x3] =	wrdreg s4  }
0xaa: {  	[dreg:$0x4] =	wrdreg $0xC0  }
0xab: {  	_ =	task [dreg:s6], $0x5FFFF  }
0xac: {  	[dreg:$0x1] =	wrdreg $0xFFFFFFFF  }
0xad: {  	[dreg:$0x0] =	wrdreg $0x60  }
0xae: {  	[dreg:$0x2] =	wrdreg s24  }
0xaf: {  	[dreg:$0x3] =	wrdreg $0x7E000  }
0xb0: {  	[dreg:$0x4] =	wrdreg $0x9  }
0xb1: {  	_ =	task.clear_ibuf [dreg:s6], $0x5FFFF;
	_ =	strace $0x90000049  }
0xb2: {  	s29 =	simm.s32 $0x9;
	_ =	strace $0x8000004B  }
0xb3: {  	_ =	swait.ge [sflag:s29], $0x1  }
0xb4: {  	[sflag:s29] =	ssyncadd.s32 $0xFFFFFFFF  }
0xb5: {  	_ =	strace $0x9000004B  }
0xb6: {  	_ =	sfence  }
0xb7: {  	s30 =	sld [smem:$0x0];
	_ =	sdelay $0x2  }
0xb8: {  	s31 =	sshll.u32 s1, $0xD;
	s1 =	sshrl.u32 s1, $0x2  }
0xb9: {  	s3 =	sand.u32 $0x4000, s31;
	s1 =	sadd.s32 s1, s30  }
0xba: {  	s0 =	sor.u32 s3, s0;
	s1 =	sshll.u32 s1, $0x11  }
0xbb: {  	s0 =	sor.u32 s1, s0  }
0xbc: {  	s0 =	sadd.s32 $0x8F2B, s0  }
0xbd: {  	[sflag:s0] =	ssyncadd.remote.s32 $0x1  }
0xbe: {  	_ =	sfence.sel $0xFFFF  }
0xbf: {  	[dreg:$0x0] =	wrdreg $0xFFFFFFFF;
	(pc) =	sbr.abs _section_cstart, $3  }
0xc0: {  	[dreg:$0x1] =	wrdreg $0xFFFFFFFF  }
0xc1: {  	_ =	task.clear_ibuf [dreg:s6], $0x2FFFF;
	_ =	strace $0x9FFFFFFF  }
0xc2: {  	(tm) =	ssettm $0x7FFFFFFF  }
0xc3: {  	_ =	shalt  }
tec
execute0_lowered:
.L_overlay_start_1:
0x0: {  	(tag) =	ssettag $0x1  }
0x1: {  	s0 =	rddreg [dreg:$0x0]  }
0x2: {  	s1 =	rddreg [dreg:$0x1];
	s2 =	simm.s32 $0x0  }
0x3: {  	s3 =	srdreg.scid;
	s14 =	stileid.u32;
	s28 =	simm.s32 $0x480  }
0x4: {  	s30 =	simm.s32 $0x3;
	s31 =	simm.s32 $0x6;
	s29 =	simm.s32 $0x0  }
0x5: {  	[smem:$0x7FF] =	sst s2;
	s4 =	sadd.s32 $0xC0400, s0;
	s5 =	sadd.s32 $0x62000, s0  }
0x6: {  	s3 =	sand.u32 $0x1, s3;
	s9 =	sshll.u32 s14, $0xE;
	s6 =	sadd.s32 $0x3E00, s0  }
0x7: {  	s0 =	sadd.s32 $0xE7600, s0;
	s19 =	smul.u32 $0x270, s14;
	s11 =	smin.u32 s14, $0x2  }
0x8: {  	p0 =	sgt.u32 s14, $0x1;
	s14 =	simm.s32 $0x200;
	s7 =	sshll.u32 s3, $0x12  }
0x9: {  	_ =	strace $0x8000004A;
	s8 =	ssub.s32 $0x2, s3;
	s7 =	sor.u32 s9, s7  }
0xa: {  	s11 =	sshll.u32 s11, $0x3;
	s10 =	sshrl.u32 s8, $0x1;
	s9 =	sshrl.u32 s7, $0x3  }
0xb: {  	s3 =	smul.u32 $0x138800, s3;
	s8 =	ssub.s32 s8, s10;
	s18 =	sadd.s32 s5, s9  }
0xc: {  	s10 =	sadd.s32 s19, s11;
	s12 =	sadd.s32 s6, s9;
	[dreg:$0x3] =	wrdreg s18  }
0xd: {  	s20 =	sor.u32 $0x10, s9;
	s19 =	smax.u32 s8, $0x1;
	[dreg:$0x4] =	wrdreg s12  }
0xe: {  	s21 =	sor.u32 $0x20, s9;
	s13 =	sadd.s32 s5, s20;
	[dreg:$0x11] =	wrdreg s19  }
0xf: {  	s10 =	sshll.u32 s10, $0x7;
	s22 =	sadd.s32 s6, s20;
	[dreg:$0x5] =	wrdreg s13  }
0x10: {  	s25 =	sor.u32 $0x7B0, s9;
	s23 =	sadd.s32 s5, s21;
	[dreg:$0x6] =	wrdreg s22  }
0x11: {  	s9 =	sor.u32 $0x7C0, s9;
	s24 =	sadd.s32 s6, s21;
	[dreg:$0x7] =	wrdreg s23  }
0x12: {  	s8 =	simm.s32 $0x300;
	s15 =	sadd.s32 s5, s25;
	[dreg:$0x8] =	wrdreg s24  }
0x13: {  	s12 =	sadd.s32 s10, s1;
	s11 =	sadd.s32 s6, s25;
	[dreg:$0xb] =	wrdreg s15  }
0x14: {  	s16 =	sadd.s32 $0x13800, s10;
	s17 =	sadd.s32 s5, s9;
	[dreg:$0xc] =	wrdreg s11  }
0x15: {  	s10 =	sadd.s32 s3, s10;
	s9 =	sadd.s32 s6, s9;
	[dreg:$0xd] =	wrdreg s17  }
0x16: {  	s19 =	simm.s32 $0x5600;
	s26 =	sadd.s32 $0x13800, s12;
	[dreg:$0xe] =	wrdreg s9  }
0x17: {  	s3 =	sadd.s32 s3, s16;
	s18 =	sshrl.u32 s10, $0x3;
	[dreg:$0x9] =	wrdreg s12  }
0x18: {  	s20 =	sadd.s32 $0x2700, s12;
	s21 =	sadd.s32 $0x4E00, s12;
	[dreg:$0xa] =	wrdreg s26  }
0x19: {  	s22 =	sadd.s32 $0x7500, s12;
	s23 =	sadd.s32 $0x9C00, s12;
	[dreg:$0x12] =	wrdreg s20  }
0x1a: {  	s24 =	sadd.s32 $0xC300, s12;
	s25 =	sadd.s32 $0xEA00, s12;
	[dreg:$0x13] =	wrdreg s21  }
0x1b: {  	s10 =	simm.s32 $0x400;
	s11 =	simm.s32 $0x600;
	[dreg:$0x15] =	wrdreg s22  }
0x1c: {  	s13 =	simm.s32 $0x7;
	s15 =	simm.s32 $0x50;
	[dreg:$0x16] =	wrdreg s23  }
0x1d: {  	s17 =	simm.s32 $0x2E00;
	s3 =	sshrl.u32 s3, $0x3;
	[dreg:$0x17] =	wrdreg s24  }
0x1e: {  	s9 =	sadd.s32 s0, s18;
	[dreg:$0x18] =	wrdreg s25;
	s26 =	sadd.s32 $0x11100, s12  }
0x1f: {  	s20 =	simm.s32 $0x500;
	s12 =	simm.s32 $0x1;
	s18 =	simm.s32 $0x9  }
0x20: {  	s21 =	simm.s32 $0x80;
	s23 =	simm.s32 $0x380;
	s22 =	simm.s32 $0x4  }
0x21: {  	s24 =	simm.s32 $0x180;
	[dreg:$0xf] =	wrdreg s9;
	s0 =	sadd.s32 s0, s3  }
0x22: {  	s25 =	simm.s32 $0x2;
	[dreg:$0x10] =	wrdreg s0;
	s0 =	sadd.s32 s16, s1  }
0x23: {  	[dreg:$0x19] =	wrdreg s26;
	s9 =	simm.s32 $0x100;
	s0 =	sshrl.u32 @!p0 s0, $0x3  }
0x24: {  	v0 =	vimm.f32 $0.0e+00;
	s26 =	simm.s32 $0x5;
	s16 =	simm.s32 $0x8;
	[dreg:$0x14] =	wrdreg s0  }
.LBB2_1:
0x25: {  	[dreg:$0x1a] =	wrdreg s29  }
0x26: {  	s0 =	rddreg [dreg:$0x3]  }
0x27: {  	[tilespmem:s2], [sflag:$0x7] =	stream.linear.gather [hbm4b:s0+s2], $0x80, $0x38;
	[tilespmem:$0x1B680] =	vst v63  }
0x28: {  	s29 =	rddreg [dreg:$0x4]  }
0x29: {  	[tilespmem:s8], [sflag:$0x7] =	stream.linear.gather [hbm4b:s29+s2], $0x80, $0x38;
	[tilespmem:$0x1B680] =	vst v63  }
0x2a: {  	s3 =	rddreg [dreg:$0x5]  }
0x2b: {  	[tilespmem:s9], [sflag:$0x8] =	stream.linear.gather [hbm4b:s3+s2], $0x80, $0x38;
	[tilespmem:$0x1B680] =	vst v63  }
0x2c: {  	s29 =	rddreg [dreg:$0x6]  }
0x2d: {  	[tilespmem:s10], [sflag:$0x8] =	stream.linear.gather [hbm4b:s29+s2], $0x80, $0x38;
	[tilespmem:$0x1B680] =	vst v63  }
0x2e: {  	s3 =	rddreg [dreg:$0x7]  }
0x2f: {  	[tilespmem:s14], [sflag:$0x9] =	stream.linear.gather [hbm4b:s3+s2], $0x80, $0x38;
	[tilespmem:$0x1B680] =	vst v63  }
0x30: {  	s0 =	simm.s32 $0x0;
	s29 =	rddreg [dreg:$0x8];
	s3 =	simm.s32 $0x200  }
0x31: {  	[tilespmem:s20], [sflag:$0x9] =	stream.linear.gather [hbm4b:s29+s2], $0x80, $0x38;
	[tilespmem:$0x1B680] =	vst v63  }
.LBB2_2:
0x32: {  	p1 =	sne.s32 s3, $0x9E00;
	[tilespmem:s0+$0x670] =	vst v0  }
0x33: {  	[tilespmem:s0+$0x600] =	vst v0  }
0x34: {  	[tilespmem:s0+$0x610] =	vst v0  }
.Ltmp0:
0x35: {  	[tilespmem:s0+$0x620] =	vst v0;
	(pc) =	sbr.rel @p1 .LBB2_2-.Ltmp0, $4  }
0x36: {  	[tilespmem:s0+$0x630] =	vst v0  }
0x37: {  	[tilespmem:s0+$0x640] =	vst v0  }
0x38: {  	[tilespmem:s0+$0x650] =	vst v0  }
0x39: {  	[tilespmem:s0+$0x660] =	vst v0;
	s0 =	sshra.s32 s3, $0x2;
	s3 =	sadd.s32 $0x200, s3  }
0x3a: {  	[tilespmem:s0+$0x670] =	vst v0  }
0x3b: {  	[tilespmem:s0+$0x600] =	vst v0  }
0x3c: {  	[tilespmem:s0+$0x610] =	vst v0  }
0x3d: {  	[tilespmem:s0+$0x620] =	vst v0  }
0x3e: {  	[tilespmem:s0+$0x630] =	vst v0  }
0x3f: {  	[tilespmem:s0+$0x640] =	vst v0  }
0x40: {  	[tilespmem:s0+$0x650] =	vst v0  }
0x41: {  	[tilespmem:s0+$0x660] =	vst v0;
	s29 =	rddreg [dreg:$0x9]  }
0x42: {  	[spmem:s29] =	stream.linear.scatter [tilespmem:s11], [sflag:$0x1], $0x2700, $0x38;
	[tilespmem:$0x1B680] =	vst v63  }
0x43: {  	s3 =	rddreg [dreg:$0x12]  }
0x44: {  	[spmem:s3] =	stream.linear.scatter [tilespmem:s11], [sflag:$0x1], $0x2700, $0x38;
	[tilespmem:$0x1B680] =	vst v63  }
0x45: {  	s29 =	rddreg [dreg:$0x13]  }
0x46: {  	[spmem:s29] =	stream.linear.scatter [tilespmem:s11], [sflag:$0x1], $0x2700, $0x38;
	[tilespmem:$0x1B680] =	vst v63  }
0x47: {  	s3 =	rddreg [dreg:$0x15]  }
0x48: {  	[spmem:s3] =	stream.linear.scatter [tilespmem:s11], [sflag:$0x1], $0x2700, $0x38;
	[tilespmem:$0x1B680] =	vst v63  }
0x49: {  	s29 =	rddreg [dreg:$0x16]  }
0x4a: {  	[spmem:s29] =	stream.linear.scatter [tilespmem:s11], [sflag:$0x1], $0x2700, $0x38;
	[tilespmem:$0x1B680] =	vst v63  }
0x4b: {  	s3 =	rddreg [dreg:$0x17]  }
0x4c: {  	[spmem:s3] =	stream.linear.scatter [tilespmem:s11], [sflag:$0x1], $0x2700, $0x38;
	[tilespmem:$0x1B680] =	vst v63  }
0x4d: {  	s29 =	rddreg [dreg:$0x18]  }
0x4e: {  	[spmem:s29] =	stream.linear.scatter [tilespmem:s11], [sflag:$0x1], $0x2700, $0x38;
	[tilespmem:$0x1B680] =	vst v63  }
0x4f: {  	s3 =	rddreg [dreg:$0x19]  }
0x50: {  	[spmem:s3] =	stream.linear.scatter [tilespmem:s11], [sflag:$0x1], $0x2700, $0x38;
	[tilespmem:$0x1B680] =	vst v63  }
0x51: {  	s0 =	simm.s32 @!p0 $0x600;
	s3 =	rddreg [dreg:$0xa]  }
0x52: {  	[spmem:s3] =	stream.linear.scatter @!p0 [tilespmem:s0], [sflag:$0xA], $0x400, $0x38;
	[tilespmem:$0x1B680] =	vst v63  }
0x53: {  	s0 =	simm.s32 @!p0 $0xA  }
0x54: {  	_ =	swait.ge @!p0 [sflag:s0], $0x400  }
0x55: {  	[sflag:s0] =	ssyncset.done @!p0 $0x0  }
0x56: {  	[sflag:s0] =	ssyncadd.s32 @!p0 $0xFFFFFC00  }
0x57: {  	_ =	swait.ge [sflag:s12], $0x2700  }
0x58: {  	[sflag:s12] =	ssyncset.done $0x0  }
0x59: {  	[sflag:s12] =	ssyncadd.s32 $0xFFFFD900  }
0x5a: {  	_ =	swait.ge [sflag:s12], $0x2700  }
0x5b: {  	[sflag:s12] =	ssyncset.done $0x0  }
0x5c: {  	[sflag:s12] =	ssyncadd.s32 $0xFFFFD900  }
0x5d: {  	_ =	swait.ge [sflag:s12], $0x2700  }
0x5e: {  	[sflag:s12] =	ssyncset.done $0x0  }
0x5f: {  	[sflag:s12] =	ssyncadd.s32 $0xFFFFD900  }
0x60: {  	_ =	swait.ge [sflag:s12], $0x2700  }
0x61: {  	[sflag:s12] =	ssyncset.done $0x0  }
0x62: {  	[sflag:s12] =	ssyncadd.s32 $0xFFFFD900  }
0x63: {  	_ =	swait.ge [sflag:s12], $0x2700  }
0x64: {  	[sflag:s12] =	ssyncset.done $0x0  }
0x65: {  	[sflag:s12] =	ssyncadd.s32 $0xFFFFD900  }
0x66: {  	_ =	swait.ge [sflag:s12], $0x2700  }
0x67: {  	[sflag:s12] =	ssyncset.done $0x0  }
0x68: {  	[sflag:s12] =	ssyncadd.s32 $0xFFFFD900  }
0x69: {  	_ =	swait.ge [sflag:s12], $0x2700  }
0x6a: {  	[sflag:s12] =	ssyncset.done $0x0  }
0x6b: {  	[sflag:s12] =	ssyncadd.s32 $0xFFFFD900  }
0x6c: {  	_ =	swait.ge [sflag:s12], $0x2700  }
0x6d: {  	[sflag:s12] =	ssyncset.done $0x0  }
0x6e: {  	[sflag:s12] =	ssyncadd.s32 $0xFFFFD900  }
0x6f: {  	[bflag:$0x0] =	sbarrier.arrive $0xFFFF  }
0x70: {  	_ =	swait.ge [sflag:s13], $0x80  }
0x71: {  	[sflag:s13] =	ssyncset.done $0x0  }
0x72: {  	[sflag:s13] =	ssyncadd.s32 $0xFFFFFF80  }
0x73: {  	_ =	swait.ge [sflag:s13], $0x80  }
0x74: {  	[sflag:s13] =	ssyncset.done $0x0  }
0x75: {  	[sflag:s13] =	ssyncadd.s32 $0xFFFFFF80  }
0x76: {  	[tilespmem:s11], [sflag:$0x1] =	stream.indirect.gather [hbm4b:s4+s15], $0x80, s2, s15, $0xb8;
	[tilespmem:$0x1B680] =	vst v63  }
0x77: {  	_ =	swait.ge [sflag:s16], $0x80  }
0x78: {  	[sflag:s16] =	ssyncset.done $0x0  }
0x79: {  	[sflag:s16] =	ssyncadd.s32 $0xFFFFFF80  }
0x7a: {  	_ =	swait.ge [sflag:s16], $0x80  }
0x7b: {  	[sflag:s16] =	ssyncset.done $0x0  }
0x7c: {  	[sflag:s16] =	ssyncadd.s32 $0xFFFFFF80  }
0x7d: {  	[tilespmem:s17], [sflag:$0x2] =	stream.indirect.gather [hbm4b:s4+s15], $0x80, s9, s15, $0xb8;
	[tilespmem:$0x1B680] =	vst v63  }
0x7e: {  	_ =	swait.ge [sflag:s18], $0x80  }
0x7f: {  	s0 =	simm.s32 $0x180;
	[sflag:s18] =	ssyncset.done $0x0  }
0x80: {  	s29 =	sand.u32 $0xFC00, s0;
	[sflag:s18] =	ssyncadd.s32 $0xFFFFFF80  }
0x81: {  	s0 =	sand.u32 $0x380, s0;
	s3 =	sadd.s32 s7, s29;
	_ =	swait.ge [sflag:s18], $0x80  }
0x82: {  	s0 =	sor.u32 s0, s3;
	[sflag:s18] =	ssyncset.done $0x0  }
0x83: {  	s0 =	sshrl.u32 s0, $0x3;
	[sflag:s18] =	ssyncadd.s32 $0xFFFFFF80  }
0x84: {  	[tilespmem:s19], [sflag:$0x3] =	stream.indirect.gather [hbm4b:s4+s15], $0x80, s14, s15, $0xb8;
	[tilespmem:$0x1B680] =	vst v63  }
0x85: {  	s29 =	sadd.s32 s5, s0  }
0x86: {  	[tilespmem:s21], [sflag:$0x7] =	stream.linear.gather [hbm4b:s29+s2], $0x80, $0x38;
	[tilespmem:$0x1B680] =	vst v63  }
0x87: {  	s0 =	sadd.s32 s6, s0  }
0x88: {  	[tilespmem:s23], [sflag:$0x7] =	stream.linear.gather [hbm4b:s0+s2], $0x80, $0x38;
	[tilespmem:$0x1B680] =	vst v63  }
0x89: {  	_ =	swait.ge [sflag:s12], $0x2800  }
0x8a: {  	[sflag:s12] =	ssyncset.done $0x0  }
0x8b: {  	[sflag:s12] =	ssyncadd.s32 $0xFFFFD800  }
0x8c: {  	[spmem:s1] =	stream.indirect.scatter.add.f32 [tilespmem:s11], [sflag:$0x4], $0x80, s8, s15, $0xb8;
	[tilespmem:$0x1B680] =	vst v63  }
0x8d: {  	_ =	swait.ge [sflag:s22], $0x2800  }
0x8e: {  	[sflag:s22] =	ssyncset.done $0x0  }
0x8f: {  	[sflag:s22] =	ssyncadd.s32 $0xFFFFD800  }
0x90: {  	_ =	swait.ge [sflag:s13], $0x80  }
0x91: {  	s0 =	simm.s32 $0x200;
	[sflag:s13] =	ssyncset.done $0x0  }
0x92: {  	s29 =	sand.u32 $0xFC00, s0;
	[sflag:s13] =	ssyncadd.s32 $0xFFFFFF80  }
0x93: {  	s0 =	sand.u32 $0x300, s0;
	s3 =	sadd.s32 s7, s29;
	_ =	swait.ge [sflag:s13], $0x80  }
0x94: {  	s0 =	sor.u32 s0, s3;
	[sflag:s13] =	ssyncset.done $0x0  }
0x95: {  	s0 =	sshrl.u32 s0, $0x3;
	[sflag:s13] =	ssyncadd.s32 $0xFFFFFF80  }
0x96: {  	[tilespmem:s11], [sflag:$0x1] =	stream.indirect.gather [hbm4b:s4+s15], $0x80, s21, s15, $0xb8;
	[tilespmem:$0x1B680] =	vst v63  }
0x97: {  	s21 =	sadd.s32 s5, s0  }
0x98: {  	[tilespmem:s24], [sflag:$0x8] =	stream.linear.gather [hbm4b:s21+s2], $0x80, $0x38;
	[tilespmem:$0x1B680] =	vst v63  }
0x99: {  	s0 =	sadd.s32 s6, s0  }
0x9a: {  	[tilespmem:s28], [sflag:$0x8] =	stream.linear.gather [hbm4b:s0+s2], $0x80, $0x38;
	[tilespmem:$0x1B680] =	vst v63  }
0x9b: {  	_ =	swait.ge [sflag:s25], $0x2800  }
0x9c: {  	[sflag:s25] =	ssyncset.done $0x0  }
0x9d: {  	[sflag:s25] =	ssyncadd.s32 $0xFFFFD800  }
0x9e: {  	[spmem:s1] =	stream.indirect.scatter.add.f32 [tilespmem:s17], [sflag:$0x5], $0x80, s10, s15, $0xb8;
	[tilespmem:$0x1B680] =	vst v63  }
0x9f: {  	_ =	swait.ge [sflag:s26], $0x2800  }
0xa0: {  	[sflag:s26] =	ssyncset.done $0x0  }
0xa1: {  	[sflag:s26] =	ssyncadd.s32 $0xFFFFD800  }
0xa2: {  	_ =	swait.ge [sflag:s16], $0x80  }
0xa3: {  	s29 =	simm.s32 $0x280;
	[sflag:s16] =	ssyncset.done $0x0  }
0xa4: {  	s21 =	sand.u32 $0xFC00, s29;
	[sflag:s16] =	ssyncadd.s32 $0xFFFFFF80  }
0xa5: {  	s3 =	sadd.s32 s7, s21;
	s0 =	sand.u32 $0x380, s29;
	_ =	swait.ge [sflag:s16], $0x80  }
0xa6: {  	s0 =	sor.u32 s0, s3;
	[sflag:s16] =	ssyncset.done $0x0  }
0xa7: {  	s0 =	sshrl.u32 s0, $0x3;
	[sflag:s16] =	ssyncadd.s32 $0xFFFFFF80  }
0xa8: {  	[tilespmem:s17], [sflag:$0x2] =	stream.indirect.gather [hbm4b:s4+s15], $0x80, s24, s15, $0xb8;
	[tilespmem:$0x1B680] =	vst v63  }
0xa9: {  	s21 =	simm.s32 $0x280;
	s24 =	sadd.s32 s5, s0  }
0xaa: {  	[tilespmem:s21], [sflag:$0x9] =	stream.linear.gather [hbm4b:s24+s2], $0x80, $0x38;
	[tilespmem:$0x1B680] =	vst v63  }
0xab: {  	s29 =	simm.s32 $0x580;
	s0 =	sadd.s32 s6, s0  }
0xac: {  	[tilespmem:s29], [sflag:$0x9] =	stream.linear.gather [hbm4b:s0+s2], $0x80, $0x38;
	[tilespmem:$0x1B680] =	vst v63  }
0xad: {  	_ =	swait.ge [sflag:s30], $0x2800  }
0xae: {  	[sflag:s30] =	ssyncset.done $0x0  }
0xaf: {  	[sflag:s30] =	ssyncadd.s32 $0xFFFFD800  }
0xb0: {  	[spmem:s1] =	stream.indirect.scatter.add.f32 [tilespmem:s19], [sflag:$0x6], $0x80, s20, s15, $0xb8;
	[tilespmem:$0x1B680] =	vst v63  }
0xb1: {  	_ =	swait.ge [sflag:s31], $0x2800  }
0xb2: {  	[sflag:s31] =	ssyncset.done $0x0  }
0xb3: {  	[sflag:s31] =	ssyncadd.s32 $0xFFFFD800  }
0xb4: {  	_ =	swait.ge [sflag:s18], $0x80  }
0xb5: {  	s24 =	simm.s32 $0x300;
	[sflag:s18] =	ssyncset.done $0x0  }
0xb6: {  	s29 =	sand.u32 $0xFC00, s24;
	[sflag:s18] =	ssyncadd.s32 $0xFFFFFF80  }
0xb7: {  	s0 =	sand.u32 $0x300, s24;
	s3 =	sadd.s32 s7, s29;
	_ =	swait.ge [sflag:s18], $0x80  }
0xb8: {  	s0 =	sor.u32 s0, s3;
	[sflag:s18] =	ssyncset.done $0x0  }
0xb9: {  	s0 =	sshrl.u32 s0, $0x3;
	[sflag:s18] =	ssyncadd.s32 $0xFFFFFF80  }
0xba: {  	[tilespmem:s19], [sflag:$0x3] =	stream.indirect.gather [hbm4b:s4+s15], $0x80, s21, s15, $0xb8;
	[tilespmem:$0x1B680] =	vst v63  }
0xbb: {  	s21 =	sadd.s32 s5, s0  }
0xbc: {  	[tilespmem:s2], [sflag:$0x7] =	stream.linear.gather [hbm4b:s21+s2], $0x80, $0x38;
	[tilespmem:$0x1B680] =	vst v63  }
0xbd: {  	s0 =	sadd.s32 s6, s0  }
0xbe: {  	[tilespmem:s8], [sflag:$0x7] =	stream.linear.gather [hbm4b:s0+s2], $0x80, $0x38;
	[tilespmem:$0x1B680] =	vst v63  }
0xbf: {  	_ =	swait.ge [sflag:s12], $0x2800  }
0xc0: {  	[sflag:s12] =	ssyncset.done $0x0  }
0xc1: {  	[sflag:s12] =	ssyncadd.s32 $0xFFFFD800  }
0xc2: {  	[spmem:s1] =	stream.indirect.scatter.add.f32 [tilespmem:s11], [sflag:$0x4], $0x80, s23, s15, $0xb8;
	[tilespmem:$0x1B680] =	vst v63  }
0xc3: {  	_ =	swait.ge [sflag:s22], $0x2800  }
0xc4: {  	[sflag:s22] =	ssyncset.done $0x0  }
0xc5: {  	[sflag:s22] =	ssyncadd.s32 $0xFFFFD800  }
0xc6: {  	_ =	swait.ge [sflag:s13], $0x80  }
0xc7: {  	s24 =	simm.s32 $0x380;
	[sflag:s13] =	ssyncset.done $0x0  }
0xc8: {  	s29 =	sand.u32 $0xFC00, s24;
	[sflag:s13] =	ssyncadd.s32 $0xFFFFFF80  }
0xc9: {  	s3 =	sadd.s32 s7, s29;
	s0 =	sand.u32 $0x380, s24;
	_ =	swait.ge [sflag:s13], $0x80  }
0xca: {  	s0 =	sor.u32 s0, s3;
	[sflag:s13] =	ssyncset.done $0x0  }
0xcb: {  	s0 =	sshrl.u32 s0, $0x3;
	[sflag:s13] =	ssyncadd.s32 $0xFFFFFF80  }
0xcc: {  	[tilespmem:s11], [sflag:$0x1] =	stream.indirect.gather [hbm4b:s4+s15], $0x80, s2, s15, $0xb8;
	[tilespmem:$0x1B680] =	vst v63  }
0xcd: {  	s8 =	sadd.s32 s5, s0  }
0xce: {  	[tilespmem:s9], [sflag:$0x8] =	stream.linear.gather [hbm4b:s8+s2], $0x80, $0x38;
	[tilespmem:$0x1B680] =	vst v63  }
0xcf: {  	s0 =	sadd.s32 s6, s0  }
0xd0: {  	[tilespmem:s10], [sflag:$0x8] =	stream.linear.gather [hbm4b:s0+s2], $0x80, $0x38;
	[tilespmem:$0x1B680] =	vst v63  }
0xd1: {  	_ =	swait.ge [sflag:s25], $0x2800  }
0xd2: {  	[sflag:s25] =	ssyncset.done $0x0  }
0xd3: {  	[sflag:s25] =	ssyncadd.s32 $0xFFFFD800  }
0xd4: {  	[spmem:s1] =	stream.indirect.scatter.add.f32 [tilespmem:s17], [sflag:$0x5], $0x80, s28, s15, $0xb8;
	[tilespmem:$0x1B680] =	vst v63  }
0xd5: {  	_ =	swait.ge [sflag:s26], $0x2800  }
0xd6: {  	[sflag:s26] =	ssyncset.done $0x0  }
0xd7: {  	[sflag:s26] =	ssyncadd.s32 $0xFFFFD800  }
0xd8: {  	_ =	swait.ge [sflag:s16], $0x80  }
0xd9: {  	s10 =	simm.s32 $0x400;
	[sflag:s16] =	ssyncset.done $0x0  }
0xda: {  	s21 =	simm.s32 $0x0;
	s0 =	sand.u32 $0xFC00, s10;
	[sflag:s16] =	ssyncadd.s32 $0xFFFFFF80  }
0xdb: {  	s3 =	sand.u32 $0x300, s21;
	s0 =	sadd.s32 s7, s0;
	_ =	swait.ge [sflag:s16], $0x80  }
0xdc: {  	s0 =	sor.u32 s3, s0;
	[sflag:s16] =	ssyncset.done $0x0  }
0xdd: {  	s0 =	sshrl.u32 s0, $0x3;
	[sflag:s16] =	ssyncadd.s32 $0xFFFFFF80  }
0xde: {  	[tilespmem:s17], [sflag:$0x2] =	stream.indirect.gather [hbm4b:s4+s15], $0x80, s9, s15, $0xb8;
	[tilespmem:$0x1B680] =	vst v63  }
0xdf: {  	s24 =	sadd.s32 s5, s0  }
0xe0: {  	[tilespmem:s14], [sflag:$0x9] =	stream.linear.gather [hbm4b:s24+s2], $0x80, $0x38;
	[tilespmem:$0x1B680] =	vst v63  }
0xe1: {  	s0 =	sadd.s32 s6, s0  }
0xe2: {  	[tilespmem:s20], [sflag:$0x9] =	stream.linear.gather [hbm4b:s0+s2], $0x80, $0x38;
	[tilespmem:$0x1B680] =	vst v63  }
0xe3: {  	_ =	swait.ge [sflag:s30], $0x2800  }
0xe4: {  	[sflag:s30] =	ssyncset.done $0x0  }
0xe5: {  	s23 =	simm.s32 $0x580;
	[sflag:s30] =	ssyncadd.s32 $0xFFFFD800  }
0xe6: {  	[spmem:s1] =	stream.indirect.scatter.add.f32 [tilespmem:s19], [sflag:$0x6], $0x80, s23, s15, $0xb8;
	[tilespmem:$0x1B680] =	vst v63  }
0xe7: {  	_ =	swait.ge [sflag:s31], $0x2800  }
0xe8: {  	[sflag:s31] =	ssyncset.done $0x0  }
0xe9: {  	s28 =	simm.s32 $0x480;
	[sflag:s31] =	ssyncadd.s32 $0xFFFFD800  }
0xea: {  	s29 =	sand.u32 $0xFC00, s28;
	_ =	swait.ge [sflag:s18], $0x80  }
0xeb: {  	s3 =	sadd.s32 s7, s29;
	[sflag:s18] =	ssyncset.done $0x0  }
0xec: {  	s14 =	simm.s32 $0x700;
	s0 =	sand.u32 $0x380, s28;
	[sflag:s18] =	ssyncadd.s32 $0xFFFFFF80  }
0xed: {  	s3 =	sor.u32 s0, s3;
	s0 =	simm.s32 $0xA00;
	_ =	swait.ge [sflag:s18], $0x80  }
.LBB2_4:
0xee: {  	s29 =	simm.s32 $0x580;
	s9 =	sshrl.u32 s3, $0x3  }
0xef: {  	[sflag:s18] =	ssyncset.done $0x0;
	s3 =	smov.u32 s0;
	s8 =	sadd.s32 $0x300, s0  }
0xf0: {  	p1 =	sne.s32 s0, $0x3D00;
	s10 =	simm.s32 $0x200;
	[sflag:s18] =	ssyncadd.s32 $0xFFFFFF80  }
0xf1: {  	[tilespmem:s19], [sflag:$0x3] =	stream.indirect.gather [hbm4b:s4+s15], $0x80, s10, s15, $0xb8;
	[tilespmem:$0x1B680] =	vst v63  }
0xf2: {  	s21 =	simm.s32 $0x80;
	s0 =	sadd.s32 s5, s9  }
0xf3: {  	[tilespmem:s21], [sflag:$0x7] =	stream.linear.gather [hbm4b:s0+s2], $0x80, $0x38;
	[tilespmem:$0x1B680] =	vst v63  }
0xf4: {  	s28 =	simm.s32 $0x380;
	s0 =	sadd.s32 s6, s9  }
0xf5: {  	[tilespmem:s28], [sflag:$0x7] =	stream.linear.gather [hbm4b:s0+s2], $0x80, $0x38;
	[tilespmem:$0x1B680] =	vst v63  }
0xf6: {  	_ =	swait.ge [sflag:s12], $0x2800  }
0xf7: {  	[sflag:s12] =	ssyncset.done $0x0  }
0xf8: {  	s20 =	simm.s32 $0x300;
	[sflag:s12] =	ssyncadd.s32 $0xFFFFD800  }
0xf9: {  	[spmem:s1] =	stream.indirect.scatter.add.f32 [tilespmem:s11], [sflag:$0x4], $0x80, s20, s15, $0xb8;
	[tilespmem:$0x1B680] =	vst v63  }
0xfa: {  	_ =	swait.ge [sflag:s22], $0x2800  }
0xfb: {  	[sflag:s22] =	ssyncset.done $0x0  }
0xfc: {  	[sflag:s22] =	ssyncadd.s32 $0xFFFFD800  }
0xfd: {  	_ =	swait.ge [sflag:s13], $0x80  }
0xfe: {  	s0 =	sadd.s32 $0xFFFFFE00, s14;
	[sflag:s13] =	ssyncset.done $0x0  }
0xff: {  	s9 =	sand.u32 $0xFC00, s0;
	[sflag:s13] =	ssyncadd.s32 $0xFFFFFF80  }
0x100: {  	s0 =	sand.u32 $0x300, s0;
	s9 =	sadd.s32 s7, s9;
	_ =	swait.ge [sflag:s13], $0x80  }
0x101: {  	s0 =	sor.u32 s0, s9;
	[sflag:s13] =	ssyncset.done $0x0  }
0x102: {  	s0 =	sshrl.u32 s0, $0x3;
	[sflag:s13] =	ssyncadd.s32 $0xFFFFFF80  }
0x103: {  	[tilespmem:s11], [sflag:$0x1] =	stream.indirect.gather [hbm4b:s4+s15], $0x80, s21, s15, $0xb8;
	[tilespmem:$0x1B680] =	vst v63  }
0x104: {  	s9 =	sadd.s32 s5, s0;
	s0 =	sadd.s32 s6, s0;
	s21 =	simm.s32 $0x180  }
0x105: {  	[tilespmem:s21], [sflag:$0x8] =	stream.linear.gather [hbm4b:s9+s2], $0x80, $0x38;
	[tilespmem:$0x1B680] =	vst v63  }
0x106: {  	s24 =	simm.s32 $0x480  }
0x107: {  	[tilespmem:s24], [sflag:$0x8] =	stream.linear.gather [hbm4b:s0+s2], $0x80, $0x38;
	[tilespmem:$0x1B680] =	vst v63  }
0x108: {  	_ =	swait.ge [sflag:s25], $0x2800  }
0x109: {  	[sflag:s25] =	ssyncset.done $0x0  }
0x10a: {  	s23 =	simm.s32 $0x400;
	[sflag:s25] =	ssyncadd.s32 $0xFFFFD800  }
0x10b: {  	[spmem:s1] =	stream.indirect.scatter.add.f32 [tilespmem:s17], [sflag:$0x5], $0x80, s23, s15, $0xb8;
	[tilespmem:$0x1B680] =	vst v63  }
0x10c: {  	_ =	swait.ge [sflag:s26], $0x2800  }
0x10d: {  	[sflag:s26] =	ssyncset.done $0x0  }
0x10e: {  	[sflag:s26] =	ssyncadd.s32 $0xFFFFD800  }
0x10f: {  	_ =	swait.ge [sflag:s16], $0x80  }
0x110: {  	s0 =	sadd.s32 $0xFFFFFE80, s14;
	[sflag:s16] =	ssyncset.done $0x0  }
0x111: {  	s9 =	sand.u32 $0xFC00, s0;
	[sflag:s16] =	ssyncadd.s32 $0xFFFFFF80  }
0x112: {  	s0 =	sand.u32 $0x380, s0;
	s9 =	sadd.s32 s7, s9;
	_ =	swait.ge [sflag:s16], $0x80  }
0x113: {  	s0 =	sor.u32 s0, s9;
	[sflag:s16] =	ssyncset.done $0x0  }
0x114: {  	s0 =	sshrl.u32 s0, $0x3;
	[sflag:s16] =	ssyncadd.s32 $0xFFFFFF80  }
0x115: {  	[tilespmem:s17], [sflag:$0x2] =	stream.indirect.gather [hbm4b:s4+s15], $0x80, s21, s15, $0xb8;
	[tilespmem:$0x1B680] =	vst v63  }
0x116: {  	s9 =	sadd.s32 s5, s0;
	s0 =	sadd.s32 s6, s0;
	s21 =	simm.s32 $0x280  }
0x117: {  	[tilespmem:s21], [sflag:$0x9] =	stream.linear.gather [hbm4b:s9+s2], $0x80, $0x38;
	[tilespmem:$0x1B680] =	vst v63  }
0x118: {  	_ = 	snop  }
0x119: {  	[tilespmem:s29], [sflag:$0x9] =	stream.linear.gather [hbm4b:s0+s2], $0x80, $0x38;
	[tilespmem:$0x1B680] =	vst v63  }
0x11a: {  	_ =	swait.ge [sflag:s30], $0x2800  }
0x11b: {  	[sflag:s30] =	ssyncset.done $0x0  }
0x11c: {  	s29 =	simm.s32 $0x500;
	[sflag:s30] =	ssyncadd.s32 $0xFFFFD800  }
0x11d: {  	[spmem:s1] =	stream.indirect.scatter.add.f32 [tilespmem:s19], [sflag:$0x6], $0x80, s29, s15, $0xb8;
	[tilespmem:$0x1B680] =	vst v63  }
0x11e: {  	_ =	swait.ge [sflag:s31], $0x2800  }
0x11f: {  	[sflag:s31] =	ssyncset.done $0x0  }
0x120: {  	[sflag:s31] =	ssyncadd.s32 $0xFFFFD800  }
0x121: {  	_ =	swait.ge [sflag:s18], $0x80  }
0x122: {  	s0 =	sadd.s32 $0xFFFFFF00, s14;
	[sflag:s18] =	ssyncset.done $0x0  }
0x123: {  	s9 =	sand.u32 $0xFC00, s0;
	[sflag:s18] =	ssyncadd.s32 $0xFFFFFF80  }
0x124: {  	s0 =	sand.u32 $0x300, s0;
	s9 =	sadd.s32 s7, s9;
	_ =	swait.ge [sflag:s18], $0x80  }
0x125: {  	s0 =	sor.u32 s0, s9;
	[sflag:s18] =	ssyncset.done $0x0  }
0x126: {  	s0 =	sshrl.u32 s0, $0x3;
	[sflag:s18] =	ssyncadd.s32 $0xFFFFFF80  }
0x127: {  	[tilespmem:s19], [sflag:$0x3] =	stream.indirect.gather [hbm4b:s4+s15], $0x80, s21, s15, $0xb8;
	[tilespmem:$0x1B680] =	vst v63  }
0x128: {  	s9 =	sadd.s32 s5, s0;
	s0 =	sadd.s32 s6, s0  }
0x129: {  	[tilespmem:s2], [sflag:$0x7] =	stream.linear.gather [hbm4b:s9+s2], $0x80, $0x38;
	[tilespmem:$0x1B680] =	vst v63  }
0x12a: {  	_ = 	snop  }
0x12b: {  	[tilespmem:s20], [sflag:$0x7] =	stream.linear.gather [hbm4b:s0+s2], $0x80, $0x38;
	[tilespmem:$0x1B680] =	vst v63  }
0x12c: {  	_ =	swait.ge [sflag:s12], $0x2800  }
0x12d: {  	[sflag:s12] =	ssyncset.done $0x0  }
0x12e: {  	[sflag:s12] =	ssyncadd.s32 $0xFFFFD800  }
0x12f: {  	[spmem:s1] =	stream.indirect.scatter.add.f32 [tilespmem:s11], [sflag:$0x4], $0x80, s28, s15, $0xb8;
	[tilespmem:$0x1B680] =	vst v63  }
0x130: {  	_ =	swait.ge [sflag:s22], $0x2800  }
0x131: {  	[sflag:s22] =	ssyncset.done $0x0  }
0x132: {  	[sflag:s22] =	ssyncadd.s32 $0xFFFFD800  }
0x133: {  	_ =	swait.ge [sflag:s13], $0x80  }
0x134: {  	s0 =	sadd.s32 $0xFFFFFF80, s14;
	[sflag:s13] =	ssyncset.done $0x0  }
0x135: {  	s9 =	sand.u32 $0xFC00, s0;
	[sflag:s13] =	ssyncadd.s32 $0xFFFFFF80  }
0x136: {  	s0 =	sand.u32 $0x380, s0;
	s9 =	sadd.s32 s7, s9;
	_ =	swait.ge [sflag:s13], $0x80  }
0x137: {  	s0 =	sor.u32 s0, s9;
	[sflag:s13] =	ssyncset.done $0x0  }
0x138: {  	s0 =	sshrl.u32 s0, $0x3;
	[sflag:s13] =	ssyncadd.s32 $0xFFFFFF80  }
0x139: {  	[tilespmem:s11], [sflag:$0x1] =	stream.indirect.gather [hbm4b:s4+s15], $0x80, s2, s15, $0xb8;
	[tilespmem:$0x1B680] =	vst v63  }
0x13a: {  	s20 =	simm.s32 $0x100;
	s9 =	sadd.s32 s5, s0;
	s0 =	sadd.s32 s6, s0  }
0x13b: {  	[tilespmem:s20], [sflag:$0x8] =	stream.linear.gather [hbm4b:s9+s2], $0x80, $0x38;
	[tilespmem:$0x1B680] =	vst v63  }
0x13c: {  	_ = 	snop  }
0x13d: {  	[tilespmem:s23], [sflag:$0x8] =	stream.linear.gather [hbm4b:s0+s2], $0x80, $0x38;
	[tilespmem:$0x1B680] =	vst v63  }
0x13e: {  	_ =	swait.ge [sflag:s25], $0x2800  }
0x13f: {  	[sflag:s25] =	ssyncset.done $0x0  }
0x140: {  	[sflag:s25] =	ssyncadd.s32 $0xFFFFD800  }
0x141: {  	[spmem:s1] =	stream.indirect.scatter.add.f32 [tilespmem:s17], [sflag:$0x5], $0x80, s24, s15, $0xb8;
	[tilespmem:$0x1B680] =	vst v63  }
0x142: {  	_ =	swait.ge [sflag:s26], $0x2800  }
0x143: {  	[sflag:s26] =	ssyncset.done $0x0  }
0x144: {  	[sflag:s26] =	ssyncadd.s32 $0xFFFFD800  }
0x145: {  	_ =	swait.ge [sflag:s16], $0x80  }
0x146: {  	s9 =	sand.u32 $0xFC00, s14;
	[sflag:s16] =	ssyncset.done $0x0  }
0x147: {  	s9 =	sadd.s32 s7, s9;
	s0 =	sadd.s32 $0xFFFFFC00, s14;
	[sflag:s16] =	ssyncadd.s32 $0xFFFFFF80  }
0x148: {  	s14 =	smov.u32 s3;
	s0 =	sand.u32 $0x300, s0;
	_ =	swait.ge [sflag:s16], $0x80  }
0x149: {  	s0 =	sor.u32 s0, s9;
	s9 =	simm.s32 $0x580;
	[sflag:s16] =	ssyncset.done $0x0  }
0x14a: {  	s0 =	sshrl.u32 s0, $0x3;
	[sflag:s16] =	ssyncadd.s32 $0xFFFFFF80  }
0x14b: {  	[tilespmem:s17], [sflag:$0x2] =	stream.indirect.gather [hbm4b:s4+s15], $0x80, s20, s15, $0xb8;
	[tilespmem:$0x1B680] =	vst v63  }
0x14c: {  	s3 =	sadd.s32 s5, s0;
	s0 =	sadd.s32 s6, s0  }
0x14d: {  	[tilespmem:s10], [sflag:$0x9] =	stream.linear.gather [hbm4b:s3+s2], $0x80, $0x38;
	[tilespmem:$0x1B680] =	vst v63  }
0x14e: {  	_ = 	snop  }
0x14f: {  	[tilespmem:s29], [sflag:$0x9] =	stream.linear.gather [hbm4b:s0+s2], $0x80, $0x38;
	[tilespmem:$0x1B680] =	vst v63  }
0x150: {  	_ =	swait.ge [sflag:s30], $0x2800  }
0x151: {  	[sflag:s30] =	ssyncset.done $0x0  }
0x152: {  	[sflag:s30] =	ssyncadd.s32 $0xFFFFD800  }
0x153: {  	[spmem:s1] =	stream.indirect.scatter.add.f32 [tilespmem:s19], [sflag:$0x6], $0x80, s9, s15, $0xb8;
	[tilespmem:$0x1B680] =	vst v63  }
0x154: {  	_ =	swait.ge [sflag:s31], $0x2800  }
0x155: {  	[sflag:s31] =	ssyncset.done $0x0  }
.Ltmp1:
0x156: {  	[sflag:s31] =	ssyncadd.s32 $0xFFFFD800;
	(pc) =	sbr.rel @p1 .LBB2_4-.Ltmp1, $4  }
0x157: {  	s0 =	sadd.s32 $0xFFFFFD80, s14;
	_ =	swait.ge [sflag:s18], $0x80  }
0x158: {  	s3 =	sand.u32 $0xFC00, s0;
	[sflag:s18] =	ssyncset.done $0x0  }
0x159: {  	s0 =	sand.u32 $0x380, s0;
	s3 =	sadd.s32 s7, s3;
	[sflag:s18] =	ssyncadd.s32 $0xFFFFFF80  }
0x15a: {  	s3 =	sor.u32 s0, s3;
	s0 =	smov.u32 s8;
	_ =	swait.ge [sflag:s18], $0x80  }
0x15b: {  	[sflag:s18] =	ssyncset.done $0x0  }
0x15c: {  	s0 =	sshrl.u32 s3, $0x3;
	s10 =	simm.s32 $0x200;
	[sflag:s18] =	ssyncadd.s32 $0xFFFFFF80  }
0x15d: {  	[tilespmem:s19], [sflag:$0x3] =	stream.indirect.gather [hbm4b:s4+s15], $0x80, s10, s15, $0xb8;
	[tilespmem:$0x1B680] =	vst v63  }
0x15e: {  	s8 =	simm.s32 $0x80;
	s3 =	sadd.s32 s5, s0  }
0x15f: {  	[tilespmem:s8], [sflag:$0x7] =	stream.linear.gather [hbm4b:s3+s2], $0x80, $0x38;
	[tilespmem:$0x1B680] =	vst v63  }
0x160: {  	s24 =	simm.s32 $0x380;
	s0 =	sadd.s32 s6, s0  }
0x161: {  	[tilespmem:s24], [sflag:$0x7] =	stream.linear.gather [hbm4b:s0+s2], $0x80, $0x38;
	[tilespmem:$0x1B680] =	vst v63  }
0x162: {  	_ =	swait.ge [sflag:s12], $0x2800  }
0x163: {  	[sflag:s12] =	ssyncset.done $0x0  }
0x164: {  	s23 =	simm.s32 $0x300;
	[sflag:s12] =	ssyncadd.s32 $0xFFFFD800  }
0x165: {  	[spmem:s1] =	stream.indirect.scatter.add.f32 [tilespmem:s11], [sflag:$0x4], $0x80, s23, s15, $0xb8;
	[tilespmem:$0x1B680] =	vst v63  }
0x166: {  	_ =	swait.ge [sflag:s22], $0x2800  }
0x167: {  	[sflag:s22] =	ssyncset.done $0x0  }
0x168: {  	[sflag:s22] =	ssyncadd.s32 $0xFFFFD800  }
0x169: {  	_ =	swait.ge [sflag:s13], $0x80  }
0x16a: {  	s20 =	sadd.s32 $0xFFFFFE00, s14;
	[sflag:s13] =	ssyncset.done $0x0  }
0x16b: {  	s21 =	sand.u32 $0xFC00, s20;
	[sflag:s13] =	ssyncadd.s32 $0xFFFFFF80  }
0x16c: {  	s3 =	sadd.s32 s7, s21;
	s0 =	sand.u32 $0x300, s20;
	_ =	swait.ge [sflag:s13], $0x80  }
0x16d: {  	s0 =	sor.u32 s0, s3;
	[sflag:s13] =	ssyncset.done $0x0  }
0x16e: {  	s0 =	sshrl.u32 s0, $0x3;
	[sflag:s13] =	ssyncadd.s32 $0xFFFFFF80  }
0x16f: {  	[tilespmem:s11], [sflag:$0x1] =	stream.indirect.gather [hbm4b:s4+s15], $0x80, s8, s15, $0xb8;
	[tilespmem:$0x1B680] =	vst v63  }
0x170: {  	s29 =	simm.s32 $0x180;
	s24 =	sadd.s32 s5, s0  }
0x171: {  	[tilespmem:s29], [sflag:$0x8] =	stream.linear.gather [hbm4b:s24+s2], $0x80, $0x38;
	[tilespmem:$0x1B680] =	vst v63  }
0x172: {  	s0 =	sadd.s32 s6, s0;
	s24 =	simm.s32 $0x480  }
0x173: {  	[tilespmem:s24], [sflag:$0x8] =	stream.linear.gather [hbm4b:s0+s2], $0x80, $0x38;
	[tilespmem:$0x1B680] =	vst v63  }
0x174: {  	_ =	swait.ge [sflag:s25], $0x2800  }
0x175: {  	[sflag:s25] =	ssyncset.done $0x0  }
0x176: {  	s3 =	simm.s32 $0x400;
	[sflag:s25] =	ssyncadd.s32 $0xFFFFD800  }
0x177: {  	[spmem:s1] =	stream.indirect.scatter.add.f32 [tilespmem:s17], [sflag:$0x5], $0x80, s3, s15, $0xb8;
	[tilespmem:$0x1B680] =	vst v63  }
0x178: {  	_ =	swait.ge [sflag:s26], $0x2800  }
0x179: {  	[sflag:s26] =	ssyncset.done $0x0  }
0x17a: {  	[sflag:s26] =	ssyncadd.s32 $0xFFFFD800  }
0x17b: {  	_ =	swait.ge [sflag:s16], $0x80  }
0x17c: {  	s20 =	sadd.s32 $0xFFFFFE80, s14;
	[sflag:s16] =	ssyncset.done $0x0  }
0x17d: {  	s21 =	sand.u32 $0xFC00, s20;
	[sflag:s16] =	ssyncadd.s32 $0xFFFFFF80  }
0x17e: {  	s0 =	sand.u32 $0x380, s20;
	s3 =	sadd.s32 s7, s21;
	_ =	swait.ge [sflag:s16], $0x80  }
0x17f: {  	s0 =	sor.u32 s0, s3;
	[sflag:s16] =	ssyncset.done $0x0  }
0x180: {  	s0 =	sshrl.u32 s0, $0x3;
	[sflag:s16] =	ssyncadd.s32 $0xFFFFFF80  }
0x181: {  	[tilespmem:s17], [sflag:$0x2] =	stream.indirect.gather [hbm4b:s4+s15], $0x80, s29, s15, $0xb8;
	[tilespmem:$0x1B680] =	vst v63  }
0x182: {  	s21 =	simm.s32 $0x280;
	s20 =	sadd.s32 s5, s0  }
0x183: {  	[tilespmem:s21], [sflag:$0x9] =	stream.linear.gather [hbm4b:s20+s2], $0x80, $0x38;
	[tilespmem:$0x1B680] =	vst v63  }
0x184: {  	s0 =	sadd.s32 s6, s0  }
0x185: {  	[tilespmem:s9], [sflag:$0x9] =	stream.linear.gather [hbm4b:s0+s2], $0x80, $0x38;
	[tilespmem:$0x1B680] =	vst v63  }
0x186: {  	_ =	swait.ge [sflag:s30], $0x2800  }
0x187: {  	[sflag:s30] =	ssyncset.done $0x0  }
0x188: {  	s28 =	simm.s32 $0x500;
	[sflag:s30] =	ssyncadd.s32 $0xFFFFD800  }
0x189: {  	[spmem:s1] =	stream.indirect.scatter.add.f32 [tilespmem:s19], [sflag:$0x6], $0x80, s28, s15, $0xb8;
	[tilespmem:$0x1B680] =	vst v63  }
0x18a: {  	_ =	swait.ge [sflag:s31], $0x2800  }
0x18b: {  	[sflag:s31] =	ssyncset.done $0x0  }
0x18c: {  	[sflag:s31] =	ssyncadd.s32 $0xFFFFD800  }
0x18d: {  	_ =	swait.ge [sflag:s18], $0x80  }
0x18e: {  	s0 =	sadd.s32 $0xFFFFFF00, s14;
	[sflag:s18] =	ssyncset.done $0x0  }
0x18f: {  	s20 =	sand.u32 $0xFC00, s0;
	[sflag:s18] =	ssyncadd.s32 $0xFFFFFF80  }
0x190: {  	s0 =	sand.u32 $0x300, s0;
	s3 =	sadd.s32 s7, s20;
	_ =	swait.ge [sflag:s18], $0x80  }
0x191: {  	s0 =	sor.u32 s0, s3;
	[sflag:s18] =	ssyncset.done $0x0  }
0x192: {  	s0 =	sshrl.u32 s0, $0x3;
	[sflag:s18] =	ssyncadd.s32 $0xFFFFFF80  }
0x193: {  	[tilespmem:s19], [sflag:$0x3] =	stream.indirect.gather [hbm4b:s4+s15], $0x80, s21, s15, $0xb8;
	[tilespmem:$0x1B680] =	vst v63  }
0x194: {  	s21 =	sadd.s32 s5, s0  }
0x195: {  	[tilespmem:s2], [sflag:$0x7] =	stream.linear.gather [hbm4b:s21+s2], $0x80, $0x38;
	[tilespmem:$0x1B680] =	vst v63  }
0x196: {  	s0 =	sadd.s32 s6, s0  }
0x197: {  	[tilespmem:s23], [sflag:$0x7] =	stream.linear.gather [hbm4b:s0+s2], $0x80, $0x38;
	[tilespmem:$0x1B680] =	vst v63  }
0x198: {  	_ =	swait.ge [sflag:s12], $0x2800  }
0x199: {  	[sflag:s12] =	ssyncset.done $0x0  }
0x19a: {  	s21 =	simm.s32 $0x380;
	[sflag:s12] =	ssyncadd.s32 $0xFFFFD800  }
0x19b: {  	[spmem:s1] =	stream.indirect.scatter.add.f32 [tilespmem:s11], [sflag:$0x4], $0x80, s21, s15, $0xb8;
	[tilespmem:$0x1B680] =	vst v63  }
0x19c: {  	_ =	swait.ge [sflag:s22], $0x2800  }
0x19d: {  	[sflag:s22] =	ssyncset.done $0x0  }
0x19e: {  	[sflag:s22] =	ssyncadd.s32 $0xFFFFD800  }
0x19f: {  	_ =	swait.ge [sflag:s13], $0x80  }
0x1a0: {  	s0 =	sadd.s32 $0xFFFFFF80, s14;
	[sflag:s13] =	ssyncset.done $0x0  }
0x1a1: {  	s20 =	sand.u32 $0xFC00, s0;
	[sflag:s13] =	ssyncadd.s32 $0xFFFFFF80  }
0x1a2: {  	s0 =	sand.u32 $0x380, s0;
	s3 =	sadd.s32 s7, s20;
	_ =	swait.ge [sflag:s13], $0x80  }
0x1a3: {  	s0 =	sor.u32 s0, s3;
	[sflag:s13] =	ssyncset.done $0x0  }
0x1a4: {  	s0 =	sshrl.u32 s0, $0x3;
	[sflag:s13] =	ssyncadd.s32 $0xFFFFFF80  }
0x1a5: {  	[tilespmem:s11], [sflag:$0x1] =	stream.indirect.gather [hbm4b:s4+s15], $0x80, s2, s15, $0xb8;
	[tilespmem:$0x1B680] =	vst v63  }
0x1a6: {  	s20 =	simm.s32 $0x100;
	s3 =	sadd.s32 s5, s0  }
0x1a7: {  	[tilespmem:s20], [sflag:$0x8] =	stream.linear.gather [hbm4b:s3+s2], $0x80, $0x38;
	[tilespmem:$0x1B680] =	vst v63  }
0x1a8: {  	s0 =	sadd.s32 s6, s0;
	s3 =	simm.s32 $0x400  }
0x1a9: {  	[tilespmem:s3], [sflag:$0x8] =	stream.linear.gather [hbm4b:s0+s2], $0x80, $0x38;
	[tilespmem:$0x1B680] =	vst v63  }
0x1aa: {  	_ =	swait.ge [sflag:s25], $0x2800  }
0x1ab: {  	[sflag:s25] =	ssyncset.done $0x0  }
0x1ac: {  	[sflag:s25] =	ssyncadd.s32 $0xFFFFD800  }
0x1ad: {  	[spmem:s1] =	stream.indirect.scatter.add.f32 [tilespmem:s17], [sflag:$0x5], $0x80, s24, s15, $0xb8;
	[tilespmem:$0x1B680] =	vst v63  }
0x1ae: {  	_ =	swait.ge [sflag:s26], $0x2800  }
0x1af: {  	[sflag:s26] =	ssyncset.done $0x0  }
0x1b0: {  	[sflag:s26] =	ssyncadd.s32 $0xFFFFD800  }
0x1b1: {  	_ =	swait.ge [sflag:s16], $0x80  }
0x1b2: {  	[sflag:s16] =	ssyncset.done $0x0  }
0x1b3: {  	s0 =	sadd.s32 $0xFFFFFC00, s14;
	s14 =	sand.u32 $0xFC00, s14;
	[sflag:s16] =	ssyncadd.s32 $0xFFFFFF80  }
0x1b4: {  	s3 =	sadd.s32 s7, s14;
	s0 =	sand.u32 $0x300, s0;
	_ =	swait.ge [sflag:s16], $0x80  }
0x1b5: {  	s0 =	sor.u32 s0, s3;
	[sflag:s16] =	ssyncset.done $0x0  }
0x1b6: {  	s0 =	sshrl.u32 s0, $0x3;
	[sflag:s16] =	ssyncadd.s32 $0xFFFFFF80  }
0x1b7: {  	[tilespmem:s17], [sflag:$0x2] =	stream.indirect.gather [hbm4b:s4+s15], $0x80, s20, s15, $0xb8;
	[tilespmem:$0x1B680] =	vst v63  }
0x1b8: {  	s20 =	sadd.s32 s5, s0  }
0x1b9: {  	[tilespmem:s10], [sflag:$0x9] =	stream.linear.gather [hbm4b:s20+s2], $0x80, $0x38;
	[tilespmem:$0x1B680] =	vst v63  }
0x1ba: {  	s0 =	sadd.s32 s6, s0  }
0x1bb: {  	[tilespmem:s28], [sflag:$0x9] =	stream.linear.gather [hbm4b:s0+s2], $0x80, $0x38;
	[tilespmem:$0x1B680] =	vst v63  }
0x1bc: {  	_ =	swait.ge [sflag:s30], $0x2800  }
0x1bd: {  	[sflag:s30] =	ssyncset.done $0x0  }
0x1be: {  	[sflag:s30] =	ssyncadd.s32 $0xFFFFD800  }
0x1bf: {  	[spmem:s1] =	stream.indirect.scatter.add.f32 [tilespmem:s19], [sflag:$0x6], $0x80, s9, s15, $0xb8;
	[tilespmem:$0x1B680] =	vst v63  }
0x1c0: {  	_ =	swait.ge [sflag:s31], $0x2800  }
0x1c1: {  	[sflag:s31] =	ssyncset.done $0x0  }
0x1c2: {  	[sflag:s31] =	ssyncadd.s32 $0xFFFFD800  }
0x1c3: {  	_ =	swait.ge [sflag:s18], $0x80  }
0x1c4: {  	[sflag:s18] =	ssyncset.done $0x0  }
0x1c5: {  	[sflag:s18] =	ssyncadd.s32 $0xFFFFFF80  }
0x1c6: {  	_ =	swait.ge [sflag:s18], $0x80  }
0x1c7: {  	[sflag:s18] =	ssyncset.done $0x0  }
0x1c8: {  	[sflag:s18] =	ssyncadd.s32 $0xFFFFFF80  }
0x1c9: {  	[tilespmem:s19], [sflag:$0x3] =	stream.indirect.gather [hbm4b:s4+s15], $0x80, s10, s15, $0xb8;
	[tilespmem:$0x1B680] =	vst v63  }
0x1ca: {  	s14 =	rddreg [dreg:$0xb]  }
0x1cb: {  	[tilespmem:s8], [sflag:$0x7] =	stream.linear.gather [hbm4b:s14+s2], $0x80, $0x38;
	[tilespmem:$0x1B680] =	vst v63  }
0x1cc: {  	s20 =	rddreg [dreg:$0xc]  }
0x1cd: {  	[tilespmem:s21], [sflag:$0x7] =	stream.linear.gather [hbm4b:s20+s2], $0x80, $0x38;
	[tilespmem:$0x1B680] =	vst v63  }
0x1ce: {  	_ =	swait.ge [sflag:s12], $0x2800  }
0x1cf: {  	[sflag:s12] =	ssyncset.done $0x0  }
0x1d0: {  	[sflag:s12] =	ssyncadd.s32 $0xFFFFD800  }
0x1d1: {  	[spmem:s1] =	stream.indirect.scatter.add.f32 [tilespmem:s11], [sflag:$0x4], $0x80, s23, s15, $0xb8;
	[tilespmem:$0x1B680] =	vst v63  }
0x1d2: {  	_ =	swait.ge [sflag:s22], $0x2800  }
0x1d3: {  	[sflag:s22] =	ssyncset.done $0x0  }
0x1d4: {  	[sflag:s22] =	ssyncadd.s32 $0xFFFFD800  }
0x1d5: {  	_ =	swait.ge [sflag:s13], $0x80  }
0x1d6: {  	[sflag:s13] =	ssyncset.done $0x0  }
0x1d7: {  	[sflag:s13] =	ssyncadd.s32 $0xFFFFFF80  }
0x1d8: {  	_ =	swait.ge [sflag:s13], $0x80  }
0x1d9: {  	[sflag:s13] =	ssyncset.done $0x0  }
0x1da: {  	[sflag:s13] =	ssyncadd.s32 $0xFFFFFF80  }
0x1db: {  	[tilespmem:s11], [sflag:$0x1] =	stream.indirect.gather [hbm4b:s4+s15], $0x80, s8, s15, $0xb8;
	[tilespmem:$0x1B680] =	vst v63  }
0x1dc: {  	s8 =	rddreg [dreg:$0xd]  }
0x1dd: {  	[tilespmem:s29], [sflag:$0x8] =	stream.linear.gather [hbm4b:s8+s2], $0x80, $0x38;
	[tilespmem:$0x1B680] =	vst v63  }
0x1de: {  	s9 =	rddreg [dreg:$0xe]  }
0x1df: {  	[tilespmem:s24], [sflag:$0x8] =	stream.linear.gather [hbm4b:s9+s2], $0x80, $0x38;
	[tilespmem:$0x1B680] =	vst v63  }
0x1e0: {  	_ =	swait.ge [sflag:s25], $0x2800  }
0x1e1: {  	[sflag:s25] =	ssyncset.done $0x0  }
0x1e2: {  	s10 =	simm.s32 $0x400;
	[sflag:s25] =	ssyncadd.s32 $0xFFFFD800  }
0x1e3: {  	[spmem:s1] =	stream.indirect.scatter.add.f32 [tilespmem:s17], [sflag:$0x5], $0x80, s10, s15, $0xb8;
	[tilespmem:$0x1B680] =	vst v63  }
0x1e4: {  	_ =	swait.ge [sflag:s26], $0x2800  }
0x1e5: {  	[sflag:s26] =	ssyncset.done $0x0  }
0x1e6: {  	[sflag:s26] =	ssyncadd.s32 $0xFFFFD800  }
0x1e7: {  	_ =	swait.ge [sflag:s16], $0x80  }
0x1e8: {  	[sflag:s16] =	ssyncset.done $0x0  }
0x1e9: {  	[sflag:s16] =	ssyncadd.s32 $0xFFFFFF80  }
0x1ea: {  	_ =	swait.ge [sflag:s16], $0x80  }
0x1eb: {  	[sflag:s16] =	ssyncset.done $0x0  }
0x1ec: {  	[sflag:s16] =	ssyncadd.s32 $0xFFFFFF80  }
0x1ed: {  	[tilespmem:s17], [sflag:$0x2] =	stream.indirect.gather [hbm4b:s4+s15], $0x80, s29, s15, $0xb8;
	[tilespmem:$0x1B680] =	vst v63  }
0x1ee: {  	_ =	swait.ge [sflag:s30], $0x2800  }
0x1ef: {  	[sflag:s30] =	ssyncset.done $0x0  }
0x1f0: {  	[sflag:s30] =	ssyncadd.s32 $0xFFFFD800  }
0x1f1: {  	[spmem:s1] =	stream.indirect.scatter.add.f32 [tilespmem:s19], [sflag:$0x6], $0x80, s28, s15, $0xb8;
	[tilespmem:$0x1B680] =	vst v63  }
0x1f2: {  	_ =	swait.ge [sflag:s31], $0x2800  }
0x1f3: {  	[sflag:s31] =	ssyncset.done $0x0  }
0x1f4: {  	[sflag:s31] =	ssyncadd.s32 $0xFFFFD800  }
0x1f5: {  	_ =	swait.ge [sflag:s12], $0x2800  }
0x1f6: {  	[sflag:s12] =	ssyncset.done $0x0  }
0x1f7: {  	s21 =	simm.s32 $0x380;
	[sflag:s12] =	ssyncadd.s32 $0xFFFFD800  }
0x1f8: {  	[spmem:s1] =	stream.indirect.scatter.add.f32 [tilespmem:s11], [sflag:$0x4], $0x80, s21, s15, $0xb8;
	[tilespmem:$0x1B680] =	vst v63  }
0x1f9: {  	_ =	swait.ge [sflag:s22], $0x2800  }
0x1fa: {  	[sflag:s22] =	ssyncset.done $0x0  }
0x1fb: {  	[sflag:s22] =	ssyncadd.s32 $0xFFFFD800  }
0x1fc: {  	_ =	swait.ge [sflag:s25], $0x2800  }
0x1fd: {  	[sflag:s25] =	ssyncset.done $0x0  }
0x1fe: {  	[sflag:s25] =	ssyncadd.s32 $0xFFFFD800  }
0x1ff: {  	[spmem:s1] =	stream.indirect.scatter.add.f32 [tilespmem:s17], [sflag:$0x5], $0x80, s24, s15, $0xb8;
	[tilespmem:$0x1B680] =	vst v63  }
0x200: {  	_ =	swait.ge [sflag:s26], $0x2800  }
0x201: {  	[sflag:s26] =	ssyncset.done $0x0  }
0x202: {  	s14 =	stileid.u32;
	[sflag:s26] =	ssyncadd.s32 $0xFFFFD800  }
0x203: {  	s0 =	sshll.u32 s14, $0x6;
	[bflag:$0x0] =	sbarrier.arrive $0xFFFF  }
0x204: {  	s0 =	sor.u32 $0x1C0A, s0;
	s20 =	rddreg [dreg:$0x9]  }
0x205: {  	s23 =	simm.s32 $0xA;
	s21 =	rddreg [dreg:$0xf];
	s3 =	sshrl.u32 s20, $0x3  }
0x206: {  	[hbm:s21], [sflag:s0] =	dma.local [spmem:s3], $0x2700  }
0x207: {  	_ =	swait.ge [sflag:s23], $0x2700  }
0x208: {  	[sflag:s23] =	ssyncset.done $0x0;
	s3 =	rddreg [dreg:$0x10]  }
0x209: {  	s8 =	rddreg [dreg:$0x14];
	[sflag:s23] =	ssyncadd.s32 $0xFFFFD900  }
0x20a: {  	[hbm:s3], [sflag:s0] =	dma.local @!p0 [spmem:s8], $0x80  }
0x20b: {  	s0 =	simm.s32 @!p0 $0xA  }
0x20c: {  	_ =	swait.ge @!p0 [sflag:s0], $0x80  }
0x20d: {  	s29 =	rddreg [dreg:$0x1a]  }
0x20e: {  	s24 =	rddreg [dreg:$0x11];
	s29 =	sadd.s32 $0x1, s29  }
0x20f: {  	p1 =	sne.s32 s29, s24  }
.Ltmp2:
0x210: {  	_ = 	snop;
	(pc) =	sbr.rel @p1 .LBB2_1-.Ltmp2, $4  }
0x211: {  	s14 =	simm.s32 $0x200;
	s9 =	simm.s32 $0x100  }
0x212: {  	s10 =	simm.s32 $0x400;
	s28 =	simm.s32 $0x480;
	s20 =	simm.s32 $0x500  }
0x213: {  	s21 =	simm.s32 $0x80;
	s23 =	simm.s32 $0x380;
	[sflag:s0] =	ssyncset.done @!p0 $0x0  }
0x214: {  	s8 =	simm.s32 $0x300;
	[sflag:s0] =	ssyncadd.s32 @!p0 $0xFFFFFF80;
	s24 =	simm.s32 $0x180  }
0x215: {  	_ =	sfence.sel $0x180000  }
0x216: {  	[bflag:$0x0] =	sbarrier.arrive $0xFFFF  }
0x217: {  	_ =	strace $0x9000004A  }
0x218: {  	s0 =	stileid.u32;
	[bflag:$0x2] =	sbarrier.arrive $0xFFFF  }
0x219: {  	p0 =	sne.s32 s0, $0x0;
	s0 =	rddreg [dreg:$0x2]  }
0x21a: {  	s0 =	sadd.s32 @!p0 $0x100000, s0  }
0x21b: {  	[sflag:s0] =	ssyncadd.tile.s32 @!p0 $0x1;
	_ =	shalt  }
.Lfunc_end2:
_tile_overlayer_lowered:
.L_overlay_start_2:
0x21c: {  	(tag) =	ssettag $0x2  }
0x21d: {  	s0 =	rddreg [dreg:$0x0];
	s2 =	stileid.u32  }
0x21e: {  	s1 =	rddreg [dreg:$0x1];
	p0 =	sne.s32 s2, $0x0  }
0x21f: {  	s3 =	rddreg [dreg:$0x2];
	[bflag:$0x3] =	sbarrier.arrive $0xFFFF;
	s2 =	simm.s32 @!p0 $0x1C0A  }
0x220: {  	[timem:s3], [sflag:s2] =	dma.local @!p0 [hbm:s0], s1  }
0x221: {  	s0 =	simm.s32 @!p0 $0xA  }
0x222: {  	_ =	swait.ge @!p0 [sflag:s0], s1  }
0x223: {  	s1 =	ssub.s32 @!p0 $0x0, s1;
	[sflag:s0] =	ssyncset.done @!p0 $0x0  }
0x224: {  	[sflag:s0] =	ssyncadd.s32 @!p0 s1  }
0x225: {  	[bflag:$0x3] =	sbarrier.arrive $0xFFFF  }
0x226: {  	_ =	shalt  }

// kernel: kernel.15.cloned.1.call-start
scs
__scs_entry_jumppad:
0x0: {  	(pc) =	sbr.rel $0x88, $3  }
0x1: {  	(tag) =	ssettag $0x0;
	lr =	simm.s32 $0x1  }
0x2: {  	[smem:$0x3F95] =	sst lr;
	_ =	strace $0xD0000000  }
0x3: {  	_ = 	snop  }
0x4: {  	_ = 	snop  }
0x5: {  	_ = 	snop  }
0x6: {  	_ = 	snop  }
0x7: {  	_ = 	snop  }
__scs_overlays_trampoline_lowered:
0x8: {  	[smem:$0x3FA4] =	sst s0  }
0x9: {  	[smem:$0x3FA5] =	sst s1  }
0xa: {  	[smem:$0x3FA6] =	sst s2  }
0xb: {  	[smem:$0x3FA7] =	sst s3  }
0xc: {  	[smem:$0x3FA8] =	sst s4  }
0xd: {  	[smem:$0x3FA9] =	sst s5  }
0xe: {  	[smem:$0x3FAA] =	sst s6  }
0xf: {  	[smem:$0x3FAB] =	sst s7  }
0x10: {  	[smem:$0x3FAC] =	sst s8  }
0x11: {  	[smem:$0x3FAD] =	sst s9;
	s0 =	simm.s32 @!p0 $0x0  }
0x12: {  	s1 =	sld [smem:$0x3F93];
	s0 =	simm.s32 @p0 $0x1  }
0x13: {  	[smem:$0x3FAE] =	sst s0;
	s0 =	simm.s32 @!p1 $0x0  }
0x14: {  	s2 =	sld [smem:$0x3F92];
	s0 =	simm.s32 @p1 $0x1  }
0x15: {  	[smem:$0x3FAF] =	sst s0;
	s0 =	simm.s32 @!p2 $0x0  }
0x16: {  	s3 =	sld [smem:$0x3FDB];
	s0 =	simm.s32 @p2 $0x1  }
0x17: {  	s4 =	simm.s32 $0x1BF5;
	[smem:$0x3FB1] =	sst s0  }
0x18: {  	s0 =	sld [smem:$0x3F94];
	_ =	swait.ge [sflag:s4], $0x0  }
0x19: {  	s7 =	sld [smem:$0x3F95]  }
0x1a: {  	s8 =	sadd.s32 $0xFFFFE003, lr  }
0x1b: {  	s9 =	sadd.s32 $0xFFFFFEF7, lr;
	s5 =	simm.s32 $0xFFFFFFFF;
	p2 =	slt.u32 s8, $0xFFFFF086  }
0x1c: {  	p1 =	slt.u32 s9, $0xF7A;
	s5 =	simm.s32 @!p2 $0x0  }
0x1d: {  	s5 =	simm.s32 @p1 $0x1;
	p0 =	seq.s32 s7, s2  }
0x1e: {  	s7 =	smul.u32 @!p0 $0xF7A, s2;
	p2 =	seq.s32 @!p0 s5, $0x0  }
0x1f: {  	s9 =	smul.u32 $0xF7A, s1;
	s8 =	simm.s32 @!p0 $0x1BF5;
	p2 =	por !p2, p0  }
0x20: {  	[sflag:s8] =	ssyncset.s32 @!p0 $0xFFFFF086;
	s6 =	sadd.s32 @!p0 s3, s7;
	s7 =	simm.s32 @!p0 $0x108  }
0x21: {  	s3 =	sadd.s32 s3, s9;
	s6 =	sadd.s32 @!p0 $0x88, s6;
	s7 =	simm.s32 @p2 $0x1082  }
0x22: {  	[simem:s7], [sflag:s8] =	dma.local @!p0 [hbm:s6], $0xF7A  }
0x23: {  	s9 =	sor.u32 $0xD0000000, s2;
	s6 =	simm.s32 $0x108;
	_ =	swait.ge @!p0 [sflag:s8], $0x0  }
0x24: {  	s3 =	sadd.s32 $0x88, s3;
	s6 =	simm.s32 @!p1 $0x1082;
	[sflag:s4] =	ssyncset.s32 $0xFFFFF086  }
0x25: {  	[simem:s6], [sflag:s4] =	dma.local [hbm:s3], $0xF7A  }
0x26: {  	[smem:$0x3F95] =	sst s1;
	(tag) =	ssettag s2;
	_ =	strace s9  }
0x27: {  	s1 =	sld [smem:$0x3FA5]  }
0x28: {  	s2 =	sld [smem:$0x3FA6]  }
0x29: {  	s4 =	sld [smem:$0x3FA8]  }
0x2a: {  	p0 =	seq.s32 s5, $0x0;
	s5 =	sld [smem:$0x3FA9]  }
0x2b: {  	s6 =	sld [smem:$0x3FAA]  }
0x2c: {  	s7 =	sld [smem:$0x3FAB]  }
0x2d: {  	s3 =	simm.s32 $0x108;
	s8 =	sld [smem:$0x3FAC]  }
0x2e: {  	s3 =	simm.s32 @!p0 $0x1082;
	s9 =	sld [smem:$0x3FAD]  }
0x2f: {  	lr =	sadd.s32 s0, s3;
	s0 =	sld [smem:$0x3FA4]  }
0x30: {  	s3 =	sld [smem:$0x3FA7]  }
0x31: {  	[smem:$0x3FB0] =	sst s10  }
0x32: {  	s10 =	sld [smem:$0x3FAE];
	_ =	sdelay $0x3  }
0x33: {  	p0 =	seq.s32 s10, $0x1;
	s10 =	sld [smem:$0x3FB0];
	_ =	sdelay $0x3  }
0x34: {  	[smem:$0x3FB0] =	sst s10  }
0x35: {  	s10 =	sld [smem:$0x3FAF];
	_ =	sdelay $0x3  }
0x36: {  	p1 =	seq.s32 s10, $0x1;
	s10 =	sld [smem:$0x3FB0];
	_ =	sdelay $0x3  }
0x37: {  	[smem:$0x3FB0] =	sst s10  }
0x38: {  	s10 =	sld [smem:$0x3FB1]  }
0x39: {  	_ = 	snop;
	(pc) =	sbr.ind lr, $3  }
0x3a: {  	_ = 	snop  }
0x3b: {  	_ = 	snop  }
0x3c: {  	p2 =	seq.s32 s10, $0x1;
	s10 =	sld [smem:$0x3FB0]  }
0x3d: {  	_ =	shalt  }
0x3e: {  	_ =	shalt  }
0x3f: {  	_ =	shalt  }
0x40: {  	_ =	shalt  }
0x41: {  	_ =	shalt  }
0x42: {  	_ =	shalt  }
0x43: {  	_ =	shalt  }
0x44: {  	_ =	shalt  }
0x45: {  	_ =	shalt  }
0x46: {  	_ =	shalt  }
0x47: {  	_ =	shalt  }
0x48: {  	_ =	shalt  }
0x49: {  	_ =	shalt  }
0x4a: {  	_ =	shalt  }
0x4b: {  	_ =	shalt  }
0x4c: {  	_ =	shalt  }
0x4d: {  	_ =	shalt  }
0x4e: {  	_ =	shalt  }
0x4f: {  	_ =	shalt  }
0x50: {  	_ =	shalt  }
0x51: {  	_ =	shalt  }
0x52: {  	_ =	shalt  }
0x53: {  	_ =	shalt  }
0x54: {  	_ =	shalt  }
0x55: {  	_ =	shalt  }
0x56: {  	_ =	shalt  }
0x57: {  	_ =	shalt  }
0x58: {  	_ =	shalt  }
0x59: {  	_ =	shalt  }
0x5a: {  	_ =	shalt  }
0x5b: {  	_ =	shalt  }
0x5c: {  	_ =	shalt  }
0x5d: {  	_ =	shalt  }
0x5e: {  	_ =	shalt  }
0x5f: {  	_ =	shalt  }
0x60: {  	_ =	shalt  }
0x61: {  	_ =	shalt  }
0x62: {  	_ =	shalt  }
0x63: {  	_ =	shalt  }
0x64: {  	_ =	shalt  }
0x65: {  	_ =	shalt  }
0x66: {  	_ =	shalt  }
0x67: {  	_ =	shalt  }
0x68: {  	_ =	shalt  }
0x69: {  	_ =	shalt  }
0x6a: {  	_ =	shalt  }
0x6b: {  	_ =	shalt  }
0x6c: {  	_ =	shalt  }
0x6d: {  	_ =	shalt  }
0x6e: {  	_ =	shalt  }
0x6f: {  	_ =	shalt  }
0x70: {  	_ =	shalt  }
0x71: {  	_ =	shalt  }
0x72: {  	_ =	shalt  }
0x73: {  	_ =	shalt  }
0x74: {  	_ =	shalt  }
0x75: {  	_ =	shalt  }
0x76: {  	_ =	shalt  }
0x77: {  	_ =	shalt  }
0x78: {  	_ =	shalt  }
0x79: {  	_ =	shalt  }
0x7a: {  	_ =	shalt  }
0x7b: {  	_ =	shalt  }
0x7c: {  	_ =	shalt  }
0x7d: {  	_ =	shalt  }
0x7e: {  	_ =	shalt  }
0x7f: {  	_ =	shalt  }
0x80: {  	_ =	shalt  }
0x81: {  	_ =	shalt  }
0x82: {  	_ =	shalt  }
0x83: {  	_ =	shalt  }
0x84: {  	_ =	shalt  }
0x85: {  	_ =	shalt  }
0x86: {  	_ =	shalt  }
0x87: {  	_ =	shalt  }
.Lfunc_end0:
.L_simem_size_0:
called_computation.2_lowered:
.L_overlay_start_0:
0x88: {  	s2 =	sld [smem:$0x3FD9]  }
0x89: {  	s3 =	sld [smem:$0x3FFE];
	_ =	sdelay $0x1  }
0x8a: {  	s1 =	srdreg.scid  }
0x8b: {  	s0 =	sand.u32 $0x1, s1  }
0x8c: {  	s16 =	sshll.u32 s0, $0xA;
	s2 =	sadd.s32 s3, s2  }
0x8d: {  	s2 =	sadd.s32 s2, s16  }
0x8e: {  	[smem:$0x3FBC] =	sst s2  }
0x8f: {  	_ = 	snop  }
0x90: {  	(tm) =	ssettm $0x1  }
0x91: {  	s17 =	sld [smem:$0x3FFB];
	_ =	sdelay $0x3  }
0x92: {  	_ =	strace s17  }
0x93: {  	s2 =	sld [smem:$0x3FFC];
	_ =	sdelay $0x3  }
0x94: {  	_ =	strace s2  }
0x95: {  	s2 =	sld [smem:$0x3FFD];
	_ =	sdelay $0x3  }
0x96: {  	_ =	strace s2  }
0x97: {  	_ =	strace $0x8FFFFFFF  }
0x98: {  	s18 =	sld [smem:$0x3FDB];
	_ =	sdelay $0x1  }
0x99: {  	s19 =	simm.s32 $_scs_section_size  }
0x9a: {  	s4 =	simm.s32 $_size__tile_overlayer_lowered;
	s5 =	simm.s32 $_tile_overlayer_lowered  }
0x9b: {  	s22 =	simm.s32 $0x1BFF;
	s21 =	sshll.u32 s5, $0x1;
	s2 =	sadd.s32 s19, s18  }
0x9c: {  	s6 =	simm.s32 $0x0;
	s20 =	sshll.u32 s4, $0x1;
	s4 =	sadd.s32 s21, s2  }
0x9d: {  	[timem:s6], [sflag:s22] =	dma.local [hbm:s4], s20  }
0x9e: {  	_ =	swait.ge [sflag:s22], s20  }
0x9f: {  	s3 =	ssub.s32 $0x0, s20;
	[sflag:s22] =	ssyncset.done $0x0  }
0xa0: {  	[sflag:s22] =	ssyncadd.s32 s3;
	_ =	sdelay $0x1  }
0xa1: {  	s23 =	simm.s32 $0x1B8B  }
0xa2: {  	_ =	swait.ge [sflag:s23], $0x1  }
0xa3: {  	[sflag:s23] =	ssyncset.done $0x0  }
0xa4: {  	s25 =	simm.s32 $0x1B8E;
	s24 =	sld [smem:$0x3FFE];
	[sflag:s23] =	ssyncadd.s32 $0xFFFFFFFF  }
0xa5: {  	s26 =	simm.s32 $execute0_lowered;
	[smem:$0x3FD2] =	sst s25  }
0xa6: {  	s4 =	sshll.u32 s26, $0x1;
	_ =	strace $0x8000004C;
	[dreg:$0x1] =	wrdreg $0xFFFFFFFF  }
0xa7: {  	s28 =	simm.s32 $_size_execute0_lowered;
	s2 =	sadd.s32 s2, s4;
	[dreg:$0x0] =	wrdreg $0x0  }
0xa8: {  	s4 =	sshll.u32 s28, $0x1;
	[dreg:$0x2] =	wrdreg s2  }
0xa9: {  	[dreg:$0x3] =	wrdreg s4  }
0xaa: {  	[dreg:$0x4] =	wrdreg $0xC0  }
0xab: {  	_ =	task [dreg:s6], $0x5FFFF  }
0xac: {  	[dreg:$0x1] =	wrdreg $0xFFFFFFFF  }
0xad: {  	[dreg:$0x0] =	wrdreg $0x60  }
0xae: {  	[dreg:$0x2] =	wrdreg s24  }
0xaf: {  	[dreg:$0x3] =	wrdreg $0x7E000  }
0xb0: {  	[dreg:$0x4] =	wrdreg $0x9  }
0xb1: {  	_ =	task.clear_ibuf [dreg:s6], $0x5FFFF;
	_ =	strace $0x9000004C  }
0xb2: {  	s29 =	simm.s32 $0x9;
	_ =	strace $0x8000004E  }
0xb3: {  	_ =	swait.ge [sflag:s29], $0x1  }
0xb4: {  	[sflag:s29] =	ssyncadd.s32 $0xFFFFFFFF  }
0xb5: {  	_ =	strace $0x9000004E  }
0xb6: {  	_ =	sfence  }
0xb7: {  	s30 =	sld [smem:$0x0];
	_ =	sdelay $0x2  }
0xb8: {  	s31 =	sshll.u32 s1, $0xD;
	s1 =	sshrl.u32 s1, $0x2  }
0xb9: {  	s3 =	sand.u32 $0x4000, s31;
	s1 =	sadd.s32 s1, s30  }
0xba: {  	s0 =	sor.u32 s3, s0;
	s1 =	sshll.u32 s1, $0x11  }
0xbb: {  	s0 =	sor.u32 s1, s0  }
0xbc: {  	s0 =	sadd.s32 $0x8F2B, s0  }
0xbd: {  	[sflag:s0] =	ssyncadd.remote.s32 $0x1  }
0xbe: {  	_ =	sfence.sel $0xFFFF  }
0xbf: {  	[dreg:$0x0] =	wrdreg $0xFFFFFFFF;
	(pc) =	sbr.abs _section_cstart, $3  }
0xc0: {  	[dreg:$0x1] =	wrdreg $0xFFFFFFFF  }
0xc1: {  	_ =	task.clear_ibuf [dreg:s6], $0x2FFFF;
	_ =	strace $0x9FFFFFFF  }
0xc2: {  	(tm) =	ssettm $0x7FFFFFFF  }
0xc3: {  	_ =	shalt  }
tec
execute0_lowered:
.L_overlay_start_1:
0x0: {  	(tag) =	ssettag $0x1  }
0x1: {  	s0 =	rddreg [dreg:$0x0]  }
0x2: {  	s1 =	rddreg [dreg:$0x1];
	s2 =	simm.s32 $0x0  }
0x3: {  	s3 =	srdreg.scid;
	s14 =	stileid.u32;
	s28 =	simm.s32 $0x480  }
0x4: {  	s30 =	simm.s32 $0x3;
	s31 =	simm.s32 $0x6;
	s29 =	simm.s32 $0x0  }
0x5: {  	[smem:$0x7FF] =	sst s2;
	s4 =	sadd.s32 $0xC0400, s0;
	s5 =	sadd.s32 $0x62000, s0  }
0x6: {  	s3 =	sand.u32 $0x1, s3;
	s9 =	sshll.u32 s14, $0xE;
	s6 =	sadd.s32 $0x3E00, s0  }
0x7: {  	s0 =	sadd.s32 $0xE7600, s0;
	s19 =	smul.u32 $0x270, s14;
	s11 =	smin.u32 s14, $0x2  }
0x8: {  	p0 =	sgt.u32 s14, $0x1;
	s14 =	simm.s32 $0x200;
	s7 =	sshll.u32 s3, $0x12  }
0x9: {  	_ =	strace $0x8000004D;
	s8 =	ssub.s32 $0x2, s3;
	s7 =	sor.u32 s9, s7  }
0xa: {  	s11 =	sshll.u32 s11, $0x3;
	s10 =	sshrl.u32 s8, $0x1;
	s9 =	sshrl.u32 s7, $0x3  }
0xb: {  	s3 =	smul.u32 $0x138800, s3;
	s8 =	ssub.s32 s8, s10;
	s18 =	sadd.s32 s5, s9  }
0xc: {  	s10 =	sadd.s32 s19, s11;
	s12 =	sadd.s32 s6, s9;
	[dreg:$0x3] =	wrdreg s18  }
0xd: {  	s20 =	sor.u32 $0x10, s9;
	s19 =	smax.u32 s8, $0x1;
	[dreg:$0x4] =	wrdreg s12  }
0xe: {  	s21 =	sor.u32 $0x20, s9;
	s13 =	sadd.s32 s5, s20;
	[dreg:$0x11] =	wrdreg s19  }
0xf: {  	s10 =	sshll.u32 s10, $0x7;
	s22 =	sadd.s32 s6, s20;
	[dreg:$0x5] =	wrdreg s13  }
0x10: {  	s25 =	sor.u32 $0x7B0, s9;
	s23 =	sadd.s32 s5, s21;
	[dreg:$0x6] =	wrdreg s22  }
0x11: {  	s9 =	sor.u32 $0x7C0, s9;
	s24 =	sadd.s32 s6, s21;
	[dreg:$0x7] =	wrdreg s23  }
0x12: {  	s8 =	simm.s32 $0x300;
	s15 =	sadd.s32 s5, s25;
	[dreg:$0x8] =	wrdreg s24  }
0x13: {  	s12 =	sadd.s32 s10, s1;
	s11 =	sadd.s32 s6, s25;
	[dreg:$0xb] =	wrdreg s15  }
0x14: {  	s16 =	sadd.s32 $0x13800, s10;
	s17 =	sadd.s32 s5, s9;
	[dreg:$0xc] =	wrdreg s11  }
0x15: {  	s10 =	sadd.s32 s3, s10;
	s9 =	sadd.s32 s6, s9;
	[dreg:$0xd] =	wrdreg s17  }
0x16: {  	s19 =	simm.s32 $0x5600;
	s26 =	sadd.s32 $0x13800, s12;
	[dreg:$0xe] =	wrdreg s9  }
0x17: {  	s3 =	sadd.s32 s3, s16;
	s18 =	sshrl.u32 s10, $0x3;
	[dreg:$0x9] =	wrdreg s12  }
0x18: {  	s20 =	sadd.s32 $0x2700, s12;
	s21 =	sadd.s32 $0x4E00, s12;
	[dreg:$0xa] =	wrdreg s26  }
0x19: {  	s22 =	sadd.s32 $0x7500, s12;
	s23 =	sadd.s32 $0x9C00, s12;
	[dreg:$0x12] =	wrdreg s20  }
0x1a: {  	s24 =	sadd.s32 $0xC300, s12;
	s25 =	sadd.s32 $0xEA00, s12;
	[dreg:$0x13] =	wrdreg s21  }
0x1b: {  	s10 =	simm.s32 $0x400;
	s11 =	simm.s32 $0x600;
	[dreg:$0x15] =	wrdreg s22  }
0x1c: {  	s13 =	simm.s32 $0x7;
	s15 =	simm.s32 $0x50;
	[dreg:$0x16] =	wrdreg s23  }
0x1d: {  	s17 =	simm.s32 $0x2E00;
	s3 =	sshrl.u32 s3, $0x3;
	[dreg:$0x17] =	wrdreg s24  }
0x1e: {  	s9 =	sadd.s32 s0, s18;
	[dreg:$0x18] =	wrdreg s25;
	s26 =	sadd.s32 $0x11100, s12  }
0x1f: {  	s20 =	simm.s32 $0x500;
	s12 =	simm.s32 $0x1;
	s18 =	simm.s32 $0x9  }
0x20: {  	s21 =	simm.s32 $0x80;
	s23 =	simm.s32 $0x380;
	s22 =	simm.s32 $0x4  }
0x21: {  	s24 =	simm.s32 $0x180;
	[dreg:$0xf] =	wrdreg s9;
	s0 =	sadd.s32 s0, s3  }
0x22: {  	s25 =	simm.s32 $0x2;
	[dreg:$0x10] =	wrdreg s0;
	s0 =	sadd.s32 s16, s1  }
0x23: {  	[dreg:$0x19] =	wrdreg s26;
	s9 =	simm.s32 $0x100;
	s0 =	sshrl.u32 @!p0 s0, $0x3  }
0x24: {  	v0 =	vimm.f32 $0.0e+00;
	s26 =	simm.s32 $0x5;
	s16 =	simm.s32 $0x8;
	[dreg:$0x14] =	wrdreg s0  }
.LBB2_1:
0x25: {  	[dreg:$0x1a] =	wrdreg s29  }
0x26: {  	s0 =	rddreg [dreg:$0x3]  }
0x27: {  	[tilespmem:s2], [sflag:$0x7] =	stream.linear.gather [hbm4b:s0+s2], $0x80, $0x38;
	[tilespmem:$0x1B680] =	vst v63  }
0x28: {  	s29 =	rddreg [dreg:$0x4]  }
0x29: {  	[tilespmem:s8], [sflag:$0x7] =	stream.linear.gather [hbm4b:s29+s2], $0x80, $0x38;
	[tilespmem:$0x1B680] =	vst v63  }
0x2a: {  	s3 =	rddreg [dreg:$0x5]  }
0x2b: {  	[tilespmem:s9], [sflag:$0x8] =	stream.linear.gather [hbm4b:s3+s2], $0x80, $0x38;
	[tilespmem:$0x1B680] =	vst v63  }
0x2c: {  	s29 =	rddreg [dreg:$0x6]  }
0x2d: {  	[tilespmem:s10], [sflag:$0x8] =	stream.linear.gather [hbm4b:s29+s2], $0x80, $0x38;
	[tilespmem:$0x1B680] =	vst v63  }
0x2e: {  	s3 =	rddreg [dreg:$0x7]  }
0x2f: {  	[tilespmem:s14], [sflag:$0x9] =	stream.linear.gather [hbm4b:s3+s2], $0x80, $0x38;
	[tilespmem:$0x1B680] =	vst v63  }
0x30: {  	s0 =	simm.s32 $0x0;
	s29 =	rddreg [dreg:$0x8];
	s3 =	simm.s32 $0x200  }
0x31: {  	[tilespmem:s20], [sflag:$0x9] =	stream.linear.gather [hbm4b:s29+s2], $0x80, $0x38;
	[tilespmem:$0x1B680] =	vst v63  }
.LBB2_2:
0x32: {  	p1 =	sne.s32 s3, $0x9E00;
	[tilespmem:s0+$0x670] =	vst v0  }
0x33: {  	[tilespmem:s0+$0x600] =	vst v0  }
0x34: {  	[tilespmem:s0+$0x610] =	vst v0  }
.Ltmp0:
0x35: {  	[tilespmem:s0+$0x620] =	vst v0;
	(pc) =	sbr.rel @p1 .LBB2_2-.Ltmp0, $4  }
0x36: {  	[tilespmem:s0+$0x630] =	vst v0  }
0x37: {  	[tilespmem:s0+$0x640] =	vst v0  }
0x38: {  	[tilespmem:s0+$0x650] =	vst v0  }
0x39: {  	[tilespmem:s0+$0x660] =	vst v0;
	s0 =	sshra.s32 s3, $0x2;
	s3 =	sadd.s32 $0x200, s3  }
0x3a: {  	[tilespmem:s0+$0x670] =	vst v0  }
0x3b: {  	[tilespmem:s0+$0x600] =	vst v0  }
0x3c: {  	[tilespmem:s0+$0x610] =	vst v0  }
0x3d: {  	[tilespmem:s0+$0x620] =	vst v0  }
0x3e: {  	[tilespmem:s0+$0x630] =	vst v0  }
0x3f: {  	[tilespmem:s0+$0x640] =	vst v0  }
0x40: {  	[tilespmem:s0+$0x650] =	vst v0  }
0x41: {  	[tilespmem:s0+$0x660] =	vst v0;
	s29 =	rddreg [dreg:$0x9]  }
0x42: {  	[spmem:s29] =	stream.linear.scatter [tilespmem:s11], [sflag:$0x1], $0x2700, $0x38;
	[tilespmem:$0x1B680] =	vst v63  }
0x43: {  	s3 =	rddreg [dreg:$0x12]  }
0x44: {  	[spmem:s3] =	stream.linear.scatter [tilespmem:s11], [sflag:$0x1], $0x2700, $0x38;
	[tilespmem:$0x1B680] =	vst v63  }
0x45: {  	s29 =	rddreg [dreg:$0x13]  }
0x46: {  	[spmem:s29] =	stream.linear.scatter [tilespmem:s11], [sflag:$0x1], $0x2700, $0x38;
	[tilespmem:$0x1B680] =	vst v63  }
0x47: {  	s3 =	rddreg [dreg:$0x15]  }
0x48: {  	[spmem:s3] =	stream.linear.scatter [tilespmem:s11], [sflag:$0x1], $0x2700, $0x38;
	[tilespmem:$0x1B680] =	vst v63  }
0x49: {  	s29 =	rddreg [dreg:$0x16]  }
0x4a: {  	[spmem:s29] =	stream.linear.scatter [tilespmem:s11], [sflag:$0x1], $0x2700, $0x38;
	[tilespmem:$0x1B680] =	vst v63  }
0x4b: {  	s3 =	rddreg [dreg:$0x17]  }
0x4c: {  	[spmem:s3] =	stream.linear.scatter [tilespmem:s11], [sflag:$0x1], $0x2700, $0x38;
	[tilespmem:$0x1B680] =	vst v63  }
0x4d: {  	s29 =	rddreg [dreg:$0x18]  }
0x4e: {  	[spmem:s29] =	stream.linear.scatter [tilespmem:s11], [sflag:$0x1], $0x2700, $0x38;
	[tilespmem:$0x1B680] =	vst v63  }
0x4f: {  	s3 =	rddreg [dreg:$0x19]  }
0x50: {  	[spmem:s3] =	stream.linear.scatter [tilespmem:s11], [sflag:$0x1], $0x2700, $0x38;
	[tilespmem:$0x1B680] =	vst v63  }
0x51: {  	s0 =	simm.s32 @!p0 $0x600;
	s3 =	rddreg [dreg:$0xa]  }
0x52: {  	[spmem:s3] =	stream.linear.scatter @!p0 [tilespmem:s0], [sflag:$0xA], $0x400, $0x38;
	[tilespmem:$0x1B680] =	vst v63  }
0x53: {  	s0 =	simm.s32 @!p0 $0xA  }
0x54: {  	_ =	swait.ge @!p0 [sflag:s0], $0x400  }
0x55: {  	[sflag:s0] =	ssyncset.done @!p0 $0x0  }
0x56: {  	[sflag:s0] =	ssyncadd.s32 @!p0 $0xFFFFFC00  }
0x57: {  	_ =	swait.ge [sflag:s12], $0x2700  }
0x58: {  	[sflag:s12] =	ssyncset.done $0x0  }
0x59: {  	[sflag:s12] =	ssyncadd.s32 $0xFFFFD900  }
0x5a: {  	_ =	swait.ge [sflag:s12], $0x2700  }
0x5b: {  	[sflag:s12] =	ssyncset.done $0x0  }
0x5c: {  	[sflag:s12] =	ssyncadd.s32 $0xFFFFD900  }
0x5d: {  	_ =	swait.ge [sflag:s12], $0x2700  }
0x5e: {  	[sflag:s12] =	ssyncset.done $0x0  }
0x5f: {  	[sflag:s12] =	ssyncadd.s32 $0xFFFFD900  }
0x60: {  	_ =	swait.ge [sflag:s12], $0x2700  }
0x61: {  	[sflag:s12] =	ssyncset.done $0x0  }
0x62: {  	[sflag:s12] =	ssyncadd.s32 $0xFFFFD900  }
0x63: {  	_ =	swait.ge [sflag:s12], $0x2700  }
0x64: {  	[sflag:s12] =	ssyncset.done $0x0  }
0x65: {  	[sflag:s12] =	ssyncadd.s32 $0xFFFFD900  }
0x66: {  	_ =	swait.ge [sflag:s12], $0x2700  }
0x67: {  	[sflag:s12] =	ssyncset.done $0x0  }
0x68: {  	[sflag:s12] =	ssyncadd.s32 $0xFFFFD900  }
0x69: {  	_ =	swait.ge [sflag:s12], $0x2700  }
0x6a: {  	[sflag:s12] =	ssyncset.done $0x0  }
0x6b: {  	[sflag:s12] =	ssyncadd.s32 $0xFFFFD900  }
0x6c: {  	_ =	swait.ge [sflag:s12], $0x2700  }
0x6d: {  	[sflag:s12] =	ssyncset.done $0x0  }
0x6e: {  	[sflag:s12] =	ssyncadd.s32 $0xFFFFD900  }
0x6f: {  	[bflag:$0x0] =	sbarrier.arrive $0xFFFF  }
0x70: {  	_ =	swait.ge [sflag:s13], $0x80  }
0x71: {  	[sflag:s13] =	ssyncset.done $0x0  }
0x72: {  	[sflag:s13] =	ssyncadd.s32 $0xFFFFFF80  }
0x73: {  	_ =	swait.ge [sflag:s13], $0x80  }
0x74: {  	[sflag:s13] =	ssyncset.done $0x0  }
0x75: {  	[sflag:s13] =	ssyncadd.s32 $0xFFFFFF80  }
0x76: {  	[tilespmem:s11], [sflag:$0x1] =	stream.indirect.gather [hbm4b:s4+s15], $0x80, s2, s15, $0xb8;
	[tilespmem:$0x1B680] =	vst v63  }
0x77: {  	_ =	swait.ge [sflag:s16], $0x80  }
0x78: {  	[sflag:s16] =	ssyncset.done $0x0  }
0x79: {  	[sflag:s16] =	ssyncadd.s32 $0xFFFFFF80  }
0x7a: {  	_ =	swait.ge [sflag:s16], $0x80  }
0x7b: {  	[sflag:s16] =	ssyncset.done $0x0  }
0x7c: {  	[sflag:s16] =	ssyncadd.s32 $0xFFFFFF80  }
0x7d: {  	[tilespmem:s17], [sflag:$0x2] =	stream.indirect.gather [hbm4b:s4+s15], $0x80, s9, s15, $0xb8;
	[tilespmem:$0x1B680] =	vst v63  }
0x7e: {  	_ =	swait.ge [sflag:s18], $0x80  }
0x7f: {  	s0 =	simm.s32 $0x180;
	[sflag:s18] =	ssyncset.done $0x0  }
0x80: {  	s29 =	sand.u32 $0xFC00, s0;
	[sflag:s18] =	ssyncadd.s32 $0xFFFFFF80  }
0x81: {  	s0 =	sand.u32 $0x380, s0;
	s3 =	sadd.s32 s7, s29;
	_ =	swait.ge [sflag:s18], $0x80  }
0x82: {  	s0 =	sor.u32 s0, s3;
	[sflag:s18] =	ssyncset.done $0x0  }
0x83: {  	s0 =	sshrl.u32 s0, $0x3;
	[sflag:s18] =	ssyncadd.s32 $0xFFFFFF80  }
0x84: {  	[tilespmem:s19], [sflag:$0x3] =	stream.indirect.gather [hbm4b:s4+s15], $0x80, s14, s15, $0xb8;
	[tilespmem:$0x1B680] =	vst v63  }
0x85: {  	s29 =	sadd.s32 s5, s0  }
0x86: {  	[tilespmem:s21], [sflag:$0x7] =	stream.linear.gather [hbm4b:s29+s2], $0x80, $0x38;
	[tilespmem:$0x1B680] =	vst v63  }
0x87: {  	s0 =	sadd.s32 s6, s0  }
0x88: {  	[tilespmem:s23], [sflag:$0x7] =	stream.linear.gather [hbm4b:s0+s2], $0x80, $0x38;
	[tilespmem:$0x1B680] =	vst v63  }
0x89: {  	_ =	swait.ge [sflag:s12], $0x2800  }
0x8a: {  	[sflag:s12] =	ssyncset.done $0x0  }
0x8b: {  	[sflag:s12] =	ssyncadd.s32 $0xFFFFD800  }
0x8c: {  	[spmem:s1] =	stream.indirect.scatter.add.f32 [tilespmem:s11], [sflag:$0x4], $0x80, s8, s15, $0xb8;
	[tilespmem:$0x1B680] =	vst v63  }
0x8d: {  	_ =	swait.ge [sflag:s22], $0x2800  }
0x8e: {  	[sflag:s22] =	ssyncset.done $0x0  }
0x8f: {  	[sflag:s22] =	ssyncadd.s32 $0xFFFFD800  }
0x90: {  	_ =	swait.ge [sflag:s13], $0x80  }
0x91: {  	s0 =	simm.s32 $0x200;
	[sflag:s13] =	ssyncset.done $0x0  }
0x92: {  	s29 =	sand.u32 $0xFC00, s0;
	[sflag:s13] =	ssyncadd.s32 $0xFFFFFF80  }
0x93: {  	s0 =	sand.u32 $0x300, s0;
	s3 =	sadd.s32 s7, s29;
	_ =	swait.ge [sflag:s13], $0x80  }
0x94: {  	s0 =	sor.u32 s0, s3;
	[sflag:s13] =	ssyncset.done $0x0  }
0x95: {  	s0 =	sshrl.u32 s0, $0x3;
	[sflag:s13] =	ssyncadd.s32 $0xFFFFFF80  }
0x96: {  	[tilespmem:s11], [sflag:$0x1] =	stream.indirect.gather [hbm4b:s4+s15], $0x80, s21, s15, $0xb8;
	[tilespmem:$0x1B680] =	vst v63  }
0x97: {  	s21 =	sadd.s32 s5, s0  }
0x98: {  	[tilespmem:s24], [sflag:$0x8] =	stream.linear.gather [hbm4b:s21+s2], $0x80, $0x38;
	[tilespmem:$0x1B680] =	vst v63  }
0x99: {  	s0 =	sadd.s32 s6, s0  }
0x9a: {  	[tilespmem:s28], [sflag:$0x8] =	stream.linear.gather [hbm4b:s0+s2], $0x80, $0x38;
	[tilespmem:$0x1B680] =	vst v63  }
0x9b: {  	_ =	swait.ge [sflag:s25], $0x2800  }
0x9c: {  	[sflag:s25] =	ssyncset.done $0x0  }
0x9d: {  	[sflag:s25] =	ssyncadd.s32 $0xFFFFD800  }
0x9e: {  	[spmem:s1] =	stream.indirect.scatter.add.f32 [tilespmem:s17], [sflag:$0x5], $0x80, s10, s15, $0xb8;
	[tilespmem:$0x1B680] =	vst v63  }
0x9f: {  	_ =	swait.ge [sflag:s26], $0x2800  }
0xa0: {  	[sflag:s26] =	ssyncset.done $0x0  }
0xa1: {  	[sflag:s26] =	ssyncadd.s32 $0xFFFFD800  }
0xa2: {  	_ =	swait.ge [sflag:s16], $0x80  }
0xa3: {  	s29 =	simm.s32 $0x280;
	[sflag:s16] =	ssyncset.done $0x0  }
0xa4: {  	s21 =	sand.u32 $0xFC00, s29;
	[sflag:s16] =	ssyncadd.s32 $0xFFFFFF80  }
0xa5: {  	s3 =	sadd.s32 s7, s21;
	s0 =	sand.u32 $0x380, s29;
	_ =	swait.ge [sflag:s16], $0x80  }
0xa6: {  	s0 =	sor.u32 s0, s3;
	[sflag:s16] =	ssyncset.done $0x0  }
0xa7: {  	s0 =	sshrl.u32 s0, $0x3;
	[sflag:s16] =	ssyncadd.s32 $0xFFFFFF80  }
0xa8: {  	[tilespmem:s17], [sflag:$0x2] =	stream.indirect.gather [hbm4b:s4+s15], $0x80, s24, s15, $0xb8;
	[tilespmem:$0x1B680] =	vst v63  }
0xa9: {  	s21 =	simm.s32 $0x280;
	s24 =	sadd.s32 s5, s0  }
0xaa: {  	[tilespmem:s21], [sflag:$0x9] =	stream.linear.gather [hbm4b:s24+s2], $0x80, $0x38;
	[tilespmem:$0x1B680] =	vst v63  }
0xab: {  	s29 =	simm.s32 $0x580;
	s0 =	sadd.s32 s6, s0  }
0xac: {  	[tilespmem:s29], [sflag:$0x9] =	stream.linear.gather [hbm4b:s0+s2], $0x80, $0x38;
	[tilespmem:$0x1B680] =	vst v63  }
0xad: {  	_ =	swait.ge [sflag:s30], $0x2800  }
0xae: {  	[sflag:s30] =	ssyncset.done $0x0  }
0xaf: {  	[sflag:s30] =	ssyncadd.s32 $0xFFFFD800  }
0xb0: {  	[spmem:s1] =	stream.indirect.scatter.add.f32 [tilespmem:s19], [sflag:$0x6], $0x80, s20, s15, $0xb8;
	[tilespmem:$0x1B680] =	vst v63  }
0xb1: {  	_ =	swait.ge [sflag:s31], $0x2800  }
0xb2: {  	[sflag:s31] =	ssyncset.done $0x0  }
0xb3: {  	[sflag:s31] =	ssyncadd.s32 $0xFFFFD800  }
0xb4: {  	_ =	swait.ge [sflag:s18], $0x80  }
0xb5: {  	s24 =	simm.s32 $0x300;
	[sflag:s18] =	ssyncset.done $0x0  }
0xb6: {  	s29 =	sand.u32 $0xFC00, s24;
	[sflag:s18] =	ssyncadd.s32 $0xFFFFFF80  }
0xb7: {  	s0 =	sand.u32 $0x300, s24;
	s3 =	sadd.s32 s7, s29;
	_ =	swait.ge [sflag:s18], $0x80  }
0xb8: {  	s0 =	sor.u32 s0, s3;
	[sflag:s18] =	ssyncset.done $0x0  }
0xb9: {  	s0 =	sshrl.u32 s0, $0x3;
	[sflag:s18] =	ssyncadd.s32 $0xFFFFFF80  }
0xba: {  	[tilespmem:s19], [sflag:$0x3] =	stream.indirect.gather [hbm4b:s4+s15], $0x80, s21, s15, $0xb8;
	[tilespmem:$0x1B680] =	vst v63  }
0xbb: {  	s21 =	sadd.s32 s5, s0  }
0xbc: {  	[tilespmem:s2], [sflag:$0x7] =	stream.linear.gather [hbm4b:s21+s2], $0x80, $0x38;
	[tilespmem:$0x1B680] =	vst v63  }
0xbd: {  	s0 =	sadd.s32 s6, s0  }
0xbe: {  	[tilespmem:s8], [sflag:$0x7] =	stream.linear.gather [hbm4b:s0+s2], $0x80, $0x38;
	[tilespmem:$0x1B680] =	vst v63  }
0xbf: {  	_ =	swait.ge [sflag:s12], $0x2800  }
0xc0: {  	[sflag:s12] =	ssyncset.done $0x0  }
0xc1: {  	[sflag:s12] =	ssyncadd.s32 $0xFFFFD800  }
0xc2: {  	[spmem:s1] =	stream.indirect.scatter.add.f32 [tilespmem:s11], [sflag:$0x4], $0x80, s23, s15, $0xb8;
	[tilespmem:$0x1B680] =	vst v63  }
0xc3: {  	_ =	swait.ge [sflag:s22], $0x2800  }
0xc4: {  	[sflag:s22] =	ssyncset.done $0x0  }
0xc5: {  	[sflag:s22] =	ssyncadd.s32 $0xFFFFD800  }
0xc6: {  	_ =	swait.ge [sflag:s13], $0x80  }
0xc7: {  	s24 =	simm.s32 $0x380;
	[sflag:s13] =	ssyncset.done $0x0  }
0xc8: {  	s29 =	sand.u32 $0xFC00, s24;
	[sflag:s13] =	ssyncadd.s32 $0xFFFFFF80  }
0xc9: {  	s3 =	sadd.s32 s7, s29;
	s0 =	sand.u32 $0x380, s24;
	_ =	swait.ge [sflag:s13], $0x80  }
0xca: {  	s0 =	sor.u32 s0, s3;
	[sflag:s13] =	ssyncset.done $0x0  }
0xcb: {  	s0 =	sshrl.u32 s0, $0x3;
	[sflag:s13] =	ssyncadd.s32 $0xFFFFFF80  }
0xcc: {  	[tilespmem:s11], [sflag:$0x1] =	stream.indirect.gather [hbm4b:s4+s15], $0x80, s2, s15, $0xb8;
	[tilespmem:$0x1B680] =	vst v63  }
0xcd: {  	s8 =	sadd.s32 s5, s0  }
0xce: {  	[tilespmem:s9], [sflag:$0x8] =	stream.linear.gather [hbm4b:s8+s2], $0x80, $0x38;
	[tilespmem:$0x1B680] =	vst v63  }
0xcf: {  	s0 =	sadd.s32 s6, s0  }
0xd0: {  	[tilespmem:s10], [sflag:$0x8] =	stream.linear.gather [hbm4b:s0+s2], $0x80, $0x38;
	[tilespmem:$0x1B680] =	vst v63  }
0xd1: {  	_ =	swait.ge [sflag:s25], $0x2800  }
0xd2: {  	[sflag:s25] =	ssyncset.done $0x0  }
0xd3: {  	[sflag:s25] =	ssyncadd.s32 $0xFFFFD800  }
0xd4: {  	[spmem:s1] =	stream.indirect.scatter.add.f32 [tilespmem:s17], [sflag:$0x5], $0x80, s28, s15, $0xb8;
	[tilespmem:$0x1B680] =	vst v63  }
0xd5: {  	_ =	swait.ge [sflag:s26], $0x2800  }
0xd6: {  	[sflag:s26] =	ssyncset.done $0x0  }
0xd7: {  	[sflag:s26] =	ssyncadd.s32 $0xFFFFD800  }
0xd8: {  	_ =	swait.ge [sflag:s16], $0x80  }
0xd9: {  	s10 =	simm.s32 $0x400;
	[sflag:s16] =	ssyncset.done $0x0  }
0xda: {  	s21 =	simm.s32 $0x0;
	s0 =	sand.u32 $0xFC00, s10;
	[sflag:s16] =	ssyncadd.s32 $0xFFFFFF80  }
0xdb: {  	s3 =	sand.u32 $0x300, s21;
	s0 =	sadd.s32 s7, s0;
	_ =	swait.ge [sflag:s16], $0x80  }
0xdc: {  	s0 =	sor.u32 s3, s0;
	[sflag:s16] =	ssyncset.done $0x0  }
0xdd: {  	s0 =	sshrl.u32 s0, $0x3;
	[sflag:s16] =	ssyncadd.s32 $0xFFFFFF80  }
0xde: {  	[tilespmem:s17], [sflag:$0x2] =	stream.indirect.gather [hbm4b:s4+s15], $0x80, s9, s15, $0xb8;
	[tilespmem:$0x1B680] =	vst v63  }
0xdf: {  	s24 =	sadd.s32 s5, s0  }
0xe0: {  	[tilespmem:s14], [sflag:$0x9] =	stream.linear.gather [hbm4b:s24+s2], $0x80, $0x38;
	[tilespmem:$0x1B680] =	vst v63  }
0xe1: {  	s0 =	sadd.s32 s6, s0  }
0xe2: {  	[tilespmem:s20], [sflag:$0x9] =	stream.linear.gather [hbm4b:s0+s2], $0x80, $0x38;
	[tilespmem:$0x1B680] =	vst v63  }
0xe3: {  	_ =	swait.ge [sflag:s30], $0x2800  }
0xe4: {  	[sflag:s30] =	ssyncset.done $0x0  }
0xe5: {  	s23 =	simm.s32 $0x580;
	[sflag:s30] =	ssyncadd.s32 $0xFFFFD800  }
0xe6: {  	[spmem:s1] =	stream.indirect.scatter.add.f32 [tilespmem:s19], [sflag:$0x6], $0x80, s23, s15, $0xb8;
	[tilespmem:$0x1B680] =	vst v63  }
0xe7: {  	_ =	swait.ge [sflag:s31], $0x2800  }
0xe8: {  	[sflag:s31] =	ssyncset.done $0x0  }
0xe9: {  	s28 =	simm.s32 $0x480;
	[sflag:s31] =	ssyncadd.s32 $0xFFFFD800  }
0xea: {  	s29 =	sand.u32 $0xFC00, s28;
	_ =	swait.ge [sflag:s18], $0x80  }
0xeb: {  	s3 =	sadd.s32 s7, s29;
	[sflag:s18] =	ssyncset.done $0x0  }
0xec: {  	s14 =	simm.s32 $0x700;
	s0 =	sand.u32 $0x380, s28;
	[sflag:s18] =	ssyncadd.s32 $0xFFFFFF80  }
0xed: {  	s3 =	sor.u32 s0, s3;
	s0 =	simm.s32 $0xA00;
	_ =	swait.ge [sflag:s18], $0x80  }
.LBB2_4:
0xee: {  	s29 =	simm.s32 $0x580;
	s9 =	sshrl.u32 s3, $0x3  }
0xef: {  	[sflag:s18] =	ssyncset.done $0x0;
	s3 =	smov.u32 s0;
	s8 =	sadd.s32 $0x300, s0  }
0xf0: {  	p1 =	sne.s32 s0, $0x3D00;
	s10 =	simm.s32 $0x200;
	[sflag:s18] =	ssyncadd.s32 $0xFFFFFF80  }
0xf1: {  	[tilespmem:s19], [sflag:$0x3] =	stream.indirect.gather [hbm4b:s4+s15], $0x80, s10, s15, $0xb8;
	[tilespmem:$0x1B680] =	vst v63  }
0xf2: {  	s21 =	simm.s32 $0x80;
	s0 =	sadd.s32 s5, s9  }
0xf3: {  	[tilespmem:s21], [sflag:$0x7] =	stream.linear.gather [hbm4b:s0+s2], $0x80, $0x38;
	[tilespmem:$0x1B680] =	vst v63  }
0xf4: {  	s28 =	simm.s32 $0x380;
	s0 =	sadd.s32 s6, s9  }
0xf5: {  	[tilespmem:s28], [sflag:$0x7] =	stream.linear.gather [hbm4b:s0+s2], $0x80, $0x38;
	[tilespmem:$0x1B680] =	vst v63  }
0xf6: {  	_ =	swait.ge [sflag:s12], $0x2800  }
0xf7: {  	[sflag:s12] =	ssyncset.done $0x0  }
0xf8: {  	s20 =	simm.s32 $0x300;
	[sflag:s12] =	ssyncadd.s32 $0xFFFFD800  }
0xf9: {  	[spmem:s1] =	stream.indirect.scatter.add.f32 [tilespmem:s11], [sflag:$0x4], $0x80, s20, s15, $0xb8;
	[tilespmem:$0x1B680] =	vst v63  }
0xfa: {  	_ =	swait.ge [sflag:s22], $0x2800  }
0xfb: {  	[sflag:s22] =	ssyncset.done $0x0  }
0xfc: {  	[sflag:s22] =	ssyncadd.s32 $0xFFFFD800  }
0xfd: {  	_ =	swait.ge [sflag:s13], $0x80  }
0xfe: {  	s0 =	sadd.s32 $0xFFFFFE00, s14;
	[sflag:s13] =	ssyncset.done $0x0  }
0xff: {  	s9 =	sand.u32 $0xFC00, s0;
	[sflag:s13] =	ssyncadd.s32 $0xFFFFFF80  }
0x100: {  	s0 =	sand.u32 $0x300, s0;
	s9 =	sadd.s32 s7, s9;
	_ =	swait.ge [sflag:s13], $0x80  }
0x101: {  	s0 =	sor.u32 s0, s9;
	[sflag:s13] =	ssyncset.done $0x0  }
0x102: {  	s0 =	sshrl.u32 s0, $0x3;
	[sflag:s13] =	ssyncadd.s32 $0xFFFFFF80  }
0x103: {  	[tilespmem:s11], [sflag:$0x1] =	stream.indirect.gather [hbm4b:s4+s15], $0x80, s21, s15, $0xb8;
	[tilespmem:$0x1B680] =	vst v63  }
0x104: {  	s9 =	sadd.s32 s5, s0;
	s0 =	sadd.s32 s6, s0;
	s21 =	simm.s32 $0x180  }
0x105: {  	[tilespmem:s21], [sflag:$0x8] =	stream.linear.gather [hbm4b:s9+s2], $0x80, $0x38;
	[tilespmem:$0x1B680] =	vst v63  }
0x106: {  	s24 =	simm.s32 $0x480  }
0x107: {  	[tilespmem:s24], [sflag:$0x8] =	stream.linear.gather [hbm4b:s0+s2], $0x80, $0x38;
	[tilespmem:$0x1B680] =	vst v63  }
0x108: {  	_ =	swait.ge [sflag:s25], $0x2800  }
0x109: {  	[sflag:s25] =	ssyncset.done $0x0  }
0x10a: {  	s23 =	simm.s32 $0x400;
	[sflag:s25] =	ssyncadd.s32 $0xFFFFD800  }
0x10b: {  	[spmem:s1] =	stream.indirect.scatter.add.f32 [tilespmem:s17], [sflag:$0x5], $0x80, s23, s15, $0xb8;
	[tilespmem:$0x1B680] =	vst v63  }
0x10c: {  	_ =	swait.ge [sflag:s26], $0x2800  }
0x10d: {  	[sflag:s26] =	ssyncset.done $0x0  }
0x10e: {  	[sflag:s26] =	ssyncadd.s32 $0xFFFFD800  }
0x10f: {  	_ =	swait.ge [sflag:s16], $0x80  }
0x110: {  	s0 =	sadd.s32 $0xFFFFFE80, s14;
	[sflag:s16] =	ssyncset.done $0x0  }
0x111: {  	s9 =	sand.u32 $0xFC00, s0;
	[sflag:s16] =	ssyncadd.s32 $0xFFFFFF80  }
0x112: {  	s0 =	sand.u32 $0x380, s0;
	s9 =	sadd.s32 s7, s9;
	_ =	swait.ge [sflag:s16], $0x80  }
0x113: {  	s0 =	sor.u32 s0, s9;
	[sflag:s16] =	ssyncset.done $0x0  }
0x114: {  	s0 =	sshrl.u32 s0, $0x3;
	[sflag:s16] =	ssyncadd.s32 $0xFFFFFF80  }
0x115: {  	[tilespmem:s17], [sflag:$0x2] =	stream.indirect.gather [hbm4b:s4+s15], $0x80, s21, s15, $0xb8;
	[tilespmem:$0x1B680] =	vst v63  }
0x116: {  	s9 =	sadd.s32 s5, s0;
	s0 =	sadd.s32 s6, s0;
	s21 =	simm.s32 $0x280  }
0x117: {  	[tilespmem:s21], [sflag:$0x9] =	stream.linear.gather [hbm4b:s9+s2], $0x80, $0x38;
	[tilespmem:$0x1B680] =	vst v63  }
0x118: {  	_ = 	snop  }
0x119: {  	[tilespmem:s29], [sflag:$0x9] =	stream.linear.gather [hbm4b:s0+s2], $0x80, $0x38;
	[tilespmem:$0x1B680] =	vst v63  }
0x11a: {  	_ =	swait.ge [sflag:s30], $0x2800  }
0x11b: {  	[sflag:s30] =	ssyncset.done $0x0  }
0x11c: {  	s29 =	simm.s32 $0x500;
	[sflag:s30] =	ssyncadd.s32 $0xFFFFD800  }
0x11d: {  	[spmem:s1] =	stream.indirect.scatter.add.f32 [tilespmem:s19], [sflag:$0x6], $0x80, s29, s15, $0xb8;
	[tilespmem:$0x1B680] =	vst v63  }
0x11e: {  	_ =	swait.ge [sflag:s31], $0x2800  }
0x11f: {  	[sflag:s31] =	ssyncset.done $0x0  }
0x120: {  	[sflag:s31] =	ssyncadd.s32 $0xFFFFD800  }
0x121: {  	_ =	swait.ge [sflag:s18], $0x80  }
0x122: {  	s0 =	sadd.s32 $0xFFFFFF00, s14;
	[sflag:s18] =	ssyncset.done $0x0  }
0x123: {  	s9 =	sand.u32 $0xFC00, s0;
	[sflag:s18] =	ssyncadd.s32 $0xFFFFFF80  }
0x124: {  	s0 =	sand.u32 $0x300, s0;
	s9 =	sadd.s32 s7, s9;
	_ =	swait.ge [sflag:s18], $0x80  }
0x125: {  	s0 =	sor.u32 s0, s9;
	[sflag:s18] =	ssyncset.done $0x0  }
0x126: {  	s0 =	sshrl.u32 s0, $0x3;
	[sflag:s18] =	ssyncadd.s32 $0xFFFFFF80  }
0x127: {  	[tilespmem:s19], [sflag:$0x3] =	stream.indirect.gather [hbm4b:s4+s15], $0x80, s21, s15, $0xb8;
	[tilespmem:$0x1B680] =	vst v63  }
0x128: {  	s9 =	sadd.s32 s5, s0;
	s0 =	sadd.s32 s6, s0  }
0x129: {  	[tilespmem:s2], [sflag:$0x7] =	stream.linear.gather [hbm4b:s9+s2], $0x80, $0x38;
	[tilespmem:$0x1B680] =	vst v63  }
0x12a: {  	_ = 	snop  }
0x12b: {  	[tilespmem:s20], [sflag:$0x7] =	stream.linear.gather [hbm4b:s0+s2], $0x80, $0x38;
	[tilespmem:$0x1B680] =	vst v63  }
0x12c: {  	_ =	swait.ge [sflag:s12], $0x2800  }
0x12d: {  	[sflag:s12] =	ssyncset.done $0x0  }
0x12e: {  	[sflag:s12] =	ssyncadd.s32 $0xFFFFD800  }
0x12f: {  	[spmem:s1] =	stream.indirect.scatter.add.f32 [tilespmem:s11], [sflag:$0x4], $0x80, s28, s15, $0xb8;
	[tilespmem:$0x1B680] =	vst v63  }
0x130: {  	_ =	swait.ge [sflag:s22], $0x2800  }
0x131: {  	[sflag:s22] =	ssyncset.done $0x0  }
0x132: {  	[sflag:s22] =	ssyncadd.s32 $0xFFFFD800  }
0x133: {  	_ =	swait.ge [sflag:s13], $0x80  }
0x134: {  	s0 =	sadd.s32 $0xFFFFFF80, s14;
	[sflag:s13] =	ssyncset.done $0x0  }
0x135: {  	s9 =	sand.u32 $0xFC00, s0;
	[sflag:s13] =	ssyncadd.s32 $0xFFFFFF80  }
0x136: {  	s0 =	sand.u32 $0x380, s0;
	s9 =	sadd.s32 s7, s9;
	_ =	swait.ge [sflag:s13], $0x80  }
0x137: {  	s0 =	sor.u32 s0, s9;
	[sflag:s13] =	ssyncset.done $0x0  }
0x138: {  	s0 =	sshrl.u32 s0, $0x3;
	[sflag:s13] =	ssyncadd.s32 $0xFFFFFF80  }
0x139: {  	[tilespmem:s11], [sflag:$0x1] =	stream.indirect.gather [hbm4b:s4+s15], $0x80, s2, s15, $0xb8;
	[tilespmem:$0x1B680] =	vst v63  }
0x13a: {  	s20 =	simm.s32 $0x100;
	s9 =	sadd.s32 s5, s0;
	s0 =	sadd.s32 s6, s0  }
0x13b: {  	[tilespmem:s20], [sflag:$0x8] =	stream.linear.gather [hbm4b:s9+s2], $0x80, $0x38;
	[tilespmem:$0x1B680] =	vst v63  }
0x13c: {  	_ = 	snop  }
0x13d: {  	[tilespmem:s23], [sflag:$0x8] =	stream.linear.gather [hbm4b:s0+s2], $0x80, $0x38;
	[tilespmem:$0x1B680] =	vst v63  }
0x13e: {  	_ =	swait.ge [sflag:s25], $0x2800  }
0x13f: {  	[sflag:s25] =	ssyncset.done $0x0  }
0x140: {  	[sflag:s25] =	ssyncadd.s32 $0xFFFFD800  }
0x141: {  	[spmem:s1] =	stream.indirect.scatter.add.f32 [tilespmem:s17], [sflag:$0x5], $0x80, s24, s15, $0xb8;
	[tilespmem:$0x1B680] =	vst v63  }
0x142: {  	_ =	swait.ge [sflag:s26], $0x2800  }
0x143: {  	[sflag:s26] =	ssyncset.done $0x0  }
0x144: {  	[sflag:s26] =	ssyncadd.s32 $0xFFFFD800  }
0x145: {  	_ =	swait.ge [sflag:s16], $0x80  }
0x146: {  	s9 =	sand.u32 $0xFC00, s14;
	[sflag:s16] =	ssyncset.done $0x0  }
0x147: {  	s9 =	sadd.s32 s7, s9;
	s0 =	sadd.s32 $0xFFFFFC00, s14;
	[sflag:s16] =	ssyncadd.s32 $0xFFFFFF80  }
0x148: {  	s14 =	smov.u32 s3;
	s0 =	sand.u32 $0x300, s0;
	_ =	swait.ge [sflag:s16], $0x80  }
0x149: {  	s0 =	sor.u32 s0, s9;
	s9 =	simm.s32 $0x580;
	[sflag:s16] =	ssyncset.done $0x0  }
0x14a: {  	s0 =	sshrl.u32 s0, $0x3;
	[sflag:s16] =	ssyncadd.s32 $0xFFFFFF80  }
0x14b: {  	[tilespmem:s17], [sflag:$0x2] =	stream.indirect.gather [hbm4b:s4+s15], $0x80, s20, s15, $0xb8;
	[tilespmem:$0x1B680] =	vst v63  }
0x14c: {  	s3 =	sadd.s32 s5, s0;
	s0 =	sadd.s32 s6, s0  }
0x14d: {  	[tilespmem:s10], [sflag:$0x9] =	stream.linear.gather [hbm4b:s3+s2], $0x80, $0x38;
	[tilespmem:$0x1B680] =	vst v63  }
0x14e: {  	_ = 	snop  }
0x14f: {  	[tilespmem:s29], [sflag:$0x9] =	stream.linear.gather [hbm4b:s0+s2], $0x80, $0x38;
	[tilespmem:$0x1B680] =	vst v63  }
0x150: {  	_ =	swait.ge [sflag:s30], $0x2800  }
0x151: {  	[sflag:s30] =	ssyncset.done $0x0  }
0x152: {  	[sflag:s30] =	ssyncadd.s32 $0xFFFFD800  }
0x153: {  	[spmem:s1] =	stream.indirect.scatter.add.f32 [tilespmem:s19], [sflag:$0x6], $0x80, s9, s15, $0xb8;
	[tilespmem:$0x1B680] =	vst v63  }
0x154: {  	_ =	swait.ge [sflag:s31], $0x2800  }
0x155: {  	[sflag:s31] =	ssyncset.done $0x0  }
.Ltmp1:
0x156: {  	[sflag:s31] =	ssyncadd.s32 $0xFFFFD800;
	(pc) =	sbr.rel @p1 .LBB2_4-.Ltmp1, $4  }
0x157: {  	s0 =	sadd.s32 $0xFFFFFD80, s14;
	_ =	swait.ge [sflag:s18], $0x80  }
0x158: {  	s3 =	sand.u32 $0xFC00, s0;
	[sflag:s18] =	ssyncset.done $0x0  }
0x159: {  	s0 =	sand.u32 $0x380, s0;
	s3 =	sadd.s32 s7, s3;
	[sflag:s18] =	ssyncadd.s32 $0xFFFFFF80  }
0x15a: {  	s3 =	sor.u32 s0, s3;
	s0 =	smov.u32 s8;
	_ =	swait.ge [sflag:s18], $0x80  }
0x15b: {  	[sflag:s18] =	ssyncset.done $0x0  }
0x15c: {  	s0 =	sshrl.u32 s3, $0x3;
	s10 =	simm.s32 $0x200;
	[sflag:s18] =	ssyncadd.s32 $0xFFFFFF80  }
0x15d: {  	[tilespmem:s19], [sflag:$0x3] =	stream.indirect.gather [hbm4b:s4+s15], $0x80, s10, s15, $0xb8;
	[tilespmem:$0x1B680] =	vst v63  }
0x15e: {  	s8 =	simm.s32 $0x80;
	s3 =	sadd.s32 s5, s0  }
0x15f: {  	[tilespmem:s8], [sflag:$0x7] =	stream.linear.gather [hbm4b:s3+s2], $0x80, $0x38;
	[tilespmem:$0x1B680] =	vst v63  }
0x160: {  	s24 =	simm.s32 $0x380;
	s0 =	sadd.s32 s6, s0  }
0x161: {  	[tilespmem:s24], [sflag:$0x7] =	stream.linear.gather [hbm4b:s0+s2], $0x80, $0x38;
	[tilespmem:$0x1B680] =	vst v63  }
0x162: {  	_ =	swait.ge [sflag:s12], $0x2800  }
0x163: {  	[sflag:s12] =	ssyncset.done $0x0  }
0x164: {  	s23 =	simm.s32 $0x300;
	[sflag:s12] =	ssyncadd.s32 $0xFFFFD800  }
0x165: {  	[spmem:s1] =	stream.indirect.scatter.add.f32 [tilespmem:s11], [sflag:$0x4], $0x80, s23, s15, $0xb8;
	[tilespmem:$0x1B680] =	vst v63  }
0x166: {  	_ =	swait.ge [sflag:s22], $0x2800  }
0x167: {  	[sflag:s22] =	ssyncset.done $0x0  }
0x168: {  	[sflag:s22] =	ssyncadd.s32 $0xFFFFD800  }
0x169: {  	_ =	swait.ge [sflag:s13], $0x80  }
0x16a: {  	s20 =	sadd.s32 $0xFFFFFE00, s14;
	[sflag:s13] =	ssyncset.done $0x0  }
0x16b: {  	s21 =	sand.u32 $0xFC00, s20;
	[sflag:s13] =	ssyncadd.s32 $0xFFFFFF80  }
0x16c: {  	s3 =	sadd.s32 s7, s21;
	s0 =	sand.u32 $0x300, s20;
	_ =	swait.ge [sflag:s13], $0x80  }
0x16d: {  	s0 =	sor.u32 s0, s3;
	[sflag:s13] =	ssyncset.done $0x0  }
0x16e: {  	s0 =	sshrl.u32 s0, $0x3;
	[sflag:s13] =	ssyncadd.s32 $0xFFFFFF80  }
0x16f: {  	[tilespmem:s11], [sflag:$0x1] =	stream.indirect.gather [hbm4b:s4+s15], $0x80, s8, s15, $0xb8;
	[tilespmem:$0x1B680] =	vst v63  }
0x170: {  	s29 =	simm.s32 $0x180;
	s24 =	sadd.s32 s5, s0  }
0x171: {  	[tilespmem:s29], [sflag:$0x8] =	stream.linear.gather [hbm4b:s24+s2], $0x80, $0x38;
	[tilespmem:$0x1B680] =	vst v63  }
0x172: {  	s0 =	sadd.s32 s6, s0;
	s24 =	simm.s32 $0x480  }
0x173: {  	[tilespmem:s24], [sflag:$0x8] =	stream.linear.gather [hbm4b:s0+s2], $0x80, $0x38;
	[tilespmem:$0x1B680] =	vst v63  }
0x174: {  	_ =	swait.ge [sflag:s25], $0x2800  }
0x175: {  	[sflag:s25] =	ssyncset.done $0x0  }
0x176: {  	s3 =	simm.s32 $0x400;
	[sflag:s25] =	ssyncadd.s32 $0xFFFFD800  }
0x177: {  	[spmem:s1] =	stream.indirect.scatter.add.f32 [tilespmem:s17], [sflag:$0x5], $0x80, s3, s15, $0xb8;
	[tilespmem:$0x1B680] =	vst v63  }
0x178: {  	_ =	swait.ge [sflag:s26], $0x2800  }
0x179: {  	[sflag:s26] =	ssyncset.done $0x0  }
0x17a: {  	[sflag:s26] =	ssyncadd.s32 $0xFFFFD800  }
0x17b: {  	_ =	swait.ge [sflag:s16], $0x80  }
0x17c: {  	s20 =	sadd.s32 $0xFFFFFE80, s14;
	[sflag:s16] =	ssyncset.done $0x0  }
0x17d: {  	s21 =	sand.u32 $0xFC00, s20;
	[sflag:s16] =	ssyncadd.s32 $0xFFFFFF80  }
0x17e: {  	s0 =	sand.u32 $0x380, s20;
	s3 =	sadd.s32 s7, s21;
	_ =	swait.ge [sflag:s16], $0x80  }
0x17f: {  	s0 =	sor.u32 s0, s3;
	[sflag:s16] =	ssyncset.done $0x0  }
0x180: {  	s0 =	sshrl.u32 s0, $0x3;
	[sflag:s16] =	ssyncadd.s32 $0xFFFFFF80  }
0x181: {  	[tilespmem:s17], [sflag:$0x2] =	stream.indirect.gather [hbm4b:s4+s15], $0x80, s29, s15, $0xb8;
	[tilespmem:$0x1B680] =	vst v63  }
0x182: {  	s21 =	simm.s32 $0x280;
	s20 =	sadd.s32 s5, s0  }
0x183: {  	[tilespmem:s21], [sflag:$0x9] =	stream.linear.gather [hbm4b:s20+s2], $0x80, $0x38;
	[tilespmem:$0x1B680] =	vst v63  }
0x184: {  	s0 =	sadd.s32 s6, s0  }
0x185: {  	[tilespmem:s9], [sflag:$0x9] =	stream.linear.gather [hbm4b:s0+s2], $0x80, $0x38;
	[tilespmem:$0x1B680] =	vst v63  }
0x186: {  	_ =	swait.ge [sflag:s30], $0x2800  }
0x187: {  	[sflag:s30] =	ssyncset.done $0x0  }
0x188: {  	s28 =	simm.s32 $0x500;
	[sflag:s30] =	ssyncadd.s32 $0xFFFFD800  }
0x189: {  	[spmem:s1] =	stream.indirect.scatter.add.f32 [tilespmem:s19], [sflag:$0x6], $0x80, s28, s15, $0xb8;
	[tilespmem:$0x1B680] =	vst v63  }
0x18a: {  	_ =	swait.ge [sflag:s31], $0x2800  }
0x18b: {  	[sflag:s31] =	ssyncset.done $0x0  }
0x18c: {  	[sflag:s31] =	ssyncadd.s32 $0xFFFFD800  }
0x18d: {  	_ =	swait.ge [sflag:s18], $0x80  }
0x18e: {  	s0 =	sadd.s32 $0xFFFFFF00, s14;
	[sflag:s18] =	ssyncset.done $0x0  }
0x18f: {  	s20 =	sand.u32 $0xFC00, s0;
	[sflag:s18] =	ssyncadd.s32 $0xFFFFFF80  }
0x190: {  	s0 =	sand.u32 $0x300, s0;
	s3 =	sadd.s32 s7, s20;
	_ =	swait.ge [sflag:s18], $0x80  }
0x191: {  	s0 =	sor.u32 s0, s3;
	[sflag:s18] =	ssyncset.done $0x0  }
0x192: {  	s0 =	sshrl.u32 s0, $0x3;
	[sflag:s18] =	ssyncadd.s32 $0xFFFFFF80  }
0x193: {  	[tilespmem:s19], [sflag:$0x3] =	stream.indirect.gather [hbm4b:s4+s15], $0x80, s21, s15, $0xb8;
	[tilespmem:$0x1B680] =	vst v63  }
0x194: {  	s21 =	sadd.s32 s5, s0  }
0x195: {  	[tilespmem:s2], [sflag:$0x7] =	stream.linear.gather [hbm4b:s21+s2], $0x80, $0x38;
	[tilespmem:$0x1B680] =	vst v63  }
0x196: {  	s0 =	sadd.s32 s6, s0  }
0x197: {  	[tilespmem:s23], [sflag:$0x7] =	stream.linear.gather [hbm4b:s0+s2], $0x80, $0x38;
	[tilespmem:$0x1B680] =	vst v63  }
0x198: {  	_ =	swait.ge [sflag:s12], $0x2800  }
0x199: {  	[sflag:s12] =	ssyncset.done $0x0  }
0x19a: {  	s21 =	simm.s32 $0x380;
	[sflag:s12] =	ssyncadd.s32 $0xFFFFD800  }
0x19b: {  	[spmem:s1] =	stream.indirect.scatter.add.f32 [tilespmem:s11], [sflag:$0x4], $0x80, s21, s15, $0xb8;
	[tilespmem:$0x1B680] =	vst v63  }
0x19c: {  	_ =	swait.ge [sflag:s22], $0x2800  }
0x19d: {  	[sflag:s22] =	ssyncset.done $0x0  }
0x19e: {  	[sflag:s22] =	ssyncadd.s32 $0xFFFFD800  }
0x19f: {  	_ =	swait.ge [sflag:s13], $0x80  }
0x1a0: {  	s0 =	sadd.s32 $0xFFFFFF80, s14;
	[sflag:s13] =	ssyncset.done $0x0  }
0x1a1: {  	s20 =	sand.u32 $0xFC00, s0;
	[sflag:s13] =	ssyncadd.s32 $0xFFFFFF80  }
0x1a2: {  	s0 =	sand.u32 $0x380, s0;
	s3 =	sadd.s32 s7, s20;
	_ =	swait.ge [sflag:s13], $0x80  }
0x1a3: {  	s0 =	sor.u32 s0, s3;
	[sflag:s13] =	ssyncset.done $0x0  }
0x1a4: {  	s0 =	sshrl.u32 s0, $0x3;
	[sflag:s13] =	ssyncadd.s32 $0xFFFFFF80  }
0x1a5: {  	[tilespmem:s11], [sflag:$0x1] =	stream.indirect.gather [hbm4b:s4+s15], $0x80, s2, s15, $0xb8;
	[tilespmem:$0x1B680] =	vst v63  }
0x1a6: {  	s20 =	simm.s32 $0x100;
	s3 =	sadd.s32 s5, s0  }
0x1a7: {  	[tilespmem:s20], [sflag:$0x8] =	stream.linear.gather [hbm4b:s3+s2], $0x80, $0x38;
	[tilespmem:$0x1B680] =	vst v63  }
0x1a8: {  	s0 =	sadd.s32 s6, s0;
	s3 =	simm.s32 $0x400  }
0x1a9: {  	[tilespmem:s3], [sflag:$0x8] =	stream.linear.gather [hbm4b:s0+s2], $0x80, $0x38;
	[tilespmem:$0x1B680] =	vst v63  }
0x1aa: {  	_ =	swait.ge [sflag:s25], $0x2800  }
0x1ab: {  	[sflag:s25] =	ssyncset.done $0x0  }
0x1ac: {  	[sflag:s25] =	ssyncadd.s32 $0xFFFFD800  }
0x1ad: {  	[spmem:s1] =	stream.indirect.scatter.add.f32 [tilespmem:s17], [sflag:$0x5], $0x80, s24, s15, $0xb8;
	[tilespmem:$0x1B680] =	vst v63  }
0x1ae: {  	_ =	swait.ge [sflag:s26], $0x2800  }
0x1af: {  	[sflag:s26] =	ssyncset.done $0x0  }
0x1b0: {  	[sflag:s26] =	ssyncadd.s32 $0xFFFFD800  }
0x1b1: {  	_ =	swait.ge [sflag:s16], $0x80  }
0x1b2: {  	[sflag:s16] =	ssyncset.done $0x0  }
0x1b3: {  	s0 =	sadd.s32 $0xFFFFFC00, s14;
	s14 =	sand.u32 $0xFC00, s14;
	[sflag:s16] =	ssyncadd.s32 $0xFFFFFF80  }
0x1b4: {  	s3 =	sadd.s32 s7, s14;
	s0 =	sand.u32 $0x300, s0;
	_ =	swait.ge [sflag:s16], $0x80  }
0x1b5: {  	s0 =	sor.u32 s0, s3;
	[sflag:s16] =	ssyncset.done $0x0  }
0x1b6: {  	s0 =	sshrl.u32 s0, $0x3;
	[sflag:s16] =	ssyncadd.s32 $0xFFFFFF80  }
0x1b7: {  	[tilespmem:s17], [sflag:$0x2] =	stream.indirect.gather [hbm4b:s4+s15], $0x80, s20, s15, $0xb8;
	[tilespmem:$0x1B680] =	vst v63  }
0x1b8: {  	s20 =	sadd.s32 s5, s0  }
0x1b9: {  	[tilespmem:s10], [sflag:$0x9] =	stream.linear.gather [hbm4b:s20+s2], $0x80, $0x38;
	[tilespmem:$0x1B680] =	vst v63  }
0x1ba: {  	s0 =	sadd.s32 s6, s0  }
0x1bb: {  	[tilespmem:s28], [sflag:$0x9] =	stream.linear.gather [hbm4b:s0+s2], $0x80, $0x38;
	[tilespmem:$0x1B680] =	vst v63  }
0x1bc: {  	_ =	swait.ge [sflag:s30], $0x2800  }
0x1bd: {  	[sflag:s30] =	ssyncset.done $0x0  }
0x1be: {  	[sflag:s30] =	ssyncadd.s32 $0xFFFFD800  }
0x1bf: {  	[spmem:s1] =	stream.indirect.scatter.add.f32 [tilespmem:s19], [sflag:$0x6], $0x80, s9, s15, $0xb8;
	[tilespmem:$0x1B680] =	vst v63  }
0x1c0: {  	_ =	swait.ge [sflag:s31], $0x2800  }
0x1c1: {  	[sflag:s31] =	ssyncset.done $0x0  }
0x1c2: {  	[sflag:s31] =	ssyncadd.s32 $0xFFFFD800  }
0x1c3: {  	_ =	swait.ge [sflag:s18], $0x80  }
0x1c4: {  	[sflag:s18] =	ssyncset.done $0x0  }
0x1c5: {  	[sflag:s18] =	ssyncadd.s32 $0xFFFFFF80  }
0x1c6: {  	_ =	swait.ge [sflag:s18], $0x80  }
0x1c7: {  	[sflag:s18] =	ssyncset.done $0x0  }
0x1c8: {  	[sflag:s18] =	ssyncadd.s32 $0xFFFFFF80  }
0x1c9: {  	[tilespmem:s19], [sflag:$0x3] =	stream.indirect.gather [hbm4b:s4+s15], $0x80, s10, s15, $0xb8;
	[tilespmem:$0x1B680] =	vst v63  }
0x1ca: {  	s14 =	rddreg [dreg:$0xb]  }
0x1cb: {  	[tilespmem:s8], [sflag:$0x7] =	stream.linear.gather [hbm4b:s14+s2], $0x80, $0x38;
	[tilespmem:$0x1B680] =	vst v63  }
0x1cc: {  	s20 =	rddreg [dreg:$0xc]  }
0x1cd: {  	[tilespmem:s21], [sflag:$0x7] =	stream.linear.gather [hbm4b:s20+s2], $0x80, $0x38;
	[tilespmem:$0x1B680] =	vst v63  }
0x1ce: {  	_ =	swait.ge [sflag:s12], $0x2800  }
0x1cf: {  	[sflag:s12] =	ssyncset.done $0x0  }
0x1d0: {  	[sflag:s12] =	ssyncadd.s32 $0xFFFFD800  }
0x1d1: {  	[spmem:s1] =	stream.indirect.scatter.add.f32 [tilespmem:s11], [sflag:$0x4], $0x80, s23, s15, $0xb8;
	[tilespmem:$0x1B680] =	vst v63  }
0x1d2: {  	_ =	swait.ge [sflag:s22], $0x2800  }
0x1d3: {  	[sflag:s22] =	ssyncset.done $0x0  }
0x1d4: {  	[sflag:s22] =	ssyncadd.s32 $0xFFFFD800  }
0x1d5: {  	_ =	swait.ge [sflag:s13], $0x80  }
0x1d6: {  	[sflag:s13] =	ssyncset.done $0x0  }
0x1d7: {  	[sflag:s13] =	ssyncadd.s32 $0xFFFFFF80  }
0x1d8: {  	_ =	swait.ge [sflag:s13], $0x80  }
0x1d9: {  	[sflag:s13] =	ssyncset.done $0x0  }
0x1da: {  	[sflag:s13] =	ssyncadd.s32 $0xFFFFFF80  }
0x1db: {  	[tilespmem:s11], [sflag:$0x1] =	stream.indirect.gather [hbm4b:s4+s15], $0x80, s8, s15, $0xb8;
	[tilespmem:$0x1B680] =	vst v63  }
0x1dc: {  	s8 =	rddreg [dreg:$0xd]  }
0x1dd: {  	[tilespmem:s29], [sflag:$0x8] =	stream.linear.gather [hbm4b:s8+s2], $0x80, $0x38;
	[tilespmem:$0x1B680] =	vst v63  }
0x1de: {  	s9 =	rddreg [dreg:$0xe]  }
0x1df: {  	[tilespmem:s24], [sflag:$0x8] =	stream.linear.gather [hbm4b:s9+s2], $0x80, $0x38;
	[tilespmem:$0x1B680] =	vst v63  }
0x1e0: {  	_ =	swait.ge [sflag:s25], $0x2800  }
0x1e1: {  	[sflag:s25] =	ssyncset.done $0x0  }
0x1e2: {  	s10 =	simm.s32 $0x400;
	[sflag:s25] =	ssyncadd.s32 $0xFFFFD800  }
0x1e3: {  	[spmem:s1] =	stream.indirect.scatter.add.f32 [tilespmem:s17], [sflag:$0x5], $0x80, s10, s15, $0xb8;
	[tilespmem:$0x1B680] =	vst v63  }
0x1e4: {  	_ =	swait.ge [sflag:s26], $0x2800  }
0x1e5: {  	[sflag:s26] =	ssyncset.done $0x0  }
0x1e6: {  	[sflag:s26] =	ssyncadd.s32 $0xFFFFD800  }
0x1e7: {  	_ =	swait.ge [sflag:s16], $0x80  }
0x1e8: {  	[sflag:s16] =	ssyncset.done $0x0  }
0x1e9: {  	[sflag:s16] =	ssyncadd.s32 $0xFFFFFF80  }
0x1ea: {  	_ =	swait.ge [sflag:s16], $0x80  }
0x1eb: {  	[sflag:s16] =	ssyncset.done $0x0  }
0x1ec: {  	[sflag:s16] =	ssyncadd.s32 $0xFFFFFF80  }
0x1ed: {  	[tilespmem:s17], [sflag:$0x2] =	stream.indirect.gather [hbm4b:s4+s15], $0x80, s29, s15, $0xb8;
	[tilespmem:$0x1B680] =	vst v63  }
0x1ee: {  	_ =	swait.ge [sflag:s30], $0x2800  }
0x1ef: {  	[sflag:s30] =	ssyncset.done $0x0  }
0x1f0: {  	[sflag:s30] =	ssyncadd.s32 $0xFFFFD800  }
0x1f1: {  	[spmem:s1] =	stream.indirect.scatter.add.f32 [tilespmem:s19], [sflag:$0x6], $0x80, s28, s15, $0xb8;
	[tilespmem:$0x1B680] =	vst v63  }
0x1f2: {  	_ =	swait.ge [sflag:s31], $0x2800  }
0x1f3: {  	[sflag:s31] =	ssyncset.done $0x0  }
0x1f4: {  	[sflag:s31] =	ssyncadd.s32 $0xFFFFD800  }
0x1f5: {  	_ =	swait.ge [sflag:s12], $0x2800  }
0x1f6: {  	[sflag:s12] =	ssyncset.done $0x0  }
0x1f7: {  	s21 =	simm.s32 $0x380;
	[sflag:s12] =	ssyncadd.s32 $0xFFFFD800  }
0x1f8: {  	[spmem:s1] =	stream.indirect.scatter.add.f32 [tilespmem:s11], [sflag:$0x4], $0x80, s21, s15, $0xb8;
	[tilespmem:$0x1B680] =	vst v63  }
0x1f9: {  	_ =	swait.ge [sflag:s22], $0x2800  }
0x1fa: {  	[sflag:s22] =	ssyncset.done $0x0  }
0x1fb: {  	[sflag:s22] =	ssyncadd.s32 $0xFFFFD800  }
0x1fc: {  	_ =	swait.ge [sflag:s25], $0x2800  }
0x1fd: {  	[sflag:s25] =	ssyncset.done $0x0  }
0x1fe: {  	[sflag:s25] =	ssyncadd.s32 $0xFFFFD800  }
0x1ff: {  	[spmem:s1] =	stream.indirect.scatter.add.f32 [tilespmem:s17], [sflag:$0x5], $0x80, s24, s15, $0xb8;
	[tilespmem:$0x1B680] =	vst v63  }
0x200: {  	_ =	swait.ge [sflag:s26], $0x2800  }
0x201: {  	[sflag:s26] =	ssyncset.done $0x0  }
0x202: {  	s14 =	stileid.u32;
	[sflag:s26] =	ssyncadd.s32 $0xFFFFD800  }
0x203: {  	s0 =	sshll.u32 s14, $0x6;
	[bflag:$0x0] =	sbarrier.arrive $0xFFFF  }
0x204: {  	s0 =	sor.u32 $0x1C0A, s0;
	s20 =	rddreg [dreg:$0x9]  }
0x205: {  	s23 =	simm.s32 $0xA;
	s21 =	rddreg [dreg:$0xf];
	s3 =	sshrl.u32 s20, $0x3  }
0x206: {  	[hbm:s21], [sflag:s0] =	dma.local [spmem:s3], $0x2700  }
0x207: {  	_ =	swait.ge [sflag:s23], $0x2700  }
0x208: {  	[sflag:s23] =	ssyncset.done $0x0;
	s3 =	rddreg [dreg:$0x10]  }
0x209: {  	s8 =	rddreg [dreg:$0x14];
	[sflag:s23] =	ssyncadd.s32 $0xFFFFD900  }
0x20a: {  	[hbm:s3], [sflag:s0] =	dma.local @!p0 [spmem:s8], $0x80  }
0x20b: {  	s0 =	simm.s32 @!p0 $0xA  }
0x20c: {  	_ =	swait.ge @!p0 [sflag:s0], $0x80  }
0x20d: {  	s29 =	rddreg [dreg:$0x1a]  }
0x20e: {  	s24 =	rddreg [dreg:$0x11];
	s29 =	sadd.s32 $0x1, s29  }
0x20f: {  	p1 =	sne.s32 s29, s24  }
.Ltmp2:
0x210: {  	_ = 	snop;
	(pc) =	sbr.rel @p1 .LBB2_1-.Ltmp2, $4  }
0x211: {  	s14 =	simm.s32 $0x200;
	s9 =	simm.s32 $0x100  }
0x212: {  	s10 =	simm.s32 $0x400;
	s28 =	simm.s32 $0x480;
	s20 =	simm.s32 $0x500  }
0x213: {  	s21 =	simm.s32 $0x80;
	s23 =	simm.s32 $0x380;
	[sflag:s0] =	ssyncset.done @!p0 $0x0  }
0x214: {  	s8 =	simm.s32 $0x300;
	[sflag:s0] =	ssyncadd.s32 @!p0 $0xFFFFFF80;
	s24 =	simm.s32 $0x180  }
0x215: {  	_ =	sfence.sel $0x180000  }
0x216: {  	[bflag:$0x0] =	sbarrier.arrive $0xFFFF  }
0x217: {  	_ =	strace $0x9000004D  }
0x218: {  	s0 =	stileid.u32;
	[bflag:$0x2] =	sbarrier.arrive $0xFFFF  }
0x219: {  	p0 =	sne.s32 s0, $0x0;
	s0 =	rddreg [dreg:$0x2]  }
0x21a: {  	s0 =	sadd.s32 @!p0 $0x100000, s0  }
0x21b: {  	[sflag:s0] =	ssyncadd.tile.s32 @!p0 $0x1;
	_ =	shalt  }
.Lfunc_end2:
_tile_overlayer_lowered:
.L_overlay_start_2:
0x21c: {  	(tag) =	ssettag $0x2  }
0x21d: {  	s0 =	rddreg [dreg:$0x0];
	s2 =	stileid.u32  }
0x21e: {  	s1 =	rddreg [dreg:$0x1];
	p0 =	sne.s32 s2, $0x0  }
0x21f: {  	s3 =	rddreg [dreg:$0x2];
	[bflag:$0x3] =	sbarrier.arrive $0xFFFF;
	s2 =	simm.s32 @!p0 $0x1C0A  }
0x220: {  	[timem:s3], [sflag:s2] =	dma.local @!p0 [hbm:s0], s1  }
0x221: {  	s0 =	simm.s32 @!p0 $0xA  }
0x222: {  	_ =	swait.ge @!p0 [sflag:s0], s1  }
0x223: {  	s1 =	ssub.s32 @!p0 $0x0, s1;
	[sflag:s0] =	ssyncset.done @!p0 $0x0  }
0x224: {  	[sflag:s0] =	ssyncadd.s32 @!p0 s1  }
0x225: {  	[bflag:$0x3] =	sbarrier.arrive $0xFFFF  }
0x226: {  	_ =	shalt  }

// kernel: kernel.9.cloned.1.call-start
scs
__scs_entry_jumppad:
0x0: {  	(pc) =	sbr.rel $0x88, $3  }
0x1: {  	(tag) =	ssettag $0x0;
	lr =	simm.s32 $0x1  }
0x2: {  	[smem:$0x3F95] =	sst lr;
	_ =	strace $0xD0000000  }
0x3: {  	_ = 	snop  }
0x4: {  	_ = 	snop  }
0x5: {  	_ = 	snop  }
0x6: {  	_ = 	snop  }
0x7: {  	_ = 	snop  }
__scs_overlays_trampoline_lowered:
0x8: {  	[smem:$0x3FA4] =	sst s0  }
0x9: {  	[smem:$0x3FA5] =	sst s1  }
0xa: {  	[smem:$0x3FA6] =	sst s2  }
0xb: {  	[smem:$0x3FA7] =	sst s3  }
0xc: {  	[smem:$0x3FA8] =	sst s4  }
0xd: {  	[smem:$0x3FA9] =	sst s5  }
0xe: {  	[smem:$0x3FAA] =	sst s6  }
0xf: {  	[smem:$0x3FAB] =	sst s7  }
0x10: {  	[smem:$0x3FAC] =	sst s8  }
0x11: {  	[smem:$0x3FAD] =	sst s9;
	s0 =	simm.s32 @!p0 $0x0  }
0x12: {  	s1 =	sld [smem:$0x3F93];
	s0 =	simm.s32 @p0 $0x1  }
0x13: {  	[smem:$0x3FAE] =	sst s0;
	s0 =	simm.s32 @!p1 $0x0  }
0x14: {  	s2 =	sld [smem:$0x3F92];
	s0 =	simm.s32 @p1 $0x1  }
0x15: {  	[smem:$0x3FAF] =	sst s0;
	s0 =	simm.s32 @!p2 $0x0  }
0x16: {  	s3 =	sld [smem:$0x3FDB];
	s0 =	simm.s32 @p2 $0x1  }
0x17: {  	s4 =	simm.s32 $0x1BF5;
	[smem:$0x3FB1] =	sst s0  }
0x18: {  	s0 =	sld [smem:$0x3F94];
	_ =	swait.ge [sflag:s4], $0x0  }
0x19: {  	s7 =	sld [smem:$0x3F95]  }
0x1a: {  	s8 =	sadd.s32 $0xFFFFE003, lr  }
0x1b: {  	s9 =	sadd.s32 $0xFFFFFEF7, lr;
	s5 =	simm.s32 $0xFFFFFFFF;
	p2 =	slt.u32 s8, $0xFFFFF086  }
0x1c: {  	p1 =	slt.u32 s9, $0xF7A;
	s5 =	simm.s32 @!p2 $0x0  }
0x1d: {  	s5 =	simm.s32 @p1 $0x1;
	p0 =	seq.s32 s7, s2  }
0x1e: {  	s7 =	smul.u32 @!p0 $0xF7A, s2;
	p2 =	seq.s32 @!p0 s5, $0x0  }
0x1f: {  	s9 =	smul.u32 $0xF7A, s1;
	s8 =	simm.s32 @!p0 $0x1BF5;
	p2 =	por !p2, p0  }
0x20: {  	[sflag:s8] =	ssyncset.s32 @!p0 $0xFFFFF086;
	s6 =	sadd.s32 @!p0 s3, s7;
	s7 =	simm.s32 @!p0 $0x108  }
0x21: {  	s3 =	sadd.s32 s3, s9;
	s6 =	sadd.s32 @!p0 $0x88, s6;
	s7 =	simm.s32 @p2 $0x1082  }
0x22: {  	[simem:s7], [sflag:s8] =	dma.local @!p0 [hbm:s6], $0xF7A  }
0x23: {  	s9 =	sor.u32 $0xD0000000, s2;
	s6 =	simm.s32 $0x108;
	_ =	swait.ge @!p0 [sflag:s8], $0x0  }
0x24: {  	s3 =	sadd.s32 $0x88, s3;
	s6 =	simm.s32 @!p1 $0x1082;
	[sflag:s4] =	ssyncset.s32 $0xFFFFF086  }
0x25: {  	[simem:s6], [sflag:s4] =	dma.local [hbm:s3], $0xF7A  }
0x26: {  	[smem:$0x3F95] =	sst s1;
	(tag) =	ssettag s2;
	_ =	strace s9  }
0x27: {  	s1 =	sld [smem:$0x3FA5]  }
0x28: {  	s2 =	sld [smem:$0x3FA6]  }
0x29: {  	s4 =	sld [smem:$0x3FA8]  }
0x2a: {  	p0 =	seq.s32 s5, $0x0;
	s5 =	sld [smem:$0x3FA9]  }
0x2b: {  	s6 =	sld [smem:$0x3FAA]  }
0x2c: {  	s7 =	sld [smem:$0x3FAB]  }
0x2d: {  	s3 =	simm.s32 $0x108;
	s8 =	sld [smem:$0x3FAC]  }
0x2e: {  	s3 =	simm.s32 @!p0 $0x1082;
	s9 =	sld [smem:$0x3FAD]  }
0x2f: {  	lr =	sadd.s32 s0, s3;
	s0 =	sld [smem:$0x3FA4]  }
0x30: {  	s3 =	sld [smem:$0x3FA7]  }
0x31: {  	[smem:$0x3FB0] =	sst s10  }
0x32: {  	s10 =	sld [smem:$0x3FAE];
	_ =	sdelay $0x3  }
0x33: {  	p0 =	seq.s32 s10, $0x1;
	s10 =	sld [smem:$0x3FB0];
	_ =	sdelay $0x3  }
0x34: {  	[smem:$0x3FB0] =	sst s10  }
0x35: {  	s10 =	sld [smem:$0x3FAF];
	_ =	sdelay $0x3  }
0x36: {  	p1 =	seq.s32 s10, $0x1;
	s10 =	sld [smem:$0x3FB0];
	_ =	sdelay $0x3  }
0x37: {  	[smem:$0x3FB0] =	sst s10  }
0x38: {  	s10 =	sld [smem:$0x3FB1]  }
0x39: {  	_ = 	snop;
	(pc) =	sbr.ind lr, $3  }
0x3a: {  	_ = 	snop  }
0x3b: {  	_ = 	snop  }
0x3c: {  	p2 =	seq.s32 s10, $0x1;
	s10 =	sld [smem:$0x3FB0]  }
0x3d: {  	_ =	shalt  }
0x3e: {  	_ =	shalt  }
0x3f: {  	_ =	shalt  }
0x40: {  	_ =	shalt  }
0x41: {  	_ =	shalt  }
0x42: {  	_ =	shalt  }
0x43: {  	_ =	shalt  }
0x44: {  	_ =	shalt  }
0x45: {  	_ =	shalt  }
0x46: {  	_ =	shalt  }
0x47: {  	_ =	shalt  }
0x48: {  	_ =	shalt  }
0x49: {  	_ =	shalt  }
0x4a: {  	_ =	shalt  }
0x4b: {  	_ =	shalt  }
0x4c: {  	_ =	shalt  }
0x4d: {  	_ =	shalt  }
0x4e: {  	_ =	shalt  }
0x4f: {  	_ =	shalt  }
0x50: {  	_ =	shalt  }
0x51: {  	_ =	shalt  }
0x52: {  	_ =	shalt  }
0x53: {  	_ =	shalt  }
0x54: {  	_ =	shalt  }
0x55: {  	_ =	shalt  }
0x56: {  	_ =	shalt  }
0x57: {  	_ =	shalt  }
0x58: {  	_ =	shalt  }
0x59: {  	_ =	shalt  }
0x5a: {  	_ =	shalt  }
0x5b: {  	_ =	shalt  }
0x5c: {  	_ =	shalt  }
0x5d: {  	_ =	shalt  }
0x5e: {  	_ =	shalt  }
0x5f: {  	_ =	shalt  }
0x60: {  	_ =	shalt  }
0x61: {  	_ =	shalt  }
0x62: {  	_ =	shalt  }
0x63: {  	_ =	shalt  }
0x64: {  	_ =	shalt  }
0x65: {  	_ =	shalt  }
0x66: {  	_ =	shalt  }
0x67: {  	_ =	shalt  }
0x68: {  	_ =	shalt  }
0x69: {  	_ =	shalt  }
0x6a: {  	_ =	shalt  }
0x6b: {  	_ =	shalt  }
0x6c: {  	_ =	shalt  }
0x6d: {  	_ =	shalt  }
0x6e: {  	_ =	shalt  }
0x6f: {  	_ =	shalt  }
0x70: {  	_ =	shalt  }
0x71: {  	_ =	shalt  }
0x72: {  	_ =	shalt  }
0x73: {  	_ =	shalt  }
0x74: {  	_ =	shalt  }
0x75: {  	_ =	shalt  }
0x76: {  	_ =	shalt  }
0x77: {  	_ =	shalt  }
0x78: {  	_ =	shalt  }
0x79: {  	_ =	shalt  }
0x7a: {  	_ =	shalt  }
0x7b: {  	_ =	shalt  }
0x7c: {  	_ =	shalt  }
0x7d: {  	_ =	shalt  }
0x7e: {  	_ =	shalt  }
0x7f: {  	_ =	shalt  }
0x80: {  	_ =	shalt  }
0x81: {  	_ =	shalt  }
0x82: {  	_ =	shalt  }
0x83: {  	_ =	shalt  }
0x84: {  	_ =	shalt  }
0x85: {  	_ =	shalt  }
0x86: {  	_ =	shalt  }
0x87: {  	_ =	shalt  }
.Lfunc_end0:
.L_simem_size_0:
called_computation_lowered:
.L_overlay_start_0:
0x88: {  	s2 =	sld [smem:$0x3FD9]  }
0x89: {  	s3 =	sld [smem:$0x3FFE];
	_ =	sdelay $0x1  }
0x8a: {  	s1 =	srdreg.scid  }
0x8b: {  	s0 =	sand.u32 $0x1, s1  }
0x8c: {  	s16 =	sshll.u32 s0, $0xA;
	s2 =	sadd.s32 s3, s2  }
0x8d: {  	s2 =	sadd.s32 s2, s16  }
0x8e: {  	[smem:$0x3FBC] =	sst s2  }
0x8f: {  	_ = 	snop  }
0x90: {  	(tm) =	ssettm $0x1  }
0x91: {  	s17 =	sld [smem:$0x3FFB];
	_ =	sdelay $0x3  }
0x92: {  	_ =	strace s17  }
0x93: {  	s2 =	sld [smem:$0x3FFC];
	_ =	sdelay $0x3  }
0x94: {  	_ =	strace s2  }
0x95: {  	s2 =	sld [smem:$0x3FFD];
	_ =	sdelay $0x3  }
0x96: {  	_ =	strace s2  }
0x97: {  	_ =	strace $0x8FFFFFFF  }
0x98: {  	s18 =	sld [smem:$0x3FDB];
	_ =	sdelay $0x1  }
0x99: {  	s19 =	simm.s32 $_scs_section_size  }
0x9a: {  	s4 =	simm.s32 $_size__tile_overlayer_lowered;
	s5 =	simm.s32 $_tile_overlayer_lowered  }
0x9b: {  	s22 =	simm.s32 $0x1BFF;
	s21 =	sshll.u32 s5, $0x1;
	s2 =	sadd.s32 s19, s18  }
0x9c: {  	s6 =	simm.s32 $0x0;
	s20 =	sshll.u32 s4, $0x1;
	s4 =	sadd.s32 s21, s2  }
0x9d: {  	[timem:s6], [sflag:s22] =	dma.local [hbm:s4], s20  }
0x9e: {  	_ =	swait.ge [sflag:s22], s20  }
0x9f: {  	s3 =	ssub.s32 $0x0, s20;
	[sflag:s22] =	ssyncset.done $0x0  }
0xa0: {  	[sflag:s22] =	ssyncadd.s32 s3;
	_ =	sdelay $0x1  }
0xa1: {  	s23 =	simm.s32 $0x1B8B  }
0xa2: {  	_ =	swait.ge [sflag:s23], $0x1  }
0xa3: {  	[sflag:s23] =	ssyncset.done $0x0  }
0xa4: {  	s25 =	simm.s32 $0x1B8E;
	s24 =	sld [smem:$0x3FFE];
	[sflag:s23] =	ssyncadd.s32 $0xFFFFFFFF  }
0xa5: {  	s26 =	simm.s32 $execute0_lowered;
	[smem:$0x3FD2] =	sst s25  }
0xa6: {  	s4 =	sshll.u32 s26, $0x1;
	_ =	strace $0x80000046;
	[dreg:$0x1] =	wrdreg $0xFFFFFFFF  }
0xa7: {  	s28 =	simm.s32 $_size_execute0_lowered;
	s2 =	sadd.s32 s2, s4;
	[dreg:$0x0] =	wrdreg $0x0  }
0xa8: {  	s4 =	sshll.u32 s28, $0x1;
	[dreg:$0x2] =	wrdreg s2  }
0xa9: {  	[dreg:$0x3] =	wrdreg s4  }
0xaa: {  	[dreg:$0x4] =	wrdreg $0xC0  }
0xab: {  	_ =	task [dreg:s6], $0x5FFFF  }
0xac: {  	[dreg:$0x1] =	wrdreg $0xFFFFFFFF  }
0xad: {  	[dreg:$0x0] =	wrdreg $0x60  }
0xae: {  	[dreg:$0x2] =	wrdreg s24  }
0xaf: {  	[dreg:$0x3] =	wrdreg $0x68000  }
0xb0: {  	[dreg:$0x4] =	wrdreg $0x9  }
0xb1: {  	_ =	task.clear_ibuf [dreg:s6], $0x5FFFF;
	_ =	strace $0x90000046  }
0xb2: {  	s29 =	simm.s32 $0x9;
	_ =	strace $0x80000048  }
0xb3: {  	_ =	swait.ge [sflag:s29], $0x1  }
0xb4: {  	[sflag:s29] =	ssyncadd.s32 $0xFFFFFFFF  }
0xb5: {  	_ =	strace $0x90000048  }
0xb6: {  	_ =	sfence  }
0xb7: {  	s30 =	sld [smem:$0x0];
	_ =	sdelay $0x2  }
0xb8: {  	s31 =	sshll.u32 s1, $0xD;
	s1 =	sshrl.u32 s1, $0x2  }
0xb9: {  	s3 =	sand.u32 $0x4000, s31;
	s1 =	sadd.s32 s1, s30  }
0xba: {  	s0 =	sor.u32 s3, s0;
	s1 =	sshll.u32 s1, $0x11  }
0xbb: {  	s0 =	sor.u32 s1, s0  }
0xbc: {  	s0 =	sadd.s32 $0x8F2B, s0  }
0xbd: {  	[sflag:s0] =	ssyncadd.remote.s32 $0x1  }
0xbe: {  	_ =	sfence.sel $0xFFFF  }
0xbf: {  	[dreg:$0x0] =	wrdreg $0xFFFFFFFF;
	(pc) =	sbr.abs _section_cstart, $3  }
0xc0: {  	[dreg:$0x1] =	wrdreg $0xFFFFFFFF  }
0xc1: {  	_ =	task.clear_ibuf [dreg:s6], $0x2FFFF;
	_ =	strace $0x9FFFFFFF  }
0xc2: {  	(tm) =	ssettm $0x7FFFFFFF  }
0xc3: {  	_ =	shalt  }
tec
execute0_lowered:
.L_overlay_start_1:
0x0: {  	(tag) =	ssettag $0x1  }
0x1: {  	s0 =	rddreg [dreg:$0x0]  }
0x2: {  	s2 =	rddreg [dreg:$0x1];
	s3 =	simm.s32 $0x0;
	s17 =	stileid.u32  }
0x3: {  	s4 =	srdreg.scid;
	s18 =	simm.s32 $0x2;
	s19 =	simm.s32 $0x1  }
0x4: {  	s20 =	simm.s32 $0x50;
	s22 =	simm.s32 $0x100;
	s28 =	simm.s32 $0x4  }
0x5: {  	s29 =	simm.s32 $0x5;
	s30 =	simm.s32 $0x6;
	s31 =	simm.s32 $0x0  }
0x6: {  	[smem:$0x7FF] =	sst s3;
	s1 =	sshll.u32 s17, $0xB;
	s4 =	sand.u32 $0x1, s4  }
0x7: {  	s5 =	smul.u32 $0x270, s17;
	s6 =	smin.u32 s17, $0x2;
	p0 =	sgt.u32 s17, $0x1  }
0x8: {  	s17 =	simm.s32 $0x4000;
	_ =	strace $0x80000047;
	s1 =	sadd.s32 s1, s0  }
0x9: {  	s7 =	ssub.s32 $0x2, s4;
	s6 =	sshll.u32 s6, $0x3;
	s0 =	sadd.s32 $0x13E00, s0  }
0xa: {  	s23 =	sshll.u32 s4, $0xF;
	s9 =	smul.u32 $0x138800, s4;
	s8 =	sshrl.u32 s7, $0x1  }
0xb: {  	s5 =	sadd.s32 s5, s6;
	s1 =	sadd.s32 s23, s1;
	s23 =	simm.s32 $0x180  }
0xc: {  	s5 =	sshll.u32 s5, $0x7;
	s10 =	ssub.s32 s7, s8;
	s4 =	sadd.s32 $0x3E00, s1  }
0xd: {  	s11 =	sadd.s32 $0x13800, s5;
	s24 =	sadd.s32 s9, s5;
	s5 =	sadd.s32 s5, s2  }
0xe: {  	s25 =	sadd.s32 s9, s11;
	s1 =	sshrl.u32 s24, $0x3;
	s6 =	sadd.s32 $0x13800, s5  }
0xf: {  	s9 =	smax.u32 s10, $0x1;
	s10 =	sadd.s32 $0x2700, s5;
	s12 =	sadd.s32 $0x7500, s5  }
0x10: {  	s13 =	sadd.s32 $0x9C00, s5;
	s14 =	sadd.s32 $0xC300, s5;
	s15 =	sadd.s32 $0xEA00, s5  }
0x11: {  	s16 =	sadd.s32 $0x11100, s5;
	s24 =	simm.s32 $0x200;
	s26 =	sshrl.u32 s25, $0x3  }
0x12: {  	s7 =	sadd.s32 s0, s1;
	s8 =	sadd.s32 s0, s26;
	s0 =	sadd.s32 s11, s2  }
0x13: {  	v0 =	vimm.f32 $0.0e+00;
	v1 =	vimm.f32 $1.000000000e+00;
	s11 =	sadd.s32 $0x4E00, s5;
	s26 =	simm.s32 $0x3;
	s25 =	sshrl.u32 @!p0 s0, $0x3  }
.LBB2_1:
0x14: {  	[tilespmem:s3], [sflag:$0x1] =	stream.linear.gather [hbm4b:s4+s3], $0x3E80, $0x38;
	[tilespmem:$0x1A080] =	vst v63  }
0x15: {  	s0 =	simm.s32 $0x0;
	s1 =	simm.s32 $0x200  }
.LBB2_2:
0x16: {  	p1 =	sne.s32 s1, $0x9E00;
	[tilespmem:s0+$0x4070] =	vst v0  }
0x17: {  	[tilespmem:s0+$0x4000] =	vst v0  }
0x18: {  	[tilespmem:s0+$0x4010] =	vst v0  }
.Ltmp0:
0x19: {  	[tilespmem:s0+$0x4020] =	vst v0;
	(pc) =	sbr.rel @p1 .LBB2_2-.Ltmp0, $4  }
0x1a: {  	[tilespmem:s0+$0x4030] =	vst v0  }
0x1b: {  	[tilespmem:s0+$0x4040] =	vst v0  }
0x1c: {  	[tilespmem:s0+$0x4050] =	vst v0  }
0x1d: {  	[tilespmem:s0+$0x4060] =	vst v0;
	s0 =	sshra.s32 s1, $0x2;
	s1 =	sadd.s32 $0x200, s1  }
0x1e: {  	[tilespmem:s0+$0x4070] =	vst v0  }
0x1f: {  	[tilespmem:s0+$0x4000] =	vst v0  }
0x20: {  	[tilespmem:s0+$0x4010] =	vst v0  }
0x21: {  	[tilespmem:s0+$0x4020] =	vst v0  }
0x22: {  	[tilespmem:s0+$0x4030] =	vst v0  }
0x23: {  	[tilespmem:s0+$0x4040] =	vst v0  }
0x24: {  	[tilespmem:s0+$0x4050] =	vst v0  }
0x25: {  	[tilespmem:s0+$0x4060] =	vst v0  }
0x26: {  	[spmem:s5] =	stream.linear.scatter [tilespmem:s17], [sflag:$0x2], $0x2700, $0x38;
	[tilespmem:$0x1A080] =	vst v63  }
0x27: {  	_ = 	snop  }
0x28: {  	[spmem:s10] =	stream.linear.scatter [tilespmem:s17], [sflag:$0x2], $0x2700, $0x38;
	[tilespmem:$0x1A080] =	vst v63  }
0x29: {  	_ = 	snop  }
0x2a: {  	[spmem:s11] =	stream.linear.scatter [tilespmem:s17], [sflag:$0x2], $0x2700, $0x38;
	[tilespmem:$0x1A080] =	vst v63  }
0x2b: {  	_ = 	snop  }
0x2c: {  	[spmem:s12] =	stream.linear.scatter [tilespmem:s17], [sflag:$0x2], $0x2700, $0x38;
	[tilespmem:$0x1A080] =	vst v63  }
0x2d: {  	_ = 	snop  }
0x2e: {  	[spmem:s13] =	stream.linear.scatter [tilespmem:s17], [sflag:$0x2], $0x2700, $0x38;
	[tilespmem:$0x1A080] =	vst v63  }
0x2f: {  	_ = 	snop  }
0x30: {  	[spmem:s14] =	stream.linear.scatter [tilespmem:s17], [sflag:$0x2], $0x2700, $0x38;
	[tilespmem:$0x1A080] =	vst v63  }
0x31: {  	_ = 	snop  }
0x32: {  	[spmem:s15] =	stream.linear.scatter [tilespmem:s17], [sflag:$0x2], $0x2700, $0x38;
	[tilespmem:$0x1A080] =	vst v63  }
0x33: {  	_ = 	snop  }
0x34: {  	[spmem:s16] =	stream.linear.scatter [tilespmem:s17], [sflag:$0x2], $0x2700, $0x38;
	[tilespmem:$0x1A080] =	vst v63  }
0x35: {  	s0 =	simm.s32 @!p0 $0x4000  }
0x36: {  	[spmem:s6] =	stream.linear.scatter @!p0 [tilespmem:s0], [sflag:$0x6], $0x400, $0x38;
	[tilespmem:$0x1A080] =	vst v63  }
0x37: {  	s0 =	simm.s32 @!p0 $0x6  }
0x38: {  	_ =	swait.ge @!p0 [sflag:s0], $0x400  }
0x39: {  	[sflag:s0] =	ssyncset.done @!p0 $0x0  }
0x3a: {  	[sflag:s0] =	ssyncadd.s32 @!p0 $0xFFFFFC00  }
0x3b: {  	_ =	swait.ge [sflag:s18], $0x2700  }
0x3c: {  	[sflag:s18] =	ssyncset.done $0x0  }
0x3d: {  	[sflag:s18] =	ssyncadd.s32 $0xFFFFD900  }
0x3e: {  	_ =	swait.ge [sflag:s18], $0x2700  }
0x3f: {  	[sflag:s18] =	ssyncset.done $0x0  }
0x40: {  	[sflag:s18] =	ssyncadd.s32 $0xFFFFD900  }
0x41: {  	_ =	swait.ge [sflag:s18], $0x2700  }
0x42: {  	[sflag:s18] =	ssyncset.done $0x0  }
0x43: {  	[sflag:s18] =	ssyncadd.s32 $0xFFFFD900  }
0x44: {  	_ =	swait.ge [sflag:s18], $0x2700  }
0x45: {  	[sflag:s18] =	ssyncset.done $0x0  }
0x46: {  	[sflag:s18] =	ssyncadd.s32 $0xFFFFD900  }
0x47: {  	_ =	swait.ge [sflag:s18], $0x2700  }
0x48: {  	[sflag:s18] =	ssyncset.done $0x0  }
0x49: {  	[sflag:s18] =	ssyncadd.s32 $0xFFFFD900  }
0x4a: {  	_ =	swait.ge [sflag:s18], $0x2700  }
0x4b: {  	[sflag:s18] =	ssyncset.done $0x0  }
0x4c: {  	[sflag:s18] =	ssyncadd.s32 $0xFFFFD900  }
0x4d: {  	_ =	swait.ge [sflag:s18], $0x2700  }
0x4e: {  	[sflag:s18] =	ssyncset.done $0x0  }
0x4f: {  	[sflag:s18] =	ssyncadd.s32 $0xFFFFD900  }
0x50: {  	_ =	swait.ge [sflag:s18], $0x2700  }
0x51: {  	[sflag:s18] =	ssyncset.done $0x0  }
0x52: {  	s1 =	simm.s32 $0x0;
	s0 =	simm.s32 $0x200;
	[sflag:s18] =	ssyncadd.s32 $0xFFFFD900  }
.LBB2_4:
0x53: {  	p1 =	sne.s32 s0, $0x9E00;
	[tilespmem:s1+$0x4000] =	vst v1;
	s1 =	smov.u32 s0;
	s0 =	sadd.s32 $0x200, s0  }
.Ltmp1:
0x54: {  	(pc) =	sbr.rel @p1 .LBB2_4-.Ltmp1, $2  }
0x55: {  	_ =	sdelay $0x2  }
0x56: {  	s1 =	sshra.s32 s1, $0x2  }
0x57: {  	[tilespmem:s1+$0x4000] =	vst v1  }
0x58: {  	_ =	swait.ge [sflag:s19], $0x3E80  }
0x59: {  	[sflag:s19] =	ssyncset.done $0x0  }
0x5a: {  	[sflag:s19] =	ssyncadd.s32 $0xFFFFC180  }
0x5b: {  	[bflag:$0x0] =	sbarrier.arrive $0xFFFF  }
0x5c: {  	[spmem:s2] =	stream.indirect.scatter.add.f32 [tilespmem:s17], [sflag:$0x1], $0x80, s3, s20, $0xb8;
	[tilespmem:$0x1A080] =	vst v63  }
0x5d: {  	s0 =	simm.s32 $0x80  }
0x5e: {  	[spmem:s2] =	stream.indirect.scatter.add.f32 [tilespmem:s17], [sflag:$0x2], $0x80, s0, s20, $0xb8;
	[tilespmem:$0x1A080] =	vst v63  }
0x5f: {  	_ = 	snop  }
0x60: {  	[spmem:s2] =	stream.indirect.scatter.add.f32 [tilespmem:s17], [sflag:$0x3], $0x80, s22, s20, $0xb8;
	[tilespmem:$0x1A080] =	vst v63  }
0x61: {  	_ = 	snop  }
0x62: {  	[spmem:s2] =	stream.indirect.scatter.add.f32 [tilespmem:s17], [sflag:$0x4], $0x80, s23, s20, $0xb8;
	[tilespmem:$0x1A080] =	vst v63  }
0x63: {  	_ = 	snop  }
0x64: {  	[spmem:s2] =	stream.indirect.scatter.add.f32 [tilespmem:s17], [sflag:$0x5], $0x80, s24, s20, $0xb8;
	[tilespmem:$0x1A080] =	vst v63  }
0x65: {  	_ =	swait.ge [sflag:s19], $0x2800  }
0x66: {  	[sflag:s19] =	ssyncset.done $0x0  }
0x67: {  	s1 =	simm.s32 $0x280;
	[sflag:s19] =	ssyncadd.s32 $0xFFFFD800  }
0x68: {  	[spmem:s2] =	stream.indirect.scatter.add.f32 [tilespmem:s17], [sflag:$0x1], $0x80, s1, s20, $0xb8;
	[tilespmem:$0x1A080] =	vst v63  }
0x69: {  	_ =	swait.ge [sflag:s18], $0x2800  }
0x6a: {  	[sflag:s18] =	ssyncset.done $0x0  }
0x6b: {  	s21 =	simm.s32 $0x300;
	[sflag:s18] =	ssyncadd.s32 $0xFFFFD800  }
0x6c: {  	[spmem:s2] =	stream.indirect.scatter.add.f32 [tilespmem:s17], [sflag:$0x2], $0x80, s21, s20, $0xb8;
	[tilespmem:$0x1A080] =	vst v63  }
0x6d: {  	_ =	swait.ge [sflag:s26], $0x2800  }
0x6e: {  	[sflag:s26] =	ssyncset.done $0x0  }
0x6f: {  	s1 =	simm.s32 $0x380;
	[sflag:s26] =	ssyncadd.s32 $0xFFFFD800  }
0x70: {  	[spmem:s2] =	stream.indirect.scatter.add.f32 [tilespmem:s17], [sflag:$0x3], $0x80, s1, s20, $0xb8;
	[tilespmem:$0x1A080] =	vst v63  }
0x71: {  	_ =	swait.ge [sflag:s28], $0x2800  }
0x72: {  	[sflag:s28] =	ssyncset.done $0x0  }
0x73: {  	s21 =	simm.s32 $0x400;
	[sflag:s28] =	ssyncadd.s32 $0xFFFFD800  }
0x74: {  	[spmem:s2] =	stream.indirect.scatter.add.f32 [tilespmem:s17], [sflag:$0x4], $0x80, s21, s20, $0xb8;
	[tilespmem:$0x1A080] =	vst v63  }
0x75: {  	_ =	swait.ge [sflag:s29], $0x2800  }
0x76: {  	[sflag:s29] =	ssyncset.done $0x0  }
0x77: {  	s0 =	simm.s32 $0xFFFF1A00;
	s1 =	simm.s32 $0x480;
	[sflag:s29] =	ssyncadd.s32 $0xFFFFD800  }
.LBB2_6:
0x78: {  	[spmem:s2] =	stream.indirect.scatter.add.f32 [tilespmem:s17], [sflag:$0x5], $0x80, s1, s20, $0xb8;
	[tilespmem:$0x1A080] =	vst v63  }
0x79: {  	s1 =	smov.u32 s0  }
0x7a: {  	p1 =	sne.s32 s0, $0xFFFFF600;
	s0 =	sadd.s32 $0xA00, s0;
	_ =	swait.ge [sflag:s19], $0x2800  }
0x7b: {  	s1 =	sshra.s32 s1, $0x2;
	[sflag:s19] =	ssyncset.done $0x0  }
0x7c: {  	s21 =	sadd.s32 $0x3E80, s1;
	[sflag:s19] =	ssyncadd.s32 $0xFFFFD800  }
0x7d: {  	[spmem:s2] =	stream.indirect.scatter.add.f32 [tilespmem:s17], [sflag:$0x1], $0x80, s21, s20, $0xb8;
	[tilespmem:$0x1A080] =	vst v63  }
0x7e: {  	_ =	swait.ge [sflag:s18], $0x2800  }
0x7f: {  	[sflag:s18] =	ssyncset.done $0x0  }
0x80: {  	s21 =	sadd.s32 $0x3F00, s1;
	[sflag:s18] =	ssyncadd.s32 $0xFFFFD800  }
0x81: {  	[spmem:s2] =	stream.indirect.scatter.add.f32 [tilespmem:s17], [sflag:$0x2], $0x80, s21, s20, $0xb8;
	[tilespmem:$0x1A080] =	vst v63  }
0x82: {  	_ =	swait.ge [sflag:s26], $0x2800  }
0x83: {  	[sflag:s26] =	ssyncset.done $0x0  }
0x84: {  	s21 =	sadd.s32 $0x3F80, s1;
	[sflag:s26] =	ssyncadd.s32 $0xFFFFD800  }
0x85: {  	[spmem:s2] =	stream.indirect.scatter.add.f32 [tilespmem:s17], [sflag:$0x3], $0x80, s21, s20, $0xb8;
	[tilespmem:$0x1A080] =	vst v63  }
0x86: {  	_ =	swait.ge [sflag:s28], $0x2800  }
0x87: {  	[sflag:s28] =	ssyncset.done $0x0  }
.Ltmp2:
0x88: {  	s21 =	sadd.s32 $0x4000, s1;
	[sflag:s28] =	ssyncadd.s32 $0xFFFFD800;
	(pc) =	sbr.rel @p1 .LBB2_6-.Ltmp2, $4  }
0x89: {  	[spmem:s2] =	stream.indirect.scatter.add.f32 [tilespmem:s17], [sflag:$0x4], $0x80, s21, s20, $0xb8;
	[tilespmem:$0x1A080] =	vst v63  }
0x8a: {  	_ =	swait.ge [sflag:s29], $0x2800  }
0x8b: {  	[sflag:s29] =	ssyncset.done $0x0  }
0x8c: {  	s1 =	sadd.s32 $0x4080, s1;
	[sflag:s29] =	ssyncadd.s32 $0xFFFFD800  }
0x8d: {  	[spmem:s2] =	stream.indirect.scatter.add.f32 [tilespmem:s17], [sflag:$0x5], $0x80, s1, s20, $0xb8;
	[tilespmem:$0x1A080] =	vst v63  }
0x8e: {  	_ =	swait.ge [sflag:s19], $0x2800  }
0x8f: {  	[sflag:s19] =	ssyncset.done $0x0  }
0x90: {  	[sflag:s19] =	ssyncadd.s32 $0xFFFFD800  }
0x91: {  	_ =	swait.ge [sflag:s18], $0x2800  }
0x92: {  	[sflag:s18] =	ssyncset.done $0x0  }
0x93: {  	[sflag:s18] =	ssyncadd.s32 $0xFFFFD800  }
0x94: {  	_ =	swait.ge [sflag:s26], $0x2800  }
0x95: {  	[sflag:s26] =	ssyncset.done $0x0  }
0x96: {  	[sflag:s26] =	ssyncadd.s32 $0xFFFFD800  }
0x97: {  	_ =	swait.ge [sflag:s28], $0x2800  }
0x98: {  	[sflag:s28] =	ssyncset.done $0x0  }
0x99: {  	[sflag:s28] =	ssyncadd.s32 $0xFFFFD800  }
0x9a: {  	_ =	swait.ge [sflag:s29], $0x2800  }
0x9b: {  	s0 =	stileid.u32;
	[sflag:s29] =	ssyncset.done $0x0  }
0x9c: {  	s0 =	sshll.u32 s0, $0x6;
	[sflag:s29] =	ssyncadd.s32 $0xFFFFD800  }
0x9d: {  	s21 =	sshrl.u32 s5, $0x3;
	s0 =	sor.u32 $0x1C06, s0;
	[bflag:$0x0] =	sbarrier.arrive $0xFFFF  }
0x9e: {  	[hbm:s7], [sflag:s0] =	dma.local [spmem:s21], $0x2700  }
0x9f: {  	_ =	swait.ge [sflag:s30], $0x2700  }
0xa0: {  	s31 =	sadd.s32 $0x1, s31;
	[sflag:s30] =	ssyncset.done $0x0  }
0xa1: {  	p1 =	sne.s32 s31, s9;
	[sflag:s30] =	ssyncadd.s32 $0xFFFFD900  }
0xa2: {  	[hbm:s8], [sflag:s0] =	dma.local @!p0 [spmem:s25], $0x80  }
.Ltmp3:
0xa3: {  	_ = 	snop;
	(pc) =	sbr.rel @p1 .LBB2_1-.Ltmp3, $4  }
0xa4: {  	s0 =	simm.s32 @!p0 $0x6  }
0xa5: {  	_ =	swait.ge @!p0 [sflag:s0], $0x80  }
0xa6: {  	[sflag:s0] =	ssyncset.done @!p0 $0x0  }
0xa7: {  	[sflag:s0] =	ssyncadd.s32 @!p0 $0xFFFFFF80  }
0xa8: {  	_ =	sfence.sel $0x180000  }
0xa9: {  	[bflag:$0x0] =	sbarrier.arrive $0xFFFF  }
0xaa: {  	_ =	strace $0x90000047  }
0xab: {  	s0 =	stileid.u32;
	[bflag:$0x2] =	sbarrier.arrive $0xFFFF  }
0xac: {  	p0 =	sne.s32 s0, $0x0;
	s0 =	rddreg [dreg:$0x2]  }
0xad: {  	s0 =	sadd.s32 @!p0 $0x100000, s0  }
0xae: {  	[sflag:s0] =	ssyncadd.tile.s32 @!p0 $0x1;
	_ =	shalt  }
.Lfunc_end2:
_tile_overlayer_lowered:
.L_overlay_start_2:
0xaf: {  	(tag) =	ssettag $0x2  }
0xb0: {  	s0 =	rddreg [dreg:$0x0];
	s2 =	stileid.u32  }
0xb1: {  	s1 =	rddreg [dreg:$0x1];
	p0 =	sne.s32 s2, $0x0  }
0xb2: {  	s3 =	rddreg [dreg:$0x2];
	[bflag:$0x3] =	sbarrier.arrive $0xFFFF;
	s2 =	simm.s32 @!p0 $0x1C06  }
0xb3: {  	[timem:s3], [sflag:s2] =	dma.local @!p0 [hbm:s0], s1  }
0xb4: {  	s0 =	simm.s32 @!p0 $0x6  }
0xb5: {  	_ =	swait.ge @!p0 [sflag:s0], s1  }
0xb6: {  	s1 =	ssub.s32 @!p0 $0x0, s1;
	[sflag:s0] =	ssyncset.done @!p0 $0x0  }
0xb7: {  	[sflag:s0] =	ssyncadd.s32 @!p0 s1  }
0xb8: {  	[bflag:$0x3] =	sbarrier.arrive $0xFFFF  }
0xb9: {  	_ =	shalt  }

</sc_bundles>
